<compile_context>
chip_gen: v7x
topology: tpu7x:2x2x1
jax: 0.10.2.dev20260603
libtpu: 0.0.44.dev20260713+nightly
codegen_flags: <defaults>
</compile_context>

<pallas_src>
import functools
import math

import jax
import jax.numpy as jnp
from jax import lax
from jax.experimental import pallas as pl
from jax.experimental.pallas import tpu as pltpu
from jax.experimental.pallas import tpu_sc as plsc

_EMB = 128
_SCALE = math.sqrt(_EMB)
_NC = 2
_NS = 16
_NW = _NC * _NS
_LANES = 16


_NG = 3
_NS_BUF = 4
_LEAD = 2


def _emb_body(tok_hbm, table_hbm, out_hbm, idx_v, *scratch):
    raw = list(scratch[:_NG])
    cooked = list(scratch[_NG:_NG + _NS_BUF])
    s_in = list(scratch[_NG + _NS_BUF:2 * _NG + _NS_BUF])
    s_out = list(scratch[2 * _NG + _NS_BUF:])
    wid = lax.axis_index("s") * _NC + lax.axis_index("c")
    seq, nb = idx_v.shape
    b0 = wid * nb

    pltpu.sync_copy(tok_hbm.at[:, pl.ds(b0, nb)], idx_v)

    def scale(src, dst):
        def row(i, c):
            for j in range(_EMB // _LANES):
                sl = pl.ds(j * _LANES, _LANES)
                dst[i, sl] = src[i, sl] * _SCALE
            return c

        lax.fori_loop(0, nb, row, 0)

    def gather(h, bgi):
        pltpu.async_copy(table_hbm.at[idx_v.at[h]], raw[bgi], s_in[bgi])

    def slot(g, bg, bs, drain, issue):
        if drain:
            bd = (bs + 2) % _NS_BUF
            pltpu.make_async_copy(
                cooked[bd], out_hbm.at[g, pl.ds(b0, nb)], s_out[bd]
            ).wait()
        if issue:
            gather(g + _LEAD, (bg + _LEAD) % _NG)
        pltpu.make_async_copy(
            table_hbm.at[idx_v.at[g]], raw[bg], s_in[bg]
        ).wait()
        scale(raw[bg], cooked[bs])
        pltpu.async_copy(cooked[bs], out_hbm.at[g, pl.ds(b0, nb)], s_out[bs])

    for g in range(_LEAD):
        gather(g, g % _NG)
    for g in range(_LEAD):
        slot(g, g % _NG, g % _NS_BUF, False, True)

    period = 12
    hi = _LEAD + ((seq - 2 * _LEAD) // period) * period

    def outer(u, carry):
        g = _LEAD + period * u
        for k in range(period):
            slot(g + k, (_LEAD + k) % _NG, (_LEAD + k) % _NS_BUF, True, True)
        return carry

    lax.fori_loop(0, (hi - _LEAD) // period, outer, 0)

    for g in range(hi, seq):
        slot(g, g % _NG, g % _NS_BUF, True, g + _LEAD < seq)
    for g in range(seq - 2, seq):
        bs = g % _NS_BUF
        pltpu.make_async_copy(
            cooked[bs], out_hbm.at[g, pl.ds(b0, nb)], s_out[bs]
        ).wait()


def kernel(tokens, table):
    b, l = tokens.shape
    assert b % _NW == 0 and l >= 16
    nb = b // _NW
    tok_t = tokens.T.astype(jnp.int32)

    grid_kernel = functools.partial(
        pl.kernel,
        mesh=plsc.VectorSubcoreMesh(core_axis_name="c", subcore_axis_name="s"),
        out_type=jax.ShapeDtypeStruct((l, b, _EMB), jnp.float32),
        scratch_types=(
            [pltpu.VMEM((l, nb), jnp.int32)]
            + [pltpu.VMEM((nb, _EMB), jnp.float32)
               for _ in range(_NG + _NS_BUF)]
            + [pltpu.SemaphoreType.DMA for _ in range(_NG + _NS_BUF)]
        ),
    )(_emb_body)

    out = grid_kernel(tok_t, table)
    return jnp.transpose(out, (1, 0, 2))

# --- scband reference (transcript-rebuilt; emitter-appended) ---
"""Pipeline reference for scband-token-embedding-11192684774049 (READ-ONLY COPY).

The authoritative reference and input builder live on the scoring server;
editing this copy changes nothing except your own understanding.
"""

import math
import jax, jax.numpy as jnp
import numpy as np

VOCAB = 100000
EMB = 128
B = 4096
L = 50

def setup_inputs(seed: int = 0) -> dict:
    key = jax.random.key(seed)
    k_tok, k_tab = jax.random.split(key)
    tokens = jax.random.randint(k_tok, (B, L), 0, VOCAB, dtype=jnp.int64 if jax.config.jax_enable_x64 else jnp.int32)
    table = jax.random.normal(k_tab, (VOCAB, EMB), dtype=jnp.float32)
    return {"tokens": tokens, "table": table}

def reference(tokens, table):
    # TokenEmbedding.forward: embedding(tokens.long()) * sqrt(emb_size)
    emb = jnp.take(table, tokens, axis=0)
    return emb * math.sqrt(EMB)

if __name__ == "__main__":
    import jax
    _d = setup_inputs()
    print(jax.jit(kernel)(*tuple(_d.values())))

</pallas_src>

<mosaic_0001>
#map = affine_map<(d0, d1) -> (0, 0)>
#map1 = affine_map<(d0, d1) -> (0, 0, 0)>
module attributes {stable_mosaic.version = 14 : i64} {
  func.func @_emb_body(%arg0: i32, %arg1: i32, %arg2: memref<50x4096xi32, #tpu.memory_space<hbm>>, %arg3: memref<100000x128xf32, #tpu.memory_space<hbm>>, %arg4: memref<50x4096x128xf32, #tpu.memory_space<hbm>>, %arg5: memref<50x128xi32, #tpu.memory_space<vmem>>, %arg6: memref<128x128xf32, #tpu.memory_space<vmem>>, %arg7: memref<128x128xf32, #tpu.memory_space<vmem>>, %arg8: memref<128x128xf32, #tpu.memory_space<vmem>>, %arg9: memref<128x128xf32, #tpu.memory_space<vmem>>, %arg10: memref<128x128xf32, #tpu.memory_space<vmem>>, %arg11: memref<128x128xf32, #tpu.memory_space<vmem>>, %arg12: memref<128x128xf32, #tpu.memory_space<vmem>>, %arg13: memref<!tpu.dma_semaphore, #tpu.memory_space<semaphore_mem>>, %arg14: memref<!tpu.dma_semaphore, #tpu.memory_space<semaphore_mem>>, %arg15: memref<!tpu.dma_semaphore, #tpu.memory_space<semaphore_mem>>, %arg16: memref<!tpu.dma_semaphore, #tpu.memory_space<semaphore_mem>>, %arg17: memref<!tpu.dma_semaphore, #tpu.memory_space<semaphore_mem>>, %arg18: memref<!tpu.dma_semaphore, #tpu.memory_space<semaphore_mem>>, %arg19: memref<!tpu.dma_semaphore, #tpu.memory_space<semaphore_mem>>) attributes {dimension_semantics = [#tpu.dimension_semantics<core_parallel>, #tpu.dimension_semantics<subcore_parallel>], iteration_bounds = array<i64: 2, 16>, scalar_prefetch = 0 : i64, scratch_operands = 15 : i64, tpu.core_type = #tpu.core_type<sc_vector_subcore>, window_params = [{transform_indices = #map}, {transform_indices = #map}, {transform_indices = #map1}]} {
    %mul3A = arith.constant 2 : i32
    %mul3A_0 = arith.muli %arg1, %mul3A : i32
    %add3A = arith.addi %mul3A_0, %arg0 : i32
    %mul3A_1 = arith.constant 128 : i32
    %mul3A_2 = arith.muli %add3A, %mul3A_1 : i32
    "tpu.region"() ({
      %run_scoped3A = tpu.sem_alloc : memref<!tpu.dma_semaphore, #tpu.memory_space<semaphore_mem>>
      %dma_start3A_482 = arith.constant 0 : i32
      %dma_start3A_483 = tpu.memref_slice %arg2[%dma_start3A_482, %mul3A_2] : memref<50x4096xi32, #tpu.memory_space<hbm>> -> memref<50x128xi32, #tpu.memory_space<hbm>>
      %dma_start3A_484 = arith.constant 0 : i32
      %dma_start3A_485 = tpu.memref_slice %arg2[%dma_start3A_484, %mul3A_2] : memref<50x4096xi32, #tpu.memory_space<hbm>> -> memref<50x128xi32, #tpu.memory_space<hbm>>
      tpu.enqueue_dma source(%dma_start3A_485 : memref<50x128xi32, #tpu.memory_space<hbm>>) target(%arg5 : memref<50x128xi32, #tpu.memory_space<vmem>>) target_semaphore(%run_scoped3A : memref<!tpu.dma_semaphore, #tpu.memory_space<semaphore_mem>>)
      %dma_wait3A_486 = arith.constant 0 : i32
      %dma_wait3A_487 = tpu.memref_slice %arg2[%dma_wait3A_486, %mul3A_2] : memref<50x4096xi32, #tpu.memory_space<hbm>> -> memref<50x128xi32, #tpu.memory_space<hbm>>
      %dma_wait3A_488 = arith.constant 0 : i32
      %dma_wait3A_489 = tpu.memref_slice %arg2[%dma_wait3A_488, %mul3A_2] : memref<50x4096xi32, #tpu.memory_space<hbm>> -> memref<50x128xi32, #tpu.memory_space<hbm>>
      tpu.wait_dma2 semaphore(%run_scoped3A : memref<!tpu.dma_semaphore, #tpu.memory_space<semaphore_mem>>) src(%dma_wait3A_489 : memref<50x128xi32, #tpu.memory_space<hbm>>) dst(%arg5 : memref<50x128xi32, #tpu.memory_space<vmem>>)
      tpu.yield
    }) : () -> ()
    %dma_start3A = arith.constant 0 : i32
    %dma_start3A_3 = arith.constant 0 : i32
    %dma_start3A_4 = tpu.memref_slice %arg5[%dma_start3A, %dma_start3A_3] : memref<50x128xi32, #tpu.memory_space<vmem>> -> memref<1x128xi32, #tpu.memory_space<vmem>>
    %dma_start3A_5 = tpu.memref_squeeze %dma_start3A_4 : memref<1x128xi32, #tpu.memory_space<vmem>> -> memref<128xi32, #tpu.memory_space<vmem>>
    %dma_start3A_6 = arith.constant 0 : i32
    %dma_start3A_7 = arith.constant 0 : i32
    %dma_start3A_8 = tpu.memref_slice %arg3[%dma_start3A_6, %dma_start3A_7] : memref<100000x128xf32, #tpu.memory_space<hbm>> -> memref<100000x128xf32, #tpu.memory_space<hbm>>
    tpu.enqueue_indirect_dma source(%dma_start3A_8 : memref<100000x128xf32, #tpu.memory_space<hbm>>) target(%arg6 : memref<128x128xf32, #tpu.memory_space<vmem>>) offsets(%dma_start3A_5 : memref<128xi32, #tpu.memory_space<vmem>>) semaphore(%arg13 : memref<!tpu.dma_semaphore, #tpu.memory_space<semaphore_mem>>)
    %dma_start3A_9 = arith.constant 1 : i32
    %dma_start3A_10 = arith.constant 0 : i32
    %dma_start3A_11 = tpu.memref_slice %arg5[%dma_start3A_9, %dma_start3A_10] : memref<50x128xi32, #tpu.memory_space<vmem>> -> memref<1x128xi32, #tpu.memory_space<vmem>>
    %dma_start3A_12 = tpu.memref_squeeze %dma_start3A_11 : memref<1x128xi32, #tpu.memory_space<vmem>> -> memref<128xi32, #tpu.memory_space<vmem>>
    %dma_start3A_13 = arith.constant 0 : i32
    %dma_start3A_14 = arith.constant 0 : i32
    %dma_start3A_15 = tpu.memref_slice %arg3[%dma_start3A_13, %dma_start3A_14] : memref<100000x128xf32, #tpu.memory_space<hbm>> -> memref<100000x128xf32, #tpu.memory_space<hbm>>
    tpu.enqueue_indirect_dma source(%dma_start3A_15 : memref<100000x128xf32, #tpu.memory_space<hbm>>) target(%arg7 : memref<128x128xf32, #tpu.memory_space<vmem>>) offsets(%dma_start3A_12 : memref<128xi32, #tpu.memory_space<vmem>>) semaphore(%arg14 : memref<!tpu.dma_semaphore, #tpu.memory_space<semaphore_mem>>)
    %dma_start3A_16 = arith.constant 2 : i32
    %dma_start3A_17 = arith.constant 0 : i32
    %dma_start3A_18 = tpu.memref_slice %arg5[%dma_start3A_16, %dma_start3A_17] : memref<50x128xi32, #tpu.memory_space<vmem>> -> memref<1x128xi32, #tpu.memory_space<vmem>>
    %dma_start3A_19 = tpu.memref_squeeze %dma_start3A_18 : memref<1x128xi32, #tpu.memory_space<vmem>> -> memref<128xi32, #tpu.memory_space<vmem>>
    %dma_start3A_20 = arith.constant 0 : i32
    %dma_start3A_21 = arith.constant 0 : i32
    %dma_start3A_22 = tpu.memref_slice %arg3[%dma_start3A_20, %dma_start3A_21] : memref<100000x128xf32, #tpu.memory_space<hbm>> -> memref<100000x128xf32, #tpu.memory_space<hbm>>
    tpu.enqueue_indirect_dma source(%dma_start3A_22 : memref<100000x128xf32, #tpu.memory_space<hbm>>) target(%arg8 : memref<128x128xf32, #tpu.memory_space<vmem>>) offsets(%dma_start3A_19 : memref<128xi32, #tpu.memory_space<vmem>>) semaphore(%arg15 : memref<!tpu.dma_semaphore, #tpu.memory_space<semaphore_mem>>)
    %dma_wait3A = arith.constant 0 : i32
    %dma_wait3A_23 = arith.constant 0 : i32
    %dma_wait3A_24 = tpu.memref_slice %arg5[%dma_wait3A, %dma_wait3A_23] : memref<50x128xi32, #tpu.memory_space<vmem>> -> memref<1x128xi32, #tpu.memory_space<vmem>>
    %dma_wait3A_25 = tpu.memref_squeeze %dma_wait3A_24 : memref<1x128xi32, #tpu.memory_space<vmem>> -> memref<128xi32, #tpu.memory_space<vmem>>
    %dma_wait3A_26 = arith.constant 0 : i32
    %dma_wait3A_27 = arith.constant 0 : i32
    %dma_wait3A_28 = tpu.memref_slice %arg3[%dma_wait3A_26, %dma_wait3A_27] : memref<100000x128xf32, #tpu.memory_space<hbm>> -> memref<100000x128xf32, #tpu.memory_space<hbm>>
    tpu.wait_indirect_dma semaphore(%arg13 : memref<!tpu.dma_semaphore, #tpu.memory_space<semaphore_mem>>) src(%dma_wait3A_28 : memref<100000x128xf32, #tpu.memory_space<hbm>>) dst(%arg6 : memref<128x128xf32, #tpu.memory_space<vmem>>)
    %scan3A = arith.constant 0 : i32
    %scan3A_29 = arith.constant 0 : i32
    %scan3A_30 = arith.constant 128 : i32
    %scan3A_31 = arith.addi %scan3A_29, %scan3A_30 : i32
    %scan3A_32 = arith.constant 1 : i32
    scf.for %scan3A_482 = %scan3A_29 to %scan3A_31 step %scan3A_32  : i32 {
      %get3A = arith.index_cast %scan3A_482 : i32 to index
      %get3A_483 = arith.constant 0 : index
      %get3A_484 = tpu.vector_load %arg6[%get3A, %get3A_483] {strides = array<i32>} : memref<128x128xf32, #tpu.memory_space<vmem>>, vector<1x16xf32>,
      %get3A_485 = vector.shape_cast %get3A_484 : vector<1x16xf32> to vector<16xf32>
      %mul3A_486 = arith.constant 11.3137083 : f32
      %mul3A_487 = vector.broadcast %mul3A_486 : f32 to vector<16xf32>
      %mul3A_488 = arith.mulf %get3A_485, %mul3A_487 : vector<16xf32>
      %swap3A = arith.index_cast %scan3A_482 : i32 to index
      %swap3A_489 = arith.constant 0 : index
      %swap3A_490 = tpu.vector_load %arg9[%swap3A, %swap3A_489] {strides = array<i32>} : memref<128x128xf32, #tpu.memory_space<vmem>>, vector<1x16xf32>,
      %swap3A_491 = vector.shape_cast %swap3A_490 : vector<1x16xf32> to vector<16xf32>
      %swap3A_492 = vector.shape_cast %mul3A_488 : vector<16xf32> to vector<1x16xf32>
      tpu.vector_store %arg9[%swap3A, %swap3A_489], %swap3A_492 {strides = array<i32>} : memref<128x128xf32, #tpu.memory_space<vmem>>, vector<1x16xf32>,
      %get3A_493 = arith.index_cast %scan3A_482 : i32 to index
      %get3A_494 = arith.constant 16 : index
      %get3A_495 = tpu.vector_load %arg6[%get3A_493, %get3A_494] {strides = array<i32>} : memref<128x128xf32, #tpu.memory_space<vmem>>, vector<1x16xf32>,
      %get3A_496 = vector.shape_cast %get3A_495 : vector<1x16xf32> to vector<16xf32>
      %mul3A_497 = arith.constant 11.3137083 : f32
      %mul3A_498 = vector.broadcast %mul3A_497 : f32 to vector<16xf32>
      %mul3A_499 = arith.mulf %get3A_496, %mul3A_498 : vector<16xf32>
      %swap3A_500 = arith.index_cast %scan3A_482 : i32 to index
      %swap3A_501 = arith.constant 16 : index
      %swap3A_502 = tpu.vector_load %arg9[%swap3A_500, %swap3A_501] {strides = array<i32>} : memref<128x128xf32, #tpu.memory_space<vmem>>, vector<1x16xf32>,
      %swap3A_503 = vector.shape_cast %swap3A_502 : vector<1x16xf32> to vector<16xf32>
      %swap3A_504 = vector.shape_cast %mul3A_499 : vector<16xf32> to vector<1x16xf32>
      tpu.vector_store %arg9[%swap3A_500, %swap3A_501], %swap3A_504 {strides = array<i32>} : memref<128x128xf32, #tpu.memory_space<vmem>>, vector<1x16xf32>,
      %get3A_505 = arith.index_cast %scan3A_482 : i32 to index
      %get3A_506 = arith.constant 32 : index
      %get3A_507 = tpu.vector_load %arg6[%get3A_505, %get3A_506] {strides = array<i32>} : memref<128x128xf32, #tpu.memory_space<vmem>>, vector<1x16xf32>,
      %get3A_508 = vector.shape_cast %get3A_507 : vector<1x16xf32> to vector<16xf32>
      %mul3A_509 = arith.constant 11.3137083 : f32
      %mul3A_510 = vector.broadcast %mul3A_509 : f32 to vector<16xf32>
      %mul3A_511 = arith.mulf %get3A_508, %mul3A_510 : vector<16xf32>
      %swap3A_512 = arith.index_cast %scan3A_482 : i32 to index
      %swap3A_513 = arith.constant 32 : index
      %swap3A_514 = tpu.vector_load %arg9[%swap3A_512, %swap3A_513] {strides = array<i32>} : memref<128x128xf32, #tpu.memory_space<vmem>>, vector<1x16xf32>,
      %swap3A_515 = vector.shape_cast %swap3A_514 : vector<1x16xf32> to vector<16xf32>
      %swap3A_516 = vector.shape_cast %mul3A_511 : vector<16xf32> to vector<1x16xf32>
      tpu.vector_store %arg9[%swap3A_512, %swap3A_513], %swap3A_516 {strides = array<i32>} : memref<128x128xf32, #tpu.memory_space<vmem>>, vector<1x16xf32>,
      %get3A_517 = arith.index_cast %scan3A_482 : i32 to index
      %get3A_518 = arith.constant 48 : index
      %get3A_519 = tpu.vector_load %arg6[%get3A_517, %get3A_518] {strides = array<i32>} : memref<128x128xf32, #tpu.memory_space<vmem>>, vector<1x16xf32>,
      %get3A_520 = vector.shape_cast %get3A_519 : vector<1x16xf32> to vector<16xf32>
      %mul3A_521 = arith.constant 11.3137083 : f32
      %mul3A_522 = vector.broadcast %mul3A_521 : f32 to vector<16xf32>
      %mul3A_523 = arith.mulf %get3A_520, %mul3A_522 : vector<16xf32>
      %swap3A_524 = arith.index_cast %scan3A_482 : i32 to index
      %swap3A_525 = arith.constant 48 : index
      %swap3A_526 = tpu.vector_load %arg9[%swap3A_524, %swap3A_525] {strides = array<i32>} : memref<128x128xf32, #tpu.memory_space<vmem>>, vector<1x16xf32>,
      %swap3A_527 = vector.shape_cast %swap3A_526 : vector<1x16xf32> to vector<16xf32>
      %swap3A_528 = vector.shape_cast %mul3A_523 : vector<16xf32> to vector<1x16xf32>
      tpu.vector_store %arg9[%swap3A_524, %swap3A_525], %swap3A_528 {strides = array<i32>} : memref<128x128xf32, #tpu.memory_space<vmem>>, vector<1x16xf32>,
      %get3A_529 = arith.index_cast %scan3A_482 : i32 to index
      %get3A_530 = arith.constant 64 : index
      %get3A_531 = tpu.vector_load %arg6[%get3A_529, %get3A_530] {strides = array<i32>} : memref<128x128xf32, #tpu.memory_space<vmem>>, vector<1x16xf32>,
      %get3A_532 = vector.shape_cast %get3A_531 : vector<1x16xf32> to vector<16xf32>
      %mul3A_533 = arith.constant 11.3137083 : f32
      %mul3A_534 = vector.broadcast %mul3A_533 : f32 to vector<16xf32>
      %mul3A_535 = arith.mulf %get3A_532, %mul3A_534 : vector<16xf32>
      %swap3A_536 = arith.index_cast %scan3A_482 : i32 to index
      %swap3A_537 = arith.constant 64 : index
      %swap3A_538 = tpu.vector_load %arg9[%swap3A_536, %swap3A_537] {strides = array<i32>} : memref<128x128xf32, #tpu.memory_space<vmem>>, vector<1x16xf32>,
      %swap3A_539 = vector.shape_cast %swap3A_538 : vector<1x16xf32> to vector<16xf32>
      %swap3A_540 = vector.shape_cast %mul3A_535 : vector<16xf32> to vector<1x16xf32>
      tpu.vector_store %arg9[%swap3A_536, %swap3A_537], %swap3A_540 {strides = array<i32>} : memref<128x128xf32, #tpu.memory_space<vmem>>, vector<1x16xf32>,
      %get3A_541 = arith.index_cast %scan3A_482 : i32 to index
      %get3A_542 = arith.constant 80 : index
      %get3A_543 = tpu.vector_load %arg6[%get3A_541, %get3A_542] {strides = array<i32>} : memref<128x128xf32, #tpu.memory_space<vmem>>, vector<1x16xf32>,
      %get3A_544 = vector.shape_cast %get3A_543 : vector<1x16xf32> to vector<16xf32>
      %mul3A_545 = arith.constant 11.3137083 : f32
      %mul3A_546 = vector.broadcast %mul3A_545 : f32 to vector<16xf32>
      %mul3A_547 = arith.mulf %get3A_544, %mul3A_546 : vector<16xf32>
      %swap3A_548 = arith.index_cast %scan3A_482 : i32 to index
      %swap3A_549 = arith.constant 80 : index
      %swap3A_550 = tpu.vector_load %arg9[%swap3A_548, %swap3A_549] {strides = array<i32>} : memref<128x128xf32, #tpu.memory_space<vmem>>, vector<1x16xf32>,
      %swap3A_551 = vector.shape_cast %swap3A_550 : vector<1x16xf32> to vector<16xf32>
      %swap3A_552 = vector.shape_cast %mul3A_547 : vector<16xf32> to vector<1x16xf32>
      tpu.vector_store %arg9[%swap3A_548, %swap3A_549], %swap3A_552 {strides = array<i32>} : memref<128x128xf32, #tpu.memory_space<vmem>>, vector<1x16xf32>,
      %get3A_553 = arith.index_cast %scan3A_482 : i32 to index
      %get3A_554 = arith.constant 96 : index
      %get3A_555 = tpu.vector_load %arg6[%get3A_553, %get3A_554] {strides = array<i32>} : memref<128x128xf32, #tpu.memory_space<vmem>>, vector<1x16xf32>,
      %get3A_556 = vector.shape_cast %get3A_555 : vector<1x16xf32> to vector<16xf32>
      %mul3A_557 = arith.constant 11.3137083 : f32
      %mul3A_558 = vector.broadcast %mul3A_557 : f32 to vector<16xf32>
      %mul3A_559 = arith.mulf %get3A_556, %mul3A_558 : vector<16xf32>
      %swap3A_560 = arith.index_cast %scan3A_482 : i32 to index
      %swap3A_561 = arith.constant 96 : index
      %swap3A_562 = tpu.vector_load %arg9[%swap3A_560, %swap3A_561] {strides = array<i32>} : memref<128x128xf32, #tpu.memory_space<vmem>>, vector<1x16xf32>,
      %swap3A_563 = vector.shape_cast %swap3A_562 : vector<1x16xf32> to vector<16xf32>
      %swap3A_564 = vector.shape_cast %mul3A_559 : vector<16xf32> to vector<1x16xf32>
      tpu.vector_store %arg9[%swap3A_560, %swap3A_561], %swap3A_564 {strides = array<i32>} : memref<128x128xf32, #tpu.memory_space<vmem>>, vector<1x16xf32>,
      %get3A_565 = arith.index_cast %scan3A_482 : i32 to index
      %get3A_566 = arith.constant 112 : index
      %get3A_567 = tpu.vector_load %arg6[%get3A_565, %get3A_566] {strides = array<i32>} : memref<128x128xf32, #tpu.memory_space<vmem>>, vector<1x16xf32>,
      %get3A_568 = vector.shape_cast %get3A_567 : vector<1x16xf32> to vector<16xf32>
      %mul3A_569 = arith.constant 11.3137083 : f32
      %mul3A_570 = vector.broadcast %mul3A_569 : f32 to vector<16xf32>
      %mul3A_571 = arith.mulf %get3A_568, %mul3A_570 : vector<16xf32>
      %swap3A_572 = arith.index_cast %scan3A_482 : i32 to index
      %swap3A_573 = arith.constant 112 : index
      %swap3A_574 = tpu.vector_load %arg9[%swap3A_572, %swap3A_573] {strides = array<i32>} : memref<128x128xf32, #tpu.memory_space<vmem>>, vector<1x16xf32>,
      %swap3A_575 = vector.shape_cast %swap3A_574 : vector<1x16xf32> to vector<16xf32>
      %swap3A_576 = vector.shape_cast %mul3A_571 : vector<16xf32> to vector<1x16xf32>
      tpu.vector_store %arg9[%swap3A_572, %swap3A_573], %swap3A_576 {strides = array<i32>} : memref<128x128xf32, #tpu.memory_space<vmem>>, vector<1x16xf32>,
    }
    %scan3A_33 = arith.constant 128 : i32
    %dma_start3A_34 = arith.constant 0 : i32
    %dma_start3A_35 = arith.constant 0 : i32
    %dma_start3A_36 = tpu.memref_slice %arg4[%dma_start3A_34, %mul3A_2, %dma_start3A_35] : memref<50x4096x128xf32, #tpu.memory_space<hbm>> -> memref<1x128x128xf32, #tpu.memory_space<hbm>>
    %dma_start3A_37 = tpu.memref_squeeze %dma_start3A_36 : memref<1x128x128xf32, #tpu.memory_space<hbm>> -> memref<128x128xf32, #tpu.memory_space<hbm>>
    %dma_start3A_38 = arith.constant 0 : i32
    %dma_start3A_39 = tpu.memref_slice %arg4[%dma_start3A_34, %mul3A_2, %dma_start3A_38] : memref<50x4096x128xf32, #tpu.memory_space<hbm>> -> memref<1x128x128xf32, #tpu.memory_space<hbm>>
    %dma_start3A_40 = tpu.memref_squeeze %dma_start3A_39 : memref<1x128x128xf32, #tpu.memory_space<hbm>> -> memref<128x128xf32, #tpu.memory_space<hbm>>
    tpu.enqueue_dma source(%arg9 : memref<128x128xf32, #tpu.memory_space<vmem>>) target(%dma_start3A_40 : memref<128x128xf32, #tpu.memory_space<hbm>>) target_semaphore(%arg16 : memref<!tpu.dma_semaphore, #tpu.memory_space<semaphore_mem>>)
    %dma_start3A_41 = arith.constant 3 : i32
    %dma_start3A_42 = arith.constant 0 : i32
    %dma_start3A_43 = tpu.memref_slice %arg5[%dma_start3A_41, %dma_start3A_42] : memref<50x128xi32, #tpu.memory_space<vmem>> -> memref<1x128xi32, #tpu.memory_space<vmem>>
    %dma_start3A_44 = tpu.memref_squeeze %dma_start3A_43 : memref<1x128xi32, #tpu.memory_space<vmem>> -> memref<128xi32, #tpu.memory_space<vmem>>
    %dma_start3A_45 = arith.constant 0 : i32
    %dma_start3A_46 = arith.constant 0 : i32
    %dma_start3A_47 = tpu.memref_slice %arg3[%dma_start3A_45, %dma_start3A_46] : memref<100000x128xf32, #tpu.memory_space<hbm>> -> memref<100000x128xf32, #tpu.memory_space<hbm>>
    tpu.enqueue_indirect_dma source(%dma_start3A_47 : memref<100000x128xf32, #tpu.memory_space<hbm>>) target(%arg6 : memref<128x128xf32, #tpu.memory_space<vmem>>) offsets(%dma_start3A_44 : memref<128xi32, #tpu.memory_space<vmem>>) semaphore(%arg13 : memref<!tpu.dma_semaphore, #tpu.memory_space<semaphore_mem>>)
    %dma_wait3A_48 = arith.constant 1 : i32
    %dma_wait3A_49 = arith.constant 0 : i32
    %dma_wait3A_50 = tpu.memref_slice %arg5[%dma_wait3A_48, %dma_wait3A_49] : memref<50x128xi32, #tpu.memory_space<vmem>> -> memref<1x128xi32, #tpu.memory_space<vmem>>
    %dma_wait3A_51 = tpu.memref_squeeze %dma_wait3A_50 : memref<1x128xi32, #tpu.memory_space<vmem>> -> memref<128xi32, #tpu.memory_space<vmem>>
    %dma_wait3A_52 = arith.constant 0 : i32
    %dma_wait3A_53 = arith.constant 0 : i32
    %dma_wait3A_54 = tpu.memref_slice %arg3[%dma_wait3A_52, %dma_wait3A_53] : memref<100000x128xf32, #tpu.memory_space<hbm>> -> memref<100000x128xf32, #tpu.memory_space<hbm>>
    tpu.wait_indirect_dma semaphore(%arg14 : memref<!tpu.dma_semaphore, #tpu.memory_space<semaphore_mem>>) src(%dma_wait3A_54 : memref<100000x128xf32, #tpu.memory_space<hbm>>) dst(%arg7 : memref<128x128xf32, #tpu.memory_space<vmem>>)
    %scan3A_55 = arith.constant 0 : i32
    %scan3A_56 = arith.constant 0 : i32
    %scan3A_57 = arith.constant 128 : i32
    %scan3A_58 = arith.addi %scan3A_56, %scan3A_57 : i32
    %scan3A_59 = arith.constant 1 : i32
    scf.for %scan3A_482 = %scan3A_56 to %scan3A_58 step %scan3A_59  : i32 {
      %get3A = arith.index_cast %scan3A_482 : i32 to index
      %get3A_483 = arith.constant 0 : index
      %get3A_484 = tpu.vector_load %arg7[%get3A, %get3A_483] {strides = array<i32>} : memref<128x128xf32, #tpu.memory_space<vmem>>, vector<1x16xf32>,
      %get3A_485 = vector.shape_cast %get3A_484 : vector<1x16xf32> to vector<16xf32>
      %mul3A_486 = arith.constant 11.3137083 : f32
      %mul3A_487 = vector.broadcast %mul3A_486 : f32 to vector<16xf32>
      %mul3A_488 = arith.mulf %get3A_485, %mul3A_487 : vector<16xf32>
      %swap3A = arith.index_cast %scan3A_482 : i32 to index
      %swap3A_489 = arith.constant 0 : index
      %swap3A_490 = tpu.vector_load %arg10[%swap3A, %swap3A_489] {strides = array<i32>} : memref<128x128xf32, #tpu.memory_space<vmem>>, vector<1x16xf32>,
      %swap3A_491 = vector.shape_cast %swap3A_490 : vector<1x16xf32> to vector<16xf32>
      %swap3A_492 = vector.shape_cast %mul3A_488 : vector<16xf32> to vector<1x16xf32>
      tpu.vector_store %arg10[%swap3A, %swap3A_489], %swap3A_492 {strides = array<i32>} : memref<128x128xf32, #tpu.memory_space<vmem>>, vector<1x16xf32>,
      %get3A_493 = arith.index_cast %scan3A_482 : i32 to index
      %get3A_494 = arith.constant 16 : index
      %get3A_495 = tpu.vector_load %arg7[%get3A_493, %get3A_494] {strides = array<i32>} : memref<128x128xf32, #tpu.memory_space<vmem>>, vector<1x16xf32>,
      %get3A_496 = vector.shape_cast %get3A_495 : vector<1x16xf32> to vector<16xf32>
      %mul3A_497 = arith.constant 11.3137083 : f32
      %mul3A_498 = vector.broadcast %mul3A_497 : f32 to vector<16xf32>
      %mul3A_499 = arith.mulf %get3A_496, %mul3A_498 : vector<16xf32>
      %swap3A_500 = arith.index_cast %scan3A_482 : i32 to index
      %swap3A_501 = arith.constant 16 : index
      %swap3A_502 = tpu.vector_load %arg10[%swap3A_500, %swap3A_501] {strides = array<i32>} : memref<128x128xf32, #tpu.memory_space<vmem>>, vector<1x16xf32>,
      %swap3A_503 = vector.shape_cast %swap3A_502 : vector<1x16xf32> to vector<16xf32>
      %swap3A_504 = vector.shape_cast %mul3A_499 : vector<16xf32> to vector<1x16xf32>
      tpu.vector_store %arg10[%swap3A_500, %swap3A_501], %swap3A_504 {strides = array<i32>} : memref<128x128xf32, #tpu.memory_space<vmem>>, vector<1x16xf32>,
      %get3A_505 = arith.index_cast %scan3A_482 : i32 to index
      %get3A_506 = arith.constant 32 : index
      %get3A_507 = tpu.vector_load %arg7[%get3A_505, %get3A_506] {strides = array<i32>} : memref<128x128xf32, #tpu.memory_space<vmem>>, vector<1x16xf32>,
      %get3A_508 = vector.shape_cast %get3A_507 : vector<1x16xf32> to vector<16xf32>
      %mul3A_509 = arith.constant 11.3137083 : f32
      %mul3A_510 = vector.broadcast %mul3A_509 : f32 to vector<16xf32>
      %mul3A_511 = arith.mulf %get3A_508, %mul3A_510 : vector<16xf32>
      %swap3A_512 = arith.index_cast %scan3A_482 : i32 to index
      %swap3A_513 = arith.constant 32 : index
      %swap3A_514 = tpu.vector_load %arg10[%swap3A_512, %swap3A_513] {strides = array<i32>} : memref<128x128xf32, #tpu.memory_space<vmem>>, vector<1x16xf32>,
      %swap3A_515 = vector.shape_cast %swap3A_514 : vector<1x16xf32> to vector<16xf32>
      %swap3A_516 = vector.shape_cast %mul3A_511 : vector<16xf32> to vector<1x16xf32>
      tpu.vector_store %arg10[%swap3A_512, %swap3A_513], %swap3A_516 {strides = array<i32>} : memref<128x128xf32, #tpu.memory_space<vmem>>, vector<1x16xf32>,
      %get3A_517 = arith.index_cast %scan3A_482 : i32 to index
      %get3A_518 = arith.constant 48 : index
      %get3A_519 = tpu.vector_load %arg7[%get3A_517, %get3A_518] {strides = array<i32>} : memref<128x128xf32, #tpu.memory_space<vmem>>, vector<1x16xf32>,
      %get3A_520 = vector.shape_cast %get3A_519 : vector<1x16xf32> to vector<16xf32>
      %mul3A_521 = arith.constant 11.3137083 : f32
      %mul3A_522 = vector.broadcast %mul3A_521 : f32 to vector<16xf32>
      %mul3A_523 = arith.mulf %get3A_520, %mul3A_522 : vector<16xf32>
      %swap3A_524 = arith.index_cast %scan3A_482 : i32 to index
      %swap3A_525 = arith.constant 48 : index
      %swap3A_526 = tpu.vector_load %arg10[%swap3A_524, %swap3A_525] {strides = array<i32>} : memref<128x128xf32, #tpu.memory_space<vmem>>, vector<1x16xf32>,
      %swap3A_527 = vector.shape_cast %swap3A_526 : vector<1x16xf32> to vector<16xf32>
      %swap3A_528 = vector.shape_cast %mul3A_523 : vector<16xf32> to vector<1x16xf32>
      tpu.vector_store %arg10[%swap3A_524, %swap3A_525], %swap3A_528 {strides = array<i32>} : memref<128x128xf32, #tpu.memory_space<vmem>>, vector<1x16xf32>,
      %get3A_529 = arith.index_cast %scan3A_482 : i32 to index
      %get3A_530 = arith.constant 64 : index
      %get3A_531 = tpu.vector_load %arg7[%get3A_529, %get3A_530] {strides = array<i32>} : memref<128x128xf32, #tpu.memory_space<vmem>>, vector<1x16xf32>,
      %get3A_532 = vector.shape_cast %get3A_531 : vector<1x16xf32> to vector<16xf32>
      %mul3A_533 = arith.constant 11.3137083 : f32
      %mul3A_534 = vector.broadcast %mul3A_533 : f32 to vector<16xf32>
      %mul3A_535 = arith.mulf %get3A_532, %mul3A_534 : vector<16xf32>
      %swap3A_536 = arith.index_cast %scan3A_482 : i32 to index
      %swap3A_537 = arith.constant 64 : index
      %swap3A_538 = tpu.vector_load %arg10[%swap3A_536, %swap3A_537] {strides = array<i32>} : memref<128x128xf32, #tpu.memory_space<vmem>>, vector<1x16xf32>,
      %swap3A_539 = vector.shape_cast %swap3A_538 : vector<1x16xf32> to vector<16xf32>
      %swap3A_540 = vector.shape_cast %mul3A_535 : vector<16xf32> to vector<1x16xf32>
      tpu.vector_store %arg10[%swap3A_536, %swap3A_537], %swap3A_540 {strides = array<i32>} : memref<128x128xf32, #tpu.memory_space<vmem>>, vector<1x16xf32>,
      %get3A_541 = arith.index_cast %scan3A_482 : i32 to index
      %get3A_542 = arith.constant 80 : index
      %get3A_543 = tpu.vector_load %arg7[%get3A_541, %get3A_542] {strides = array<i32>} : memref<128x128xf32, #tpu.memory_space<vmem>>, vector<1x16xf32>,
      %get3A_544 = vector.shape_cast %get3A_543 : vector<1x16xf32> to vector<16xf32>
      %mul3A_545 = arith.constant 11.3137083 : f32
      %mul3A_546 = vector.broadcast %mul3A_545 : f32 to vector<16xf32>
      %mul3A_547 = arith.mulf %get3A_544, %mul3A_546 : vector<16xf32>
      %swap3A_548 = arith.index_cast %scan3A_482 : i32 to index
      %swap3A_549 = arith.constant 80 : index
      %swap3A_550 = tpu.vector_load %arg10[%swap3A_548, %swap3A_549] {strides = array<i32>} : memref<128x128xf32, #tpu.memory_space<vmem>>, vector<1x16xf32>,
      %swap3A_551 = vector.shape_cast %swap3A_550 : vector<1x16xf32> to vector<16xf32>
      %swap3A_552 = vector.shape_cast %mul3A_547 : vector<16xf32> to vector<1x16xf32>
      tpu.vector_store %arg10[%swap3A_548, %swap3A_549], %swap3A_552 {strides = array<i32>} : memref<128x128xf32, #tpu.memory_space<vmem>>, vector<1x16xf32>,
      %get3A_553 = arith.index_cast %scan3A_482 : i32 to index
      %get3A_554 = arith.constant 96 : index
      %get3A_555 = tpu.vector_load %arg7[%get3A_553, %get3A_554] {strides = array<i32>} : memref<128x128xf32, #tpu.memory_space<vmem>>, vector<1x16xf32>,
      %get3A_556 = vector.shape_cast %get3A_555 : vector<1x16xf32> to vector<16xf32>
      %mul3A_557 = arith.constant 11.3137083 : f32
      %mul3A_558 = vector.broadcast %mul3A_557 : f32 to vector<16xf32>
      %mul3A_559 = arith.mulf %get3A_556, %mul3A_558 : vector<16xf32>
      %swap3A_560 = arith.index_cast %scan3A_482 : i32 to index
      %swap3A_561 = arith.constant 96 : index
      %swap3A_562 = tpu.vector_load %arg10[%swap3A_560, %swap3A_561] {strides = array<i32>} : memref<128x128xf32, #tpu.memory_space<vmem>>, vector<1x16xf32>,
      %swap3A_563 = vector.shape_cast %swap3A_562 : vector<1x16xf32> to vector<16xf32>
      %swap3A_564 = vector.shape_cast %mul3A_559 : vector<16xf32> to vector<1x16xf32>
      tpu.vector_store %arg10[%swap3A_560, %swap3A_561], %swap3A_564 {strides = array<i32>} : memref<128x128xf32, #tpu.memory_space<vmem>>, vector<1x16xf32>,
      %get3A_565 = arith.index_cast %scan3A_482 : i32 to index
      %get3A_566 = arith.constant 112 : index
      %get3A_567 = tpu.vector_load %arg7[%get3A_565, %get3A_566] {strides = array<i32>} : memref<128x128xf32, #tpu.memory_space<vmem>>, vector<1x16xf32>,
      %get3A_568 = vector.shape_cast %get3A_567 : vector<1x16xf32> to vector<16xf32>
      %mul3A_569 = arith.constant 11.3137083 : f32
      %mul3A_570 = vector.broadcast %mul3A_569 : f32 to vector<16xf32>
      %mul3A_571 = arith.mulf %get3A_568, %mul3A_570 : vector<16xf32>
      %swap3A_572 = arith.index_cast %scan3A_482 : i32 to index
      %swap3A_573 = arith.constant 112 : index
      %swap3A_574 = tpu.vector_load %arg10[%swap3A_572, %swap3A_573] {strides = array<i32>} : memref<128x128xf32, #tpu.memory_space<vmem>>, vector<1x16xf32>,
      %swap3A_575 = vector.shape_cast %swap3A_574 : vector<1x16xf32> to vector<16xf32>
      %swap3A_576 = vector.shape_cast %mul3A_571 : vector<16xf32> to vector<1x16xf32>
      tpu.vector_store %arg10[%swap3A_572, %swap3A_573], %swap3A_576 {strides = array<i32>} : memref<128x128xf32, #tpu.memory_space<vmem>>, vector<1x16xf32>,
    }
    %scan3A_60 = arith.constant 128 : i32
    %dma_start3A_61 = arith.constant 1 : i32
    %dma_start3A_62 = arith.constant 0 : i32
    %dma_start3A_63 = tpu.memref_slice %arg4[%dma_start3A_61, %mul3A_2, %dma_start3A_62] : memref<50x4096x128xf32, #tpu.memory_space<hbm>> -> memref<1x128x128xf32, #tpu.memory_space<hbm>>
    %dma_start3A_64 = tpu.memref_squeeze %dma_start3A_63 : memref<1x128x128xf32, #tpu.memory_space<hbm>> -> memref<128x128xf32, #tpu.memory_space<hbm>>
    %dma_start3A_65 = arith.constant 0 : i32
    %dma_start3A_66 = tpu.memref_slice %arg4[%dma_start3A_61, %mul3A_2, %dma_start3A_65] : memref<50x4096x128xf32, #tpu.memory_space<hbm>> -> memref<1x128x128xf32, #tpu.memory_space<hbm>>
    %dma_start3A_67 = tpu.memref_squeeze %dma_start3A_66 : memref<1x128x128xf32, #tpu.memory_space<hbm>> -> memref<128x128xf32, #tpu.memory_space<hbm>>
    tpu.enqueue_dma source(%arg10 : memref<128x128xf32, #tpu.memory_space<vmem>>) target(%dma_start3A_67 : memref<128x128xf32, #tpu.memory_space<hbm>>) target_semaphore(%arg17 : memref<!tpu.dma_semaphore, #tpu.memory_space<semaphore_mem>>)
    %scan3A_68 = arith.constant 0 : i32
    %scan3A_69 = arith.constant 0 : i32
    %scan3A_70 = arith.constant 3 : i32
    %scan3A_71 = arith.addi %scan3A_69, %scan3A_70 : i32
    %scan3A_72 = arith.constant 1 : i32
    scf.for %scan3A_482 = %scan3A_69 to %scan3A_71 step %scan3A_72  : i32 {
      %mul3A_483 = arith.constant 12 : i32
      %mul3A_484 = arith.muli %mul3A_483, %scan3A_482 : i32
      %add3A_485 = arith.constant 2 : i32
      %add3A_486 = arith.addi %add3A_485, %mul3A_484 : i32
      %add3A_487 = arith.constant 0 : i32
      %add3A_488 = arith.addi %add3A_486, %add3A_487 : i32
      %dma_wait3A_489 = arith.constant 0 : i32
      %dma_wait3A_490 = tpu.memref_slice %arg4[%add3A_488, %mul3A_2, %dma_wait3A_489] : memref<50x4096x128xf32, #tpu.memory_space<hbm>> -> memref<1x128x128xf32, #tpu.memory_space<hbm>>
      %dma_wait3A_491 = tpu.memref_squeeze %dma_wait3A_490 : memref<1x128x128xf32, #tpu.memory_space<hbm>> -> memref<128x128xf32, #tpu.memory_space<hbm>>
      %dma_wait3A_492 = arith.constant 0 : i32
      %dma_wait3A_493 = tpu.memref_slice %arg4[%add3A_488, %mul3A_2, %dma_wait3A_492] : memref<50x4096x128xf32, #tpu.memory_space<hbm>> -> memref<1x128x128xf32, #tpu.memory_space<hbm>>
      %dma_wait3A_494 = tpu.memref_squeeze %dma_wait3A_493 : memref<1x128x128xf32, #tpu.memory_space<hbm>> -> memref<128x128xf32, #tpu.memory_space<hbm>>
      tpu.wait_dma2 semaphore(%arg16 : memref<!tpu.dma_semaphore, #tpu.memory_space<semaphore_mem>>) src(%arg9 : memref<128x128xf32, #tpu.memory_space<vmem>>) dst(%dma_wait3A_494 : memref<128x128xf32, #tpu.memory_space<hbm>>)
      %add3A_495 = arith.constant 2 : i32
      %add3A_496 = arith.addi %add3A_488, %add3A_495 : i32
      %dma_start3A_497 = arith.constant 0 : i32
      %dma_start3A_498 = tpu.memref_slice %arg5[%add3A_496, %dma_start3A_497] : memref<50x128xi32, #tpu.memory_space<vmem>> -> memref<1x128xi32, #tpu.memory_space<vmem>>
      %dma_start3A_499 = tpu.memref_squeeze %dma_start3A_498 : memref<1x128xi32, #tpu.memory_space<vmem>> -> memref<128xi32, #tpu.memory_space<vmem>>
      %dma_start3A_500 = arith.constant 0 : i32
      %dma_start3A_501 = arith.constant 0 : i32
      %dma_start3A_502 = tpu.memref_slice %arg3[%dma_start3A_500, %dma_start3A_501] : memref<100000x128xf32, #tpu.memory_space<hbm>> -> memref<100000x128xf32, #tpu.memory_space<hbm>>
      tpu.enqueue_indirect_dma source(%dma_start3A_502 : memref<100000x128xf32, #tpu.memory_space<hbm>>) target(%arg7 : memref<128x128xf32, #tpu.memory_space<vmem>>) offsets(%dma_start3A_499 : memref<128xi32, #tpu.memory_space<vmem>>) semaphore(%arg14 : memref<!tpu.dma_semaphore, #tpu.memory_space<semaphore_mem>>)
      %dma_wait3A_503 = arith.constant 0 : i32
      %dma_wait3A_504 = tpu.memref_slice %arg5[%add3A_488, %dma_wait3A_503] : memref<50x128xi32, #tpu.memory_space<vmem>> -> memref<1x128xi32, #tpu.memory_space<vmem>>
      %dma_wait3A_505 = tpu.memref_squeeze %dma_wait3A_504 : memref<1x128xi32, #tpu.memory_space<vmem>> -> memref<128xi32, #tpu.memory_space<vmem>>
      %dma_wait3A_506 = arith.constant 0 : i32
      %dma_wait3A_507 = arith.constant 0 : i32
      %dma_wait3A_508 = tpu.memref_slice %arg3[%dma_wait3A_506, %dma_wait3A_507] : memref<100000x128xf32, #tpu.memory_space<hbm>> -> memref<100000x128xf32, #tpu.memory_space<hbm>>
      tpu.wait_indirect_dma semaphore(%arg15 : memref<!tpu.dma_semaphore, #tpu.memory_space<semaphore_mem>>) src(%dma_wait3A_508 : memref<100000x128xf32, #tpu.memory_space<hbm>>) dst(%arg8 : memref<128x128xf32, #tpu.memory_space<vmem>>)
      %scan3A_509 = arith.constant 0 : i32
      %scan3A_510 = arith.constant 0 : i32
      %scan3A_511 = arith.constant 128 : i32
      %scan3A_512 = arith.addi %scan3A_510, %scan3A_511 : i32
      %scan3A_513 = arith.constant 1 : i32
      scf.for %scan3A_895 = %scan3A_510 to %scan3A_512 step %scan3A_513  : i32 {
        %get3A = arith.index_cast %scan3A_895 : i32 to index
        %get3A_896 = arith.constant 0 : index
        %get3A_897 = tpu.vector_load %arg8[%get3A, %get3A_896] {strides = array<i32>} : memref<128x128xf32, #tpu.memory_space<vmem>>, vector<1x16xf32>,
        %get3A_898 = vector.shape_cast %get3A_897 : vector<1x16xf32> to vector<16xf32>
        %mul3A_899 = arith.constant 11.3137083 : f32
        %mul3A_900 = vector.broadcast %mul3A_899 : f32 to vector<16xf32>
        %mul3A_901 = arith.mulf %get3A_898, %mul3A_900 : vector<16xf32>
        %swap3A = arith.index_cast %scan3A_895 : i32 to index
        %swap3A_902 = arith.constant 0 : index
        %swap3A_903 = tpu.vector_load %arg11[%swap3A, %swap3A_902] {strides = array<i32>} : memref<128x128xf32, #tpu.memory_space<vmem>>, vector<1x16xf32>,
        %swap3A_904 = vector.shape_cast %swap3A_903 : vector<1x16xf32> to vector<16xf32>
        %swap3A_905 = vector.shape_cast %mul3A_901 : vector<16xf32> to vector<1x16xf32>
        tpu.vector_store %arg11[%swap3A, %swap3A_902], %swap3A_905 {strides = array<i32>} : memref<128x128xf32, #tpu.memory_space<vmem>>, vector<1x16xf32>,
        %get3A_906 = arith.index_cast %scan3A_895 : i32 to index
        %get3A_907 = arith.constant 16 : index
        %get3A_908 = tpu.vector_load %arg8[%get3A_906, %get3A_907] {strides = array<i32>} : memref<128x128xf32, #tpu.memory_space<vmem>>, vector<1x16xf32>,
        %get3A_909 = vector.shape_cast %get3A_908 : vector<1x16xf32> to vector<16xf32>
        %mul3A_910 = arith.constant 11.3137083 : f32
        %mul3A_911 = vector.broadcast %mul3A_910 : f32 to vector<16xf32>
        %mul3A_912 = arith.mulf %get3A_909, %mul3A_911 : vector<16xf32>
        %swap3A_913 = arith.index_cast %scan3A_895 : i32 to index
        %swap3A_914 = arith.constant 16 : index
        %swap3A_915 = tpu.vector_load %arg11[%swap3A_913, %swap3A_914] {strides = array<i32>} : memref<128x128xf32, #tpu.memory_space<vmem>>, vector<1x16xf32>,
        %swap3A_916 = vector.shape_cast %swap3A_915 : vector<1x16xf32> to vector<16xf32>
        %swap3A_917 = vector.shape_cast %mul3A_912 : vector<16xf32> to vector<1x16xf32>
        tpu.vector_store %arg11[%swap3A_913, %swap3A_914], %swap3A_917 {strides = array<i32>} : memref<128x128xf32, #tpu.memory_space<vmem>>, vector<1x16xf32>,
        %get3A_918 = arith.index_cast %scan3A_895 : i32 to index
        %get3A_919 = arith.constant 32 : index
        %get3A_920 = tpu.vector_load %arg8[%get3A_918, %get3A_919] {strides = array<i32>} : memref<128x128xf32, #tpu.memory_space<vmem>>, vector<1x16xf32>,
        %get3A_921 = vector.shape_cast %get3A_920 : vector<1x16xf32> to vector<16xf32>
        %mul3A_922 = arith.constant 11.3137083 : f32
        %mul3A_923 = vector.broadcast %mul3A_922 : f32 to vector<16xf32>
        %mul3A_924 = arith.mulf %get3A_921, %mul3A_923 : vector<16xf32>
        %swap3A_925 = arith.index_cast %scan3A_895 : i32 to index
        %swap3A_926 = arith.constant 32 : index
        %swap3A_927 = tpu.vector_load %arg11[%swap3A_925, %swap3A_926] {strides = array<i32>} : memref<128x128xf32, #tpu.memory_space<vmem>>, vector<1x16xf32>,
        %swap3A_928 = vector.shape_cast %swap3A_927 : vector<1x16xf32> to vector<16xf32>
        %swap3A_929 = vector.shape_cast %mul3A_924 : vector<16xf32> to vector<1x16xf32>
        tpu.vector_store %arg11[%swap3A_925, %swap3A_926], %swap3A_929 {strides = array<i32>} : memref<128x128xf32, #tpu.memory_space<vmem>>, vector<1x16xf32>,
        %get3A_930 = arith.index_cast %scan3A_895 : i32 to index
        %get3A_931 = arith.constant 48 : index
        %get3A_932 = tpu.vector_load %arg8[%get3A_930, %get3A_931] {strides = array<i32>} : memref<128x128xf32, #tpu.memory_space<vmem>>, vector<1x16xf32>,
        %get3A_933 = vector.shape_cast %get3A_932 : vector<1x16xf32> to vector<16xf32>
        %mul3A_934 = arith.constant 11.3137083 : f32
        %mul3A_935 = vector.broadcast %mul3A_934 : f32 to vector<16xf32>
        %mul3A_936 = arith.mulf %get3A_933, %mul3A_935 : vector<16xf32>
        %swap3A_937 = arith.index_cast %scan3A_895 : i32 to index
        %swap3A_938 = arith.constant 48 : index
        %swap3A_939 = tpu.vector_load %arg11[%swap3A_937, %swap3A_938] {strides = array<i32>} : memref<128x128xf32, #tpu.memory_space<vmem>>, vector<1x16xf32>,
        %swap3A_940 = vector.shape_cast %swap3A_939 : vector<1x16xf32> to vector<16xf32>
        %swap3A_941 = vector.shape_cast %mul3A_936 : vector<16xf32> to vector<1x16xf32>
        tpu.vector_store %arg11[%swap3A_937, %swap3A_938], %swap3A_941 {strides = array<i32>} : memref<128x128xf32, #tpu.memory_space<vmem>>, vector<1x16xf32>,
        %get3A_942 = arith.index_cast %scan3A_895 : i32 to index
        %get3A_943 = arith.constant 64 : index
        %get3A_944 = tpu.vector_load %arg8[%get3A_942, %get3A_943] {strides = array<i32>} : memref<128x128xf32, #tpu.memory_space<vmem>>, vector<1x16xf32>,
        %get3A_945 = vector.shape_cast %get3A_944 : vector<1x16xf32> to vector<16xf32>
        %mul3A_946 = arith.constant 11.3137083 : f32
        %mul3A_947 = vector.broadcast %mul3A_946 : f32 to vector<16xf32>
        %mul3A_948 = arith.mulf %get3A_945, %mul3A_947 : vector<16xf32>
        %swap3A_949 = arith.index_cast %scan3A_895 : i32 to index
        %swap3A_950 = arith.constant 64 : index
        %swap3A_951 = tpu.vector_load %arg11[%swap3A_949, %swap3A_950] {strides = array<i32>} : memref<128x128xf32, #tpu.memory_space<vmem>>, vector<1x16xf32>,
        %swap3A_952 = vector.shape_cast %swap3A_951 : vector<1x16xf32> to vector<16xf32>
        %swap3A_953 = vector.shape_cast %mul3A_948 : vector<16xf32> to vector<1x16xf32>
        tpu.vector_store %arg11[%swap3A_949, %swap3A_950], %swap3A_953 {strides = array<i32>} : memref<128x128xf32, #tpu.memory_space<vmem>>, vector<1x16xf32>,
        %get3A_954 = arith.index_cast %scan3A_895 : i32 to index
        %get3A_955 = arith.constant 80 : index
        %get3A_956 = tpu.vector_load %arg8[%get3A_954, %get3A_955] {strides = array<i32>} : memref<128x128xf32, #tpu.memory_space<vmem>>, vector<1x16xf32>,
        %get3A_957 = vector.shape_cast %get3A_956 : vector<1x16xf32> to vector<16xf32>
        %mul3A_958 = arith.constant 11.3137083 : f32
        %mul3A_959 = vector.broadcast %mul3A_958 : f32 to vector<16xf32>
        %mul3A_960 = arith.mulf %get3A_957, %mul3A_959 : vector<16xf32>
        %swap3A_961 = arith.index_cast %scan3A_895 : i32 to index
        %swap3A_962 = arith.constant 80 : index
        %swap3A_963 = tpu.vector_load %arg11[%swap3A_961, %swap3A_962] {strides = array<i32>} : memref<128x128xf32, #tpu.memory_space<vmem>>, vector<1x16xf32>,
        %swap3A_964 = vector.shape_cast %swap3A_963 : vector<1x16xf32> to vector<16xf32>
        %swap3A_965 = vector.shape_cast %mul3A_960 : vector<16xf32> to vector<1x16xf32>
        tpu.vector_store %arg11[%swap3A_961, %swap3A_962], %swap3A_965 {strides = array<i32>} : memref<128x128xf32, #tpu.memory_space<vmem>>, vector<1x16xf32>,
        %get3A_966 = arith.index_cast %scan3A_895 : i32 to index
        %get3A_967 = arith.constant 96 : index
        %get3A_968 = tpu.vector_load %arg8[%get3A_966, %get3A_967] {strides = array<i32>} : memref<128x128xf32, #tpu.memory_space<vmem>>, vector<1x16xf32>,
        %get3A_969 = vector.shape_cast %get3A_968 : vector<1x16xf32> to vector<16xf32>
        %mul3A_970 = arith.constant 11.3137083 : f32
        %mul3A_971 = vector.broadcast %mul3A_970 : f32 to vector<16xf32>
        %mul3A_972 = arith.mulf %get3A_969, %mul3A_971 : vector<16xf32>
        %swap3A_973 = arith.index_cast %scan3A_895 : i32 to index
        %swap3A_974 = arith.constant 96 : index
        %swap3A_975 = tpu.vector_load %arg11[%swap3A_973, %swap3A_974] {strides = array<i32>} : memref<128x128xf32, #tpu.memory_space<vmem>>, vector<1x16xf32>,
        %swap3A_976 = vector.shape_cast %swap3A_975 : vector<1x16xf32> to vector<16xf32>
        %swap3A_977 = vector.shape_cast %mul3A_972 : vector<16xf32> to vector<1x16xf32>
        tpu.vector_store %arg11[%swap3A_973, %swap3A_974], %swap3A_977 {strides = array<i32>} : memref<128x128xf32, #tpu.memory_space<vmem>>, vector<1x16xf32>,
        %get3A_978 = arith.index_cast %scan3A_895 : i32 to index
        %get3A_979 = arith.constant 112 : index
        %get3A_980 = tpu.vector_load %arg8[%get3A_978, %get3A_979] {strides = array<i32>} : memref<128x128xf32, #tpu.memory_space<vmem>>, vector<1x16xf32>,
        %get3A_981 = vector.shape_cast %get3A_980 : vector<1x16xf32> to vector<16xf32>
        %mul3A_982 = arith.constant 11.3137083 : f32
        %mul3A_983 = vector.broadcast %mul3A_982 : f32 to vector<16xf32>
        %mul3A_984 = arith.mulf %get3A_981, %mul3A_983 : vector<16xf32>
        %swap3A_985 = arith.index_cast %scan3A_895 : i32 to index
        %swap3A_986 = arith.constant 112 : index
        %swap3A_987 = tpu.vector_load %arg11[%swap3A_985, %swap3A_986] {strides = array<i32>} : memref<128x128xf32, #tpu.memory_space<vmem>>, vector<1x16xf32>,
        %swap3A_988 = vector.shape_cast %swap3A_987 : vector<1x16xf32> to vector<16xf32>
        %swap3A_989 = vector.shape_cast %mul3A_984 : vector<16xf32> to vector<1x16xf32>
        tpu.vector_store %arg11[%swap3A_985, %swap3A_986], %swap3A_989 {strides = array<i32>} : memref<128x128xf32, #tpu.memory_space<vmem>>, vector<1x16xf32>,
      }
      %scan3A_514 = arith.constant 128 : i32
      %dma_start3A_515 = arith.constant 0 : i32
      %dma_start3A_516 = tpu.memref_slice %arg4[%add3A_488, %mul3A_2, %dma_start3A_515] : memref<50x4096x128xf32, #tpu.memory_space<hbm>> -> memref<1x128x128xf32, #tpu.memory_space<hbm>>
      %dma_start3A_517 = tpu.memref_squeeze %dma_start3A_516 : memref<1x128x128xf32, #tpu.memory_space<hbm>> -> memref<128x128xf32, #tpu.memory_space<hbm>>
      %dma_start3A_518 = arith.constant 0 : i32
      %dma_start3A_519 = tpu.memref_slice %arg4[%add3A_488, %mul3A_2, %dma_start3A_518] : memref<50x4096x128xf32, #tpu.memory_space<hbm>> -> memref<1x128x128xf32, #tpu.memory_space<hbm>>
      %dma_start3A_520 = tpu.memref_squeeze %dma_start3A_519 : memref<1x128x128xf32, #tpu.memory_space<hbm>> -> memref<128x128xf32, #tpu.memory_space<hbm>>
      tpu.enqueue_dma source(%arg11 : memref<128x128xf32, #tpu.memory_space<vmem>>) target(%dma_start3A_520 : memref<128x128xf32, #tpu.memory_space<hbm>>) target_semaphore(%arg18 : memref<!tpu.dma_semaphore, #tpu.memory_space<semaphore_mem>>)
      %add3A_521 = arith.constant 1 : i32
      %add3A_522 = arith.addi %add3A_486, %add3A_521 : i32
      %dma_wait3A_523 = arith.constant 0 : i32
      %dma_wait3A_524 = tpu.memref_slice %arg4[%add3A_522, %mul3A_2, %dma_wait3A_523] : memref<50x4096x128xf32, #tpu.memory_space<hbm>> -> memref<1x128x128xf32, #tpu.memory_space<hbm>>
      %dma_wait3A_525 = tpu.memref_squeeze %dma_wait3A_524 : memref<1x128x128xf32, #tpu.memory_space<hbm>> -> memref<128x128xf32, #tpu.memory_space<hbm>>
      %dma_wait3A_526 = arith.constant 0 : i32
      %dma_wait3A_527 = tpu.memref_slice %arg4[%add3A_522, %mul3A_2, %dma_wait3A_526] : memref<50x4096x128xf32, #tpu.memory_space<hbm>> -> memref<1x128x128xf32, #tpu.memory_space<hbm>>
      %dma_wait3A_528 = tpu.memref_squeeze %dma_wait3A_527 : memref<1x128x128xf32, #tpu.memory_space<hbm>> -> memref<128x128xf32, #tpu.memory_space<hbm>>
      tpu.wait_dma2 semaphore(%arg17 : memref<!tpu.dma_semaphore, #tpu.memory_space<semaphore_mem>>) src(%arg10 : memref<128x128xf32, #tpu.memory_space<vmem>>) dst(%dma_wait3A_528 : memref<128x128xf32, #tpu.memory_space<hbm>>)
      %add3A_529 = arith.constant 2 : i32
      %add3A_530 = arith.addi %add3A_522, %add3A_529 : i32
      %dma_start3A_531 = arith.constant 0 : i32
      %dma_start3A_532 = tpu.memref_slice %arg5[%add3A_530, %dma_start3A_531] : memref<50x128xi32, #tpu.memory_space<vmem>> -> memref<1x128xi32, #tpu.memory_space<vmem>>
      %dma_start3A_533 = tpu.memref_squeeze %dma_start3A_532 : memref<1x128xi32, #tpu.memory_space<vmem>> -> memref<128xi32, #tpu.memory_space<vmem>>
      %dma_start3A_534 = arith.constant 0 : i32
      %dma_start3A_535 = arith.constant 0 : i32
      %dma_start3A_536 = tpu.memref_slice %arg3[%dma_start3A_534, %dma_start3A_535] : memref<100000x128xf32, #tpu.memory_space<hbm>> -> memref<100000x128xf32, #tpu.memory_space<hbm>>
      tpu.enqueue_indirect_dma source(%dma_start3A_536 : memref<100000x128xf32, #tpu.memory_space<hbm>>) target(%arg8 : memref<128x128xf32, #tpu.memory_space<vmem>>) offsets(%dma_start3A_533 : memref<128xi32, #tpu.memory_space<vmem>>) semaphore(%arg15 : memref<!tpu.dma_semaphore, #tpu.memory_space<semaphore_mem>>)
      %dma_wait3A_537 = arith.constant 0 : i32
      %dma_wait3A_538 = tpu.memref_slice %arg5[%add3A_522, %dma_wait3A_537] : memref<50x128xi32, #tpu.memory_space<vmem>> -> memref<1x128xi32, #tpu.memory_space<vmem>>
      %dma_wait3A_539 = tpu.memref_squeeze %dma_wait3A_538 : memref<1x128xi32, #tpu.memory_space<vmem>> -> memref<128xi32, #tpu.memory_space<vmem>>
      %dma_wait3A_540 = arith.constant 0 : i32
      %dma_wait3A_541 = arith.constant 0 : i32
      %dma_wait3A_542 = tpu.memref_slice %arg3[%dma_wait3A_540, %dma_wait3A_541] : memref<100000x128xf32, #tpu.memory_space<hbm>> -> memref<100000x128xf32, #tpu.memory_space<hbm>>
      tpu.wait_indirect_dma semaphore(%arg13 : memref<!tpu.dma_semaphore, #tpu.memory_space<semaphore_mem>>) src(%dma_wait3A_542 : memref<100000x128xf32, #tpu.memory_space<hbm>>) dst(%arg6 : memref<128x128xf32, #tpu.memory_space<vmem>>)
      %scan3A_543 = arith.constant 0 : i32
      %scan3A_544 = arith.constant 0 : i32
      %scan3A_545 = arith.constant 128 : i32
      %scan3A_546 = arith.addi %scan3A_544, %scan3A_545 : i32
      %scan3A_547 = arith.constant 1 : i32
      scf.for %scan3A_895 = %scan3A_544 to %scan3A_546 step %scan3A_547  : i32 {
        %get3A = arith.index_cast %scan3A_895 : i32 to index
        %get3A_896 = arith.constant 0 : index
        %get3A_897 = tpu.vector_load %arg6[%get3A, %get3A_896] {strides = array<i32>} : memref<128x128xf32, #tpu.memory_space<vmem>>, vector<1x16xf32>,
        %get3A_898 = vector.shape_cast %get3A_897 : vector<1x16xf32> to vector<16xf32>
        %mul3A_899 = arith.constant 11.3137083 : f32
        %mul3A_900 = vector.broadcast %mul3A_899 : f32 to vector<16xf32>
        %mul3A_901 = arith.mulf %get3A_898, %mul3A_900 : vector<16xf32>
        %swap3A = arith.index_cast %scan3A_895 : i32 to index
        %swap3A_902 = arith.constant 0 : index
        %swap3A_903 = tpu.vector_load %arg12[%swap3A, %swap3A_902] {strides = array<i32>} : memref<128x128xf32, #tpu.memory_space<vmem>>, vector<1x16xf32>,
        %swap3A_904 = vector.shape_cast %swap3A_903 : vector<1x16xf32> to vector<16xf32>
        %swap3A_905 = vector.shape_cast %mul3A_901 : vector<16xf32> to vector<1x16xf32>
        tpu.vector_store %arg12[%swap3A, %swap3A_902], %swap3A_905 {strides = array<i32>} : memref<128x128xf32, #tpu.memory_space<vmem>>, vector<1x16xf32>,
        %get3A_906 = arith.index_cast %scan3A_895 : i32 to index
        %get3A_907 = arith.constant 16 : index
        %get3A_908 = tpu.vector_load %arg6[%get3A_906, %get3A_907] {strides = array<i32>} : memref<128x128xf32, #tpu.memory_space<vmem>>, vector<1x16xf32>,
        %get3A_909 = vector.shape_cast %get3A_908 : vector<1x16xf32> to vector<16xf32>
        %mul3A_910 = arith.constant 11.3137083 : f32
        %mul3A_911 = vector.broadcast %mul3A_910 : f32 to vector<16xf32>
        %mul3A_912 = arith.mulf %get3A_909, %mul3A_911 : vector<16xf32>
        %swap3A_913 = arith.index_cast %scan3A_895 : i32 to index
        %swap3A_914 = arith.constant 16 : index
        %swap3A_915 = tpu.vector_load %arg12[%swap3A_913, %swap3A_914] {strides = array<i32>} : memref<128x128xf32, #tpu.memory_space<vmem>>, vector<1x16xf32>,
        %swap3A_916 = vector.shape_cast %swap3A_915 : vector<1x16xf32> to vector<16xf32>
        %swap3A_917 = vector.shape_cast %mul3A_912 : vector<16xf32> to vector<1x16xf32>
        tpu.vector_store %arg12[%swap3A_913, %swap3A_914], %swap3A_917 {strides = array<i32>} : memref<128x128xf32, #tpu.memory_space<vmem>>, vector<1x16xf32>,
        %get3A_918 = arith.index_cast %scan3A_895 : i32 to index
        %get3A_919 = arith.constant 32 : index
        %get3A_920 = tpu.vector_load %arg6[%get3A_918, %get3A_919] {strides = array<i32>} : memref<128x128xf32, #tpu.memory_space<vmem>>, vector<1x16xf32>,
        %get3A_921 = vector.shape_cast %get3A_920 : vector<1x16xf32> to vector<16xf32>
        %mul3A_922 = arith.constant 11.3137083 : f32
        %mul3A_923 = vector.broadcast %mul3A_922 : f32 to vector<16xf32>
        %mul3A_924 = arith.mulf %get3A_921, %mul3A_923 : vector<16xf32>
        %swap3A_925 = arith.index_cast %scan3A_895 : i32 to index
        %swap3A_926 = arith.constant 32 : index
        %swap3A_927 = tpu.vector_load %arg12[%swap3A_925, %swap3A_926] {strides = array<i32>} : memref<128x128xf32, #tpu.memory_space<vmem>>, vector<1x16xf32>,
        %swap3A_928 = vector.shape_cast %swap3A_927 : vector<1x16xf32> to vector<16xf32>
        %swap3A_929 = vector.shape_cast %mul3A_924 : vector<16xf32> to vector<1x16xf32>
        tpu.vector_store %arg12[%swap3A_925, %swap3A_926], %swap3A_929 {strides = array<i32>} : memref<128x128xf32, #tpu.memory_space<vmem>>, vector<1x16xf32>,
        %get3A_930 = arith.index_cast %scan3A_895 : i32 to index
        %get3A_931 = arith.constant 48 : index
        %get3A_932 = tpu.vector_load %arg6[%get3A_930, %get3A_931] {strides = array<i32>} : memref<128x128xf32, #tpu.memory_space<vmem>>, vector<1x16xf32>,
        %get3A_933 = vector.shape_cast %get3A_932 : vector<1x16xf32> to vector<16xf32>
        %mul3A_934 = arith.constant 11.3137083 : f32
        %mul3A_935 = vector.broadcast %mul3A_934 : f32 to vector<16xf32>
        %mul3A_936 = arith.mulf %get3A_933, %mul3A_935 : vector<16xf32>
        %swap3A_937 = arith.index_cast %scan3A_895 : i32 to index
        %swap3A_938 = arith.constant 48 : index
        %swap3A_939 = tpu.vector_load %arg12[%swap3A_937, %swap3A_938] {strides = array<i32>} : memref<128x128xf32, #tpu.memory_space<vmem>>, vector<1x16xf32>,
        %swap3A_940 = vector.shape_cast %swap3A_939 : vector<1x16xf32> to vector<16xf32>
        %swap3A_941 = vector.shape_cast %mul3A_936 : vector<16xf32> to vector<1x16xf32>
        tpu.vector_store %arg12[%swap3A_937, %swap3A_938], %swap3A_941 {strides = array<i32>} : memref<128x128xf32, #tpu.memory_space<vmem>>, vector<1x16xf32>,
        %get3A_942 = arith.index_cast %scan3A_895 : i32 to index
        %get3A_943 = arith.constant 64 : index
        %get3A_944 = tpu.vector_load %arg6[%get3A_942, %get3A_943] {strides = array<i32>} : memref<128x128xf32, #tpu.memory_space<vmem>>, vector<1x16xf32>,
        %get3A_945 = vector.shape_cast %get3A_944 : vector<1x16xf32> to vector<16xf32>
        %mul3A_946 = arith.constant 11.3137083 : f32
        %mul3A_947 = vector.broadcast %mul3A_946 : f32 to vector<16xf32>
        %mul3A_948 = arith.mulf %get3A_945, %mul3A_947 : vector<16xf32>
        %swap3A_949 = arith.index_cast %scan3A_895 : i32 to index
        %swap3A_950 = arith.constant 64 : index
        %swap3A_951 = tpu.vector_load %arg12[%swap3A_949, %swap3A_950] {strides = array<i32>} : memref<128x128xf32, #tpu.memory_space<vmem>>, vector<1x16xf32>,
        %swap3A_952 = vector.shape_cast %swap3A_951 : vector<1x16xf32> to vector<16xf32>
        %swap3A_953 = vector.shape_cast %mul3A_948 : vector<16xf32> to vector<1x16xf32>
        tpu.vector_store %arg12[%swap3A_949, %swap3A_950], %swap3A_953 {strides = array<i32>} : memref<128x128xf32, #tpu.memory_space<vmem>>, vector<1x16xf32>,
        %get3A_954 = arith.index_cast %scan3A_895 : i32 to index
        %get3A_955 = arith.constant 80 : index
        %get3A_956 = tpu.vector_load %arg6[%get3A_954, %get3A_955] {strides = array<i32>} : memref<128x128xf32, #tpu.memory_space<vmem>>, vector<1x16xf32>,
        %get3A_957 = vector.shape_cast %get3A_956 : vector<1x16xf32> to vector<16xf32>
        %mul3A_958 = arith.constant 11.3137083 : f32
        %mul3A_959 = vector.broadcast %mul3A_958 : f32 to vector<16xf32>
        %mul3A_960 = arith.mulf %get3A_957, %mul3A_959 : vector<16xf32>
        %swap3A_961 = arith.index_cast %scan3A_895 : i32 to index
        %swap3A_962 = arith.constant 80 : index
        %swap3A_963 = tpu.vector_load %arg12[%swap3A_961, %swap3A_962] {strides = array<i32>} : memref<128x128xf32, #tpu.memory_space<vmem>>, vector<1x16xf32>,
        %swap3A_964 = vector.shape_cast %swap3A_963 : vector<1x16xf32> to vector<16xf32>
        %swap3A_965 = vector.shape_cast %mul3A_960 : vector<16xf32> to vector<1x16xf32>
        tpu.vector_store %arg12[%swap3A_961, %swap3A_962], %swap3A_965 {strides = array<i32>} : memref<128x128xf32, #tpu.memory_space<vmem>>, vector<1x16xf32>,
        %get3A_966 = arith.index_cast %scan3A_895 : i32 to index
        %get3A_967 = arith.constant 96 : index
        %get3A_968 = tpu.vector_load %arg6[%get3A_966, %get3A_967] {strides = array<i32>} : memref<128x128xf32, #tpu.memory_space<vmem>>, vector<1x16xf32>,
        %get3A_969 = vector.shape_cast %get3A_968 : vector<1x16xf32> to vector<16xf32>
        %mul3A_970 = arith.constant 11.3137083 : f32
        %mul3A_971 = vector.broadcast %mul3A_970 : f32 to vector<16xf32>
        %mul3A_972 = arith.mulf %get3A_969, %mul3A_971 : vector<16xf32>
        %swap3A_973 = arith.index_cast %scan3A_895 : i32 to index
        %swap3A_974 = arith.constant 96 : index
        %swap3A_975 = tpu.vector_load %arg12[%swap3A_973, %swap3A_974] {strides = array<i32>} : memref<128x128xf32, #tpu.memory_space<vmem>>, vector<1x16xf32>,
        %swap3A_976 = vector.shape_cast %swap3A_975 : vector<1x16xf32> to vector<16xf32>
        %swap3A_977 = vector.shape_cast %mul3A_972 : vector<16xf32> to vector<1x16xf32>
        tpu.vector_store %arg12[%swap3A_973, %swap3A_974], %swap3A_977 {strides = array<i32>} : memref<128x128xf32, #tpu.memory_space<vmem>>, vector<1x16xf32>,
        %get3A_978 = arith.index_cast %scan3A_895 : i32 to index
        %get3A_979 = arith.constant 112 : index
        %get3A_980 = tpu.vector_load %arg6[%get3A_978, %get3A_979] {strides = array<i32>} : memref<128x128xf32, #tpu.memory_space<vmem>>, vector<1x16xf32>,
        %get3A_981 = vector.shape_cast %get3A_980 : vector<1x16xf32> to vector<16xf32>
        %mul3A_982 = arith.constant 11.3137083 : f32
        %mul3A_983 = vector.broadcast %mul3A_982 : f32 to vector<16xf32>
        %mul3A_984 = arith.mulf %get3A_981, %mul3A_983 : vector<16xf32>
        %swap3A_985 = arith.index_cast %scan3A_895 : i32 to index
        %swap3A_986 = arith.constant 112 : index
        %swap3A_987 = tpu.vector_load %arg12[%swap3A_985, %swap3A_986] {strides = array<i32>} : memref<128x128xf32, #tpu.memory_space<vmem>>, vector<1x16xf32>,
        %swap3A_988 = vector.shape_cast %swap3A_987 : vector<1x16xf32> to vector<16xf32>
        %swap3A_989 = vector.shape_cast %mul3A_984 : vector<16xf32> to vector<1x16xf32>
        tpu.vector_store %arg12[%swap3A_985, %swap3A_986], %swap3A_989 {strides = array<i32>} : memref<128x128xf32, #tpu.memory_space<vmem>>, vector<1x16xf32>,
      }
      %scan3A_548 = arith.constant 128 : i32
      %dma_start3A_549 = arith.constant 0 : i32
      %dma_start3A_550 = tpu.memref_slice %arg4[%add3A_522, %mul3A_2, %dma_start3A_549] : memref<50x4096x128xf32, #tpu.memory_space<hbm>> -> memref<1x128x128xf32, #tpu.memory_space<hbm>>
      %dma_start3A_551 = tpu.memref_squeeze %dma_start3A_550 : memref<1x128x128xf32, #tpu.memory_space<hbm>> -> memref<128x128xf32, #tpu.memory_space<hbm>>
      %dma_start3A_552 = arith.constant 0 : i32
      %dma_start3A_553 = tpu.memref_slice %arg4[%add3A_522, %mul3A_2, %dma_start3A_552] : memref<50x4096x128xf32, #tpu.memory_space<hbm>> -> memref<1x128x128xf32, #tpu.memory_space<hbm>>
      %dma_start3A_554 = tpu.memref_squeeze %dma_start3A_553 : memref<1x128x128xf32, #tpu.memory_space<hbm>> -> memref<128x128xf32, #tpu.memory_space<hbm>>
      tpu.enqueue_dma source(%arg12 : memref<128x128xf32, #tpu.memory_space<vmem>>) target(%dma_start3A_554 : memref<128x128xf32, #tpu.memory_space<hbm>>) target_semaphore(%arg19 : memref<!tpu.dma_semaphore, #tpu.memory_space<semaphore_mem>>)
      %add3A_555 = arith.constant 2 : i32
      %add3A_556 = arith.addi %add3A_486, %add3A_555 : i32
      %dma_wait3A_557 = arith.constant 0 : i32
      %dma_wait3A_558 = tpu.memref_slice %arg4[%add3A_556, %mul3A_2, %dma_wait3A_557] : memref<50x4096x128xf32, #tpu.memory_space<hbm>> -> memref<1x128x128xf32, #tpu.memory_space<hbm>>
      %dma_wait3A_559 = tpu.memref_squeeze %dma_wait3A_558 : memref<1x128x128xf32, #tpu.memory_space<hbm>> -> memref<128x128xf32, #tpu.memory_space<hbm>>
      %dma_wait3A_560 = arith.constant 0 : i32
      %dma_wait3A_561 = tpu.memref_slice %arg4[%add3A_556, %mul3A_2, %dma_wait3A_560] : memref<50x4096x128xf32, #tpu.memory_space<hbm>> -> memref<1x128x128xf32, #tpu.memory_space<hbm>>
      %dma_wait3A_562 = tpu.memref_squeeze %dma_wait3A_561 : memref<1x128x128xf32, #tpu.memory_space<hbm>> -> memref<128x128xf32, #tpu.memory_space<hbm>>
      tpu.wait_dma2 semaphore(%arg18 : memref<!tpu.dma_semaphore, #tpu.memory_space<semaphore_mem>>) src(%arg11 : memref<128x128xf32, #tpu.memory_space<vmem>>) dst(%dma_wait3A_562 : memref<128x128xf32, #tpu.memory_space<hbm>>)
      %add3A_563 = arith.constant 2 : i32
      %add3A_564 = arith.addi %add3A_556, %add3A_563 : i32
      %dma_start3A_565 = arith.constant 0 : i32
      %dma_start3A_566 = tpu.memref_slice %arg5[%add3A_564, %dma_start3A_565] : memref<50x128xi32, #tpu.memory_space<vmem>> -> memref<1x128xi32, #tpu.memory_space<vmem>>
      %dma_start3A_567 = tpu.memref_squeeze %dma_start3A_566 : memref<1x128xi32, #tpu.memory_space<vmem>> -> memref<128xi32, #tpu.memory_space<vmem>>
      %dma_start3A_568 = arith.constant 0 : i32
      %dma_start3A_569 = arith.constant 0 : i32
      %dma_start3A_570 = tpu.memref_slice %arg3[%dma_start3A_568, %dma_start3A_569] : memref<100000x128xf32, #tpu.memory_space<hbm>> -> memref<100000x128xf32, #tpu.memory_space<hbm>>
      tpu.enqueue_indirect_dma source(%dma_start3A_570 : memref<100000x128xf32, #tpu.memory_space<hbm>>) target(%arg6 : memref<128x128xf32, #tpu.memory_space<vmem>>) offsets(%dma_start3A_567 : memref<128xi32, #tpu.memory_space<vmem>>) semaphore(%arg13 : memref<!tpu.dma_semaphore, #tpu.memory_space<semaphore_mem>>)
      %dma_wait3A_571 = arith.constant 0 : i32
      %dma_wait3A_572 = tpu.memref_slice %arg5[%add3A_556, %dma_wait3A_571] : memref<50x128xi32, #tpu.memory_space<vmem>> -> memref<1x128xi32, #tpu.memory_space<vmem>>
      %dma_wait3A_573 = tpu.memref_squeeze %dma_wait3A_572 : memref<1x128xi32, #tpu.memory_space<vmem>> -> memref<128xi32, #tpu.memory_space<vmem>>
      %dma_wait3A_574 = arith.constant 0 : i32
      %dma_wait3A_575 = arith.constant 0 : i32
      %dma_wait3A_576 = tpu.memref_slice %arg3[%dma_wait3A_574, %dma_wait3A_575] : memref<100000x128xf32, #tpu.memory_space<hbm>> -> memref<100000x128xf32, #tpu.memory_space<hbm>>
      tpu.wait_indirect_dma semaphore(%arg14 : memref<!tpu.dma_semaphore, #tpu.memory_space<semaphore_mem>>) src(%dma_wait3A_576 : memref<100000x128xf32, #tpu.memory_space<hbm>>) dst(%arg7 : memref<128x128xf32, #tpu.memory_space<vmem>>)
      %scan3A_577 = arith.constant 0 : i32
      %scan3A_578 = arith.constant 0 : i32
      %scan3A_579 = arith.constant 128 : i32
      %scan3A_580 = arith.addi %scan3A_578, %scan3A_579 : i32
      %scan3A_581 = arith.constant 1 : i32
      scf.for %scan3A_895 = %scan3A_578 to %scan3A_580 step %scan3A_581  : i32 {
        %get3A = arith.index_cast %scan3A_895 : i32 to index
        %get3A_896 = arith.constant 0 : index
        %get3A_897 = tpu.vector_load %arg7[%get3A, %get3A_896] {strides = array<i32>} : memref<128x128xf32, #tpu.memory_space<vmem>>, vector<1x16xf32>,
        %get3A_898 = vector.shape_cast %get3A_897 : vector<1x16xf32> to vector<16xf32>
        %mul3A_899 = arith.constant 11.3137083 : f32
        %mul3A_900 = vector.broadcast %mul3A_899 : f32 to vector<16xf32>
        %mul3A_901 = arith.mulf %get3A_898, %mul3A_900 : vector<16xf32>
        %swap3A = arith.index_cast %scan3A_895 : i32 to index
        %swap3A_902 = arith.constant 0 : index
        %swap3A_903 = tpu.vector_load %arg9[%swap3A, %swap3A_902] {strides = array<i32>} : memref<128x128xf32, #tpu.memory_space<vmem>>, vector<1x16xf32>,
        %swap3A_904 = vector.shape_cast %swap3A_903 : vector<1x16xf32> to vector<16xf32>
        %swap3A_905 = vector.shape_cast %mul3A_901 : vector<16xf32> to vector<1x16xf32>
        tpu.vector_store %arg9[%swap3A, %swap3A_902], %swap3A_905 {strides = array<i32>} : memref<128x128xf32, #tpu.memory_space<vmem>>, vector<1x16xf32>,
        %get3A_906 = arith.index_cast %scan3A_895 : i32 to index
        %get3A_907 = arith.constant 16 : index
        %get3A_908 = tpu.vector_load %arg7[%get3A_906, %get3A_907] {strides = array<i32>} : memref<128x128xf32, #tpu.memory_space<vmem>>, vector<1x16xf32>,
        %get3A_909 = vector.shape_cast %get3A_908 : vector<1x16xf32> to vector<16xf32>
        %mul3A_910 = arith.constant 11.3137083 : f32
        %mul3A_911 = vector.broadcast %mul3A_910 : f32 to vector<16xf32>
        %mul3A_912 = arith.mulf %get3A_909, %mul3A_911 : vector<16xf32>
        %swap3A_913 = arith.index_cast %scan3A_895 : i32 to index
        %swap3A_914 = arith.constant 16 : index
        %swap3A_915 = tpu.vector_load %arg9[%swap3A_913, %swap3A_914] {strides = array<i32>} : memref<128x128xf32, #tpu.memory_space<vmem>>, vector<1x16xf32>,
        %swap3A_916 = vector.shape_cast %swap3A_915 : vector<1x16xf32> to vector<16xf32>
        %swap3A_917 = vector.shape_cast %mul3A_912 : vector<16xf32> to vector<1x16xf32>
        tpu.vector_store %arg9[%swap3A_913, %swap3A_914], %swap3A_917 {strides = array<i32>} : memref<128x128xf32, #tpu.memory_space<vmem>>, vector<1x16xf32>,
        %get3A_918 = arith.index_cast %scan3A_895 : i32 to index
        %get3A_919 = arith.constant 32 : index
        %get3A_920 = tpu.vector_load %arg7[%get3A_918, %get3A_919] {strides = array<i32>} : memref<128x128xf32, #tpu.memory_space<vmem>>, vector<1x16xf32>,
        %get3A_921 = vector.shape_cast %get3A_920 : vector<1x16xf32> to vector<16xf32>
        %mul3A_922 = arith.constant 11.3137083 : f32
        %mul3A_923 = vector.broadcast %mul3A_922 : f32 to vector<16xf32>
        %mul3A_924 = arith.mulf %get3A_921, %mul3A_923 : vector<16xf32>
        %swap3A_925 = arith.index_cast %scan3A_895 : i32 to index
        %swap3A_926 = arith.constant 32 : index
        %swap3A_927 = tpu.vector_load %arg9[%swap3A_925, %swap3A_926] {strides = array<i32>} : memref<128x128xf32, #tpu.memory_space<vmem>>, vector<1x16xf32>,
        %swap3A_928 = vector.shape_cast %swap3A_927 : vector<1x16xf32> to vector<16xf32>
        %swap3A_929 = vector.shape_cast %mul3A_924 : vector<16xf32> to vector<1x16xf32>
        tpu.vector_store %arg9[%swap3A_925, %swap3A_926], %swap3A_929 {strides = array<i32>} : memref<128x128xf32, #tpu.memory_space<vmem>>, vector<1x16xf32>,
        %get3A_930 = arith.index_cast %scan3A_895 : i32 to index
        %get3A_931 = arith.constant 48 : index
        %get3A_932 = tpu.vector_load %arg7[%get3A_930, %get3A_931] {strides = array<i32>} : memref<128x128xf32, #tpu.memory_space<vmem>>, vector<1x16xf32>,
        %get3A_933 = vector.shape_cast %get3A_932 : vector<1x16xf32> to vector<16xf32>
        %mul3A_934 = arith.constant 11.3137083 : f32
        %mul3A_935 = vector.broadcast %mul3A_934 : f32 to vector<16xf32>
        %mul3A_936 = arith.mulf %get3A_933, %mul3A_935 : vector<16xf32>
        %swap3A_937 = arith.index_cast %scan3A_895 : i32 to index
        %swap3A_938 = arith.constant 48 : index
        %swap3A_939 = tpu.vector_load %arg9[%swap3A_937, %swap3A_938] {strides = array<i32>} : memref<128x128xf32, #tpu.memory_space<vmem>>, vector<1x16xf32>,
        %swap3A_940 = vector.shape_cast %swap3A_939 : vector<1x16xf32> to vector<16xf32>
        %swap3A_941 = vector.shape_cast %mul3A_936 : vector<16xf32> to vector<1x16xf32>
        tpu.vector_store %arg9[%swap3A_937, %swap3A_938], %swap3A_941 {strides = array<i32>} : memref<128x128xf32, #tpu.memory_space<vmem>>, vector<1x16xf32>,
        %get3A_942 = arith.index_cast %scan3A_895 : i32 to index
        %get3A_943 = arith.constant 64 : index
        %get3A_944 = tpu.vector_load %arg7[%get3A_942, %get3A_943] {strides = array<i32>} : memref<128x128xf32, #tpu.memory_space<vmem>>, vector<1x16xf32>,
        %get3A_945 = vector.shape_cast %get3A_944 : vector<1x16xf32> to vector<16xf32>
        %mul3A_946 = arith.constant 11.3137083 : f32
        %mul3A_947 = vector.broadcast %mul3A_946 : f32 to vector<16xf32>
        %mul3A_948 = arith.mulf %get3A_945, %mul3A_947 : vector<16xf32>
        %swap3A_949 = arith.index_cast %scan3A_895 : i32 to index
        %swap3A_950 = arith.constant 64 : index
        %swap3A_951 = tpu.vector_load %arg9[%swap3A_949, %swap3A_950] {strides = array<i32>} : memref<128x128xf32, #tpu.memory_space<vmem>>, vector<1x16xf32>,
        %swap3A_952 = vector.shape_cast %swap3A_951 : vector<1x16xf32> to vector<16xf32>
        %swap3A_953 = vector.shape_cast %mul3A_948 : vector<16xf32> to vector<1x16xf32>
        tpu.vector_store %arg9[%swap3A_949, %swap3A_950], %swap3A_953 {strides = array<i32>} : memref<128x128xf32, #tpu.memory_space<vmem>>, vector<1x16xf32>,
        %get3A_954 = arith.index_cast %scan3A_895 : i32 to index
        %get3A_955 = arith.constant 80 : index
        %get3A_956 = tpu.vector_load %arg7[%get3A_954, %get3A_955] {strides = array<i32>} : memref<128x128xf32, #tpu.memory_space<vmem>>, vector<1x16xf32>,
        %get3A_957 = vector.shape_cast %get3A_956 : vector<1x16xf32> to vector<16xf32>
        %mul3A_958 = arith.constant 11.3137083 : f32
        %mul3A_959 = vector.broadcast %mul3A_958 : f32 to vector<16xf32>
        %mul3A_960 = arith.mulf %get3A_957, %mul3A_959 : vector<16xf32>
        %swap3A_961 = arith.index_cast %scan3A_895 : i32 to index
        %swap3A_962 = arith.constant 80 : index
        %swap3A_963 = tpu.vector_load %arg9[%swap3A_961, %swap3A_962] {strides = array<i32>} : memref<128x128xf32, #tpu.memory_space<vmem>>, vector<1x16xf32>,
        %swap3A_964 = vector.shape_cast %swap3A_963 : vector<1x16xf32> to vector<16xf32>
        %swap3A_965 = vector.shape_cast %mul3A_960 : vector<16xf32> to vector<1x16xf32>
        tpu.vector_store %arg9[%swap3A_961, %swap3A_962], %swap3A_965 {strides = array<i32>} : memref<128x128xf32, #tpu.memory_space<vmem>>, vector<1x16xf32>,
        %get3A_966 = arith.index_cast %scan3A_895 : i32 to index
        %get3A_967 = arith.constant 96 : index
        %get3A_968 = tpu.vector_load %arg7[%get3A_966, %get3A_967] {strides = array<i32>} : memref<128x128xf32, #tpu.memory_space<vmem>>, vector<1x16xf32>,
        %get3A_969 = vector.shape_cast %get3A_968 : vector<1x16xf32> to vector<16xf32>
        %mul3A_970 = arith.constant 11.3137083 : f32
        %mul3A_971 = vector.broadcast %mul3A_970 : f32 to vector<16xf32>
        %mul3A_972 = arith.mulf %get3A_969, %mul3A_971 : vector<16xf32>
        %swap3A_973 = arith.index_cast %scan3A_895 : i32 to index
        %swap3A_974 = arith.constant 96 : index
        %swap3A_975 = tpu.vector_load %arg9[%swap3A_973, %swap3A_974] {strides = array<i32>} : memref<128x128xf32, #tpu.memory_space<vmem>>, vector<1x16xf32>,
        %swap3A_976 = vector.shape_cast %swap3A_975 : vector<1x16xf32> to vector<16xf32>
        %swap3A_977 = vector.shape_cast %mul3A_972 : vector<16xf32> to vector<1x16xf32>
        tpu.vector_store %arg9[%swap3A_973, %swap3A_974], %swap3A_977 {strides = array<i32>} : memref<128x128xf32, #tpu.memory_space<vmem>>, vector<1x16xf32>,
        %get3A_978 = arith.index_cast %scan3A_895 : i32 to index
        %get3A_979 = arith.constant 112 : index
        %get3A_980 = tpu.vector_load %arg7[%get3A_978, %get3A_979] {strides = array<i32>} : memref<128x128xf32, #tpu.memory_space<vmem>>, vector<1x16xf32>,
        %get3A_981 = vector.shape_cast %get3A_980 : vector<1x16xf32> to vector<16xf32>
        %mul3A_982 = arith.constant 11.3137083 : f32
        %mul3A_983 = vector.broadcast %mul3A_982 : f32 to vector<16xf32>
        %mul3A_984 = arith.mulf %get3A_981, %mul3A_983 : vector<16xf32>
        %swap3A_985 = arith.index_cast %scan3A_895 : i32 to index
        %swap3A_986 = arith.constant 112 : index
        %swap3A_987 = tpu.vector_load %arg9[%swap3A_985, %swap3A_986] {strides = array<i32>} : memref<128x128xf32, #tpu.memory_space<vmem>>, vector<1x16xf32>,
        %swap3A_988 = vector.shape_cast %swap3A_987 : vector<1x16xf32> to vector<16xf32>
        %swap3A_989 = vector.shape_cast %mul3A_984 : vector<16xf32> to vector<1x16xf32>
        tpu.vector_store %arg9[%swap3A_985, %swap3A_986], %swap3A_989 {strides = array<i32>} : memref<128x128xf32, #tpu.memory_space<vmem>>, vector<1x16xf32>,
      }
      %scan3A_582 = arith.constant 128 : i32
      %dma_start3A_583 = arith.constant 0 : i32
      %dma_start3A_584 = tpu.memref_slice %arg4[%add3A_556, %mul3A_2, %dma_start3A_583] : memref<50x4096x128xf32, #tpu.memory_space<hbm>> -> memref<1x128x128xf32, #tpu.memory_space<hbm>>
      %dma_start3A_585 = tpu.memref_squeeze %dma_start3A_584 : memref<1x128x128xf32, #tpu.memory_space<hbm>> -> memref<128x128xf32, #tpu.memory_space<hbm>>
      %dma_start3A_586 = arith.constant 0 : i32
      %dma_start3A_587 = tpu.memref_slice %arg4[%add3A_556, %mul3A_2, %dma_start3A_586] : memref<50x4096x128xf32, #tpu.memory_space<hbm>> -> memref<1x128x128xf32, #tpu.memory_space<hbm>>
      %dma_start3A_588 = tpu.memref_squeeze %dma_start3A_587 : memref<1x128x128xf32, #tpu.memory_space<hbm>> -> memref<128x128xf32, #tpu.memory_space<hbm>>
      tpu.enqueue_dma source(%arg9 : memref<128x128xf32, #tpu.memory_space<vmem>>) target(%dma_start3A_588 : memref<128x128xf32, #tpu.memory_space<hbm>>) target_semaphore(%arg16 : memref<!tpu.dma_semaphore, #tpu.memory_space<semaphore_mem>>)
      %add3A_589 = arith.constant 3 : i32
      %add3A_590 = arith.addi %add3A_486, %add3A_589 : i32
      %dma_wait3A_591 = arith.constant 0 : i32
      %dma_wait3A_592 = tpu.memref_slice %arg4[%add3A_590, %mul3A_2, %dma_wait3A_591] : memref<50x4096x128xf32, #tpu.memory_space<hbm>> -> memref<1x128x128xf32, #tpu.memory_space<hbm>>
      %dma_wait3A_593 = tpu.memref_squeeze %dma_wait3A_592 : memref<1x128x128xf32, #tpu.memory_space<hbm>> -> memref<128x128xf32, #tpu.memory_space<hbm>>
      %dma_wait3A_594 = arith.constant 0 : i32
      %dma_wait3A_595 = tpu.memref_slice %arg4[%add3A_590, %mul3A_2, %dma_wait3A_594] : memref<50x4096x128xf32, #tpu.memory_space<hbm>> -> memref<1x128x128xf32, #tpu.memory_space<hbm>>
      %dma_wait3A_596 = tpu.memref_squeeze %dma_wait3A_595 : memref<1x128x128xf32, #tpu.memory_space<hbm>> -> memref<128x128xf32, #tpu.memory_space<hbm>>
      tpu.wait_dma2 semaphore(%arg19 : memref<!tpu.dma_semaphore, #tpu.memory_space<semaphore_mem>>) src(%arg12 : memref<128x128xf32, #tpu.memory_space<vmem>>) dst(%dma_wait3A_596 : memref<128x128xf32, #tpu.memory_space<hbm>>)
      %add3A_597 = arith.constant 2 : i32
      %add3A_598 = arith.addi %add3A_590, %add3A_597 : i32
      %dma_start3A_599 = arith.constant 0 : i32
      %dma_start3A_600 = tpu.memref_slice %arg5[%add3A_598, %dma_start3A_599] : memref<50x128xi32, #tpu.memory_space<vmem>> -> memref<1x128xi32, #tpu.memory_space<vmem>>
      %dma_start3A_601 = tpu.memref_squeeze %dma_start3A_600 : memref<1x128xi32, #tpu.memory_space<vmem>> -> memref<128xi32, #tpu.memory_space<vmem>>
      %dma_start3A_602 = arith.constant 0 : i32
      %dma_start3A_603 = arith.constant 0 : i32
      %dma_start3A_604 = tpu.memref_slice %arg3[%dma_start3A_602, %dma_start3A_603] : memref<100000x128xf32, #tpu.memory_space<hbm>> -> memref<100000x128xf32, #tpu.memory_space<hbm>>
      tpu.enqueue_indirect_dma source(%dma_start3A_604 : memref<100000x128xf32, #tpu.memory_space<hbm>>) target(%arg7 : memref<128x128xf32, #tpu.memory_space<vmem>>) offsets(%dma_start3A_601 : memref<128xi32, #tpu.memory_space<vmem>>) semaphore(%arg14 : memref<!tpu.dma_semaphore, #tpu.memory_space<semaphore_mem>>)
      %dma_wait3A_605 = arith.constant 0 : i32
      %dma_wait3A_606 = tpu.memref_slice %arg5[%add3A_590, %dma_wait3A_605] : memref<50x128xi32, #tpu.memory_space<vmem>> -> memref<1x128xi32, #tpu.memory_space<vmem>>
      %dma_wait3A_607 = tpu.memref_squeeze %dma_wait3A_606 : memref<1x128xi32, #tpu.memory_space<vmem>> -> memref<128xi32, #tpu.memory_space<vmem>>
      %dma_wait3A_608 = arith.constant 0 : i32
      %dma_wait3A_609 = arith.constant 0 : i32
      %dma_wait3A_610 = tpu.memref_slice %arg3[%dma_wait3A_608, %dma_wait3A_609] : memref<100000x128xf32, #tpu.memory_space<hbm>> -> memref<100000x128xf32, #tpu.memory_space<hbm>>
      tpu.wait_indirect_dma semaphore(%arg15 : memref<!tpu.dma_semaphore, #tpu.memory_space<semaphore_mem>>) src(%dma_wait3A_610 : memref<100000x128xf32, #tpu.memory_space<hbm>>) dst(%arg8 : memref<128x128xf32, #tpu.memory_space<vmem>>)
      %scan3A_611 = arith.constant 0 : i32
      %scan3A_612 = arith.constant 0 : i32
      %scan3A_613 = arith.constant 128 : i32
      %scan3A_614 = arith.addi %scan3A_612, %scan3A_613 : i32
      %scan3A_615 = arith.constant 1 : i32
      scf.for %scan3A_895 = %scan3A_612 to %scan3A_614 step %scan3A_615  : i32 {
        %get3A = arith.index_cast %scan3A_895 : i32 to index
        %get3A_896 = arith.constant 0 : index
        %get3A_897 = tpu.vector_load %arg8[%get3A, %get3A_896] {strides = array<i32>} : memref<128x128xf32, #tpu.memory_space<vmem>>, vector<1x16xf32>,
        %get3A_898 = vector.shape_cast %get3A_897 : vector<1x16xf32> to vector<16xf32>
        %mul3A_899 = arith.constant 11.3137083 : f32
        %mul3A_900 = vector.broadcast %mul3A_899 : f32 to vector<16xf32>
        %mul3A_901 = arith.mulf %get3A_898, %mul3A_900 : vector<16xf32>
        %swap3A = arith.index_cast %scan3A_895 : i32 to index
        %swap3A_902 = arith.constant 0 : index
        %swap3A_903 = tpu.vector_load %arg10[%swap3A, %swap3A_902] {strides = array<i32>} : memref<128x128xf32, #tpu.memory_space<vmem>>, vector<1x16xf32>,
        %swap3A_904 = vector.shape_cast %swap3A_903 : vector<1x16xf32> to vector<16xf32>
        %swap3A_905 = vector.shape_cast %mul3A_901 : vector<16xf32> to vector<1x16xf32>
        tpu.vector_store %arg10[%swap3A, %swap3A_902], %swap3A_905 {strides = array<i32>} : memref<128x128xf32, #tpu.memory_space<vmem>>, vector<1x16xf32>,
        %get3A_906 = arith.index_cast %scan3A_895 : i32 to index
        %get3A_907 = arith.constant 16 : index
        %get3A_908 = tpu.vector_load %arg8[%get3A_906, %get3A_907] {strides = array<i32>} : memref<128x128xf32, #tpu.memory_space<vmem>>, vector<1x16xf32>,
        %get3A_909 = vector.shape_cast %get3A_908 : vector<1x16xf32> to vector<16xf32>
        %mul3A_910 = arith.constant 11.3137083 : f32
        %mul3A_911 = vector.broadcast %mul3A_910 : f32 to vector<16xf32>
        %mul3A_912 = arith.mulf %get3A_909, %mul3A_911 : vector<16xf32>
        %swap3A_913 = arith.index_cast %scan3A_895 : i32 to index
        %swap3A_914 = arith.constant 16 : index
        %swap3A_915 = tpu.vector_load %arg10[%swap3A_913, %swap3A_914] {strides = array<i32>} : memref<128x128xf32, #tpu.memory_space<vmem>>, vector<1x16xf32>,
        %swap3A_916 = vector.shape_cast %swap3A_915 : vector<1x16xf32> to vector<16xf32>
        %swap3A_917 = vector.shape_cast %mul3A_912 : vector<16xf32> to vector<1x16xf32>
        tpu.vector_store %arg10[%swap3A_913, %swap3A_914], %swap3A_917 {strides = array<i32>} : memref<128x128xf32, #tpu.memory_space<vmem>>, vector<1x16xf32>,
        %get3A_918 = arith.index_cast %scan3A_895 : i32 to index
        %get3A_919 = arith.constant 32 : index
        %get3A_920 = tpu.vector_load %arg8[%get3A_918, %get3A_919] {strides = array<i32>} : memref<128x128xf32, #tpu.memory_space<vmem>>, vector<1x16xf32>,
        %get3A_921 = vector.shape_cast %get3A_920 : vector<1x16xf32> to vector<16xf32>
        %mul3A_922 = arith.constant 11.3137083 : f32
        %mul3A_923 = vector.broadcast %mul3A_922 : f32 to vector<16xf32>
        %mul3A_924 = arith.mulf %get3A_921, %mul3A_923 : vector<16xf32>
        %swap3A_925 = arith.index_cast %scan3A_895 : i32 to index
        %swap3A_926 = arith.constant 32 : index
        %swap3A_927 = tpu.vector_load %arg10[%swap3A_925, %swap3A_926] {strides = array<i32>} : memref<128x128xf32, #tpu.memory_space<vmem>>, vector<1x16xf32>,
        %swap3A_928 = vector.shape_cast %swap3A_927 : vector<1x16xf32> to vector<16xf32>
        %swap3A_929 = vector.shape_cast %mul3A_924 : vector<16xf32> to vector<1x16xf32>
        tpu.vector_store %arg10[%swap3A_925, %swap3A_926], %swap3A_929 {strides = array<i32>} : memref<128x128xf32, #tpu.memory_space<vmem>>, vector<1x16xf32>,
        %get3A_930 = arith.index_cast %scan3A_895 : i32 to index
        %get3A_931 = arith.constant 48 : index
        %get3A_932 = tpu.vector_load %arg8[%get3A_930, %get3A_931] {strides = array<i32>} : memref<128x128xf32, #tpu.memory_space<vmem>>, vector<1x16xf32>,
        %get3A_933 = vector.shape_cast %get3A_932 : vector<1x16xf32> to vector<16xf32>
        %mul3A_934 = arith.constant 11.3137083 : f32
        %mul3A_935 = vector.broadcast %mul3A_934 : f32 to vector<16xf32>
        %mul3A_936 = arith.mulf %get3A_933, %mul3A_935 : vector<16xf32>
        %swap3A_937 = arith.index_cast %scan3A_895 : i32 to index
        %swap3A_938 = arith.constant 48 : index
        %swap3A_939 = tpu.vector_load %arg10[%swap3A_937, %swap3A_938] {strides = array<i32>} : memref<128x128xf32, #tpu.memory_space<vmem>>, vector<1x16xf32>,
        %swap3A_940 = vector.shape_cast %swap3A_939 : vector<1x16xf32> to vector<16xf32>
        %swap3A_941 = vector.shape_cast %mul3A_936 : vector<16xf32> to vector<1x16xf32>
        tpu.vector_store %arg10[%swap3A_937, %swap3A_938], %swap3A_941 {strides = array<i32>} : memref<128x128xf32, #tpu.memory_space<vmem>>, vector<1x16xf32>,
        %get3A_942 = arith.index_cast %scan3A_895 : i32 to index
        %get3A_943 = arith.constant 64 : index
        %get3A_944 = tpu.vector_load %arg8[%get3A_942, %get3A_943] {strides = array<i32>} : memref<128x128xf32, #tpu.memory_space<vmem>>, vector<1x16xf32>,
        %get3A_945 = vector.shape_cast %get3A_944 : vector<1x16xf32> to vector<16xf32>
        %mul3A_946 = arith.constant 11.3137083 : f32
        %mul3A_947 = vector.broadcast %mul3A_946 : f32 to vector<16xf32>
        %mul3A_948 = arith.mulf %get3A_945, %mul3A_947 : vector<16xf32>
        %swap3A_949 = arith.index_cast %scan3A_895 : i32 to index
        %swap3A_950 = arith.constant 64 : index
        %swap3A_951 = tpu.vector_load %arg10[%swap3A_949, %swap3A_950] {strides = array<i32>} : memref<128x128xf32, #tpu.memory_space<vmem>>, vector<1x16xf32>,
        %swap3A_952 = vector.shape_cast %swap3A_951 : vector<1x16xf32> to vector<16xf32>
        %swap3A_953 = vector.shape_cast %mul3A_948 : vector<16xf32> to vector<1x16xf32>
        tpu.vector_store %arg10[%swap3A_949, %swap3A_950], %swap3A_953 {strides = array<i32>} : memref<128x128xf32, #tpu.memory_space<vmem>>, vector<1x16xf32>,
        %get3A_954 = arith.index_cast %scan3A_895 : i32 to index
        %get3A_955 = arith.constant 80 : index
        %get3A_956 = tpu.vector_load %arg8[%get3A_954, %get3A_955] {strides = array<i32>} : memref<128x128xf32, #tpu.memory_space<vmem>>, vector<1x16xf32>,
        %get3A_957 = vector.shape_cast %get3A_956 : vector<1x16xf32> to vector<16xf32>
        %mul3A_958 = arith.constant 11.3137083 : f32
        %mul3A_959 = vector.broadcast %mul3A_958 : f32 to vector<16xf32>
        %mul3A_960 = arith.mulf %get3A_957, %mul3A_959 : vector<16xf32>
        %swap3A_961 = arith.index_cast %scan3A_895 : i32 to index
        %swap3A_962 = arith.constant 80 : index
        %swap3A_963 = tpu.vector_load %arg10[%swap3A_961, %swap3A_962] {strides = array<i32>} : memref<128x128xf32, #tpu.memory_space<vmem>>, vector<1x16xf32>,
        %swap3A_964 = vector.shape_cast %swap3A_963 : vector<1x16xf32> to vector<16xf32>
        %swap3A_965 = vector.shape_cast %mul3A_960 : vector<16xf32> to vector<1x16xf32>
        tpu.vector_store %arg10[%swap3A_961, %swap3A_962], %swap3A_965 {strides = array<i32>} : memref<128x128xf32, #tpu.memory_space<vmem>>, vector<1x16xf32>,
        %get3A_966 = arith.index_cast %scan3A_895 : i32 to index
        %get3A_967 = arith.constant 96 : index
        %get3A_968 = tpu.vector_load %arg8[%get3A_966, %get3A_967] {strides = array<i32>} : memref<128x128xf32, #tpu.memory_space<vmem>>, vector<1x16xf32>,
        %get3A_969 = vector.shape_cast %get3A_968 : vector<1x16xf32> to vector<16xf32>
        %mul3A_970 = arith.constant 11.3137083 : f32
        %mul3A_971 = vector.broadcast %mul3A_970 : f32 to vector<16xf32>
        %mul3A_972 = arith.mulf %get3A_969, %mul3A_971 : vector<16xf32>
        %swap3A_973 = arith.index_cast %scan3A_895 : i32 to index
        %swap3A_974 = arith.constant 96 : index
        %swap3A_975 = tpu.vector_load %arg10[%swap3A_973, %swap3A_974] {strides = array<i32>} : memref<128x128xf32, #tpu.memory_space<vmem>>, vector<1x16xf32>,
        %swap3A_976 = vector.shape_cast %swap3A_975 : vector<1x16xf32> to vector<16xf32>
        %swap3A_977 = vector.shape_cast %mul3A_972 : vector<16xf32> to vector<1x16xf32>
        tpu.vector_store %arg10[%swap3A_973, %swap3A_974], %swap3A_977 {strides = array<i32>} : memref<128x128xf32, #tpu.memory_space<vmem>>, vector<1x16xf32>,
        %get3A_978 = arith.index_cast %scan3A_895 : i32 to index
        %get3A_979 = arith.constant 112 : index
        %get3A_980 = tpu.vector_load %arg8[%get3A_978, %get3A_979] {strides = array<i32>} : memref<128x128xf32, #tpu.memory_space<vmem>>, vector<1x16xf32>,
        %get3A_981 = vector.shape_cast %get3A_980 : vector<1x16xf32> to vector<16xf32>
        %mul3A_982 = arith.constant 11.3137083 : f32
        %mul3A_983 = vector.broadcast %mul3A_982 : f32 to vector<16xf32>
        %mul3A_984 = arith.mulf %get3A_981, %mul3A_983 : vector<16xf32>
        %swap3A_985 = arith.index_cast %scan3A_895 : i32 to index
        %swap3A_986 = arith.constant 112 : index
        %swap3A_987 = tpu.vector_load %arg10[%swap3A_985, %swap3A_986] {strides = array<i32>} : memref<128x128xf32, #tpu.memory_space<vmem>>, vector<1x16xf32>,
        %swap3A_988 = vector.shape_cast %swap3A_987 : vector<1x16xf32> to vector<16xf32>
        %swap3A_989 = vector.shape_cast %mul3A_984 : vector<16xf32> to vector<1x16xf32>
        tpu.vector_store %arg10[%swap3A_985, %swap3A_986], %swap3A_989 {strides = array<i32>} : memref<128x128xf32, #tpu.memory_space<vmem>>, vector<1x16xf32>,
      }
      %scan3A_616 = arith.constant 128 : i32
      %dma_start3A_617 = arith.constant 0 : i32
      %dma_start3A_618 = tpu.memref_slice %arg4[%add3A_590, %mul3A_2, %dma_start3A_617] : memref<50x4096x128xf32, #tpu.memory_space<hbm>> -> memref<1x128x128xf32, #tpu.memory_space<hbm>>
      %dma_start3A_619 = tpu.memref_squeeze %dma_start3A_618 : memref<1x128x128xf32, #tpu.memory_space<hbm>> -> memref<128x128xf32, #tpu.memory_space<hbm>>
      %dma_start3A_620 = arith.constant 0 : i32
      %dma_start3A_621 = tpu.memref_slice %arg4[%add3A_590, %mul3A_2, %dma_start3A_620] : memref<50x4096x128xf32, #tpu.memory_space<hbm>> -> memref<1x128x128xf32, #tpu.memory_space<hbm>>
      %dma_start3A_622 = tpu.memref_squeeze %dma_start3A_621 : memref<1x128x128xf32, #tpu.memory_space<hbm>> -> memref<128x128xf32, #tpu.memory_space<hbm>>
      tpu.enqueue_dma source(%arg10 : memref<128x128xf32, #tpu.memory_space<vmem>>) target(%dma_start3A_622 : memref<128x128xf32, #tpu.memory_space<hbm>>) target_semaphore(%arg17 : memref<!tpu.dma_semaphore, #tpu.memory_space<semaphore_mem>>)
      %add3A_623 = arith.constant 4 : i32
      %add3A_624 = arith.addi %add3A_486, %add3A_623 : i32
      %dma_wait3A_625 = arith.constant 0 : i32
      %dma_wait3A_626 = tpu.memref_slice %arg4[%add3A_624, %mul3A_2, %dma_wait3A_625] : memref<50x4096x128xf32, #tpu.memory_space<hbm>> -> memref<1x128x128xf32, #tpu.memory_space<hbm>>
      %dma_wait3A_627 = tpu.memref_squeeze %dma_wait3A_626 : memref<1x128x128xf32, #tpu.memory_space<hbm>> -> memref<128x128xf32, #tpu.memory_space<hbm>>
      %dma_wait3A_628 = arith.constant 0 : i32
      %dma_wait3A_629 = tpu.memref_slice %arg4[%add3A_624, %mul3A_2, %dma_wait3A_628] : memref<50x4096x128xf32, #tpu.memory_space<hbm>> -> memref<1x128x128xf32, #tpu.memory_space<hbm>>
      %dma_wait3A_630 = tpu.memref_squeeze %dma_wait3A_629 : memref<1x128x128xf32, #tpu.memory_space<hbm>> -> memref<128x128xf32, #tpu.memory_space<hbm>>
      tpu.wait_dma2 semaphore(%arg16 : memref<!tpu.dma_semaphore, #tpu.memory_space<semaphore_mem>>) src(%arg9 : memref<128x128xf32, #tpu.memory_space<vmem>>) dst(%dma_wait3A_630 : memref<128x128xf32, #tpu.memory_space<hbm>>)
      %add3A_631 = arith.constant 2 : i32
      %add3A_632 = arith.addi %add3A_624, %add3A_631 : i32
      %dma_start3A_633 = arith.constant 0 : i32
      %dma_start3A_634 = tpu.memref_slice %arg5[%add3A_632, %dma_start3A_633] : memref<50x128xi32, #tpu.memory_space<vmem>> -> memref<1x128xi32, #tpu.memory_space<vmem>>
      %dma_start3A_635 = tpu.memref_squeeze %dma_start3A_634 : memref<1x128xi32, #tpu.memory_space<vmem>> -> memref<128xi32, #tpu.memory_space<vmem>>
      %dma_start3A_636 = arith.constant 0 : i32
      %dma_start3A_637 = arith.constant 0 : i32
      %dma_start3A_638 = tpu.memref_slice %arg3[%dma_start3A_636, %dma_start3A_637] : memref<100000x128xf32, #tpu.memory_space<hbm>> -> memref<100000x128xf32, #tpu.memory_space<hbm>>
      tpu.enqueue_indirect_dma source(%dma_start3A_638 : memref<100000x128xf32, #tpu.memory_space<hbm>>) target(%arg8 : memref<128x128xf32, #tpu.memory_space<vmem>>) offsets(%dma_start3A_635 : memref<128xi32, #tpu.memory_space<vmem>>) semaphore(%arg15 : memref<!tpu.dma_semaphore, #tpu.memory_space<semaphore_mem>>)
      %dma_wait3A_639 = arith.constant 0 : i32
      %dma_wait3A_640 = tpu.memref_slice %arg5[%add3A_624, %dma_wait3A_639] : memref<50x128xi32, #tpu.memory_space<vmem>> -> memref<1x128xi32, #tpu.memory_space<vmem>>
      %dma_wait3A_641 = tpu.memref_squeeze %dma_wait3A_640 : memref<1x128xi32, #tpu.memory_space<vmem>> -> memref<128xi32, #tpu.memory_space<vmem>>
      %dma_wait3A_642 = arith.constant 0 : i32
      %dma_wait3A_643 = arith.constant 0 : i32
      %dma_wait3A_644 = tpu.memref_slice %arg3[%dma_wait3A_642, %dma_wait3A_643] : memref<100000x128xf32, #tpu.memory_space<hbm>> -> memref<100000x128xf32, #tpu.memory_space<hbm>>
      tpu.wait_indirect_dma semaphore(%arg13 : memref<!tpu.dma_semaphore, #tpu.memory_space<semaphore_mem>>) src(%dma_wait3A_644 : memref<100000x128xf32, #tpu.memory_space<hbm>>) dst(%arg6 : memref<128x128xf32, #tpu.memory_space<vmem>>)
      %scan3A_645 = arith.constant 0 : i32
      %scan3A_646 = arith.constant 0 : i32
      %scan3A_647 = arith.constant 128 : i32
      %scan3A_648 = arith.addi %scan3A_646, %scan3A_647 : i32
      %scan3A_649 = arith.constant 1 : i32
      scf.for %scan3A_895 = %scan3A_646 to %scan3A_648 step %scan3A_649  : i32 {
        %get3A = arith.index_cast %scan3A_895 : i32 to index
        %get3A_896 = arith.constant 0 : index
        %get3A_897 = tpu.vector_load %arg6[%get3A, %get3A_896] {strides = array<i32>} : memref<128x128xf32, #tpu.memory_space<vmem>>, vector<1x16xf32>,
        %get3A_898 = vector.shape_cast %get3A_897 : vector<1x16xf32> to vector<16xf32>
        %mul3A_899 = arith.constant 11.3137083 : f32
        %mul3A_900 = vector.broadcast %mul3A_899 : f32 to vector<16xf32>
        %mul3A_901 = arith.mulf %get3A_898, %mul3A_900 : vector<16xf32>
        %swap3A = arith.index_cast %scan3A_895 : i32 to index
        %swap3A_902 = arith.constant 0 : index
        %swap3A_903 = tpu.vector_load %arg11[%swap3A, %swap3A_902] {strides = array<i32>} : memref<128x128xf32, #tpu.memory_space<vmem>>, vector<1x16xf32>,
        %swap3A_904 = vector.shape_cast %swap3A_903 : vector<1x16xf32> to vector<16xf32>
        %swap3A_905 = vector.shape_cast %mul3A_901 : vector<16xf32> to vector<1x16xf32>
        tpu.vector_store %arg11[%swap3A, %swap3A_902], %swap3A_905 {strides = array<i32>} : memref<128x128xf32, #tpu.memory_space<vmem>>, vector<1x16xf32>,
        %get3A_906 = arith.index_cast %scan3A_895 : i32 to index
        %get3A_907 = arith.constant 16 : index
        %get3A_908 = tpu.vector_load %arg6[%get3A_906, %get3A_907] {strides = array<i32>} : memref<128x128xf32, #tpu.memory_space<vmem>>, vector<1x16xf32>,
        %get3A_909 = vector.shape_cast %get3A_908 : vector<1x16xf32> to vector<16xf32>
        %mul3A_910 = arith.constant 11.3137083 : f32
        %mul3A_911 = vector.broadcast %mul3A_910 : f32 to vector<16xf32>
        %mul3A_912 = arith.mulf %get3A_909, %mul3A_911 : vector<16xf32>
        %swap3A_913 = arith.index_cast %scan3A_895 : i32 to index
        %swap3A_914 = arith.constant 16 : index
        %swap3A_915 = tpu.vector_load %arg11[%swap3A_913, %swap3A_914] {strides = array<i32>} : memref<128x128xf32, #tpu.memory_space<vmem>>, vector<1x16xf32>,
        %swap3A_916 = vector.shape_cast %swap3A_915 : vector<1x16xf32> to vector<16xf32>
        %swap3A_917 = vector.shape_cast %mul3A_912 : vector<16xf32> to vector<1x16xf32>
        tpu.vector_store %arg11[%swap3A_913, %swap3A_914], %swap3A_917 {strides = array<i32>} : memref<128x128xf32, #tpu.memory_space<vmem>>, vector<1x16xf32>,
        %get3A_918 = arith.index_cast %scan3A_895 : i32 to index
        %get3A_919 = arith.constant 32 : index
        %get3A_920 = tpu.vector_load %arg6[%get3A_918, %get3A_919] {strides = array<i32>} : memref<128x128xf32, #tpu.memory_space<vmem>>, vector<1x16xf32>,
        %get3A_921 = vector.shape_cast %get3A_920 : vector<1x16xf32> to vector<16xf32>
        %mul3A_922 = arith.constant 11.3137083 : f32
        %mul3A_923 = vector.broadcast %mul3A_922 : f32 to vector<16xf32>
        %mul3A_924 = arith.mulf %get3A_921, %mul3A_923 : vector<16xf32>
        %swap3A_925 = arith.index_cast %scan3A_895 : i32 to index
        %swap3A_926 = arith.constant 32 : index
        %swap3A_927 = tpu.vector_load %arg11[%swap3A_925, %swap3A_926] {strides = array<i32>} : memref<128x128xf32, #tpu.memory_space<vmem>>, vector<1x16xf32>,
        %swap3A_928 = vector.shape_cast %swap3A_927 : vector<1x16xf32> to vector<16xf32>
        %swap3A_929 = vector.shape_cast %mul3A_924 : vector<16xf32> to vector<1x16xf32>
        tpu.vector_store %arg11[%swap3A_925, %swap3A_926], %swap3A_929 {strides = array<i32>} : memref<128x128xf32, #tpu.memory_space<vmem>>, vector<1x16xf32>,
        %get3A_930 = arith.index_cast %scan3A_895 : i32 to index
        %get3A_931 = arith.constant 48 : index
        %get3A_932 = tpu.vector_load %arg6[%get3A_930, %get3A_931] {strides = array<i32>} : memref<128x128xf32, #tpu.memory_space<vmem>>, vector<1x16xf32>,
        %get3A_933 = vector.shape_cast %get3A_932 : vector<1x16xf32> to vector<16xf32>
        %mul3A_934 = arith.constant 11.3137083 : f32
        %mul3A_935 = vector.broadcast %mul3A_934 : f32 to vector<16xf32>
        %mul3A_936 = arith.mulf %get3A_933, %mul3A_935 : vector<16xf32>
        %swap3A_937 = arith.index_cast %scan3A_895 : i32 to index
        %swap3A_938 = arith.constant 48 : index
        %swap3A_939 = tpu.vector_load %arg11[%swap3A_937, %swap3A_938] {strides = array<i32>} : memref<128x128xf32, #tpu.memory_space<vmem>>, vector<1x16xf32>,
        %swap3A_940 = vector.shape_cast %swap3A_939 : vector<1x16xf32> to vector<16xf32>
        %swap3A_941 = vector.shape_cast %mul3A_936 : vector<16xf32> to vector<1x16xf32>
        tpu.vector_store %arg11[%swap3A_937, %swap3A_938], %swap3A_941 {strides = array<i32>} : memref<128x128xf32, #tpu.memory_space<vmem>>, vector<1x16xf32>,
        %get3A_942 = arith.index_cast %scan3A_895 : i32 to index
        %get3A_943 = arith.constant 64 : index
        %get3A_944 = tpu.vector_load %arg6[%get3A_942, %get3A_943] {strides = array<i32>} : memref<128x128xf32, #tpu.memory_space<vmem>>, vector<1x16xf32>,
        %get3A_945 = vector.shape_cast %get3A_944 : vector<1x16xf32> to vector<16xf32>
        %mul3A_946 = arith.constant 11.3137083 : f32
        %mul3A_947 = vector.broadcast %mul3A_946 : f32 to vector<16xf32>
        %mul3A_948 = arith.mulf %get3A_945, %mul3A_947 : vector<16xf32>
        %swap3A_949 = arith.index_cast %scan3A_895 : i32 to index
        %swap3A_950 = arith.constant 64 : index
        %swap3A_951 = tpu.vector_load %arg11[%swap3A_949, %swap3A_950] {strides = array<i32>} : memref<128x128xf32, #tpu.memory_space<vmem>>, vector<1x16xf32>,
        %swap3A_952 = vector.shape_cast %swap3A_951 : vector<1x16xf32> to vector<16xf32>
        %swap3A_953 = vector.shape_cast %mul3A_948 : vector<16xf32> to vector<1x16xf32>
        tpu.vector_store %arg11[%swap3A_949, %swap3A_950], %swap3A_953 {strides = array<i32>} : memref<128x128xf32, #tpu.memory_space<vmem>>, vector<1x16xf32>,
        %get3A_954 = arith.index_cast %scan3A_895 : i32 to index
        %get3A_955 = arith.constant 80 : index
        %get3A_956 = tpu.vector_load %arg6[%get3A_954, %get3A_955] {strides = array<i32>} : memref<128x128xf32, #tpu.memory_space<vmem>>, vector<1x16xf32>,
        %get3A_957 = vector.shape_cast %get3A_956 : vector<1x16xf32> to vector<16xf32>
        %mul3A_958 = arith.constant 11.3137083 : f32
        %mul3A_959 = vector.broadcast %mul3A_958 : f32 to vector<16xf32>
        %mul3A_960 = arith.mulf %get3A_957, %mul3A_959 : vector<16xf32>
        %swap3A_961 = arith.index_cast %scan3A_895 : i32 to index
        %swap3A_962 = arith.constant 80 : index
        %swap3A_963 = tpu.vector_load %arg11[%swap3A_961, %swap3A_962] {strides = array<i32>} : memref<128x128xf32, #tpu.memory_space<vmem>>, vector<1x16xf32>,
        %swap3A_964 = vector.shape_cast %swap3A_963 : vector<1x16xf32> to vector<16xf32>
        %swap3A_965 = vector.shape_cast %mul3A_960 : vector<16xf32> to vector<1x16xf32>
        tpu.vector_store %arg11[%swap3A_961, %swap3A_962], %swap3A_965 {strides = array<i32>} : memref<128x128xf32, #tpu.memory_space<vmem>>, vector<1x16xf32>,
        %get3A_966 = arith.index_cast %scan3A_895 : i32 to index
        %get3A_967 = arith.constant 96 : index
        %get3A_968 = tpu.vector_load %arg6[%get3A_966, %get3A_967] {strides = array<i32>} : memref<128x128xf32, #tpu.memory_space<vmem>>, vector<1x16xf32>,
        %get3A_969 = vector.shape_cast %get3A_968 : vector<1x16xf32> to vector<16xf32>
        %mul3A_970 = arith.constant 11.3137083 : f32
        %mul3A_971 = vector.broadcast %mul3A_970 : f32 to vector<16xf32>
        %mul3A_972 = arith.mulf %get3A_969, %mul3A_971 : vector<16xf32>
        %swap3A_973 = arith.index_cast %scan3A_895 : i32 to index
        %swap3A_974 = arith.constant 96 : index
        %swap3A_975 = tpu.vector_load %arg11[%swap3A_973, %swap3A_974] {strides = array<i32>} : memref<128x128xf32, #tpu.memory_space<vmem>>, vector<1x16xf32>,
        %swap3A_976 = vector.shape_cast %swap3A_975 : vector<1x16xf32> to vector<16xf32>
        %swap3A_977 = vector.shape_cast %mul3A_972 : vector<16xf32> to vector<1x16xf32>
        tpu.vector_store %arg11[%swap3A_973, %swap3A_974], %swap3A_977 {strides = array<i32>} : memref<128x128xf32, #tpu.memory_space<vmem>>, vector<1x16xf32>,
        %get3A_978 = arith.index_cast %scan3A_895 : i32 to index
        %get3A_979 = arith.constant 112 : index
        %get3A_980 = tpu.vector_load %arg6[%get3A_978, %get3A_979] {strides = array<i32>} : memref<128x128xf32, #tpu.memory_space<vmem>>, vector<1x16xf32>,
        %get3A_981 = vector.shape_cast %get3A_980 : vector<1x16xf32> to vector<16xf32>
        %mul3A_982 = arith.constant 11.3137083 : f32
        %mul3A_983 = vector.broadcast %mul3A_982 : f32 to vector<16xf32>
        %mul3A_984 = arith.mulf %get3A_981, %mul3A_983 : vector<16xf32>
        %swap3A_985 = arith.index_cast %scan3A_895 : i32 to index
        %swap3A_986 = arith.constant 112 : index
        %swap3A_987 = tpu.vector_load %arg11[%swap3A_985, %swap3A_986] {strides = array<i32>} : memref<128x128xf32, #tpu.memory_space<vmem>>, vector<1x16xf32>,
        %swap3A_988 = vector.shape_cast %swap3A_987 : vector<1x16xf32> to vector<16xf32>
        %swap3A_989 = vector.shape_cast %mul3A_984 : vector<16xf32> to vector<1x16xf32>
        tpu.vector_store %arg11[%swap3A_985, %swap3A_986], %swap3A_989 {strides = array<i32>} : memref<128x128xf32, #tpu.memory_space<vmem>>, vector<1x16xf32>,
      }
      %scan3A_650 = arith.constant 128 : i32
      %dma_start3A_651 = arith.constant 0 : i32
      %dma_start3A_652 = tpu.memref_slice %arg4[%add3A_624, %mul3A_2, %dma_start3A_651] : memref<50x4096x128xf32, #tpu.memory_space<hbm>> -> memref<1x128x128xf32, #tpu.memory_space<hbm>>
      %dma_start3A_653 = tpu.memref_squeeze %dma_start3A_652 : memref<1x128x128xf32, #tpu.memory_space<hbm>> -> memref<128x128xf32, #tpu.memory_space<hbm>>
      %dma_start3A_654 = arith.constant 0 : i32
      %dma_start3A_655 = tpu.memref_slice %arg4[%add3A_624, %mul3A_2, %dma_start3A_654] : memref<50x4096x128xf32, #tpu.memory_space<hbm>> -> memref<1x128x128xf32, #tpu.memory_space<hbm>>
      %dma_start3A_656 = tpu.memref_squeeze %dma_start3A_655 : memref<1x128x128xf32, #tpu.memory_space<hbm>> -> memref<128x128xf32, #tpu.memory_space<hbm>>
      tpu.enqueue_dma source(%arg11 : memref<128x128xf32, #tpu.memory_space<vmem>>) target(%dma_start3A_656 : memref<128x128xf32, #tpu.memory_space<hbm>>) target_semaphore(%arg18 : memref<!tpu.dma_semaphore, #tpu.memory_space<semaphore_mem>>)
      %add3A_657 = arith.constant 5 : i32
      %add3A_658 = arith.addi %add3A_486, %add3A_657 : i32
      %dma_wait3A_659 = arith.constant 0 : i32
      %dma_wait3A_660 = tpu.memref_slice %arg4[%add3A_658, %mul3A_2, %dma_wait3A_659] : memref<50x4096x128xf32, #tpu.memory_space<hbm>> -> memref<1x128x128xf32, #tpu.memory_space<hbm>>
      %dma_wait3A_661 = tpu.memref_squeeze %dma_wait3A_660 : memref<1x128x128xf32, #tpu.memory_space<hbm>> -> memref<128x128xf32, #tpu.memory_space<hbm>>
      %dma_wait3A_662 = arith.constant 0 : i32
      %dma_wait3A_663 = tpu.memref_slice %arg4[%add3A_658, %mul3A_2, %dma_wait3A_662] : memref<50x4096x128xf32, #tpu.memory_space<hbm>> -> memref<1x128x128xf32, #tpu.memory_space<hbm>>
      %dma_wait3A_664 = tpu.memref_squeeze %dma_wait3A_663 : memref<1x128x128xf32, #tpu.memory_space<hbm>> -> memref<128x128xf32, #tpu.memory_space<hbm>>
      tpu.wait_dma2 semaphore(%arg17 : memref<!tpu.dma_semaphore, #tpu.memory_space<semaphore_mem>>) src(%arg10 : memref<128x128xf32, #tpu.memory_space<vmem>>) dst(%dma_wait3A_664 : memref<128x128xf32, #tpu.memory_space<hbm>>)
      %add3A_665 = arith.constant 2 : i32
      %add3A_666 = arith.addi %add3A_658, %add3A_665 : i32
      %dma_start3A_667 = arith.constant 0 : i32
      %dma_start3A_668 = tpu.memref_slice %arg5[%add3A_666, %dma_start3A_667] : memref<50x128xi32, #tpu.memory_space<vmem>> -> memref<1x128xi32, #tpu.memory_space<vmem>>
      %dma_start3A_669 = tpu.memref_squeeze %dma_start3A_668 : memref<1x128xi32, #tpu.memory_space<vmem>> -> memref<128xi32, #tpu.memory_space<vmem>>
      %dma_start3A_670 = arith.constant 0 : i32
      %dma_start3A_671 = arith.constant 0 : i32
      %dma_start3A_672 = tpu.memref_slice %arg3[%dma_start3A_670, %dma_start3A_671] : memref<100000x128xf32, #tpu.memory_space<hbm>> -> memref<100000x128xf32, #tpu.memory_space<hbm>>
      tpu.enqueue_indirect_dma source(%dma_start3A_672 : memref<100000x128xf32, #tpu.memory_space<hbm>>) target(%arg6 : memref<128x128xf32, #tpu.memory_space<vmem>>) offsets(%dma_start3A_669 : memref<128xi32, #tpu.memory_space<vmem>>) semaphore(%arg13 : memref<!tpu.dma_semaphore, #tpu.memory_space<semaphore_mem>>)
      %dma_wait3A_673 = arith.constant 0 : i32
      %dma_wait3A_674 = tpu.memref_slice %arg5[%add3A_658, %dma_wait3A_673] : memref<50x128xi32, #tpu.memory_space<vmem>> -> memref<1x128xi32, #tpu.memory_space<vmem>>
      %dma_wait3A_675 = tpu.memref_squeeze %dma_wait3A_674 : memref<1x128xi32, #tpu.memory_space<vmem>> -> memref<128xi32, #tpu.memory_space<vmem>>
      %dma_wait3A_676 = arith.constant 0 : i32
      %dma_wait3A_677 = arith.constant 0 : i32
      %dma_wait3A_678 = tpu.memref_slice %arg3[%dma_wait3A_676, %dma_wait3A_677] : memref<100000x128xf32, #tpu.memory_space<hbm>> -> memref<100000x128xf32, #tpu.memory_space<hbm>>
      tpu.wait_indirect_dma semaphore(%arg14 : memref<!tpu.dma_semaphore, #tpu.memory_space<semaphore_mem>>) src(%dma_wait3A_678 : memref<100000x128xf32, #tpu.memory_space<hbm>>) dst(%arg7 : memref<128x128xf32, #tpu.memory_space<vmem>>)
      %scan3A_679 = arith.constant 0 : i32
      %scan3A_680 = arith.constant 0 : i32
      %scan3A_681 = arith.constant 128 : i32
      %scan3A_682 = arith.addi %scan3A_680, %scan3A_681 : i32
      %scan3A_683 = arith.constant 1 : i32
      scf.for %scan3A_895 = %scan3A_680 to %scan3A_682 step %scan3A_683  : i32 {
        %get3A = arith.index_cast %scan3A_895 : i32 to index
        %get3A_896 = arith.constant 0 : index
        %get3A_897 = tpu.vector_load %arg7[%get3A, %get3A_896] {strides = array<i32>} : memref<128x128xf32, #tpu.memory_space<vmem>>, vector<1x16xf32>,
        %get3A_898 = vector.shape_cast %get3A_897 : vector<1x16xf32> to vector<16xf32>
        %mul3A_899 = arith.constant 11.3137083 : f32
        %mul3A_900 = vector.broadcast %mul3A_899 : f32 to vector<16xf32>
        %mul3A_901 = arith.mulf %get3A_898, %mul3A_900 : vector<16xf32>
        %swap3A = arith.index_cast %scan3A_895 : i32 to index
        %swap3A_902 = arith.constant 0 : index
        %swap3A_903 = tpu.vector_load %arg12[%swap3A, %swap3A_902] {strides = array<i32>} : memref<128x128xf32, #tpu.memory_space<vmem>>, vector<1x16xf32>,
        %swap3A_904 = vector.shape_cast %swap3A_903 : vector<1x16xf32> to vector<16xf32>
        %swap3A_905 = vector.shape_cast %mul3A_901 : vector<16xf32> to vector<1x16xf32>
        tpu.vector_store %arg12[%swap3A, %swap3A_902], %swap3A_905 {strides = array<i32>} : memref<128x128xf32, #tpu.memory_space<vmem>>, vector<1x16xf32>,
        %get3A_906 = arith.index_cast %scan3A_895 : i32 to index
        %get3A_907 = arith.constant 16 : index
        %get3A_908 = tpu.vector_load %arg7[%get3A_906, %get3A_907] {strides = array<i32>} : memref<128x128xf32, #tpu.memory_space<vmem>>, vector<1x16xf32>,
        %get3A_909 = vector.shape_cast %get3A_908 : vector<1x16xf32> to vector<16xf32>
        %mul3A_910 = arith.constant 11.3137083 : f32
        %mul3A_911 = vector.broadcast %mul3A_910 : f32 to vector<16xf32>
        %mul3A_912 = arith.mulf %get3A_909, %mul3A_911 : vector<16xf32>
        %swap3A_913 = arith.index_cast %scan3A_895 : i32 to index
        %swap3A_914 = arith.constant 16 : index
        %swap3A_915 = tpu.vector_load %arg12[%swap3A_913, %swap3A_914] {strides = array<i32>} : memref<128x128xf32, #tpu.memory_space<vmem>>, vector<1x16xf32>,
        %swap3A_916 = vector.shape_cast %swap3A_915 : vector<1x16xf32> to vector<16xf32>
        %swap3A_917 = vector.shape_cast %mul3A_912 : vector<16xf32> to vector<1x16xf32>
        tpu.vector_store %arg12[%swap3A_913, %swap3A_914], %swap3A_917 {strides = array<i32>} : memref<128x128xf32, #tpu.memory_space<vmem>>, vector<1x16xf32>,
        %get3A_918 = arith.index_cast %scan3A_895 : i32 to index
        %get3A_919 = arith.constant 32 : index
        %get3A_920 = tpu.vector_load %arg7[%get3A_918, %get3A_919] {strides = array<i32>} : memref<128x128xf32, #tpu.memory_space<vmem>>, vector<1x16xf32>,
        %get3A_921 = vector.shape_cast %get3A_920 : vector<1x16xf32> to vector<16xf32>
        %mul3A_922 = arith.constant 11.3137083 : f32
        %mul3A_923 = vector.broadcast %mul3A_922 : f32 to vector<16xf32>
        %mul3A_924 = arith.mulf %get3A_921, %mul3A_923 : vector<16xf32>
        %swap3A_925 = arith.index_cast %scan3A_895 : i32 to index
        %swap3A_926 = arith.constant 32 : index
        %swap3A_927 = tpu.vector_load %arg12[%swap3A_925, %swap3A_926] {strides = array<i32>} : memref<128x128xf32, #tpu.memory_space<vmem>>, vector<1x16xf32>,
        %swap3A_928 = vector.shape_cast %swap3A_927 : vector<1x16xf32> to vector<16xf32>
        %swap3A_929 = vector.shape_cast %mul3A_924 : vector<16xf32> to vector<1x16xf32>
        tpu.vector_store %arg12[%swap3A_925, %swap3A_926], %swap3A_929 {strides = array<i32>} : memref<128x128xf32, #tpu.memory_space<vmem>>, vector<1x16xf32>,
        %get3A_930 = arith.index_cast %scan3A_895 : i32 to index
        %get3A_931 = arith.constant 48 : index
        %get3A_932 = tpu.vector_load %arg7[%get3A_930, %get3A_931] {strides = array<i32>} : memref<128x128xf32, #tpu.memory_space<vmem>>, vector<1x16xf32>,
        %get3A_933 = vector.shape_cast %get3A_932 : vector<1x16xf32> to vector<16xf32>
        %mul3A_934 = arith.constant 11.3137083 : f32
        %mul3A_935 = vector.broadcast %mul3A_934 : f32 to vector<16xf32>
        %mul3A_936 = arith.mulf %get3A_933, %mul3A_935 : vector<16xf32>
        %swap3A_937 = arith.index_cast %scan3A_895 : i32 to index
        %swap3A_938 = arith.constant 48 : index
        %swap3A_939 = tpu.vector_load %arg12[%swap3A_937, %swap3A_938] {strides = array<i32>} : memref<128x128xf32, #tpu.memory_space<vmem>>, vector<1x16xf32>,
        %swap3A_940 = vector.shape_cast %swap3A_939 : vector<1x16xf32> to vector<16xf32>
        %swap3A_941 = vector.shape_cast %mul3A_936 : vector<16xf32> to vector<1x16xf32>
        tpu.vector_store %arg12[%swap3A_937, %swap3A_938], %swap3A_941 {strides = array<i32>} : memref<128x128xf32, #tpu.memory_space<vmem>>, vector<1x16xf32>,
        %get3A_942 = arith.index_cast %scan3A_895 : i32 to index
        %get3A_943 = arith.constant 64 : index
        %get3A_944 = tpu.vector_load %arg7[%get3A_942, %get3A_943] {strides = array<i32>} : memref<128x128xf32, #tpu.memory_space<vmem>>, vector<1x16xf32>,
        %get3A_945 = vector.shape_cast %get3A_944 : vector<1x16xf32> to vector<16xf32>
        %mul3A_946 = arith.constant 11.3137083 : f32
        %mul3A_947 = vector.broadcast %mul3A_946 : f32 to vector<16xf32>
        %mul3A_948 = arith.mulf %get3A_945, %mul3A_947 : vector<16xf32>
        %swap3A_949 = arith.index_cast %scan3A_895 : i32 to index
        %swap3A_950 = arith.constant 64 : index
        %swap3A_951 = tpu.vector_load %arg12[%swap3A_949, %swap3A_950] {strides = array<i32>} : memref<128x128xf32, #tpu.memory_space<vmem>>, vector<1x16xf32>,
        %swap3A_952 = vector.shape_cast %swap3A_951 : vector<1x16xf32> to vector<16xf32>
        %swap3A_953 = vector.shape_cast %mul3A_948 : vector<16xf32> to vector<1x16xf32>
        tpu.vector_store %arg12[%swap3A_949, %swap3A_950], %swap3A_953 {strides = array<i32>} : memref<128x128xf32, #tpu.memory_space<vmem>>, vector<1x16xf32>,
        %get3A_954 = arith.index_cast %scan3A_895 : i32 to index
        %get3A_955 = arith.constant 80 : index
        %get3A_956 = tpu.vector_load %arg7[%get3A_954, %get3A_955] {strides = array<i32>} : memref<128x128xf32, #tpu.memory_space<vmem>>, vector<1x16xf32>,
        %get3A_957 = vector.shape_cast %get3A_956 : vector<1x16xf32> to vector<16xf32>
        %mul3A_958 = arith.constant 11.3137083 : f32
        %mul3A_959 = vector.broadcast %mul3A_958 : f32 to vector<16xf32>
        %mul3A_960 = arith.mulf %get3A_957, %mul3A_959 : vector<16xf32>
        %swap3A_961 = arith.index_cast %scan3A_895 : i32 to index
        %swap3A_962 = arith.constant 80 : index
        %swap3A_963 = tpu.vector_load %arg12[%swap3A_961, %swap3A_962] {strides = array<i32>} : memref<128x128xf32, #tpu.memory_space<vmem>>, vector<1x16xf32>,
        %swap3A_964 = vector.shape_cast %swap3A_963 : vector<1x16xf32> to vector<16xf32>
        %swap3A_965 = vector.shape_cast %mul3A_960 : vector<16xf32> to vector<1x16xf32>
        tpu.vector_store %arg12[%swap3A_961, %swap3A_962], %swap3A_965 {strides = array<i32>} : memref<128x128xf32, #tpu.memory_space<vmem>>, vector<1x16xf32>,
        %get3A_966 = arith.index_cast %scan3A_895 : i32 to index
        %get3A_967 = arith.constant 96 : index
        %get3A_968 = tpu.vector_load %arg7[%get3A_966, %get3A_967] {strides = array<i32>} : memref<128x128xf32, #tpu.memory_space<vmem>>, vector<1x16xf32>,
        %get3A_969 = vector.shape_cast %get3A_968 : vector<1x16xf32> to vector<16xf32>
        %mul3A_970 = arith.constant 11.3137083 : f32
        %mul3A_971 = vector.broadcast %mul3A_970 : f32 to vector<16xf32>
        %mul3A_972 = arith.mulf %get3A_969, %mul3A_971 : vector<16xf32>
        %swap3A_973 = arith.index_cast %scan3A_895 : i32 to index
        %swap3A_974 = arith.constant 96 : index
        %swap3A_975 = tpu.vector_load %arg12[%swap3A_973, %swap3A_974] {strides = array<i32>} : memref<128x128xf32, #tpu.memory_space<vmem>>, vector<1x16xf32>,
        %swap3A_976 = vector.shape_cast %swap3A_975 : vector<1x16xf32> to vector<16xf32>
        %swap3A_977 = vector.shape_cast %mul3A_972 : vector<16xf32> to vector<1x16xf32>
        tpu.vector_store %arg12[%swap3A_973, %swap3A_974], %swap3A_977 {strides = array<i32>} : memref<128x128xf32, #tpu.memory_space<vmem>>, vector<1x16xf32>,
        %get3A_978 = arith.index_cast %scan3A_895 : i32 to index
        %get3A_979 = arith.constant 112 : index
        %get3A_980 = tpu.vector_load %arg7[%get3A_978, %get3A_979] {strides = array<i32>} : memref<128x128xf32, #tpu.memory_space<vmem>>, vector<1x16xf32>,
        %get3A_981 = vector.shape_cast %get3A_980 : vector<1x16xf32> to vector<16xf32>
        %mul3A_982 = arith.constant 11.3137083 : f32
        %mul3A_983 = vector.broadcast %mul3A_982 : f32 to vector<16xf32>
        %mul3A_984 = arith.mulf %get3A_981, %mul3A_983 : vector<16xf32>
        %swap3A_985 = arith.index_cast %scan3A_895 : i32 to index
        %swap3A_986 = arith.constant 112 : index
        %swap3A_987 = tpu.vector_load %arg12[%swap3A_985, %swap3A_986] {strides = array<i32>} : memref<128x128xf32, #tpu.memory_space<vmem>>, vector<1x16xf32>,
        %swap3A_988 = vector.shape_cast %swap3A_987 : vector<1x16xf32> to vector<16xf32>
        %swap3A_989 = vector.shape_cast %mul3A_984 : vector<16xf32> to vector<1x16xf32>
        tpu.vector_store %arg12[%swap3A_985, %swap3A_986], %swap3A_989 {strides = array<i32>} : memref<128x128xf32, #tpu.memory_space<vmem>>, vector<1x16xf32>,
      }
      %scan3A_684 = arith.constant 128 : i32
      %dma_start3A_685 = arith.constant 0 : i32
      %dma_start3A_686 = tpu.memref_slice %arg4[%add3A_658, %mul3A_2, %dma_start3A_685] : memref<50x4096x128xf32, #tpu.memory_space<hbm>> -> memref<1x128x128xf32, #tpu.memory_space<hbm>>
      %dma_start3A_687 = tpu.memref_squeeze %dma_start3A_686 : memref<1x128x128xf32, #tpu.memory_space<hbm>> -> memref<128x128xf32, #tpu.memory_space<hbm>>
      %dma_start3A_688 = arith.constant 0 : i32
      %dma_start3A_689 = tpu.memref_slice %arg4[%add3A_658, %mul3A_2, %dma_start3A_688] : memref<50x4096x128xf32, #tpu.memory_space<hbm>> -> memref<1x128x128xf32, #tpu.memory_space<hbm>>
      %dma_start3A_690 = tpu.memref_squeeze %dma_start3A_689 : memref<1x128x128xf32, #tpu.memory_space<hbm>> -> memref<128x128xf32, #tpu.memory_space<hbm>>
      tpu.enqueue_dma source(%arg12 : memref<128x128xf32, #tpu.memory_space<vmem>>) target(%dma_start3A_690 : memref<128x128xf32, #tpu.memory_space<hbm>>) target_semaphore(%arg19 : memref<!tpu.dma_semaphore, #tpu.memory_space<semaphore_mem>>)
      %add3A_691 = arith.constant 6 : i32
      %add3A_692 = arith.addi %add3A_486, %add3A_691 : i32
      %dma_wait3A_693 = arith.constant 0 : i32
      %dma_wait3A_694 = tpu.memref_slice %arg4[%add3A_692, %mul3A_2, %dma_wait3A_693] : memref<50x4096x128xf32, #tpu.memory_space<hbm>> -> memref<1x128x128xf32, #tpu.memory_space<hbm>>
      %dma_wait3A_695 = tpu.memref_squeeze %dma_wait3A_694 : memref<1x128x128xf32, #tpu.memory_space<hbm>> -> memref<128x128xf32, #tpu.memory_space<hbm>>
      %dma_wait3A_696 = arith.constant 0 : i32
      %dma_wait3A_697 = tpu.memref_slice %arg4[%add3A_692, %mul3A_2, %dma_wait3A_696] : memref<50x4096x128xf32, #tpu.memory_space<hbm>> -> memref<1x128x128xf32, #tpu.memory_space<hbm>>
      %dma_wait3A_698 = tpu.memref_squeeze %dma_wait3A_697 : memref<1x128x128xf32, #tpu.memory_space<hbm>> -> memref<128x128xf32, #tpu.memory_space<hbm>>
      tpu.wait_dma2 semaphore(%arg18 : memref<!tpu.dma_semaphore, #tpu.memory_space<semaphore_mem>>) src(%arg11 : memref<128x128xf32, #tpu.memory_space<vmem>>) dst(%dma_wait3A_698 : memref<128x128xf32, #tpu.memory_space<hbm>>)
      %add3A_699 = arith.constant 2 : i32
      %add3A_700 = arith.addi %add3A_692, %add3A_699 : i32
      %dma_start3A_701 = arith.constant 0 : i32
      %dma_start3A_702 = tpu.memref_slice %arg5[%add3A_700, %dma_start3A_701] : memref<50x128xi32, #tpu.memory_space<vmem>> -> memref<1x128xi32, #tpu.memory_space<vmem>>
      %dma_start3A_703 = tpu.memref_squeeze %dma_start3A_702 : memref<1x128xi32, #tpu.memory_space<vmem>> -> memref<128xi32, #tpu.memory_space<vmem>>
      %dma_start3A_704 = arith.constant 0 : i32
      %dma_start3A_705 = arith.constant 0 : i32
      %dma_start3A_706 = tpu.memref_slice %arg3[%dma_start3A_704, %dma_start3A_705] : memref<100000x128xf32, #tpu.memory_space<hbm>> -> memref<100000x128xf32, #tpu.memory_space<hbm>>
      tpu.enqueue_indirect_dma source(%dma_start3A_706 : memref<100000x128xf32, #tpu.memory_space<hbm>>) target(%arg7 : memref<128x128xf32, #tpu.memory_space<vmem>>) offsets(%dma_start3A_703 : memref<128xi32, #tpu.memory_space<vmem>>) semaphore(%arg14 : memref<!tpu.dma_semaphore, #tpu.memory_space<semaphore_mem>>)
      %dma_wait3A_707 = arith.constant 0 : i32
      %dma_wait3A_708 = tpu.memref_slice %arg5[%add3A_692, %dma_wait3A_707] : memref<50x128xi32, #tpu.memory_space<vmem>> -> memref<1x128xi32, #tpu.memory_space<vmem>>
      %dma_wait3A_709 = tpu.memref_squeeze %dma_wait3A_708 : memref<1x128xi32, #tpu.memory_space<vmem>> -> memref<128xi32, #tpu.memory_space<vmem>>
      %dma_wait3A_710 = arith.constant 0 : i32
      %dma_wait3A_711 = arith.constant 0 : i32
      %dma_wait3A_712 = tpu.memref_slice %arg3[%dma_wait3A_710, %dma_wait3A_711] : memref<100000x128xf32, #tpu.memory_space<hbm>> -> memref<100000x128xf32, #tpu.memory_space<hbm>>
      tpu.wait_indirect_dma semaphore(%arg15 : memref<!tpu.dma_semaphore, #tpu.memory_space<semaphore_mem>>) src(%dma_wait3A_712 : memref<100000x128xf32, #tpu.memory_space<hbm>>) dst(%arg8 : memref<128x128xf32, #tpu.memory_space<vmem>>)
      %scan3A_713 = arith.constant 0 : i32
      %scan3A_714 = arith.constant 0 : i32
      %scan3A_715 = arith.constant 128 : i32
      %scan3A_716 = arith.addi %scan3A_714, %scan3A_715 : i32
      %scan3A_717 = arith.constant 1 : i32
      scf.for %scan3A_895 = %scan3A_714 to %scan3A_716 step %scan3A_717  : i32 {
        %get3A = arith.index_cast %scan3A_895 : i32 to index
        %get3A_896 = arith.constant 0 : index
        %get3A_897 = tpu.vector_load %arg8[%get3A, %get3A_896] {strides = array<i32>} : memref<128x128xf32, #tpu.memory_space<vmem>>, vector<1x16xf32>,
        %get3A_898 = vector.shape_cast %get3A_897 : vector<1x16xf32> to vector<16xf32>
        %mul3A_899 = arith.constant 11.3137083 : f32
        %mul3A_900 = vector.broadcast %mul3A_899 : f32 to vector<16xf32>
        %mul3A_901 = arith.mulf %get3A_898, %mul3A_900 : vector<16xf32>
        %swap3A = arith.index_cast %scan3A_895 : i32 to index
        %swap3A_902 = arith.constant 0 : index
        %swap3A_903 = tpu.vector_load %arg9[%swap3A, %swap3A_902] {strides = array<i32>} : memref<128x128xf32, #tpu.memory_space<vmem>>, vector<1x16xf32>,
        %swap3A_904 = vector.shape_cast %swap3A_903 : vector<1x16xf32> to vector<16xf32>
        %swap3A_905 = vector.shape_cast %mul3A_901 : vector<16xf32> to vector<1x16xf32>
        tpu.vector_store %arg9[%swap3A, %swap3A_902], %swap3A_905 {strides = array<i32>} : memref<128x128xf32, #tpu.memory_space<vmem>>, vector<1x16xf32>,
        %get3A_906 = arith.index_cast %scan3A_895 : i32 to index
        %get3A_907 = arith.constant 16 : index
        %get3A_908 = tpu.vector_load %arg8[%get3A_906, %get3A_907] {strides = array<i32>} : memref<128x128xf32, #tpu.memory_space<vmem>>, vector<1x16xf32>,
        %get3A_909 = vector.shape_cast %get3A_908 : vector<1x16xf32> to vector<16xf32>
        %mul3A_910 = arith.constant 11.3137083 : f32
        %mul3A_911 = vector.broadcast %mul3A_910 : f32 to vector<16xf32>
        %mul3A_912 = arith.mulf %get3A_909, %mul3A_911 : vector<16xf32>
        %swap3A_913 = arith.index_cast %scan3A_895 : i32 to index
        %swap3A_914 = arith.constant 16 : index
        %swap3A_915 = tpu.vector_load %arg9[%swap3A_913, %swap3A_914] {strides = array<i32>} : memref<128x128xf32, #tpu.memory_space<vmem>>, vector<1x16xf32>,
        %swap3A_916 = vector.shape_cast %swap3A_915 : vector<1x16xf32> to vector<16xf32>
        %swap3A_917 = vector.shape_cast %mul3A_912 : vector<16xf32> to vector<1x16xf32>
        tpu.vector_store %arg9[%swap3A_913, %swap3A_914], %swap3A_917 {strides = array<i32>} : memref<128x128xf32, #tpu.memory_space<vmem>>, vector<1x16xf32>,
        %get3A_918 = arith.index_cast %scan3A_895 : i32 to index
        %get3A_919 = arith.constant 32 : index
        %get3A_920 = tpu.vector_load %arg8[%get3A_918, %get3A_919] {strides = array<i32>} : memref<128x128xf32, #tpu.memory_space<vmem>>, vector<1x16xf32>,
        %get3A_921 = vector.shape_cast %get3A_920 : vector<1x16xf32> to vector<16xf32>
        %mul3A_922 = arith.constant 11.3137083 : f32
        %mul3A_923 = vector.broadcast %mul3A_922 : f32 to vector<16xf32>
        %mul3A_924 = arith.mulf %get3A_921, %mul3A_923 : vector<16xf32>
        %swap3A_925 = arith.index_cast %scan3A_895 : i32 to index
        %swap3A_926 = arith.constant 32 : index
        %swap3A_927 = tpu.vector_load %arg9[%swap3A_925, %swap3A_926] {strides = array<i32>} : memref<128x128xf32, #tpu.memory_space<vmem>>, vector<1x16xf32>,
        %swap3A_928 = vector.shape_cast %swap3A_927 : vector<1x16xf32> to vector<16xf32>
        %swap3A_929 = vector.shape_cast %mul3A_924 : vector<16xf32> to vector<1x16xf32>
        tpu.vector_store %arg9[%swap3A_925, %swap3A_926], %swap3A_929 {strides = array<i32>} : memref<128x128xf32, #tpu.memory_space<vmem>>, vector<1x16xf32>,
        %get3A_930 = arith.index_cast %scan3A_895 : i32 to index
        %get3A_931 = arith.constant 48 : index
        %get3A_932 = tpu.vector_load %arg8[%get3A_930, %get3A_931] {strides = array<i32>} : memref<128x128xf32, #tpu.memory_space<vmem>>, vector<1x16xf32>,
        %get3A_933 = vector.shape_cast %get3A_932 : vector<1x16xf32> to vector<16xf32>
        %mul3A_934 = arith.constant 11.3137083 : f32
        %mul3A_935 = vector.broadcast %mul3A_934 : f32 to vector<16xf32>
        %mul3A_936 = arith.mulf %get3A_933, %mul3A_935 : vector<16xf32>
        %swap3A_937 = arith.index_cast %scan3A_895 : i32 to index
        %swap3A_938 = arith.constant 48 : index
        %swap3A_939 = tpu.vector_load %arg9[%swap3A_937, %swap3A_938] {strides = array<i32>} : memref<128x128xf32, #tpu.memory_space<vmem>>, vector<1x16xf32>,
        %swap3A_940 = vector.shape_cast %swap3A_939 : vector<1x16xf32> to vector<16xf32>
        %swap3A_941 = vector.shape_cast %mul3A_936 : vector<16xf32> to vector<1x16xf32>
        tpu.vector_store %arg9[%swap3A_937, %swap3A_938], %swap3A_941 {strides = array<i32>} : memref<128x128xf32, #tpu.memory_space<vmem>>, vector<1x16xf32>,
        %get3A_942 = arith.index_cast %scan3A_895 : i32 to index
        %get3A_943 = arith.constant 64 : index
        %get3A_944 = tpu.vector_load %arg8[%get3A_942, %get3A_943] {strides = array<i32>} : memref<128x128xf32, #tpu.memory_space<vmem>>, vector<1x16xf32>,
        %get3A_945 = vector.shape_cast %get3A_944 : vector<1x16xf32> to vector<16xf32>
        %mul3A_946 = arith.constant 11.3137083 : f32
        %mul3A_947 = vector.broadcast %mul3A_946 : f32 to vector<16xf32>
        %mul3A_948 = arith.mulf %get3A_945, %mul3A_947 : vector<16xf32>
        %swap3A_949 = arith.index_cast %scan3A_895 : i32 to index
        %swap3A_950 = arith.constant 64 : index
        %swap3A_951 = tpu.vector_load %arg9[%swap3A_949, %swap3A_950] {strides = array<i32>} : memref<128x128xf32, #tpu.memory_space<vmem>>, vector<1x16xf32>,
        %swap3A_952 = vector.shape_cast %swap3A_951 : vector<1x16xf32> to vector<16xf32>
        %swap3A_953 = vector.shape_cast %mul3A_948 : vector<16xf32> to vector<1x16xf32>
        tpu.vector_store %arg9[%swap3A_949, %swap3A_950], %swap3A_953 {strides = array<i32>} : memref<128x128xf32, #tpu.memory_space<vmem>>, vector<1x16xf32>,
        %get3A_954 = arith.index_cast %scan3A_895 : i32 to index
        %get3A_955 = arith.constant 80 : index
        %get3A_956 = tpu.vector_load %arg8[%get3A_954, %get3A_955] {strides = array<i32>} : memref<128x128xf32, #tpu.memory_space<vmem>>, vector<1x16xf32>,
        %get3A_957 = vector.shape_cast %get3A_956 : vector<1x16xf32> to vector<16xf32>
        %mul3A_958 = arith.constant 11.3137083 : f32
        %mul3A_959 = vector.broadcast %mul3A_958 : f32 to vector<16xf32>
        %mul3A_960 = arith.mulf %get3A_957, %mul3A_959 : vector<16xf32>
        %swap3A_961 = arith.index_cast %scan3A_895 : i32 to index
        %swap3A_962 = arith.constant 80 : index
        %swap3A_963 = tpu.vector_load %arg9[%swap3A_961, %swap3A_962] {strides = array<i32>} : memref<128x128xf32, #tpu.memory_space<vmem>>, vector<1x16xf32>,
        %swap3A_964 = vector.shape_cast %swap3A_963 : vector<1x16xf32> to vector<16xf32>
        %swap3A_965 = vector.shape_cast %mul3A_960 : vector<16xf32> to vector<1x16xf32>
        tpu.vector_store %arg9[%swap3A_961, %swap3A_962], %swap3A_965 {strides = array<i32>} : memref<128x128xf32, #tpu.memory_space<vmem>>, vector<1x16xf32>,
        %get3A_966 = arith.index_cast %scan3A_895 : i32 to index
        %get3A_967 = arith.constant 96 : index
        %get3A_968 = tpu.vector_load %arg8[%get3A_966, %get3A_967] {strides = array<i32>} : memref<128x128xf32, #tpu.memory_space<vmem>>, vector<1x16xf32>,
        %get3A_969 = vector.shape_cast %get3A_968 : vector<1x16xf32> to vector<16xf32>
        %mul3A_970 = arith.constant 11.3137083 : f32
        %mul3A_971 = vector.broadcast %mul3A_970 : f32 to vector<16xf32>
        %mul3A_972 = arith.mulf %get3A_969, %mul3A_971 : vector<16xf32>
        %swap3A_973 = arith.index_cast %scan3A_895 : i32 to index
        %swap3A_974 = arith.constant 96 : index
        %swap3A_975 = tpu.vector_load %arg9[%swap3A_973, %swap3A_974] {strides = array<i32>} : memref<128x128xf32, #tpu.memory_space<vmem>>, vector<1x16xf32>,
        %swap3A_976 = vector.shape_cast %swap3A_975 : vector<1x16xf32> to vector<16xf32>
        %swap3A_977 = vector.shape_cast %mul3A_972 : vector<16xf32> to vector<1x16xf32>
        tpu.vector_store %arg9[%swap3A_973, %swap3A_974], %swap3A_977 {strides = array<i32>} : memref<128x128xf32, #tpu.memory_space<vmem>>, vector<1x16xf32>,
        %get3A_978 = arith.index_cast %scan3A_895 : i32 to index
        %get3A_979 = arith.constant 112 : index
        %get3A_980 = tpu.vector_load %arg8[%get3A_978, %get3A_979] {strides = array<i32>} : memref<128x128xf32, #tpu.memory_space<vmem>>, vector<1x16xf32>,
        %get3A_981 = vector.shape_cast %get3A_980 : vector<1x16xf32> to vector<16xf32>
        %mul3A_982 = arith.constant 11.3137083 : f32
        %mul3A_983 = vector.broadcast %mul3A_982 : f32 to vector<16xf32>
        %mul3A_984 = arith.mulf %get3A_981, %mul3A_983 : vector<16xf32>
        %swap3A_985 = arith.index_cast %scan3A_895 : i32 to index
        %swap3A_986 = arith.constant 112 : index
        %swap3A_987 = tpu.vector_load %arg9[%swap3A_985, %swap3A_986] {strides = array<i32>} : memref<128x128xf32, #tpu.memory_space<vmem>>, vector<1x16xf32>,
        %swap3A_988 = vector.shape_cast %swap3A_987 : vector<1x16xf32> to vector<16xf32>
        %swap3A_989 = vector.shape_cast %mul3A_984 : vector<16xf32> to vector<1x16xf32>
        tpu.vector_store %arg9[%swap3A_985, %swap3A_986], %swap3A_989 {strides = array<i32>} : memref<128x128xf32, #tpu.memory_space<vmem>>, vector<1x16xf32>,
      }
      %scan3A_718 = arith.constant 128 : i32
      %dma_start3A_719 = arith.constant 0 : i32
      %dma_start3A_720 = tpu.memref_slice %arg4[%add3A_692, %mul3A_2, %dma_start3A_719] : memref<50x4096x128xf32, #tpu.memory_space<hbm>> -> memref<1x128x128xf32, #tpu.memory_space<hbm>>
      %dma_start3A_721 = tpu.memref_squeeze %dma_start3A_720 : memref<1x128x128xf32, #tpu.memory_space<hbm>> -> memref<128x128xf32, #tpu.memory_space<hbm>>
      %dma_start3A_722 = arith.constant 0 : i32
      %dma_start3A_723 = tpu.memref_slice %arg4[%add3A_692, %mul3A_2, %dma_start3A_722] : memref<50x4096x128xf32, #tpu.memory_space<hbm>> -> memref<1x128x128xf32, #tpu.memory_space<hbm>>
      %dma_start3A_724 = tpu.memref_squeeze %dma_start3A_723 : memref<1x128x128xf32, #tpu.memory_space<hbm>> -> memref<128x128xf32, #tpu.memory_space<hbm>>
      tpu.enqueue_dma source(%arg9 : memref<128x128xf32, #tpu.memory_space<vmem>>) target(%dma_start3A_724 : memref<128x128xf32, #tpu.memory_space<hbm>>) target_semaphore(%arg16 : memref<!tpu.dma_semaphore, #tpu.memory_space<semaphore_mem>>)
      %add3A_725 = arith.constant 7 : i32
      %add3A_726 = arith.addi %add3A_486, %add3A_725 : i32
      %dma_wait3A_727 = arith.constant 0 : i32
      %dma_wait3A_728 = tpu.memref_slice %arg4[%add3A_726, %mul3A_2, %dma_wait3A_727] : memref<50x4096x128xf32, #tpu.memory_space<hbm>> -> memref<1x128x128xf32, #tpu.memory_space<hbm>>
      %dma_wait3A_729 = tpu.memref_squeeze %dma_wait3A_728 : memref<1x128x128xf32, #tpu.memory_space<hbm>> -> memref<128x128xf32, #tpu.memory_space<hbm>>
      %dma_wait3A_730 = arith.constant 0 : i32
      %dma_wait3A_731 = tpu.memref_slice %arg4[%add3A_726, %mul3A_2, %dma_wait3A_730] : memref<50x4096x128xf32, #tpu.memory_space<hbm>> -> memref<1x128x128xf32, #tpu.memory_space<hbm>>
      %dma_wait3A_732 = tpu.memref_squeeze %dma_wait3A_731 : memref<1x128x128xf32, #tpu.memory_space<hbm>> -> memref<128x128xf32, #tpu.memory_space<hbm>>
      tpu.wait_dma2 semaphore(%arg19 : memref<!tpu.dma_semaphore, #tpu.memory_space<semaphore_mem>>) src(%arg12 : memref<128x128xf32, #tpu.memory_space<vmem>>) dst(%dma_wait3A_732 : memref<128x128xf32, #tpu.memory_space<hbm>>)
      %add3A_733 = arith.constant 2 : i32
      %add3A_734 = arith.addi %add3A_726, %add3A_733 : i32
      %dma_start3A_735 = arith.constant 0 : i32
      %dma_start3A_736 = tpu.memref_slice %arg5[%add3A_734, %dma_start3A_735] : memref<50x128xi32, #tpu.memory_space<vmem>> -> memref<1x128xi32, #tpu.memory_space<vmem>>
      %dma_start3A_737 = tpu.memref_squeeze %dma_start3A_736 : memref<1x128xi32, #tpu.memory_space<vmem>> -> memref<128xi32, #tpu.memory_space<vmem>>
      %dma_start3A_738 = arith.constant 0 : i32
      %dma_start3A_739 = arith.constant 0 : i32
      %dma_start3A_740 = tpu.memref_slice %arg3[%dma_start3A_738, %dma_start3A_739] : memref<100000x128xf32, #tpu.memory_space<hbm>> -> memref<100000x128xf32, #tpu.memory_space<hbm>>
      tpu.enqueue_indirect_dma source(%dma_start3A_740 : memref<100000x128xf32, #tpu.memory_space<hbm>>) target(%arg8 : memref<128x128xf32, #tpu.memory_space<vmem>>) offsets(%dma_start3A_737 : memref<128xi32, #tpu.memory_space<vmem>>) semaphore(%arg15 : memref<!tpu.dma_semaphore, #tpu.memory_space<semaphore_mem>>)
      %dma_wait3A_741 = arith.constant 0 : i32
      %dma_wait3A_742 = tpu.memref_slice %arg5[%add3A_726, %dma_wait3A_741] : memref<50x128xi32, #tpu.memory_space<vmem>> -> memref<1x128xi32, #tpu.memory_space<vmem>>
      %dma_wait3A_743 = tpu.memref_squeeze %dma_wait3A_742 : memref<1x128xi32, #tpu.memory_space<vmem>> -> memref<128xi32, #tpu.memory_space<vmem>>
      %dma_wait3A_744 = arith.constant 0 : i32
      %dma_wait3A_745 = arith.constant 0 : i32
      %dma_wait3A_746 = tpu.memref_slice %arg3[%dma_wait3A_744, %dma_wait3A_745] : memref<100000x128xf32, #tpu.memory_space<hbm>> -> memref<100000x128xf32, #tpu.memory_space<hbm>>
      tpu.wait_indirect_dma semaphore(%arg13 : memref<!tpu.dma_semaphore, #tpu.memory_space<semaphore_mem>>) src(%dma_wait3A_746 : memref<100000x128xf32, #tpu.memory_space<hbm>>) dst(%arg6 : memref<128x128xf32, #tpu.memory_space<vmem>>)
      %scan3A_747 = arith.constant 0 : i32
      %scan3A_748 = arith.constant 0 : i32
      %scan3A_749 = arith.constant 128 : i32
      %scan3A_750 = arith.addi %scan3A_748, %scan3A_749 : i32
      %scan3A_751 = arith.constant 1 : i32
      scf.for %scan3A_895 = %scan3A_748 to %scan3A_750 step %scan3A_751  : i32 {
        %get3A = arith.index_cast %scan3A_895 : i32 to index
        %get3A_896 = arith.constant 0 : index
        %get3A_897 = tpu.vector_load %arg6[%get3A, %get3A_896] {strides = array<i32>} : memref<128x128xf32, #tpu.memory_space<vmem>>, vector<1x16xf32>,
        %get3A_898 = vector.shape_cast %get3A_897 : vector<1x16xf32> to vector<16xf32>
        %mul3A_899 = arith.constant 11.3137083 : f32
        %mul3A_900 = vector.broadcast %mul3A_899 : f32 to vector<16xf32>
        %mul3A_901 = arith.mulf %get3A_898, %mul3A_900 : vector<16xf32>
        %swap3A = arith.index_cast %scan3A_895 : i32 to index
        %swap3A_902 = arith.constant 0 : index
        %swap3A_903 = tpu.vector_load %arg10[%swap3A, %swap3A_902] {strides = array<i32>} : memref<128x128xf32, #tpu.memory_space<vmem>>, vector<1x16xf32>,
        %swap3A_904 = vector.shape_cast %swap3A_903 : vector<1x16xf32> to vector<16xf32>
        %swap3A_905 = vector.shape_cast %mul3A_901 : vector<16xf32> to vector<1x16xf32>
        tpu.vector_store %arg10[%swap3A, %swap3A_902], %swap3A_905 {strides = array<i32>} : memref<128x128xf32, #tpu.memory_space<vmem>>, vector<1x16xf32>,
        %get3A_906 = arith.index_cast %scan3A_895 : i32 to index
        %get3A_907 = arith.constant 16 : index
        %get3A_908 = tpu.vector_load %arg6[%get3A_906, %get3A_907] {strides = array<i32>} : memref<128x128xf32, #tpu.memory_space<vmem>>, vector<1x16xf32>,
        %get3A_909 = vector.shape_cast %get3A_908 : vector<1x16xf32> to vector<16xf32>
        %mul3A_910 = arith.constant 11.3137083 : f32
        %mul3A_911 = vector.broadcast %mul3A_910 : f32 to vector<16xf32>
        %mul3A_912 = arith.mulf %get3A_909, %mul3A_911 : vector<16xf32>
        %swap3A_913 = arith.index_cast %scan3A_895 : i32 to index
        %swap3A_914 = arith.constant 16 : index
        %swap3A_915 = tpu.vector_load %arg10[%swap3A_913, %swap3A_914] {strides = array<i32>} : memref<128x128xf32, #tpu.memory_space<vmem>>, vector<1x16xf32>,
        %swap3A_916 = vector.shape_cast %swap3A_915 : vector<1x16xf32> to vector<16xf32>
        %swap3A_917 = vector.shape_cast %mul3A_912 : vector<16xf32> to vector<1x16xf32>
        tpu.vector_store %arg10[%swap3A_913, %swap3A_914], %swap3A_917 {strides = array<i32>} : memref<128x128xf32, #tpu.memory_space<vmem>>, vector<1x16xf32>,
        %get3A_918 = arith.index_cast %scan3A_895 : i32 to index
        %get3A_919 = arith.constant 32 : index
        %get3A_920 = tpu.vector_load %arg6[%get3A_918, %get3A_919] {strides = array<i32>} : memref<128x128xf32, #tpu.memory_space<vmem>>, vector<1x16xf32>,
        %get3A_921 = vector.shape_cast %get3A_920 : vector<1x16xf32> to vector<16xf32>
        %mul3A_922 = arith.constant 11.3137083 : f32
        %mul3A_923 = vector.broadcast %mul3A_922 : f32 to vector<16xf32>
        %mul3A_924 = arith.mulf %get3A_921, %mul3A_923 : vector<16xf32>
        %swap3A_925 = arith.index_cast %scan3A_895 : i32 to index
        %swap3A_926 = arith.constant 32 : index
        %swap3A_927 = tpu.vector_load %arg10[%swap3A_925, %swap3A_926] {strides = array<i32>} : memref<128x128xf32, #tpu.memory_space<vmem>>, vector<1x16xf32>,
        %swap3A_928 = vector.shape_cast %swap3A_927 : vector<1x16xf32> to vector<16xf32>
        %swap3A_929 = vector.shape_cast %mul3A_924 : vector<16xf32> to vector<1x16xf32>
        tpu.vector_store %arg10[%swap3A_925, %swap3A_926], %swap3A_929 {strides = array<i32>} : memref<128x128xf32, #tpu.memory_space<vmem>>, vector<1x16xf32>,
        %get3A_930 = arith.index_cast %scan3A_895 : i32 to index
        %get3A_931 = arith.constant 48 : index
        %get3A_932 = tpu.vector_load %arg6[%get3A_930, %get3A_931] {strides = array<i32>} : memref<128x128xf32, #tpu.memory_space<vmem>>, vector<1x16xf32>,
        %get3A_933 = vector.shape_cast %get3A_932 : vector<1x16xf32> to vector<16xf32>
        %mul3A_934 = arith.constant 11.3137083 : f32
        %mul3A_935 = vector.broadcast %mul3A_934 : f32 to vector<16xf32>
        %mul3A_936 = arith.mulf %get3A_933, %mul3A_935 : vector<16xf32>
        %swap3A_937 = arith.index_cast %scan3A_895 : i32 to index
        %swap3A_938 = arith.constant 48 : index
        %swap3A_939 = tpu.vector_load %arg10[%swap3A_937, %swap3A_938] {strides = array<i32>} : memref<128x128xf32, #tpu.memory_space<vmem>>, vector<1x16xf32>,
        %swap3A_940 = vector.shape_cast %swap3A_939 : vector<1x16xf32> to vector<16xf32>
        %swap3A_941 = vector.shape_cast %mul3A_936 : vector<16xf32> to vector<1x16xf32>
        tpu.vector_store %arg10[%swap3A_937, %swap3A_938], %swap3A_941 {strides = array<i32>} : memref<128x128xf32, #tpu.memory_space<vmem>>, vector<1x16xf32>,
        %get3A_942 = arith.index_cast %scan3A_895 : i32 to index
        %get3A_943 = arith.constant 64 : index
        %get3A_944 = tpu.vector_load %arg6[%get3A_942, %get3A_943] {strides = array<i32>} : memref<128x128xf32, #tpu.memory_space<vmem>>, vector<1x16xf32>,
        %get3A_945 = vector.shape_cast %get3A_944 : vector<1x16xf32> to vector<16xf32>
        %mul3A_946 = arith.constant 11.3137083 : f32
        %mul3A_947 = vector.broadcast %mul3A_946 : f32 to vector<16xf32>
        %mul3A_948 = arith.mulf %get3A_945, %mul3A_947 : vector<16xf32>
        %swap3A_949 = arith.index_cast %scan3A_895 : i32 to index
        %swap3A_950 = arith.constant 64 : index
        %swap3A_951 = tpu.vector_load %arg10[%swap3A_949, %swap3A_950] {strides = array<i32>} : memref<128x128xf32, #tpu.memory_space<vmem>>, vector<1x16xf32>,
        %swap3A_952 = vector.shape_cast %swap3A_951 : vector<1x16xf32> to vector<16xf32>
        %swap3A_953 = vector.shape_cast %mul3A_948 : vector<16xf32> to vector<1x16xf32>
        tpu.vector_store %arg10[%swap3A_949, %swap3A_950], %swap3A_953 {strides = array<i32>} : memref<128x128xf32, #tpu.memory_space<vmem>>, vector<1x16xf32>,
        %get3A_954 = arith.index_cast %scan3A_895 : i32 to index
        %get3A_955 = arith.constant 80 : index
        %get3A_956 = tpu.vector_load %arg6[%get3A_954, %get3A_955] {strides = array<i32>} : memref<128x128xf32, #tpu.memory_space<vmem>>, vector<1x16xf32>,
        %get3A_957 = vector.shape_cast %get3A_956 : vector<1x16xf32> to vector<16xf32>
        %mul3A_958 = arith.constant 11.3137083 : f32
        %mul3A_959 = vector.broadcast %mul3A_958 : f32 to vector<16xf32>
        %mul3A_960 = arith.mulf %get3A_957, %mul3A_959 : vector<16xf32>
        %swap3A_961 = arith.index_cast %scan3A_895 : i32 to index
        %swap3A_962 = arith.constant 80 : index
        %swap3A_963 = tpu.vector_load %arg10[%swap3A_961, %swap3A_962] {strides = array<i32>} : memref<128x128xf32, #tpu.memory_space<vmem>>, vector<1x16xf32>,
        %swap3A_964 = vector.shape_cast %swap3A_963 : vector<1x16xf32> to vector<16xf32>
        %swap3A_965 = vector.shape_cast %mul3A_960 : vector<16xf32> to vector<1x16xf32>
        tpu.vector_store %arg10[%swap3A_961, %swap3A_962], %swap3A_965 {strides = array<i32>} : memref<128x128xf32, #tpu.memory_space<vmem>>, vector<1x16xf32>,
        %get3A_966 = arith.index_cast %scan3A_895 : i32 to index
        %get3A_967 = arith.constant 96 : index
        %get3A_968 = tpu.vector_load %arg6[%get3A_966, %get3A_967] {strides = array<i32>} : memref<128x128xf32, #tpu.memory_space<vmem>>, vector<1x16xf32>,
        %get3A_969 = vector.shape_cast %get3A_968 : vector<1x16xf32> to vector<16xf32>
        %mul3A_970 = arith.constant 11.3137083 : f32
        %mul3A_971 = vector.broadcast %mul3A_970 : f32 to vector<16xf32>
        %mul3A_972 = arith.mulf %get3A_969, %mul3A_971 : vector<16xf32>
        %swap3A_973 = arith.index_cast %scan3A_895 : i32 to index
        %swap3A_974 = arith.constant 96 : index
        %swap3A_975 = tpu.vector_load %arg10[%swap3A_973, %swap3A_974] {strides = array<i32>} : memref<128x128xf32, #tpu.memory_space<vmem>>, vector<1x16xf32>,
        %swap3A_976 = vector.shape_cast %swap3A_975 : vector<1x16xf32> to vector<16xf32>
        %swap3A_977 = vector.shape_cast %mul3A_972 : vector<16xf32> to vector<1x16xf32>
        tpu.vector_store %arg10[%swap3A_973, %swap3A_974], %swap3A_977 {strides = array<i32>} : memref<128x128xf32, #tpu.memory_space<vmem>>, vector<1x16xf32>,
        %get3A_978 = arith.index_cast %scan3A_895 : i32 to index
        %get3A_979 = arith.constant 112 : index
        %get3A_980 = tpu.vector_load %arg6[%get3A_978, %get3A_979] {strides = array<i32>} : memref<128x128xf32, #tpu.memory_space<vmem>>, vector<1x16xf32>,
        %get3A_981 = vector.shape_cast %get3A_980 : vector<1x16xf32> to vector<16xf32>
        %mul3A_982 = arith.constant 11.3137083 : f32
        %mul3A_983 = vector.broadcast %mul3A_982 : f32 to vector<16xf32>
        %mul3A_984 = arith.mulf %get3A_981, %mul3A_983 : vector<16xf32>
        %swap3A_985 = arith.index_cast %scan3A_895 : i32 to index
        %swap3A_986 = arith.constant 112 : index
        %swap3A_987 = tpu.vector_load %arg10[%swap3A_985, %swap3A_986] {strides = array<i32>} : memref<128x128xf32, #tpu.memory_space<vmem>>, vector<1x16xf32>,
        %swap3A_988 = vector.shape_cast %swap3A_987 : vector<1x16xf32> to vector<16xf32>
        %swap3A_989 = vector.shape_cast %mul3A_984 : vector<16xf32> to vector<1x16xf32>
        tpu.vector_store %arg10[%swap3A_985, %swap3A_986], %swap3A_989 {strides = array<i32>} : memref<128x128xf32, #tpu.memory_space<vmem>>, vector<1x16xf32>,
      }
      %scan3A_752 = arith.constant 128 : i32
      %dma_start3A_753 = arith.constant 0 : i32
      %dma_start3A_754 = tpu.memref_slice %arg4[%add3A_726, %mul3A_2, %dma_start3A_753] : memref<50x4096x128xf32, #tpu.memory_space<hbm>> -> memref<1x128x128xf32, #tpu.memory_space<hbm>>
      %dma_start3A_755 = tpu.memref_squeeze %dma_start3A_754 : memref<1x128x128xf32, #tpu.memory_space<hbm>> -> memref<128x128xf32, #tpu.memory_space<hbm>>
      %dma_start3A_756 = arith.constant 0 : i32
      %dma_start3A_757 = tpu.memref_slice %arg4[%add3A_726, %mul3A_2, %dma_start3A_756] : memref<50x4096x128xf32, #tpu.memory_space<hbm>> -> memref<1x128x128xf32, #tpu.memory_space<hbm>>
      %dma_start3A_758 = tpu.memref_squeeze %dma_start3A_757 : memref<1x128x128xf32, #tpu.memory_space<hbm>> -> memref<128x128xf32, #tpu.memory_space<hbm>>
      tpu.enqueue_dma source(%arg10 : memref<128x128xf32, #tpu.memory_space<vmem>>) target(%dma_start3A_758 : memref<128x128xf32, #tpu.memory_space<hbm>>) target_semaphore(%arg17 : memref<!tpu.dma_semaphore, #tpu.memory_space<semaphore_mem>>)
      %add3A_759 = arith.constant 8 : i32
      %add3A_760 = arith.addi %add3A_486, %add3A_759 : i32
      %dma_wait3A_761 = arith.constant 0 : i32
      %dma_wait3A_762 = tpu.memref_slice %arg4[%add3A_760, %mul3A_2, %dma_wait3A_761] : memref<50x4096x128xf32, #tpu.memory_space<hbm>> -> memref<1x128x128xf32, #tpu.memory_space<hbm>>
      %dma_wait3A_763 = tpu.memref_squeeze %dma_wait3A_762 : memref<1x128x128xf32, #tpu.memory_space<hbm>> -> memref<128x128xf32, #tpu.memory_space<hbm>>
      %dma_wait3A_764 = arith.constant 0 : i32
      %dma_wait3A_765 = tpu.memref_slice %arg4[%add3A_760, %mul3A_2, %dma_wait3A_764] : memref<50x4096x128xf32, #tpu.memory_space<hbm>> -> memref<1x128x128xf32, #tpu.memory_space<hbm>>
      %dma_wait3A_766 = tpu.memref_squeeze %dma_wait3A_765 : memref<1x128x128xf32, #tpu.memory_space<hbm>> -> memref<128x128xf32, #tpu.memory_space<hbm>>
      tpu.wait_dma2 semaphore(%arg16 : memref<!tpu.dma_semaphore, #tpu.memory_space<semaphore_mem>>) src(%arg9 : memref<128x128xf32, #tpu.memory_space<vmem>>) dst(%dma_wait3A_766 : memref<128x128xf32, #tpu.memory_space<hbm>>)
      %add3A_767 = arith.constant 2 : i32
      %add3A_768 = arith.addi %add3A_760, %add3A_767 : i32
      %dma_start3A_769 = arith.constant 0 : i32
      %dma_start3A_770 = tpu.memref_slice %arg5[%add3A_768, %dma_start3A_769] : memref<50x128xi32, #tpu.memory_space<vmem>> -> memref<1x128xi32, #tpu.memory_space<vmem>>
      %dma_start3A_771 = tpu.memref_squeeze %dma_start3A_770 : memref<1x128xi32, #tpu.memory_space<vmem>> -> memref<128xi32, #tpu.memory_space<vmem>>
      %dma_start3A_772 = arith.constant 0 : i32
      %dma_start3A_773 = arith.constant 0 : i32
      %dma_start3A_774 = tpu.memref_slice %arg3[%dma_start3A_772, %dma_start3A_773] : memref<100000x128xf32, #tpu.memory_space<hbm>> -> memref<100000x128xf32, #tpu.memory_space<hbm>>
      tpu.enqueue_indirect_dma source(%dma_start3A_774 : memref<100000x128xf32, #tpu.memory_space<hbm>>) target(%arg6 : memref<128x128xf32, #tpu.memory_space<vmem>>) offsets(%dma_start3A_771 : memref<128xi32, #tpu.memory_space<vmem>>) semaphore(%arg13 : memref<!tpu.dma_semaphore, #tpu.memory_space<semaphore_mem>>)
      %dma_wait3A_775 = arith.constant 0 : i32
      %dma_wait3A_776 = tpu.memref_slice %arg5[%add3A_760, %dma_wait3A_775] : memref<50x128xi32, #tpu.memory_space<vmem>> -> memref<1x128xi32, #tpu.memory_space<vmem>>
      %dma_wait3A_777 = tpu.memref_squeeze %dma_wait3A_776 : memref<1x128xi32, #tpu.memory_space<vmem>> -> memref<128xi32, #tpu.memory_space<vmem>>
      %dma_wait3A_778 = arith.constant 0 : i32
      %dma_wait3A_779 = arith.constant 0 : i32
      %dma_wait3A_780 = tpu.memref_slice %arg3[%dma_wait3A_778, %dma_wait3A_779] : memref<100000x128xf32, #tpu.memory_space<hbm>> -> memref<100000x128xf32, #tpu.memory_space<hbm>>
      tpu.wait_indirect_dma semaphore(%arg14 : memref<!tpu.dma_semaphore, #tpu.memory_space<semaphore_mem>>) src(%dma_wait3A_780 : memref<100000x128xf32, #tpu.memory_space<hbm>>) dst(%arg7 : memref<128x128xf32, #tpu.memory_space<vmem>>)
      %scan3A_781 = arith.constant 0 : i32
      %scan3A_782 = arith.constant 0 : i32
      %scan3A_783 = arith.constant 128 : i32
      %scan3A_784 = arith.addi %scan3A_782, %scan3A_783 : i32
      %scan3A_785 = arith.constant 1 : i32
      scf.for %scan3A_895 = %scan3A_782 to %scan3A_784 step %scan3A_785  : i32 {
        %get3A = arith.index_cast %scan3A_895 : i32 to index
        %get3A_896 = arith.constant 0 : index
        %get3A_897 = tpu.vector_load %arg7[%get3A, %get3A_896] {strides = array<i32>} : memref<128x128xf32, #tpu.memory_space<vmem>>, vector<1x16xf32>,
        %get3A_898 = vector.shape_cast %get3A_897 : vector<1x16xf32> to vector<16xf32>
        %mul3A_899 = arith.constant 11.3137083 : f32
        %mul3A_900 = vector.broadcast %mul3A_899 : f32 to vector<16xf32>
        %mul3A_901 = arith.mulf %get3A_898, %mul3A_900 : vector<16xf32>
        %swap3A = arith.index_cast %scan3A_895 : i32 to index
        %swap3A_902 = arith.constant 0 : index
        %swap3A_903 = tpu.vector_load %arg11[%swap3A, %swap3A_902] {strides = array<i32>} : memref<128x128xf32, #tpu.memory_space<vmem>>, vector<1x16xf32>,
        %swap3A_904 = vector.shape_cast %swap3A_903 : vector<1x16xf32> to vector<16xf32>
        %swap3A_905 = vector.shape_cast %mul3A_901 : vector<16xf32> to vector<1x16xf32>
        tpu.vector_store %arg11[%swap3A, %swap3A_902], %swap3A_905 {strides = array<i32>} : memref<128x128xf32, #tpu.memory_space<vmem>>, vector<1x16xf32>,
        %get3A_906 = arith.index_cast %scan3A_895 : i32 to index
        %get3A_907 = arith.constant 16 : index
        %get3A_908 = tpu.vector_load %arg7[%get3A_906, %get3A_907] {strides = array<i32>} : memref<128x128xf32, #tpu.memory_space<vmem>>, vector<1x16xf32>,
        %get3A_909 = vector.shape_cast %get3A_908 : vector<1x16xf32> to vector<16xf32>
        %mul3A_910 = arith.constant 11.3137083 : f32
        %mul3A_911 = vector.broadcast %mul3A_910 : f32 to vector<16xf32>
        %mul3A_912 = arith.mulf %get3A_909, %mul3A_911 : vector<16xf32>
        %swap3A_913 = arith.index_cast %scan3A_895 : i32 to index
        %swap3A_914 = arith.constant 16 : index
        %swap3A_915 = tpu.vector_load %arg11[%swap3A_913, %swap3A_914] {strides = array<i32>} : memref<128x128xf32, #tpu.memory_space<vmem>>, vector<1x16xf32>,
        %swap3A_916 = vector.shape_cast %swap3A_915 : vector<1x16xf32> to vector<16xf32>
        %swap3A_917 = vector.shape_cast %mul3A_912 : vector<16xf32> to vector<1x16xf32>
        tpu.vector_store %arg11[%swap3A_913, %swap3A_914], %swap3A_917 {strides = array<i32>} : memref<128x128xf32, #tpu.memory_space<vmem>>, vector<1x16xf32>,
        %get3A_918 = arith.index_cast %scan3A_895 : i32 to index
        %get3A_919 = arith.constant 32 : index
        %get3A_920 = tpu.vector_load %arg7[%get3A_918, %get3A_919] {strides = array<i32>} : memref<128x128xf32, #tpu.memory_space<vmem>>, vector<1x16xf32>,
        %get3A_921 = vector.shape_cast %get3A_920 : vector<1x16xf32> to vector<16xf32>
        %mul3A_922 = arith.constant 11.3137083 : f32
        %mul3A_923 = vector.broadcast %mul3A_922 : f32 to vector<16xf32>
        %mul3A_924 = arith.mulf %get3A_921, %mul3A_923 : vector<16xf32>
        %swap3A_925 = arith.index_cast %scan3A_895 : i32 to index
        %swap3A_926 = arith.constant 32 : index
        %swap3A_927 = tpu.vector_load %arg11[%swap3A_925, %swap3A_926] {strides = array<i32>} : memref<128x128xf32, #tpu.memory_space<vmem>>, vector<1x16xf32>,
        %swap3A_928 = vector.shape_cast %swap3A_927 : vector<1x16xf32> to vector<16xf32>
        %swap3A_929 = vector.shape_cast %mul3A_924 : vector<16xf32> to vector<1x16xf32>
        tpu.vector_store %arg11[%swap3A_925, %swap3A_926], %swap3A_929 {strides = array<i32>} : memref<128x128xf32, #tpu.memory_space<vmem>>, vector<1x16xf32>,
        %get3A_930 = arith.index_cast %scan3A_895 : i32 to index
        %get3A_931 = arith.constant 48 : index
        %get3A_932 = tpu.vector_load %arg7[%get3A_930, %get3A_931] {strides = array<i32>} : memref<128x128xf32, #tpu.memory_space<vmem>>, vector<1x16xf32>,
        %get3A_933 = vector.shape_cast %get3A_932 : vector<1x16xf32> to vector<16xf32>
        %mul3A_934 = arith.constant 11.3137083 : f32
        %mul3A_935 = vector.broadcast %mul3A_934 : f32 to vector<16xf32>
        %mul3A_936 = arith.mulf %get3A_933, %mul3A_935 : vector<16xf32>
        %swap3A_937 = arith.index_cast %scan3A_895 : i32 to index
        %swap3A_938 = arith.constant 48 : index
        %swap3A_939 = tpu.vector_load %arg11[%swap3A_937, %swap3A_938] {strides = array<i32>} : memref<128x128xf32, #tpu.memory_space<vmem>>, vector<1x16xf32>,
        %swap3A_940 = vector.shape_cast %swap3A_939 : vector<1x16xf32> to vector<16xf32>
        %swap3A_941 = vector.shape_cast %mul3A_936 : vector<16xf32> to vector<1x16xf32>
        tpu.vector_store %arg11[%swap3A_937, %swap3A_938], %swap3A_941 {strides = array<i32>} : memref<128x128xf32, #tpu.memory_space<vmem>>, vector<1x16xf32>,
        %get3A_942 = arith.index_cast %scan3A_895 : i32 to index
        %get3A_943 = arith.constant 64 : index
        %get3A_944 = tpu.vector_load %arg7[%get3A_942, %get3A_943] {strides = array<i32>} : memref<128x128xf32, #tpu.memory_space<vmem>>, vector<1x16xf32>,
        %get3A_945 = vector.shape_cast %get3A_944 : vector<1x16xf32> to vector<16xf32>
        %mul3A_946 = arith.constant 11.3137083 : f32
        %mul3A_947 = vector.broadcast %mul3A_946 : f32 to vector<16xf32>
        %mul3A_948 = arith.mulf %get3A_945, %mul3A_947 : vector<16xf32>
        %swap3A_949 = arith.index_cast %scan3A_895 : i32 to index
        %swap3A_950 = arith.constant 64 : index
        %swap3A_951 = tpu.vector_load %arg11[%swap3A_949, %swap3A_950] {strides = array<i32>} : memref<128x128xf32, #tpu.memory_space<vmem>>, vector<1x16xf32>,
        %swap3A_952 = vector.shape_cast %swap3A_951 : vector<1x16xf32> to vector<16xf32>
        %swap3A_953 = vector.shape_cast %mul3A_948 : vector<16xf32> to vector<1x16xf32>
        tpu.vector_store %arg11[%swap3A_949, %swap3A_950], %swap3A_953 {strides = array<i32>} : memref<128x128xf32, #tpu.memory_space<vmem>>, vector<1x16xf32>,
        %get3A_954 = arith.index_cast %scan3A_895 : i32 to index
        %get3A_955 = arith.constant 80 : index
        %get3A_956 = tpu.vector_load %arg7[%get3A_954, %get3A_955] {strides = array<i32>} : memref<128x128xf32, #tpu.memory_space<vmem>>, vector<1x16xf32>,
        %get3A_957 = vector.shape_cast %get3A_956 : vector<1x16xf32> to vector<16xf32>
        %mul3A_958 = arith.constant 11.3137083 : f32
        %mul3A_959 = vector.broadcast %mul3A_958 : f32 to vector<16xf32>
        %mul3A_960 = arith.mulf %get3A_957, %mul3A_959 : vector<16xf32>
        %swap3A_961 = arith.index_cast %scan3A_895 : i32 to index
        %swap3A_962 = arith.constant 80 : index
        %swap3A_963 = tpu.vector_load %arg11[%swap3A_961, %swap3A_962] {strides = array<i32>} : memref<128x128xf32, #tpu.memory_space<vmem>>, vector<1x16xf32>,
        %swap3A_964 = vector.shape_cast %swap3A_963 : vector<1x16xf32> to vector<16xf32>
        %swap3A_965 = vector.shape_cast %mul3A_960 : vector<16xf32> to vector<1x16xf32>
        tpu.vector_store %arg11[%swap3A_961, %swap3A_962], %swap3A_965 {strides = array<i32>} : memref<128x128xf32, #tpu.memory_space<vmem>>, vector<1x16xf32>,
        %get3A_966 = arith.index_cast %scan3A_895 : i32 to index
        %get3A_967 = arith.constant 96 : index
        %get3A_968 = tpu.vector_load %arg7[%get3A_966, %get3A_967] {strides = array<i32>} : memref<128x128xf32, #tpu.memory_space<vmem>>, vector<1x16xf32>,
        %get3A_969 = vector.shape_cast %get3A_968 : vector<1x16xf32> to vector<16xf32>
        %mul3A_970 = arith.constant 11.3137083 : f32
        %mul3A_971 = vector.broadcast %mul3A_970 : f32 to vector<16xf32>
        %mul3A_972 = arith.mulf %get3A_969, %mul3A_971 : vector<16xf32>
        %swap3A_973 = arith.index_cast %scan3A_895 : i32 to index
        %swap3A_974 = arith.constant 96 : index
        %swap3A_975 = tpu.vector_load %arg11[%swap3A_973, %swap3A_974] {strides = array<i32>} : memref<128x128xf32, #tpu.memory_space<vmem>>, vector<1x16xf32>,
        %swap3A_976 = vector.shape_cast %swap3A_975 : vector<1x16xf32> to vector<16xf32>
        %swap3A_977 = vector.shape_cast %mul3A_972 : vector<16xf32> to vector<1x16xf32>
        tpu.vector_store %arg11[%swap3A_973, %swap3A_974], %swap3A_977 {strides = array<i32>} : memref<128x128xf32, #tpu.memory_space<vmem>>, vector<1x16xf32>,
        %get3A_978 = arith.index_cast %scan3A_895 : i32 to index
        %get3A_979 = arith.constant 112 : index
        %get3A_980 = tpu.vector_load %arg7[%get3A_978, %get3A_979] {strides = array<i32>} : memref<128x128xf32, #tpu.memory_space<vmem>>, vector<1x16xf32>,
        %get3A_981 = vector.shape_cast %get3A_980 : vector<1x16xf32> to vector<16xf32>
        %mul3A_982 = arith.constant 11.3137083 : f32
        %mul3A_983 = vector.broadcast %mul3A_982 : f32 to vector<16xf32>
        %mul3A_984 = arith.mulf %get3A_981, %mul3A_983 : vector<16xf32>
        %swap3A_985 = arith.index_cast %scan3A_895 : i32 to index
        %swap3A_986 = arith.constant 112 : index
        %swap3A_987 = tpu.vector_load %arg11[%swap3A_985, %swap3A_986] {strides = array<i32>} : memref<128x128xf32, #tpu.memory_space<vmem>>, vector<1x16xf32>,
        %swap3A_988 = vector.shape_cast %swap3A_987 : vector<1x16xf32> to vector<16xf32>
        %swap3A_989 = vector.shape_cast %mul3A_984 : vector<16xf32> to vector<1x16xf32>
        tpu.vector_store %arg11[%swap3A_985, %swap3A_986], %swap3A_989 {strides = array<i32>} : memref<128x128xf32, #tpu.memory_space<vmem>>, vector<1x16xf32>,
      }
      %scan3A_786 = arith.constant 128 : i32
      %dma_start3A_787 = arith.constant 0 : i32
      %dma_start3A_788 = tpu.memref_slice %arg4[%add3A_760, %mul3A_2, %dma_start3A_787] : memref<50x4096x128xf32, #tpu.memory_space<hbm>> -> memref<1x128x128xf32, #tpu.memory_space<hbm>>
      %dma_start3A_789 = tpu.memref_squeeze %dma_start3A_788 : memref<1x128x128xf32, #tpu.memory_space<hbm>> -> memref<128x128xf32, #tpu.memory_space<hbm>>
      %dma_start3A_790 = arith.constant 0 : i32
      %dma_start3A_791 = tpu.memref_slice %arg4[%add3A_760, %mul3A_2, %dma_start3A_790] : memref<50x4096x128xf32, #tpu.memory_space<hbm>> -> memref<1x128x128xf32, #tpu.memory_space<hbm>>
      %dma_start3A_792 = tpu.memref_squeeze %dma_start3A_791 : memref<1x128x128xf32, #tpu.memory_space<hbm>> -> memref<128x128xf32, #tpu.memory_space<hbm>>
      tpu.enqueue_dma source(%arg11 : memref<128x128xf32, #tpu.memory_space<vmem>>) target(%dma_start3A_792 : memref<128x128xf32, #tpu.memory_space<hbm>>) target_semaphore(%arg18 : memref<!tpu.dma_semaphore, #tpu.memory_space<semaphore_mem>>)
      %add3A_793 = arith.constant 9 : i32
      %add3A_794 = arith.addi %add3A_486, %add3A_793 : i32
      %dma_wait3A_795 = arith.constant 0 : i32
      %dma_wait3A_796 = tpu.memref_slice %arg4[%add3A_794, %mul3A_2, %dma_wait3A_795] : memref<50x4096x128xf32, #tpu.memory_space<hbm>> -> memref<1x128x128xf32, #tpu.memory_space<hbm>>
      %dma_wait3A_797 = tpu.memref_squeeze %dma_wait3A_796 : memref<1x128x128xf32, #tpu.memory_space<hbm>> -> memref<128x128xf32, #tpu.memory_space<hbm>>
      %dma_wait3A_798 = arith.constant 0 : i32
      %dma_wait3A_799 = tpu.memref_slice %arg4[%add3A_794, %mul3A_2, %dma_wait3A_798] : memref<50x4096x128xf32, #tpu.memory_space<hbm>> -> memref<1x128x128xf32, #tpu.memory_space<hbm>>
      %dma_wait3A_800 = tpu.memref_squeeze %dma_wait3A_799 : memref<1x128x128xf32, #tpu.memory_space<hbm>> -> memref<128x128xf32, #tpu.memory_space<hbm>>
      tpu.wait_dma2 semaphore(%arg17 : memref<!tpu.dma_semaphore, #tpu.memory_space<semaphore_mem>>) src(%arg10 : memref<128x128xf32, #tpu.memory_space<vmem>>) dst(%dma_wait3A_800 : memref<128x128xf32, #tpu.memory_space<hbm>>)
      %add3A_801 = arith.constant 2 : i32
      %add3A_802 = arith.addi %add3A_794, %add3A_801 : i32
      %dma_start3A_803 = arith.constant 0 : i32
      %dma_start3A_804 = tpu.memref_slice %arg5[%add3A_802, %dma_start3A_803] : memref<50x128xi32, #tpu.memory_space<vmem>> -> memref<1x128xi32, #tpu.memory_space<vmem>>
      %dma_start3A_805 = tpu.memref_squeeze %dma_start3A_804 : memref<1x128xi32, #tpu.memory_space<vmem>> -> memref<128xi32, #tpu.memory_space<vmem>>
      %dma_start3A_806 = arith.constant 0 : i32
      %dma_start3A_807 = arith.constant 0 : i32
      %dma_start3A_808 = tpu.memref_slice %arg3[%dma_start3A_806, %dma_start3A_807] : memref<100000x128xf32, #tpu.memory_space<hbm>> -> memref<100000x128xf32, #tpu.memory_space<hbm>>
      tpu.enqueue_indirect_dma source(%dma_start3A_808 : memref<100000x128xf32, #tpu.memory_space<hbm>>) target(%arg7 : memref<128x128xf32, #tpu.memory_space<vmem>>) offsets(%dma_start3A_805 : memref<128xi32, #tpu.memory_space<vmem>>) semaphore(%arg14 : memref<!tpu.dma_semaphore, #tpu.memory_space<semaphore_mem>>)
      %dma_wait3A_809 = arith.constant 0 : i32
      %dma_wait3A_810 = tpu.memref_slice %arg5[%add3A_794, %dma_wait3A_809] : memref<50x128xi32, #tpu.memory_space<vmem>> -> memref<1x128xi32, #tpu.memory_space<vmem>>
      %dma_wait3A_811 = tpu.memref_squeeze %dma_wait3A_810 : memref<1x128xi32, #tpu.memory_space<vmem>> -> memref<128xi32, #tpu.memory_space<vmem>>
      %dma_wait3A_812 = arith.constant 0 : i32
      %dma_wait3A_813 = arith.constant 0 : i32
      %dma_wait3A_814 = tpu.memref_slice %arg3[%dma_wait3A_812, %dma_wait3A_813] : memref<100000x128xf32, #tpu.memory_space<hbm>> -> memref<100000x128xf32, #tpu.memory_space<hbm>>
      tpu.wait_indirect_dma semaphore(%arg15 : memref<!tpu.dma_semaphore, #tpu.memory_space<semaphore_mem>>) src(%dma_wait3A_814 : memref<100000x128xf32, #tpu.memory_space<hbm>>) dst(%arg8 : memref<128x128xf32, #tpu.memory_space<vmem>>)
      %scan3A_815 = arith.constant 0 : i32
      %scan3A_816 = arith.constant 0 : i32
      %scan3A_817 = arith.constant 128 : i32
      %scan3A_818 = arith.addi %scan3A_816, %scan3A_817 : i32
      %scan3A_819 = arith.constant 1 : i32
      scf.for %scan3A_895 = %scan3A_816 to %scan3A_818 step %scan3A_819  : i32 {
        %get3A = arith.index_cast %scan3A_895 : i32 to index
        %get3A_896 = arith.constant 0 : index
        %get3A_897 = tpu.vector_load %arg8[%get3A, %get3A_896] {strides = array<i32>} : memref<128x128xf32, #tpu.memory_space<vmem>>, vector<1x16xf32>,
        %get3A_898 = vector.shape_cast %get3A_897 : vector<1x16xf32> to vector<16xf32>
        %mul3A_899 = arith.constant 11.3137083 : f32
        %mul3A_900 = vector.broadcast %mul3A_899 : f32 to vector<16xf32>
        %mul3A_901 = arith.mulf %get3A_898, %mul3A_900 : vector<16xf32>
        %swap3A = arith.index_cast %scan3A_895 : i32 to index
        %swap3A_902 = arith.constant 0 : index
        %swap3A_903 = tpu.vector_load %arg12[%swap3A, %swap3A_902] {strides = array<i32>} : memref<128x128xf32, #tpu.memory_space<vmem>>, vector<1x16xf32>,
        %swap3A_904 = vector.shape_cast %swap3A_903 : vector<1x16xf32> to vector<16xf32>
        %swap3A_905 = vector.shape_cast %mul3A_901 : vector<16xf32> to vector<1x16xf32>
        tpu.vector_store %arg12[%swap3A, %swap3A_902], %swap3A_905 {strides = array<i32>} : memref<128x128xf32, #tpu.memory_space<vmem>>, vector<1x16xf32>,
        %get3A_906 = arith.index_cast %scan3A_895 : i32 to index
        %get3A_907 = arith.constant 16 : index
        %get3A_908 = tpu.vector_load %arg8[%get3A_906, %get3A_907] {strides = array<i32>} : memref<128x128xf32, #tpu.memory_space<vmem>>, vector<1x16xf32>,
        %get3A_909 = vector.shape_cast %get3A_908 : vector<1x16xf32> to vector<16xf32>
        %mul3A_910 = arith.constant 11.3137083 : f32
        %mul3A_911 = vector.broadcast %mul3A_910 : f32 to vector<16xf32>
        %mul3A_912 = arith.mulf %get3A_909, %mul3A_911 : vector<16xf32>
        %swap3A_913 = arith.index_cast %scan3A_895 : i32 to index
        %swap3A_914 = arith.constant 16 : index
        %swap3A_915 = tpu.vector_load %arg12[%swap3A_913, %swap3A_914] {strides = array<i32>} : memref<128x128xf32, #tpu.memory_space<vmem>>, vector<1x16xf32>,
        %swap3A_916 = vector.shape_cast %swap3A_915 : vector<1x16xf32> to vector<16xf32>
        %swap3A_917 = vector.shape_cast %mul3A_912 : vector<16xf32> to vector<1x16xf32>
        tpu.vector_store %arg12[%swap3A_913, %swap3A_914], %swap3A_917 {strides = array<i32>} : memref<128x128xf32, #tpu.memory_space<vmem>>, vector<1x16xf32>,
        %get3A_918 = arith.index_cast %scan3A_895 : i32 to index
        %get3A_919 = arith.constant 32 : index
        %get3A_920 = tpu.vector_load %arg8[%get3A_918, %get3A_919] {strides = array<i32>} : memref<128x128xf32, #tpu.memory_space<vmem>>, vector<1x16xf32>,
        %get3A_921 = vector.shape_cast %get3A_920 : vector<1x16xf32> to vector<16xf32>
        %mul3A_922 = arith.constant 11.3137083 : f32
        %mul3A_923 = vector.broadcast %mul3A_922 : f32 to vector<16xf32>
        %mul3A_924 = arith.mulf %get3A_921, %mul3A_923 : vector<16xf32>
        %swap3A_925 = arith.index_cast %scan3A_895 : i32 to index
        %swap3A_926 = arith.constant 32 : index
        %swap3A_927 = tpu.vector_load %arg12[%swap3A_925, %swap3A_926] {strides = array<i32>} : memref<128x128xf32, #tpu.memory_space<vmem>>, vector<1x16xf32>,
        %swap3A_928 = vector.shape_cast %swap3A_927 : vector<1x16xf32> to vector<16xf32>
        %swap3A_929 = vector.shape_cast %mul3A_924 : vector<16xf32> to vector<1x16xf32>
        tpu.vector_store %arg12[%swap3A_925, %swap3A_926], %swap3A_929 {strides = array<i32>} : memref<128x128xf32, #tpu.memory_space<vmem>>, vector<1x16xf32>,
        %get3A_930 = arith.index_cast %scan3A_895 : i32 to index
        %get3A_931 = arith.constant 48 : index
        %get3A_932 = tpu.vector_load %arg8[%get3A_930, %get3A_931] {strides = array<i32>} : memref<128x128xf32, #tpu.memory_space<vmem>>, vector<1x16xf32>,
        %get3A_933 = vector.shape_cast %get3A_932 : vector<1x16xf32> to vector<16xf32>
        %mul3A_934 = arith.constant 11.3137083 : f32
        %mul3A_935 = vector.broadcast %mul3A_934 : f32 to vector<16xf32>
        %mul3A_936 = arith.mulf %get3A_933, %mul3A_935 : vector<16xf32>
        %swap3A_937 = arith.index_cast %scan3A_895 : i32 to index
        %swap3A_938 = arith.constant 48 : index
        %swap3A_939 = tpu.vector_load %arg12[%swap3A_937, %swap3A_938] {strides = array<i32>} : memref<128x128xf32, #tpu.memory_space<vmem>>, vector<1x16xf32>,
        %swap3A_940 = vector.shape_cast %swap3A_939 : vector<1x16xf32> to vector<16xf32>
        %swap3A_941 = vector.shape_cast %mul3A_936 : vector<16xf32> to vector<1x16xf32>
        tpu.vector_store %arg12[%swap3A_937, %swap3A_938], %swap3A_941 {strides = array<i32>} : memref<128x128xf32, #tpu.memory_space<vmem>>, vector<1x16xf32>,
        %get3A_942 = arith.index_cast %scan3A_895 : i32 to index
        %get3A_943 = arith.constant 64 : index
        %get3A_944 = tpu.vector_load %arg8[%get3A_942, %get3A_943] {strides = array<i32>} : memref<128x128xf32, #tpu.memory_space<vmem>>, vector<1x16xf32>,
        %get3A_945 = vector.shape_cast %get3A_944 : vector<1x16xf32> to vector<16xf32>
        %mul3A_946 = arith.constant 11.3137083 : f32
        %mul3A_947 = vector.broadcast %mul3A_946 : f32 to vector<16xf32>
        %mul3A_948 = arith.mulf %get3A_945, %mul3A_947 : vector<16xf32>
        %swap3A_949 = arith.index_cast %scan3A_895 : i32 to index
        %swap3A_950 = arith.constant 64 : index
        %swap3A_951 = tpu.vector_load %arg12[%swap3A_949, %swap3A_950] {strides = array<i32>} : memref<128x128xf32, #tpu.memory_space<vmem>>, vector<1x16xf32>,
        %swap3A_952 = vector.shape_cast %swap3A_951 : vector<1x16xf32> to vector<16xf32>
        %swap3A_953 = vector.shape_cast %mul3A_948 : vector<16xf32> to vector<1x16xf32>
        tpu.vector_store %arg12[%swap3A_949, %swap3A_950], %swap3A_953 {strides = array<i32>} : memref<128x128xf32, #tpu.memory_space<vmem>>, vector<1x16xf32>,
        %get3A_954 = arith.index_cast %scan3A_895 : i32 to index
        %get3A_955 = arith.constant 80 : index
        %get3A_956 = tpu.vector_load %arg8[%get3A_954, %get3A_955] {strides = array<i32>} : memref<128x128xf32, #tpu.memory_space<vmem>>, vector<1x16xf32>,
        %get3A_957 = vector.shape_cast %get3A_956 : vector<1x16xf32> to vector<16xf32>
        %mul3A_958 = arith.constant 11.3137083 : f32
        %mul3A_959 = vector.broadcast %mul3A_958 : f32 to vector<16xf32>
        %mul3A_960 = arith.mulf %get3A_957, %mul3A_959 : vector<16xf32>
        %swap3A_961 = arith.index_cast %scan3A_895 : i32 to index
        %swap3A_962 = arith.constant 80 : index
        %swap3A_963 = tpu.vector_load %arg12[%swap3A_961, %swap3A_962] {strides = array<i32>} : memref<128x128xf32, #tpu.memory_space<vmem>>, vector<1x16xf32>,
        %swap3A_964 = vector.shape_cast %swap3A_963 : vector<1x16xf32> to vector<16xf32>
        %swap3A_965 = vector.shape_cast %mul3A_960 : vector<16xf32> to vector<1x16xf32>
        tpu.vector_store %arg12[%swap3A_961, %swap3A_962], %swap3A_965 {strides = array<i32>} : memref<128x128xf32, #tpu.memory_space<vmem>>, vector<1x16xf32>,
        %get3A_966 = arith.index_cast %scan3A_895 : i32 to index
        %get3A_967 = arith.constant 96 : index
        %get3A_968 = tpu.vector_load %arg8[%get3A_966, %get3A_967] {strides = array<i32>} : memref<128x128xf32, #tpu.memory_space<vmem>>, vector<1x16xf32>,
        %get3A_969 = vector.shape_cast %get3A_968 : vector<1x16xf32> to vector<16xf32>
        %mul3A_970 = arith.constant 11.3137083 : f32
        %mul3A_971 = vector.broadcast %mul3A_970 : f32 to vector<16xf32>
        %mul3A_972 = arith.mulf %get3A_969, %mul3A_971 : vector<16xf32>
        %swap3A_973 = arith.index_cast %scan3A_895 : i32 to index
        %swap3A_974 = arith.constant 96 : index
        %swap3A_975 = tpu.vector_load %arg12[%swap3A_973, %swap3A_974] {strides = array<i32>} : memref<128x128xf32, #tpu.memory_space<vmem>>, vector<1x16xf32>,
        %swap3A_976 = vector.shape_cast %swap3A_975 : vector<1x16xf32> to vector<16xf32>
        %swap3A_977 = vector.shape_cast %mul3A_972 : vector<16xf32> to vector<1x16xf32>
        tpu.vector_store %arg12[%swap3A_973, %swap3A_974], %swap3A_977 {strides = array<i32>} : memref<128x128xf32, #tpu.memory_space<vmem>>, vector<1x16xf32>,
        %get3A_978 = arith.index_cast %scan3A_895 : i32 to index
        %get3A_979 = arith.constant 112 : index
        %get3A_980 = tpu.vector_load %arg8[%get3A_978, %get3A_979] {strides = array<i32>} : memref<128x128xf32, #tpu.memory_space<vmem>>, vector<1x16xf32>,
        %get3A_981 = vector.shape_cast %get3A_980 : vector<1x16xf32> to vector<16xf32>
        %mul3A_982 = arith.constant 11.3137083 : f32
        %mul3A_983 = vector.broadcast %mul3A_982 : f32 to vector<16xf32>
        %mul3A_984 = arith.mulf %get3A_981, %mul3A_983 : vector<16xf32>
        %swap3A_985 = arith.index_cast %scan3A_895 : i32 to index
        %swap3A_986 = arith.constant 112 : index
        %swap3A_987 = tpu.vector_load %arg12[%swap3A_985, %swap3A_986] {strides = array<i32>} : memref<128x128xf32, #tpu.memory_space<vmem>>, vector<1x16xf32>,
        %swap3A_988 = vector.shape_cast %swap3A_987 : vector<1x16xf32> to vector<16xf32>
        %swap3A_989 = vector.shape_cast %mul3A_984 : vector<16xf32> to vector<1x16xf32>
        tpu.vector_store %arg12[%swap3A_985, %swap3A_986], %swap3A_989 {strides = array<i32>} : memref<128x128xf32, #tpu.memory_space<vmem>>, vector<1x16xf32>,
      }
      %scan3A_820 = arith.constant 128 : i32
      %dma_start3A_821 = arith.constant 0 : i32
      %dma_start3A_822 = tpu.memref_slice %arg4[%add3A_794, %mul3A_2, %dma_start3A_821] : memref<50x4096x128xf32, #tpu.memory_space<hbm>> -> memref<1x128x128xf32, #tpu.memory_space<hbm>>
      %dma_start3A_823 = tpu.memref_squeeze %dma_start3A_822 : memref<1x128x128xf32, #tpu.memory_space<hbm>> -> memref<128x128xf32, #tpu.memory_space<hbm>>
      %dma_start3A_824 = arith.constant 0 : i32
      %dma_start3A_825 = tpu.memref_slice %arg4[%add3A_794, %mul3A_2, %dma_start3A_824] : memref<50x4096x128xf32, #tpu.memory_space<hbm>> -> memref<1x128x128xf32, #tpu.memory_space<hbm>>
      %dma_start3A_826 = tpu.memref_squeeze %dma_start3A_825 : memref<1x128x128xf32, #tpu.memory_space<hbm>> -> memref<128x128xf32, #tpu.memory_space<hbm>>
      tpu.enqueue_dma source(%arg12 : memref<128x128xf32, #tpu.memory_space<vmem>>) target(%dma_start3A_826 : memref<128x128xf32, #tpu.memory_space<hbm>>) target_semaphore(%arg19 : memref<!tpu.dma_semaphore, #tpu.memory_space<semaphore_mem>>)
      %add3A_827 = arith.constant 10 : i32
      %add3A_828 = arith.addi %add3A_486, %add3A_827 : i32
      %dma_wait3A_829 = arith.constant 0 : i32
      %dma_wait3A_830 = tpu.memref_slice %arg4[%add3A_828, %mul3A_2, %dma_wait3A_829] : memref<50x4096x128xf32, #tpu.memory_space<hbm>> -> memref<1x128x128xf32, #tpu.memory_space<hbm>>
      %dma_wait3A_831 = tpu.memref_squeeze %dma_wait3A_830 : memref<1x128x128xf32, #tpu.memory_space<hbm>> -> memref<128x128xf32, #tpu.memory_space<hbm>>
      %dma_wait3A_832 = arith.constant 0 : i32
      %dma_wait3A_833 = tpu.memref_slice %arg4[%add3A_828, %mul3A_2, %dma_wait3A_832] : memref<50x4096x128xf32, #tpu.memory_space<hbm>> -> memref<1x128x128xf32, #tpu.memory_space<hbm>>
      %dma_wait3A_834 = tpu.memref_squeeze %dma_wait3A_833 : memref<1x128x128xf32, #tpu.memory_space<hbm>> -> memref<128x128xf32, #tpu.memory_space<hbm>>
      tpu.wait_dma2 semaphore(%arg18 : memref<!tpu.dma_semaphore, #tpu.memory_space<semaphore_mem>>) src(%arg11 : memref<128x128xf32, #tpu.memory_space<vmem>>) dst(%dma_wait3A_834 : memref<128x128xf32, #tpu.memory_space<hbm>>)
      %add3A_835 = arith.constant 2 : i32
      %add3A_836 = arith.addi %add3A_828, %add3A_835 : i32
      %dma_start3A_837 = arith.constant 0 : i32
      %dma_start3A_838 = tpu.memref_slice %arg5[%add3A_836, %dma_start3A_837] : memref<50x128xi32, #tpu.memory_space<vmem>> -> memref<1x128xi32, #tpu.memory_space<vmem>>
      %dma_start3A_839 = tpu.memref_squeeze %dma_start3A_838 : memref<1x128xi32, #tpu.memory_space<vmem>> -> memref<128xi32, #tpu.memory_space<vmem>>
      %dma_start3A_840 = arith.constant 0 : i32
      %dma_start3A_841 = arith.constant 0 : i32
      %dma_start3A_842 = tpu.memref_slice %arg3[%dma_start3A_840, %dma_start3A_841] : memref<100000x128xf32, #tpu.memory_space<hbm>> -> memref<100000x128xf32, #tpu.memory_space<hbm>>
      tpu.enqueue_indirect_dma source(%dma_start3A_842 : memref<100000x128xf32, #tpu.memory_space<hbm>>) target(%arg8 : memref<128x128xf32, #tpu.memory_space<vmem>>) offsets(%dma_start3A_839 : memref<128xi32, #tpu.memory_space<vmem>>) semaphore(%arg15 : memref<!tpu.dma_semaphore, #tpu.memory_space<semaphore_mem>>)
      %dma_wait3A_843 = arith.constant 0 : i32
      %dma_wait3A_844 = tpu.memref_slice %arg5[%add3A_828, %dma_wait3A_843] : memref<50x128xi32, #tpu.memory_space<vmem>> -> memref<1x128xi32, #tpu.memory_space<vmem>>
      %dma_wait3A_845 = tpu.memref_squeeze %dma_wait3A_844 : memref<1x128xi32, #tpu.memory_space<vmem>> -> memref<128xi32, #tpu.memory_space<vmem>>
      %dma_wait3A_846 = arith.constant 0 : i32
      %dma_wait3A_847 = arith.constant 0 : i32
      %dma_wait3A_848 = tpu.memref_slice %arg3[%dma_wait3A_846, %dma_wait3A_847] : memref<100000x128xf32, #tpu.memory_space<hbm>> -> memref<100000x128xf32, #tpu.memory_space<hbm>>
      tpu.wait_indirect_dma semaphore(%arg13 : memref<!tpu.dma_semaphore, #tpu.memory_space<semaphore_mem>>) src(%dma_wait3A_848 : memref<100000x128xf32, #tpu.memory_space<hbm>>) dst(%arg6 : memref<128x128xf32, #tpu.memory_space<vmem>>)
      %scan3A_849 = arith.constant 0 : i32
      %scan3A_850 = arith.constant 0 : i32
      %scan3A_851 = arith.constant 128 : i32
      %scan3A_852 = arith.addi %scan3A_850, %scan3A_851 : i32
      %scan3A_853 = arith.constant 1 : i32
      scf.for %scan3A_895 = %scan3A_850 to %scan3A_852 step %scan3A_853  : i32 {
        %get3A = arith.index_cast %scan3A_895 : i32 to index
        %get3A_896 = arith.constant 0 : index
        %get3A_897 = tpu.vector_load %arg6[%get3A, %get3A_896] {strides = array<i32>} : memref<128x128xf32, #tpu.memory_space<vmem>>, vector<1x16xf32>,
        %get3A_898 = vector.shape_cast %get3A_897 : vector<1x16xf32> to vector<16xf32>
        %mul3A_899 = arith.constant 11.3137083 : f32
        %mul3A_900 = vector.broadcast %mul3A_899 : f32 to vector<16xf32>
        %mul3A_901 = arith.mulf %get3A_898, %mul3A_900 : vector<16xf32>
        %swap3A = arith.index_cast %scan3A_895 : i32 to index
        %swap3A_902 = arith.constant 0 : index
        %swap3A_903 = tpu.vector_load %arg9[%swap3A, %swap3A_902] {strides = array<i32>} : memref<128x128xf32, #tpu.memory_space<vmem>>, vector<1x16xf32>,
        %swap3A_904 = vector.shape_cast %swap3A_903 : vector<1x16xf32> to vector<16xf32>
        %swap3A_905 = vector.shape_cast %mul3A_901 : vector<16xf32> to vector<1x16xf32>
        tpu.vector_store %arg9[%swap3A, %swap3A_902], %swap3A_905 {strides = array<i32>} : memref<128x128xf32, #tpu.memory_space<vmem>>, vector<1x16xf32>,
        %get3A_906 = arith.index_cast %scan3A_895 : i32 to index
        %get3A_907 = arith.constant 16 : index
        %get3A_908 = tpu.vector_load %arg6[%get3A_906, %get3A_907] {strides = array<i32>} : memref<128x128xf32, #tpu.memory_space<vmem>>, vector<1x16xf32>,
        %get3A_909 = vector.shape_cast %get3A_908 : vector<1x16xf32> to vector<16xf32>
        %mul3A_910 = arith.constant 11.3137083 : f32
        %mul3A_911 = vector.broadcast %mul3A_910 : f32 to vector<16xf32>
        %mul3A_912 = arith.mulf %get3A_909, %mul3A_911 : vector<16xf32>
        %swap3A_913 = arith.index_cast %scan3A_895 : i32 to index
        %swap3A_914 = arith.constant 16 : index
        %swap3A_915 = tpu.vector_load %arg9[%swap3A_913, %swap3A_914] {strides = array<i32>} : memref<128x128xf32, #tpu.memory_space<vmem>>, vector<1x16xf32>,
        %swap3A_916 = vector.shape_cast %swap3A_915 : vector<1x16xf32> to vector<16xf32>
        %swap3A_917 = vector.shape_cast %mul3A_912 : vector<16xf32> to vector<1x16xf32>
        tpu.vector_store %arg9[%swap3A_913, %swap3A_914], %swap3A_917 {strides = array<i32>} : memref<128x128xf32, #tpu.memory_space<vmem>>, vector<1x16xf32>,
        %get3A_918 = arith.index_cast %scan3A_895 : i32 to index
        %get3A_919 = arith.constant 32 : index
        %get3A_920 = tpu.vector_load %arg6[%get3A_918, %get3A_919] {strides = array<i32>} : memref<128x128xf32, #tpu.memory_space<vmem>>, vector<1x16xf32>,
        %get3A_921 = vector.shape_cast %get3A_920 : vector<1x16xf32> to vector<16xf32>
        %mul3A_922 = arith.constant 11.3137083 : f32
        %mul3A_923 = vector.broadcast %mul3A_922 : f32 to vector<16xf32>
        %mul3A_924 = arith.mulf %get3A_921, %mul3A_923 : vector<16xf32>
        %swap3A_925 = arith.index_cast %scan3A_895 : i32 to index
        %swap3A_926 = arith.constant 32 : index
        %swap3A_927 = tpu.vector_load %arg9[%swap3A_925, %swap3A_926] {strides = array<i32>} : memref<128x128xf32, #tpu.memory_space<vmem>>, vector<1x16xf32>,
        %swap3A_928 = vector.shape_cast %swap3A_927 : vector<1x16xf32> to vector<16xf32>
        %swap3A_929 = vector.shape_cast %mul3A_924 : vector<16xf32> to vector<1x16xf32>
        tpu.vector_store %arg9[%swap3A_925, %swap3A_926], %swap3A_929 {strides = array<i32>} : memref<128x128xf32, #tpu.memory_space<vmem>>, vector<1x16xf32>,
        %get3A_930 = arith.index_cast %scan3A_895 : i32 to index
        %get3A_931 = arith.constant 48 : index
        %get3A_932 = tpu.vector_load %arg6[%get3A_930, %get3A_931] {strides = array<i32>} : memref<128x128xf32, #tpu.memory_space<vmem>>, vector<1x16xf32>,
        %get3A_933 = vector.shape_cast %get3A_932 : vector<1x16xf32> to vector<16xf32>
        %mul3A_934 = arith.constant 11.3137083 : f32
        %mul3A_935 = vector.broadcast %mul3A_934 : f32 to vector<16xf32>
        %mul3A_936 = arith.mulf %get3A_933, %mul3A_935 : vector<16xf32>
        %swap3A_937 = arith.index_cast %scan3A_895 : i32 to index
        %swap3A_938 = arith.constant 48 : index
        %swap3A_939 = tpu.vector_load %arg9[%swap3A_937, %swap3A_938] {strides = array<i32>} : memref<128x128xf32, #tpu.memory_space<vmem>>, vector<1x16xf32>,
        %swap3A_940 = vector.shape_cast %swap3A_939 : vector<1x16xf32> to vector<16xf32>
        %swap3A_941 = vector.shape_cast %mul3A_936 : vector<16xf32> to vector<1x16xf32>
        tpu.vector_store %arg9[%swap3A_937, %swap3A_938], %swap3A_941 {strides = array<i32>} : memref<128x128xf32, #tpu.memory_space<vmem>>, vector<1x16xf32>,
        %get3A_942 = arith.index_cast %scan3A_895 : i32 to index
        %get3A_943 = arith.constant 64 : index
        %get3A_944 = tpu.vector_load %arg6[%get3A_942, %get3A_943] {strides = array<i32>} : memref<128x128xf32, #tpu.memory_space<vmem>>, vector<1x16xf32>,
        %get3A_945 = vector.shape_cast %get3A_944 : vector<1x16xf32> to vector<16xf32>
        %mul3A_946 = arith.constant 11.3137083 : f32
        %mul3A_947 = vector.broadcast %mul3A_946 : f32 to vector<16xf32>
        %mul3A_948 = arith.mulf %get3A_945, %mul3A_947 : vector<16xf32>
        %swap3A_949 = arith.index_cast %scan3A_895 : i32 to index
        %swap3A_950 = arith.constant 64 : index
        %swap3A_951 = tpu.vector_load %arg9[%swap3A_949, %swap3A_950] {strides = array<i32>} : memref<128x128xf32, #tpu.memory_space<vmem>>, vector<1x16xf32>,
        %swap3A_952 = vector.shape_cast %swap3A_951 : vector<1x16xf32> to vector<16xf32>
        %swap3A_953 = vector.shape_cast %mul3A_948 : vector<16xf32> to vector<1x16xf32>
        tpu.vector_store %arg9[%swap3A_949, %swap3A_950], %swap3A_953 {strides = array<i32>} : memref<128x128xf32, #tpu.memory_space<vmem>>, vector<1x16xf32>,
        %get3A_954 = arith.index_cast %scan3A_895 : i32 to index
        %get3A_955 = arith.constant 80 : index
        %get3A_956 = tpu.vector_load %arg6[%get3A_954, %get3A_955] {strides = array<i32>} : memref<128x128xf32, #tpu.memory_space<vmem>>, vector<1x16xf32>,
        %get3A_957 = vector.shape_cast %get3A_956 : vector<1x16xf32> to vector<16xf32>
        %mul3A_958 = arith.constant 11.3137083 : f32
        %mul3A_959 = vector.broadcast %mul3A_958 : f32 to vector<16xf32>
        %mul3A_960 = arith.mulf %get3A_957, %mul3A_959 : vector<16xf32>
        %swap3A_961 = arith.index_cast %scan3A_895 : i32 to index
        %swap3A_962 = arith.constant 80 : index
        %swap3A_963 = tpu.vector_load %arg9[%swap3A_961, %swap3A_962] {strides = array<i32>} : memref<128x128xf32, #tpu.memory_space<vmem>>, vector<1x16xf32>,
        %swap3A_964 = vector.shape_cast %swap3A_963 : vector<1x16xf32> to vector<16xf32>
        %swap3A_965 = vector.shape_cast %mul3A_960 : vector<16xf32> to vector<1x16xf32>
        tpu.vector_store %arg9[%swap3A_961, %swap3A_962], %swap3A_965 {strides = array<i32>} : memref<128x128xf32, #tpu.memory_space<vmem>>, vector<1x16xf32>,
        %get3A_966 = arith.index_cast %scan3A_895 : i32 to index
        %get3A_967 = arith.constant 96 : index
        %get3A_968 = tpu.vector_load %arg6[%get3A_966, %get3A_967] {strides = array<i32>} : memref<128x128xf32, #tpu.memory_space<vmem>>, vector<1x16xf32>,
        %get3A_969 = vector.shape_cast %get3A_968 : vector<1x16xf32> to vector<16xf32>
        %mul3A_970 = arith.constant 11.3137083 : f32
        %mul3A_971 = vector.broadcast %mul3A_970 : f32 to vector<16xf32>
        %mul3A_972 = arith.mulf %get3A_969, %mul3A_971 : vector<16xf32>
        %swap3A_973 = arith.index_cast %scan3A_895 : i32 to index
        %swap3A_974 = arith.constant 96 : index
        %swap3A_975 = tpu.vector_load %arg9[%swap3A_973, %swap3A_974] {strides = array<i32>} : memref<128x128xf32, #tpu.memory_space<vmem>>, vector<1x16xf32>,
        %swap3A_976 = vector.shape_cast %swap3A_975 : vector<1x16xf32> to vector<16xf32>
        %swap3A_977 = vector.shape_cast %mul3A_972 : vector<16xf32> to vector<1x16xf32>
        tpu.vector_store %arg9[%swap3A_973, %swap3A_974], %swap3A_977 {strides = array<i32>} : memref<128x128xf32, #tpu.memory_space<vmem>>, vector<1x16xf32>,
        %get3A_978 = arith.index_cast %scan3A_895 : i32 to index
        %get3A_979 = arith.constant 112 : index
        %get3A_980 = tpu.vector_load %arg6[%get3A_978, %get3A_979] {strides = array<i32>} : memref<128x128xf32, #tpu.memory_space<vmem>>, vector<1x16xf32>,
        %get3A_981 = vector.shape_cast %get3A_980 : vector<1x16xf32> to vector<16xf32>
        %mul3A_982 = arith.constant 11.3137083 : f32
        %mul3A_983 = vector.broadcast %mul3A_982 : f32 to vector<16xf32>
        %mul3A_984 = arith.mulf %get3A_981, %mul3A_983 : vector<16xf32>
        %swap3A_985 = arith.index_cast %scan3A_895 : i32 to index
        %swap3A_986 = arith.constant 112 : index
        %swap3A_987 = tpu.vector_load %arg9[%swap3A_985, %swap3A_986] {strides = array<i32>} : memref<128x128xf32, #tpu.memory_space<vmem>>, vector<1x16xf32>,
        %swap3A_988 = vector.shape_cast %swap3A_987 : vector<1x16xf32> to vector<16xf32>
        %swap3A_989 = vector.shape_cast %mul3A_984 : vector<16xf32> to vector<1x16xf32>
        tpu.vector_store %arg9[%swap3A_985, %swap3A_986], %swap3A_989 {strides = array<i32>} : memref<128x128xf32, #tpu.memory_space<vmem>>, vector<1x16xf32>,
      }
      %scan3A_854 = arith.constant 128 : i32
      %dma_start3A_855 = arith.constant 0 : i32
      %dma_start3A_856 = tpu.memref_slice %arg4[%add3A_828, %mul3A_2, %dma_start3A_855] : memref<50x4096x128xf32, #tpu.memory_space<hbm>> -> memref<1x128x128xf32, #tpu.memory_space<hbm>>
      %dma_start3A_857 = tpu.memref_squeeze %dma_start3A_856 : memref<1x128x128xf32, #tpu.memory_space<hbm>> -> memref<128x128xf32, #tpu.memory_space<hbm>>
      %dma_start3A_858 = arith.constant 0 : i32
      %dma_start3A_859 = tpu.memref_slice %arg4[%add3A_828, %mul3A_2, %dma_start3A_858] : memref<50x4096x128xf32, #tpu.memory_space<hbm>> -> memref<1x128x128xf32, #tpu.memory_space<hbm>>
      %dma_start3A_860 = tpu.memref_squeeze %dma_start3A_859 : memref<1x128x128xf32, #tpu.memory_space<hbm>> -> memref<128x128xf32, #tpu.memory_space<hbm>>
      tpu.enqueue_dma source(%arg9 : memref<128x128xf32, #tpu.memory_space<vmem>>) target(%dma_start3A_860 : memref<128x128xf32, #tpu.memory_space<hbm>>) target_semaphore(%arg16 : memref<!tpu.dma_semaphore, #tpu.memory_space<semaphore_mem>>)
      %add3A_861 = arith.constant 11 : i32
      %add3A_862 = arith.addi %add3A_486, %add3A_861 : i32
      %dma_wait3A_863 = arith.constant 0 : i32
      %dma_wait3A_864 = tpu.memref_slice %arg4[%add3A_862, %mul3A_2, %dma_wait3A_863] : memref<50x4096x128xf32, #tpu.memory_space<hbm>> -> memref<1x128x128xf32, #tpu.memory_space<hbm>>
      %dma_wait3A_865 = tpu.memref_squeeze %dma_wait3A_864 : memref<1x128x128xf32, #tpu.memory_space<hbm>> -> memref<128x128xf32, #tpu.memory_space<hbm>>
      %dma_wait3A_866 = arith.constant 0 : i32
      %dma_wait3A_867 = tpu.memref_slice %arg4[%add3A_862, %mul3A_2, %dma_wait3A_866] : memref<50x4096x128xf32, #tpu.memory_space<hbm>> -> memref<1x128x128xf32, #tpu.memory_space<hbm>>
      %dma_wait3A_868 = tpu.memref_squeeze %dma_wait3A_867 : memref<1x128x128xf32, #tpu.memory_space<hbm>> -> memref<128x128xf32, #tpu.memory_space<hbm>>
      tpu.wait_dma2 semaphore(%arg19 : memref<!tpu.dma_semaphore, #tpu.memory_space<semaphore_mem>>) src(%arg12 : memref<128x128xf32, #tpu.memory_space<vmem>>) dst(%dma_wait3A_868 : memref<128x128xf32, #tpu.memory_space<hbm>>)
      %add3A_869 = arith.constant 2 : i32
      %add3A_870 = arith.addi %add3A_862, %add3A_869 : i32
      %dma_start3A_871 = arith.constant 0 : i32
      %dma_start3A_872 = tpu.memref_slice %arg5[%add3A_870, %dma_start3A_871] : memref<50x128xi32, #tpu.memory_space<vmem>> -> memref<1x128xi32, #tpu.memory_space<vmem>>
      %dma_start3A_873 = tpu.memref_squeeze %dma_start3A_872 : memref<1x128xi32, #tpu.memory_space<vmem>> -> memref<128xi32, #tpu.memory_space<vmem>>
      %dma_start3A_874 = arith.constant 0 : i32
      %dma_start3A_875 = arith.constant 0 : i32
      %dma_start3A_876 = tpu.memref_slice %arg3[%dma_start3A_874, %dma_start3A_875] : memref<100000x128xf32, #tpu.memory_space<hbm>> -> memref<100000x128xf32, #tpu.memory_space<hbm>>
      tpu.enqueue_indirect_dma source(%dma_start3A_876 : memref<100000x128xf32, #tpu.memory_space<hbm>>) target(%arg6 : memref<128x128xf32, #tpu.memory_space<vmem>>) offsets(%dma_start3A_873 : memref<128xi32, #tpu.memory_space<vmem>>) semaphore(%arg13 : memref<!tpu.dma_semaphore, #tpu.memory_space<semaphore_mem>>)
      %dma_wait3A_877 = arith.constant 0 : i32
      %dma_wait3A_878 = tpu.memref_slice %arg5[%add3A_862, %dma_wait3A_877] : memref<50x128xi32, #tpu.memory_space<vmem>> -> memref<1x128xi32, #tpu.memory_space<vmem>>
      %dma_wait3A_879 = tpu.memref_squeeze %dma_wait3A_878 : memref<1x128xi32, #tpu.memory_space<vmem>> -> memref<128xi32, #tpu.memory_space<vmem>>
      %dma_wait3A_880 = arith.constant 0 : i32
      %dma_wait3A_881 = arith.constant 0 : i32
      %dma_wait3A_882 = tpu.memref_slice %arg3[%dma_wait3A_880, %dma_wait3A_881] : memref<100000x128xf32, #tpu.memory_space<hbm>> -> memref<100000x128xf32, #tpu.memory_space<hbm>>
      tpu.wait_indirect_dma semaphore(%arg14 : memref<!tpu.dma_semaphore, #tpu.memory_space<semaphore_mem>>) src(%dma_wait3A_882 : memref<100000x128xf32, #tpu.memory_space<hbm>>) dst(%arg7 : memref<128x128xf32, #tpu.memory_space<vmem>>)
      %scan3A_883 = arith.constant 0 : i32
      %scan3A_884 = arith.constant 0 : i32
      %scan3A_885 = arith.constant 128 : i32
      %scan3A_886 = arith.addi %scan3A_884, %scan3A_885 : i32
      %scan3A_887 = arith.constant 1 : i32
      scf.for %scan3A_895 = %scan3A_884 to %scan3A_886 step %scan3A_887  : i32 {
        %get3A = arith.index_cast %scan3A_895 : i32 to index
        %get3A_896 = arith.constant 0 : index
        %get3A_897 = tpu.vector_load %arg7[%get3A, %get3A_896] {strides = array<i32>} : memref<128x128xf32, #tpu.memory_space<vmem>>, vector<1x16xf32>,
        %get3A_898 = vector.shape_cast %get3A_897 : vector<1x16xf32> to vector<16xf32>
        %mul3A_899 = arith.constant 11.3137083 : f32
        %mul3A_900 = vector.broadcast %mul3A_899 : f32 to vector<16xf32>
        %mul3A_901 = arith.mulf %get3A_898, %mul3A_900 : vector<16xf32>
        %swap3A = arith.index_cast %scan3A_895 : i32 to index
        %swap3A_902 = arith.constant 0 : index
        %swap3A_903 = tpu.vector_load %arg10[%swap3A, %swap3A_902] {strides = array<i32>} : memref<128x128xf32, #tpu.memory_space<vmem>>, vector<1x16xf32>,
        %swap3A_904 = vector.shape_cast %swap3A_903 : vector<1x16xf32> to vector<16xf32>
        %swap3A_905 = vector.shape_cast %mul3A_901 : vector<16xf32> to vector<1x16xf32>
        tpu.vector_store %arg10[%swap3A, %swap3A_902], %swap3A_905 {strides = array<i32>} : memref<128x128xf32, #tpu.memory_space<vmem>>, vector<1x16xf32>,
        %get3A_906 = arith.index_cast %scan3A_895 : i32 to index
        %get3A_907 = arith.constant 16 : index
        %get3A_908 = tpu.vector_load %arg7[%get3A_906, %get3A_907] {strides = array<i32>} : memref<128x128xf32, #tpu.memory_space<vmem>>, vector<1x16xf32>,
        %get3A_909 = vector.shape_cast %get3A_908 : vector<1x16xf32> to vector<16xf32>
        %mul3A_910 = arith.constant 11.3137083 : f32
        %mul3A_911 = vector.broadcast %mul3A_910 : f32 to vector<16xf32>
        %mul3A_912 = arith.mulf %get3A_909, %mul3A_911 : vector<16xf32>
        %swap3A_913 = arith.index_cast %scan3A_895 : i32 to index
        %swap3A_914 = arith.constant 16 : index
        %swap3A_915 = tpu.vector_load %arg10[%swap3A_913, %swap3A_914] {strides = array<i32>} : memref<128x128xf32, #tpu.memory_space<vmem>>, vector<1x16xf32>,
        %swap3A_916 = vector.shape_cast %swap3A_915 : vector<1x16xf32> to vector<16xf32>
        %swap3A_917 = vector.shape_cast %mul3A_912 : vector<16xf32> to vector<1x16xf32>
        tpu.vector_store %arg10[%swap3A_913, %swap3A_914], %swap3A_917 {strides = array<i32>} : memref<128x128xf32, #tpu.memory_space<vmem>>, vector<1x16xf32>,
        %get3A_918 = arith.index_cast %scan3A_895 : i32 to index
        %get3A_919 = arith.constant 32 : index
        %get3A_920 = tpu.vector_load %arg7[%get3A_918, %get3A_919] {strides = array<i32>} : memref<128x128xf32, #tpu.memory_space<vmem>>, vector<1x16xf32>,
        %get3A_921 = vector.shape_cast %get3A_920 : vector<1x16xf32> to vector<16xf32>
        %mul3A_922 = arith.constant 11.3137083 : f32
        %mul3A_923 = vector.broadcast %mul3A_922 : f32 to vector<16xf32>
        %mul3A_924 = arith.mulf %get3A_921, %mul3A_923 : vector<16xf32>
        %swap3A_925 = arith.index_cast %scan3A_895 : i32 to index
        %swap3A_926 = arith.constant 32 : index
        %swap3A_927 = tpu.vector_load %arg10[%swap3A_925, %swap3A_926] {strides = array<i32>} : memref<128x128xf32, #tpu.memory_space<vmem>>, vector<1x16xf32>,
        %swap3A_928 = vector.shape_cast %swap3A_927 : vector<1x16xf32> to vector<16xf32>
        %swap3A_929 = vector.shape_cast %mul3A_924 : vector<16xf32> to vector<1x16xf32>
        tpu.vector_store %arg10[%swap3A_925, %swap3A_926], %swap3A_929 {strides = array<i32>} : memref<128x128xf32, #tpu.memory_space<vmem>>, vector<1x16xf32>,
        %get3A_930 = arith.index_cast %scan3A_895 : i32 to index
        %get3A_931 = arith.constant 48 : index
        %get3A_932 = tpu.vector_load %arg7[%get3A_930, %get3A_931] {strides = array<i32>} : memref<128x128xf32, #tpu.memory_space<vmem>>, vector<1x16xf32>,
        %get3A_933 = vector.shape_cast %get3A_932 : vector<1x16xf32> to vector<16xf32>
        %mul3A_934 = arith.constant 11.3137083 : f32
        %mul3A_935 = vector.broadcast %mul3A_934 : f32 to vector<16xf32>
        %mul3A_936 = arith.mulf %get3A_933, %mul3A_935 : vector<16xf32>
        %swap3A_937 = arith.index_cast %scan3A_895 : i32 to index
        %swap3A_938 = arith.constant 48 : index
        %swap3A_939 = tpu.vector_load %arg10[%swap3A_937, %swap3A_938] {strides = array<i32>} : memref<128x128xf32, #tpu.memory_space<vmem>>, vector<1x16xf32>,
        %swap3A_940 = vector.shape_cast %swap3A_939 : vector<1x16xf32> to vector<16xf32>
        %swap3A_941 = vector.shape_cast %mul3A_936 : vector<16xf32> to vector<1x16xf32>
        tpu.vector_store %arg10[%swap3A_937, %swap3A_938], %swap3A_941 {strides = array<i32>} : memref<128x128xf32, #tpu.memory_space<vmem>>, vector<1x16xf32>,
        %get3A_942 = arith.index_cast %scan3A_895 : i32 to index
        %get3A_943 = arith.constant 64 : index
        %get3A_944 = tpu.vector_load %arg7[%get3A_942, %get3A_943] {strides = array<i32>} : memref<128x128xf32, #tpu.memory_space<vmem>>, vector<1x16xf32>,
        %get3A_945 = vector.shape_cast %get3A_944 : vector<1x16xf32> to vector<16xf32>
        %mul3A_946 = arith.constant 11.3137083 : f32
        %mul3A_947 = vector.broadcast %mul3A_946 : f32 to vector<16xf32>
        %mul3A_948 = arith.mulf %get3A_945, %mul3A_947 : vector<16xf32>
        %swap3A_949 = arith.index_cast %scan3A_895 : i32 to index
        %swap3A_950 = arith.constant 64 : index
        %swap3A_951 = tpu.vector_load %arg10[%swap3A_949, %swap3A_950] {strides = array<i32>} : memref<128x128xf32, #tpu.memory_space<vmem>>, vector<1x16xf32>,
        %swap3A_952 = vector.shape_cast %swap3A_951 : vector<1x16xf32> to vector<16xf32>
        %swap3A_953 = vector.shape_cast %mul3A_948 : vector<16xf32> to vector<1x16xf32>
        tpu.vector_store %arg10[%swap3A_949, %swap3A_950], %swap3A_953 {strides = array<i32>} : memref<128x128xf32, #tpu.memory_space<vmem>>, vector<1x16xf32>,
        %get3A_954 = arith.index_cast %scan3A_895 : i32 to index
        %get3A_955 = arith.constant 80 : index
        %get3A_956 = tpu.vector_load %arg7[%get3A_954, %get3A_955] {strides = array<i32>} : memref<128x128xf32, #tpu.memory_space<vmem>>, vector<1x16xf32>,
        %get3A_957 = vector.shape_cast %get3A_956 : vector<1x16xf32> to vector<16xf32>
        %mul3A_958 = arith.constant 11.3137083 : f32
        %mul3A_959 = vector.broadcast %mul3A_958 : f32 to vector<16xf32>
        %mul3A_960 = arith.mulf %get3A_957, %mul3A_959 : vector<16xf32>
        %swap3A_961 = arith.index_cast %scan3A_895 : i32 to index
        %swap3A_962 = arith.constant 80 : index
        %swap3A_963 = tpu.vector_load %arg10[%swap3A_961, %swap3A_962] {strides = array<i32>} : memref<128x128xf32, #tpu.memory_space<vmem>>, vector<1x16xf32>,
        %swap3A_964 = vector.shape_cast %swap3A_963 : vector<1x16xf32> to vector<16xf32>
        %swap3A_965 = vector.shape_cast %mul3A_960 : vector<16xf32> to vector<1x16xf32>
        tpu.vector_store %arg10[%swap3A_961, %swap3A_962], %swap3A_965 {strides = array<i32>} : memref<128x128xf32, #tpu.memory_space<vmem>>, vector<1x16xf32>,
        %get3A_966 = arith.index_cast %scan3A_895 : i32 to index
        %get3A_967 = arith.constant 96 : index
        %get3A_968 = tpu.vector_load %arg7[%get3A_966, %get3A_967] {strides = array<i32>} : memref<128x128xf32, #tpu.memory_space<vmem>>, vector<1x16xf32>,
        %get3A_969 = vector.shape_cast %get3A_968 : vector<1x16xf32> to vector<16xf32>
        %mul3A_970 = arith.constant 11.3137083 : f32
        %mul3A_971 = vector.broadcast %mul3A_970 : f32 to vector<16xf32>
        %mul3A_972 = arith.mulf %get3A_969, %mul3A_971 : vector<16xf32>
        %swap3A_973 = arith.index_cast %scan3A_895 : i32 to index
        %swap3A_974 = arith.constant 96 : index
        %swap3A_975 = tpu.vector_load %arg10[%swap3A_973, %swap3A_974] {strides = array<i32>} : memref<128x128xf32, #tpu.memory_space<vmem>>, vector<1x16xf32>,
        %swap3A_976 = vector.shape_cast %swap3A_975 : vector<1x16xf32> to vector<16xf32>
        %swap3A_977 = vector.shape_cast %mul3A_972 : vector<16xf32> to vector<1x16xf32>
        tpu.vector_store %arg10[%swap3A_973, %swap3A_974], %swap3A_977 {strides = array<i32>} : memref<128x128xf32, #tpu.memory_space<vmem>>, vector<1x16xf32>,
        %get3A_978 = arith.index_cast %scan3A_895 : i32 to index
        %get3A_979 = arith.constant 112 : index
        %get3A_980 = tpu.vector_load %arg7[%get3A_978, %get3A_979] {strides = array<i32>} : memref<128x128xf32, #tpu.memory_space<vmem>>, vector<1x16xf32>,
        %get3A_981 = vector.shape_cast %get3A_980 : vector<1x16xf32> to vector<16xf32>
        %mul3A_982 = arith.constant 11.3137083 : f32
        %mul3A_983 = vector.broadcast %mul3A_982 : f32 to vector<16xf32>
        %mul3A_984 = arith.mulf %get3A_981, %mul3A_983 : vector<16xf32>
        %swap3A_985 = arith.index_cast %scan3A_895 : i32 to index
        %swap3A_986 = arith.constant 112 : index
        %swap3A_987 = tpu.vector_load %arg10[%swap3A_985, %swap3A_986] {strides = array<i32>} : memref<128x128xf32, #tpu.memory_space<vmem>>, vector<1x16xf32>,
        %swap3A_988 = vector.shape_cast %swap3A_987 : vector<1x16xf32> to vector<16xf32>
        %swap3A_989 = vector.shape_cast %mul3A_984 : vector<16xf32> to vector<1x16xf32>
        tpu.vector_store %arg10[%swap3A_985, %swap3A_986], %swap3A_989 {strides = array<i32>} : memref<128x128xf32, #tpu.memory_space<vmem>>, vector<1x16xf32>,
      }
      %scan3A_888 = arith.constant 128 : i32
      %dma_start3A_889 = arith.constant 0 : i32
      %dma_start3A_890 = tpu.memref_slice %arg4[%add3A_862, %mul3A_2, %dma_start3A_889] : memref<50x4096x128xf32, #tpu.memory_space<hbm>> -> memref<1x128x128xf32, #tpu.memory_space<hbm>>
      %dma_start3A_891 = tpu.memref_squeeze %dma_start3A_890 : memref<1x128x128xf32, #tpu.memory_space<hbm>> -> memref<128x128xf32, #tpu.memory_space<hbm>>
      %dma_start3A_892 = arith.constant 0 : i32
      %dma_start3A_893 = tpu.memref_slice %arg4[%add3A_862, %mul3A_2, %dma_start3A_892] : memref<50x4096x128xf32, #tpu.memory_space<hbm>> -> memref<1x128x128xf32, #tpu.memory_space<hbm>>
      %dma_start3A_894 = tpu.memref_squeeze %dma_start3A_893 : memref<1x128x128xf32, #tpu.memory_space<hbm>> -> memref<128x128xf32, #tpu.memory_space<hbm>>
      tpu.enqueue_dma source(%arg10 : memref<128x128xf32, #tpu.memory_space<vmem>>) target(%dma_start3A_894 : memref<128x128xf32, #tpu.memory_space<hbm>>) target_semaphore(%arg17 : memref<!tpu.dma_semaphore, #tpu.memory_space<semaphore_mem>>)
    }
    %scan3A_73 = arith.constant 3 : i32
    %dma_wait3A_74 = arith.constant 38 : i32
    %dma_wait3A_75 = arith.constant 0 : i32
    %dma_wait3A_76 = tpu.memref_slice %arg4[%dma_wait3A_74, %mul3A_2, %dma_wait3A_75] : memref<50x4096x128xf32, #tpu.memory_space<hbm>> -> memref<1x128x128xf32, #tpu.memory_space<hbm>>
    %dma_wait3A_77 = tpu.memref_squeeze %dma_wait3A_76 : memref<1x128x128xf32, #tpu.memory_space<hbm>> -> memref<128x128xf32, #tpu.memory_space<hbm>>
    %dma_wait3A_78 = arith.constant 0 : i32
    %dma_wait3A_79 = tpu.memref_slice %arg4[%dma_wait3A_74, %mul3A_2, %dma_wait3A_78] : memref<50x4096x128xf32, #tpu.memory_space<hbm>> -> memref<1x128x128xf32, #tpu.memory_space<hbm>>
    %dma_wait3A_80 = tpu.memref_squeeze %dma_wait3A_79 : memref<1x128x128xf32, #tpu.memory_space<hbm>> -> memref<128x128xf32, #tpu.memory_space<hbm>>
    tpu.wait_dma2 semaphore(%arg16 : memref<!tpu.dma_semaphore, #tpu.memory_space<semaphore_mem>>) src(%arg9 : memref<128x128xf32, #tpu.memory_space<vmem>>) dst(%dma_wait3A_80 : memref<128x128xf32, #tpu.memory_space<hbm>>)
    %dma_start3A_81 = arith.constant 40 : i32
    %dma_start3A_82 = arith.constant 0 : i32
    %dma_start3A_83 = tpu.memref_slice %arg5[%dma_start3A_81, %dma_start3A_82] : memref<50x128xi32, #tpu.memory_space<vmem>> -> memref<1x128xi32, #tpu.memory_space<vmem>>
    %dma_start3A_84 = tpu.memref_squeeze %dma_start3A_83 : memref<1x128xi32, #tpu.memory_space<vmem>> -> memref<128xi32, #tpu.memory_space<vmem>>
    %dma_start3A_85 = arith.constant 0 : i32
    %dma_start3A_86 = arith.constant 0 : i32
    %dma_start3A_87 = tpu.memref_slice %arg3[%dma_start3A_85, %dma_start3A_86] : memref<100000x128xf32, #tpu.memory_space<hbm>> -> memref<100000x128xf32, #tpu.memory_space<hbm>>
    tpu.enqueue_indirect_dma source(%dma_start3A_87 : memref<100000x128xf32, #tpu.memory_space<hbm>>) target(%arg7 : memref<128x128xf32, #tpu.memory_space<vmem>>) offsets(%dma_start3A_84 : memref<128xi32, #tpu.memory_space<vmem>>) semaphore(%arg14 : memref<!tpu.dma_semaphore, #tpu.memory_space<semaphore_mem>>)
    %dma_wait3A_88 = arith.constant 38 : i32
    %dma_wait3A_89 = arith.constant 0 : i32
    %dma_wait3A_90 = tpu.memref_slice %arg5[%dma_wait3A_88, %dma_wait3A_89] : memref<50x128xi32, #tpu.memory_space<vmem>> -> memref<1x128xi32, #tpu.memory_space<vmem>>
    %dma_wait3A_91 = tpu.memref_squeeze %dma_wait3A_90 : memref<1x128xi32, #tpu.memory_space<vmem>> -> memref<128xi32, #tpu.memory_space<vmem>>
    %dma_wait3A_92 = arith.constant 0 : i32
    %dma_wait3A_93 = arith.constant 0 : i32
    %dma_wait3A_94 = tpu.memref_slice %arg3[%dma_wait3A_92, %dma_wait3A_93] : memref<100000x128xf32, #tpu.memory_space<hbm>> -> memref<100000x128xf32, #tpu.memory_space<hbm>>
    tpu.wait_indirect_dma semaphore(%arg15 : memref<!tpu.dma_semaphore, #tpu.memory_space<semaphore_mem>>) src(%dma_wait3A_94 : memref<100000x128xf32, #tpu.memory_space<hbm>>) dst(%arg8 : memref<128x128xf32, #tpu.memory_space<vmem>>)
    %scan3A_95 = arith.constant 0 : i32
    %scan3A_96 = arith.constant 0 : i32
    %scan3A_97 = arith.constant 128 : i32
    %scan3A_98 = arith.addi %scan3A_96, %scan3A_97 : i32
    %scan3A_99 = arith.constant 1 : i32
    scf.for %scan3A_482 = %scan3A_96 to %scan3A_98 step %scan3A_99  : i32 {
      %get3A = arith.index_cast %scan3A_482 : i32 to index
      %get3A_483 = arith.constant 0 : index
      %get3A_484 = tpu.vector_load %arg8[%get3A, %get3A_483] {strides = array<i32>} : memref<128x128xf32, #tpu.memory_space<vmem>>, vector<1x16xf32>,
      %get3A_485 = vector.shape_cast %get3A_484 : vector<1x16xf32> to vector<16xf32>
      %mul3A_486 = arith.constant 11.3137083 : f32
      %mul3A_487 = vector.broadcast %mul3A_486 : f32 to vector<16xf32>
      %mul3A_488 = arith.mulf %get3A_485, %mul3A_487 : vector<16xf32>
      %swap3A = arith.index_cast %scan3A_482 : i32 to index
      %swap3A_489 = arith.constant 0 : index
      %swap3A_490 = tpu.vector_load %arg11[%swap3A, %swap3A_489] {strides = array<i32>} : memref<128x128xf32, #tpu.memory_space<vmem>>, vector<1x16xf32>,
      %swap3A_491 = vector.shape_cast %swap3A_490 : vector<1x16xf32> to vector<16xf32>
      %swap3A_492 = vector.shape_cast %mul3A_488 : vector<16xf32> to vector<1x16xf32>
      tpu.vector_store %arg11[%swap3A, %swap3A_489], %swap3A_492 {strides = array<i32>} : memref<128x128xf32, #tpu.memory_space<vmem>>, vector<1x16xf32>,
      %get3A_493 = arith.index_cast %scan3A_482 : i32 to index
      %get3A_494 = arith.constant 16 : index
      %get3A_495 = tpu.vector_load %arg8[%get3A_493, %get3A_494] {strides = array<i32>} : memref<128x128xf32, #tpu.memory_space<vmem>>, vector<1x16xf32>,
      %get3A_496 = vector.shape_cast %get3A_495 : vector<1x16xf32> to vector<16xf32>
      %mul3A_497 = arith.constant 11.3137083 : f32
      %mul3A_498 = vector.broadcast %mul3A_497 : f32 to vector<16xf32>
      %mul3A_499 = arith.mulf %get3A_496, %mul3A_498 : vector<16xf32>
      %swap3A_500 = arith.index_cast %scan3A_482 : i32 to index
      %swap3A_501 = arith.constant 16 : index
      %swap3A_502 = tpu.vector_load %arg11[%swap3A_500, %swap3A_501] {strides = array<i32>} : memref<128x128xf32, #tpu.memory_space<vmem>>, vector<1x16xf32>,
      %swap3A_503 = vector.shape_cast %swap3A_502 : vector<1x16xf32> to vector<16xf32>
      %swap3A_504 = vector.shape_cast %mul3A_499 : vector<16xf32> to vector<1x16xf32>
      tpu.vector_store %arg11[%swap3A_500, %swap3A_501], %swap3A_504 {strides = array<i32>} : memref<128x128xf32, #tpu.memory_space<vmem>>, vector<1x16xf32>,
      %get3A_505 = arith.index_cast %scan3A_482 : i32 to index
      %get3A_506 = arith.constant 32 : index
      %get3A_507 = tpu.vector_load %arg8[%get3A_505, %get3A_506] {strides = array<i32>} : memref<128x128xf32, #tpu.memory_space<vmem>>, vector<1x16xf32>,
      %get3A_508 = vector.shape_cast %get3A_507 : vector<1x16xf32> to vector<16xf32>
      %mul3A_509 = arith.constant 11.3137083 : f32
      %mul3A_510 = vector.broadcast %mul3A_509 : f32 to vector<16xf32>
      %mul3A_511 = arith.mulf %get3A_508, %mul3A_510 : vector<16xf32>
      %swap3A_512 = arith.index_cast %scan3A_482 : i32 to index
      %swap3A_513 = arith.constant 32 : index
      %swap3A_514 = tpu.vector_load %arg11[%swap3A_512, %swap3A_513] {strides = array<i32>} : memref<128x128xf32, #tpu.memory_space<vmem>>, vector<1x16xf32>,
      %swap3A_515 = vector.shape_cast %swap3A_514 : vector<1x16xf32> to vector<16xf32>
      %swap3A_516 = vector.shape_cast %mul3A_511 : vector<16xf32> to vector<1x16xf32>
      tpu.vector_store %arg11[%swap3A_512, %swap3A_513], %swap3A_516 {strides = array<i32>} : memref<128x128xf32, #tpu.memory_space<vmem>>, vector<1x16xf32>,
      %get3A_517 = arith.index_cast %scan3A_482 : i32 to index
      %get3A_518 = arith.constant 48 : index
      %get3A_519 = tpu.vector_load %arg8[%get3A_517, %get3A_518] {strides = array<i32>} : memref<128x128xf32, #tpu.memory_space<vmem>>, vector<1x16xf32>,
      %get3A_520 = vector.shape_cast %get3A_519 : vector<1x16xf32> to vector<16xf32>
      %mul3A_521 = arith.constant 11.3137083 : f32
      %mul3A_522 = vector.broadcast %mul3A_521 : f32 to vector<16xf32>
      %mul3A_523 = arith.mulf %get3A_520, %mul3A_522 : vector<16xf32>
      %swap3A_524 = arith.index_cast %scan3A_482 : i32 to index
      %swap3A_525 = arith.constant 48 : index
      %swap3A_526 = tpu.vector_load %arg11[%swap3A_524, %swap3A_525] {strides = array<i32>} : memref<128x128xf32, #tpu.memory_space<vmem>>, vector<1x16xf32>,
      %swap3A_527 = vector.shape_cast %swap3A_526 : vector<1x16xf32> to vector<16xf32>
      %swap3A_528 = vector.shape_cast %mul3A_523 : vector<16xf32> to vector<1x16xf32>
      tpu.vector_store %arg11[%swap3A_524, %swap3A_525], %swap3A_528 {strides = array<i32>} : memref<128x128xf32, #tpu.memory_space<vmem>>, vector<1x16xf32>,
      %get3A_529 = arith.index_cast %scan3A_482 : i32 to index
      %get3A_530 = arith.constant 64 : index
      %get3A_531 = tpu.vector_load %arg8[%get3A_529, %get3A_530] {strides = array<i32>} : memref<128x128xf32, #tpu.memory_space<vmem>>, vector<1x16xf32>,
      %get3A_532 = vector.shape_cast %get3A_531 : vector<1x16xf32> to vector<16xf32>
      %mul3A_533 = arith.constant 11.3137083 : f32
      %mul3A_534 = vector.broadcast %mul3A_533 : f32 to vector<16xf32>
      %mul3A_535 = arith.mulf %get3A_532, %mul3A_534 : vector<16xf32>
      %swap3A_536 = arith.index_cast %scan3A_482 : i32 to index
      %swap3A_537 = arith.constant 64 : index
      %swap3A_538 = tpu.vector_load %arg11[%swap3A_536, %swap3A_537] {strides = array<i32>} : memref<128x128xf32, #tpu.memory_space<vmem>>, vector<1x16xf32>,
      %swap3A_539 = vector.shape_cast %swap3A_538 : vector<1x16xf32> to vector<16xf32>
      %swap3A_540 = vector.shape_cast %mul3A_535 : vector<16xf32> to vector<1x16xf32>
      tpu.vector_store %arg11[%swap3A_536, %swap3A_537], %swap3A_540 {strides = array<i32>} : memref<128x128xf32, #tpu.memory_space<vmem>>, vector<1x16xf32>,
      %get3A_541 = arith.index_cast %scan3A_482 : i32 to index
      %get3A_542 = arith.constant 80 : index
      %get3A_543 = tpu.vector_load %arg8[%get3A_541, %get3A_542] {strides = array<i32>} : memref<128x128xf32, #tpu.memory_space<vmem>>, vector<1x16xf32>,
      %get3A_544 = vector.shape_cast %get3A_543 : vector<1x16xf32> to vector<16xf32>
      %mul3A_545 = arith.constant 11.3137083 : f32
      %mul3A_546 = vector.broadcast %mul3A_545 : f32 to vector<16xf32>
      %mul3A_547 = arith.mulf %get3A_544, %mul3A_546 : vector<16xf32>
      %swap3A_548 = arith.index_cast %scan3A_482 : i32 to index
      %swap3A_549 = arith.constant 80 : index
      %swap3A_550 = tpu.vector_load %arg11[%swap3A_548, %swap3A_549] {strides = array<i32>} : memref<128x128xf32, #tpu.memory_space<vmem>>, vector<1x16xf32>,
      %swap3A_551 = vector.shape_cast %swap3A_550 : vector<1x16xf32> to vector<16xf32>
      %swap3A_552 = vector.shape_cast %mul3A_547 : vector<16xf32> to vector<1x16xf32>
      tpu.vector_store %arg11[%swap3A_548, %swap3A_549], %swap3A_552 {strides = array<i32>} : memref<128x128xf32, #tpu.memory_space<vmem>>, vector<1x16xf32>,
      %get3A_553 = arith.index_cast %scan3A_482 : i32 to index
      %get3A_554 = arith.constant 96 : index
      %get3A_555 = tpu.vector_load %arg8[%get3A_553, %get3A_554] {strides = array<i32>} : memref<128x128xf32, #tpu.memory_space<vmem>>, vector<1x16xf32>,
      %get3A_556 = vector.shape_cast %get3A_555 : vector<1x16xf32> to vector<16xf32>
      %mul3A_557 = arith.constant 11.3137083 : f32
      %mul3A_558 = vector.broadcast %mul3A_557 : f32 to vector<16xf32>
      %mul3A_559 = arith.mulf %get3A_556, %mul3A_558 : vector<16xf32>
      %swap3A_560 = arith.index_cast %scan3A_482 : i32 to index
      %swap3A_561 = arith.constant 96 : index
      %swap3A_562 = tpu.vector_load %arg11[%swap3A_560, %swap3A_561] {strides = array<i32>} : memref<128x128xf32, #tpu.memory_space<vmem>>, vector<1x16xf32>,
      %swap3A_563 = vector.shape_cast %swap3A_562 : vector<1x16xf32> to vector<16xf32>
      %swap3A_564 = vector.shape_cast %mul3A_559 : vector<16xf32> to vector<1x16xf32>
      tpu.vector_store %arg11[%swap3A_560, %swap3A_561], %swap3A_564 {strides = array<i32>} : memref<128x128xf32, #tpu.memory_space<vmem>>, vector<1x16xf32>,
      %get3A_565 = arith.index_cast %scan3A_482 : i32 to index
      %get3A_566 = arith.constant 112 : index
      %get3A_567 = tpu.vector_load %arg8[%get3A_565, %get3A_566] {strides = array<i32>} : memref<128x128xf32, #tpu.memory_space<vmem>>, vector<1x16xf32>,
      %get3A_568 = vector.shape_cast %get3A_567 : vector<1x16xf32> to vector<16xf32>
      %mul3A_569 = arith.constant 11.3137083 : f32
      %mul3A_570 = vector.broadcast %mul3A_569 : f32 to vector<16xf32>
      %mul3A_571 = arith.mulf %get3A_568, %mul3A_570 : vector<16xf32>
      %swap3A_572 = arith.index_cast %scan3A_482 : i32 to index
      %swap3A_573 = arith.constant 112 : index
      %swap3A_574 = tpu.vector_load %arg11[%swap3A_572, %swap3A_573] {strides = array<i32>} : memref<128x128xf32, #tpu.memory_space<vmem>>, vector<1x16xf32>,
      %swap3A_575 = vector.shape_cast %swap3A_574 : vector<1x16xf32> to vector<16xf32>
      %swap3A_576 = vector.shape_cast %mul3A_571 : vector<16xf32> to vector<1x16xf32>
      tpu.vector_store %arg11[%swap3A_572, %swap3A_573], %swap3A_576 {strides = array<i32>} : memref<128x128xf32, #tpu.memory_space<vmem>>, vector<1x16xf32>,
    }
    %scan3A_100 = arith.constant 128 : i32
    %dma_start3A_101 = arith.constant 38 : i32
    %dma_start3A_102 = arith.constant 0 : i32
    %dma_start3A_103 = tpu.memref_slice %arg4[%dma_start3A_101, %mul3A_2, %dma_start3A_102] : memref<50x4096x128xf32, #tpu.memory_space<hbm>> -> memref<1x128x128xf32, #tpu.memory_space<hbm>>
    %dma_start3A_104 = tpu.memref_squeeze %dma_start3A_103 : memref<1x128x128xf32, #tpu.memory_space<hbm>> -> memref<128x128xf32, #tpu.memory_space<hbm>>
    %dma_start3A_105 = arith.constant 0 : i32
    %dma_start3A_106 = tpu.memref_slice %arg4[%dma_start3A_101, %mul3A_2, %dma_start3A_105] : memref<50x4096x128xf32, #tpu.memory_space<hbm>> -> memref<1x128x128xf32, #tpu.memory_space<hbm>>
    %dma_start3A_107 = tpu.memref_squeeze %dma_start3A_106 : memref<1x128x128xf32, #tpu.memory_space<hbm>> -> memref<128x128xf32, #tpu.memory_space<hbm>>
    tpu.enqueue_dma source(%arg11 : memref<128x128xf32, #tpu.memory_space<vmem>>) target(%dma_start3A_107 : memref<128x128xf32, #tpu.memory_space<hbm>>) target_semaphore(%arg18 : memref<!tpu.dma_semaphore, #tpu.memory_space<semaphore_mem>>)
    %dma_wait3A_108 = arith.constant 39 : i32
    %dma_wait3A_109 = arith.constant 0 : i32
    %dma_wait3A_110 = tpu.memref_slice %arg4[%dma_wait3A_108, %mul3A_2, %dma_wait3A_109] : memref<50x4096x128xf32, #tpu.memory_space<hbm>> -> memref<1x128x128xf32, #tpu.memory_space<hbm>>
    %dma_wait3A_111 = tpu.memref_squeeze %dma_wait3A_110 : memref<1x128x128xf32, #tpu.memory_space<hbm>> -> memref<128x128xf32, #tpu.memory_space<hbm>>
    %dma_wait3A_112 = arith.constant 0 : i32
    %dma_wait3A_113 = tpu.memref_slice %arg4[%dma_wait3A_108, %mul3A_2, %dma_wait3A_112] : memref<50x4096x128xf32, #tpu.memory_space<hbm>> -> memref<1x128x128xf32, #tpu.memory_space<hbm>>
    %dma_wait3A_114 = tpu.memref_squeeze %dma_wait3A_113 : memref<1x128x128xf32, #tpu.memory_space<hbm>> -> memref<128x128xf32, #tpu.memory_space<hbm>>
    tpu.wait_dma2 semaphore(%arg17 : memref<!tpu.dma_semaphore, #tpu.memory_space<semaphore_mem>>) src(%arg10 : memref<128x128xf32, #tpu.memory_space<vmem>>) dst(%dma_wait3A_114 : memref<128x128xf32, #tpu.memory_space<hbm>>)
    %dma_start3A_115 = arith.constant 41 : i32
    %dma_start3A_116 = arith.constant 0 : i32
    %dma_start3A_117 = tpu.memref_slice %arg5[%dma_start3A_115, %dma_start3A_116] : memref<50x128xi32, #tpu.memory_space<vmem>> -> memref<1x128xi32, #tpu.memory_space<vmem>>
    %dma_start3A_118 = tpu.memref_squeeze %dma_start3A_117 : memref<1x128xi32, #tpu.memory_space<vmem>> -> memref<128xi32, #tpu.memory_space<vmem>>
    %dma_start3A_119 = arith.constant 0 : i32
    %dma_start3A_120 = arith.constant 0 : i32
    %dma_start3A_121 = tpu.memref_slice %arg3[%dma_start3A_119, %dma_start3A_120] : memref<100000x128xf32, #tpu.memory_space<hbm>> -> memref<100000x128xf32, #tpu.memory_space<hbm>>
    tpu.enqueue_indirect_dma source(%dma_start3A_121 : memref<100000x128xf32, #tpu.memory_space<hbm>>) target(%arg8 : memref<128x128xf32, #tpu.memory_space<vmem>>) offsets(%dma_start3A_118 : memref<128xi32, #tpu.memory_space<vmem>>) semaphore(%arg15 : memref<!tpu.dma_semaphore, #tpu.memory_space<semaphore_mem>>)
    %dma_wait3A_122 = arith.constant 39 : i32
    %dma_wait3A_123 = arith.constant 0 : i32
    %dma_wait3A_124 = tpu.memref_slice %arg5[%dma_wait3A_122, %dma_wait3A_123] : memref<50x128xi32, #tpu.memory_space<vmem>> -> memref<1x128xi32, #tpu.memory_space<vmem>>
    %dma_wait3A_125 = tpu.memref_squeeze %dma_wait3A_124 : memref<1x128xi32, #tpu.memory_space<vmem>> -> memref<128xi32, #tpu.memory_space<vmem>>
    %dma_wait3A_126 = arith.constant 0 : i32
    %dma_wait3A_127 = arith.constant 0 : i32
    %dma_wait3A_128 = tpu.memref_slice %arg3[%dma_wait3A_126, %dma_wait3A_127] : memref<100000x128xf32, #tpu.memory_space<hbm>> -> memref<100000x128xf32, #tpu.memory_space<hbm>>
    tpu.wait_indirect_dma semaphore(%arg13 : memref<!tpu.dma_semaphore, #tpu.memory_space<semaphore_mem>>) src(%dma_wait3A_128 : memref<100000x128xf32, #tpu.memory_space<hbm>>) dst(%arg6 : memref<128x128xf32, #tpu.memory_space<vmem>>)
    %scan3A_129 = arith.constant 0 : i32
    %scan3A_130 = arith.constant 0 : i32
    %scan3A_131 = arith.constant 128 : i32
    %scan3A_132 = arith.addi %scan3A_130, %scan3A_131 : i32
    %scan3A_133 = arith.constant 1 : i32
    scf.for %scan3A_482 = %scan3A_130 to %scan3A_132 step %scan3A_133  : i32 {
      %get3A = arith.index_cast %scan3A_482 : i32 to index
      %get3A_483 = arith.constant 0 : index
      %get3A_484 = tpu.vector_load %arg6[%get3A, %get3A_483] {strides = array<i32>} : memref<128x128xf32, #tpu.memory_space<vmem>>, vector<1x16xf32>,
      %get3A_485 = vector.shape_cast %get3A_484 : vector<1x16xf32> to vector<16xf32>
      %mul3A_486 = arith.constant 11.3137083 : f32
      %mul3A_487 = vector.broadcast %mul3A_486 : f32 to vector<16xf32>
      %mul3A_488 = arith.mulf %get3A_485, %mul3A_487 : vector<16xf32>
      %swap3A = arith.index_cast %scan3A_482 : i32 to index
      %swap3A_489 = arith.constant 0 : index
      %swap3A_490 = tpu.vector_load %arg12[%swap3A, %swap3A_489] {strides = array<i32>} : memref<128x128xf32, #tpu.memory_space<vmem>>, vector<1x16xf32>,
      %swap3A_491 = vector.shape_cast %swap3A_490 : vector<1x16xf32> to vector<16xf32>
      %swap3A_492 = vector.shape_cast %mul3A_488 : vector<16xf32> to vector<1x16xf32>
      tpu.vector_store %arg12[%swap3A, %swap3A_489], %swap3A_492 {strides = array<i32>} : memref<128x128xf32, #tpu.memory_space<vmem>>, vector<1x16xf32>,
      %get3A_493 = arith.index_cast %scan3A_482 : i32 to index
      %get3A_494 = arith.constant 16 : index
      %get3A_495 = tpu.vector_load %arg6[%get3A_493, %get3A_494] {strides = array<i32>} : memref<128x128xf32, #tpu.memory_space<vmem>>, vector<1x16xf32>,
      %get3A_496 = vector.shape_cast %get3A_495 : vector<1x16xf32> to vector<16xf32>
      %mul3A_497 = arith.constant 11.3137083 : f32
      %mul3A_498 = vector.broadcast %mul3A_497 : f32 to vector<16xf32>
      %mul3A_499 = arith.mulf %get3A_496, %mul3A_498 : vector<16xf32>
      %swap3A_500 = arith.index_cast %scan3A_482 : i32 to index
      %swap3A_501 = arith.constant 16 : index
      %swap3A_502 = tpu.vector_load %arg12[%swap3A_500, %swap3A_501] {strides = array<i32>} : memref<128x128xf32, #tpu.memory_space<vmem>>, vector<1x16xf32>,
      %swap3A_503 = vector.shape_cast %swap3A_502 : vector<1x16xf32> to vector<16xf32>
      %swap3A_504 = vector.shape_cast %mul3A_499 : vector<16xf32> to vector<1x16xf32>
      tpu.vector_store %arg12[%swap3A_500, %swap3A_501], %swap3A_504 {strides = array<i32>} : memref<128x128xf32, #tpu.memory_space<vmem>>, vector<1x16xf32>,
      %get3A_505 = arith.index_cast %scan3A_482 : i32 to index
      %get3A_506 = arith.constant 32 : index
      %get3A_507 = tpu.vector_load %arg6[%get3A_505, %get3A_506] {strides = array<i32>} : memref<128x128xf32, #tpu.memory_space<vmem>>, vector<1x16xf32>,
      %get3A_508 = vector.shape_cast %get3A_507 : vector<1x16xf32> to vector<16xf32>
      %mul3A_509 = arith.constant 11.3137083 : f32
      %mul3A_510 = vector.broadcast %mul3A_509 : f32 to vector<16xf32>
      %mul3A_511 = arith.mulf %get3A_508, %mul3A_510 : vector<16xf32>
      %swap3A_512 = arith.index_cast %scan3A_482 : i32 to index
      %swap3A_513 = arith.constant 32 : index
      %swap3A_514 = tpu.vector_load %arg12[%swap3A_512, %swap3A_513] {strides = array<i32>} : memref<128x128xf32, #tpu.memory_space<vmem>>, vector<1x16xf32>,
      %swap3A_515 = vector.shape_cast %swap3A_514 : vector<1x16xf32> to vector<16xf32>
      %swap3A_516 = vector.shape_cast %mul3A_511 : vector<16xf32> to vector<1x16xf32>
      tpu.vector_store %arg12[%swap3A_512, %swap3A_513], %swap3A_516 {strides = array<i32>} : memref<128x128xf32, #tpu.memory_space<vmem>>, vector<1x16xf32>,
      %get3A_517 = arith.index_cast %scan3A_482 : i32 to index
      %get3A_518 = arith.constant 48 : index
      %get3A_519 = tpu.vector_load %arg6[%get3A_517, %get3A_518] {strides = array<i32>} : memref<128x128xf32, #tpu.memory_space<vmem>>, vector<1x16xf32>,
      %get3A_520 = vector.shape_cast %get3A_519 : vector<1x16xf32> to vector<16xf32>
      %mul3A_521 = arith.constant 11.3137083 : f32
      %mul3A_522 = vector.broadcast %mul3A_521 : f32 to vector<16xf32>
      %mul3A_523 = arith.mulf %get3A_520, %mul3A_522 : vector<16xf32>
      %swap3A_524 = arith.index_cast %scan3A_482 : i32 to index
      %swap3A_525 = arith.constant 48 : index
      %swap3A_526 = tpu.vector_load %arg12[%swap3A_524, %swap3A_525] {strides = array<i32>} : memref<128x128xf32, #tpu.memory_space<vmem>>, vector<1x16xf32>,
      %swap3A_527 = vector.shape_cast %swap3A_526 : vector<1x16xf32> to vector<16xf32>
      %swap3A_528 = vector.shape_cast %mul3A_523 : vector<16xf32> to vector<1x16xf32>
      tpu.vector_store %arg12[%swap3A_524, %swap3A_525], %swap3A_528 {strides = array<i32>} : memref<128x128xf32, #tpu.memory_space<vmem>>, vector<1x16xf32>,
      %get3A_529 = arith.index_cast %scan3A_482 : i32 to index
      %get3A_530 = arith.constant 64 : index
      %get3A_531 = tpu.vector_load %arg6[%get3A_529, %get3A_530] {strides = array<i32>} : memref<128x128xf32, #tpu.memory_space<vmem>>, vector<1x16xf32>,
      %get3A_532 = vector.shape_cast %get3A_531 : vector<1x16xf32> to vector<16xf32>
      %mul3A_533 = arith.constant 11.3137083 : f32
      %mul3A_534 = vector.broadcast %mul3A_533 : f32 to vector<16xf32>
      %mul3A_535 = arith.mulf %get3A_532, %mul3A_534 : vector<16xf32>
      %swap3A_536 = arith.index_cast %scan3A_482 : i32 to index
      %swap3A_537 = arith.constant 64 : index
      %swap3A_538 = tpu.vector_load %arg12[%swap3A_536, %swap3A_537] {strides = array<i32>} : memref<128x128xf32, #tpu.memory_space<vmem>>, vector<1x16xf32>,
      %swap3A_539 = vector.shape_cast %swap3A_538 : vector<1x16xf32> to vector<16xf32>
      %swap3A_540 = vector.shape_cast %mul3A_535 : vector<16xf32> to vector<1x16xf32>
      tpu.vector_store %arg12[%swap3A_536, %swap3A_537], %swap3A_540 {strides = array<i32>} : memref<128x128xf32, #tpu.memory_space<vmem>>, vector<1x16xf32>,
      %get3A_541 = arith.index_cast %scan3A_482 : i32 to index
      %get3A_542 = arith.constant 80 : index
      %get3A_543 = tpu.vector_load %arg6[%get3A_541, %get3A_542] {strides = array<i32>} : memref<128x128xf32, #tpu.memory_space<vmem>>, vector<1x16xf32>,
      %get3A_544 = vector.shape_cast %get3A_543 : vector<1x16xf32> to vector<16xf32>
      %mul3A_545 = arith.constant 11.3137083 : f32
      %mul3A_546 = vector.broadcast %mul3A_545 : f32 to vector<16xf32>
      %mul3A_547 = arith.mulf %get3A_544, %mul3A_546 : vector<16xf32>
      %swap3A_548 = arith.index_cast %scan3A_482 : i32 to index
      %swap3A_549 = arith.constant 80 : index
      %swap3A_550 = tpu.vector_load %arg12[%swap3A_548, %swap3A_549] {strides = array<i32>} : memref<128x128xf32, #tpu.memory_space<vmem>>, vector<1x16xf32>,
      %swap3A_551 = vector.shape_cast %swap3A_550 : vector<1x16xf32> to vector<16xf32>
      %swap3A_552 = vector.shape_cast %mul3A_547 : vector<16xf32> to vector<1x16xf32>
      tpu.vector_store %arg12[%swap3A_548, %swap3A_549], %swap3A_552 {strides = array<i32>} : memref<128x128xf32, #tpu.memory_space<vmem>>, vector<1x16xf32>,
      %get3A_553 = arith.index_cast %scan3A_482 : i32 to index
      %get3A_554 = arith.constant 96 : index
      %get3A_555 = tpu.vector_load %arg6[%get3A_553, %get3A_554] {strides = array<i32>} : memref<128x128xf32, #tpu.memory_space<vmem>>, vector<1x16xf32>,
      %get3A_556 = vector.shape_cast %get3A_555 : vector<1x16xf32> to vector<16xf32>
      %mul3A_557 = arith.constant 11.3137083 : f32
      %mul3A_558 = vector.broadcast %mul3A_557 : f32 to vector<16xf32>
      %mul3A_559 = arith.mulf %get3A_556, %mul3A_558 : vector<16xf32>
      %swap3A_560 = arith.index_cast %scan3A_482 : i32 to index
      %swap3A_561 = arith.constant 96 : index
      %swap3A_562 = tpu.vector_load %arg12[%swap3A_560, %swap3A_561] {strides = array<i32>} : memref<128x128xf32, #tpu.memory_space<vmem>>, vector<1x16xf32>,
      %swap3A_563 = vector.shape_cast %swap3A_562 : vector<1x16xf32> to vector<16xf32>
      %swap3A_564 = vector.shape_cast %mul3A_559 : vector<16xf32> to vector<1x16xf32>
      tpu.vector_store %arg12[%swap3A_560, %swap3A_561], %swap3A_564 {strides = array<i32>} : memref<128x128xf32, #tpu.memory_space<vmem>>, vector<1x16xf32>,
      %get3A_565 = arith.index_cast %scan3A_482 : i32 to index
      %get3A_566 = arith.constant 112 : index
      %get3A_567 = tpu.vector_load %arg6[%get3A_565, %get3A_566] {strides = array<i32>} : memref<128x128xf32, #tpu.memory_space<vmem>>, vector<1x16xf32>,
      %get3A_568 = vector.shape_cast %get3A_567 : vector<1x16xf32> to vector<16xf32>
      %mul3A_569 = arith.constant 11.3137083 : f32
      %mul3A_570 = vector.broadcast %mul3A_569 : f32 to vector<16xf32>
      %mul3A_571 = arith.mulf %get3A_568, %mul3A_570 : vector<16xf32>
      %swap3A_572 = arith.index_cast %scan3A_482 : i32 to index
      %swap3A_573 = arith.constant 112 : index
      %swap3A_574 = tpu.vector_load %arg12[%swap3A_572, %swap3A_573] {strides = array<i32>} : memref<128x128xf32, #tpu.memory_space<vmem>>, vector<1x16xf32>,
      %swap3A_575 = vector.shape_cast %swap3A_574 : vector<1x16xf32> to vector<16xf32>
      %swap3A_576 = vector.shape_cast %mul3A_571 : vector<16xf32> to vector<1x16xf32>
      tpu.vector_store %arg12[%swap3A_572, %swap3A_573], %swap3A_576 {strides = array<i32>} : memref<128x128xf32, #tpu.memory_space<vmem>>, vector<1x16xf32>,
    }
    %scan3A_134 = arith.constant 128 : i32
    %dma_start3A_135 = arith.constant 39 : i32
    %dma_start3A_136 = arith.constant 0 : i32
    %dma_start3A_137 = tpu.memref_slice %arg4[%dma_start3A_135, %mul3A_2, %dma_start3A_136] : memref<50x4096x128xf32, #tpu.memory_space<hbm>> -> memref<1x128x128xf32, #tpu.memory_space<hbm>>
    %dma_start3A_138 = tpu.memref_squeeze %dma_start3A_137 : memref<1x128x128xf32, #tpu.memory_space<hbm>> -> memref<128x128xf32, #tpu.memory_space<hbm>>
    %dma_start3A_139 = arith.constant 0 : i32
    %dma_start3A_140 = tpu.memref_slice %arg4[%dma_start3A_135, %mul3A_2, %dma_start3A_139] : memref<50x4096x128xf32, #tpu.memory_space<hbm>> -> memref<1x128x128xf32, #tpu.memory_space<hbm>>
    %dma_start3A_141 = tpu.memref_squeeze %dma_start3A_140 : memref<1x128x128xf32, #tpu.memory_space<hbm>> -> memref<128x128xf32, #tpu.memory_space<hbm>>
    tpu.enqueue_dma source(%arg12 : memref<128x128xf32, #tpu.memory_space<vmem>>) target(%dma_start3A_141 : memref<128x128xf32, #tpu.memory_space<hbm>>) target_semaphore(%arg19 : memref<!tpu.dma_semaphore, #tpu.memory_space<semaphore_mem>>)
    %dma_wait3A_142 = arith.constant 40 : i32
    %dma_wait3A_143 = arith.constant 0 : i32
    %dma_wait3A_144 = tpu.memref_slice %arg4[%dma_wait3A_142, %mul3A_2, %dma_wait3A_143] : memref<50x4096x128xf32, #tpu.memory_space<hbm>> -> memref<1x128x128xf32, #tpu.memory_space<hbm>>
    %dma_wait3A_145 = tpu.memref_squeeze %dma_wait3A_144 : memref<1x128x128xf32, #tpu.memory_space<hbm>> -> memref<128x128xf32, #tpu.memory_space<hbm>>
    %dma_wait3A_146 = arith.constant 0 : i32
    %dma_wait3A_147 = tpu.memref_slice %arg4[%dma_wait3A_142, %mul3A_2, %dma_wait3A_146] : memref<50x4096x128xf32, #tpu.memory_space<hbm>> -> memref<1x128x128xf32, #tpu.memory_space<hbm>>
    %dma_wait3A_148 = tpu.memref_squeeze %dma_wait3A_147 : memref<1x128x128xf32, #tpu.memory_space<hbm>> -> memref<128x128xf32, #tpu.memory_space<hbm>>
    tpu.wait_dma2 semaphore(%arg18 : memref<!tpu.dma_semaphore, #tpu.memory_space<semaphore_mem>>) src(%arg11 : memref<128x128xf32, #tpu.memory_space<vmem>>) dst(%dma_wait3A_148 : memref<128x128xf32, #tpu.memory_space<hbm>>)
    %dma_start3A_149 = arith.constant 42 : i32
    %dma_start3A_150 = arith.constant 0 : i32
    %dma_start3A_151 = tpu.memref_slice %arg5[%dma_start3A_149, %dma_start3A_150] : memref<50x128xi32, #tpu.memory_space<vmem>> -> memref<1x128xi32, #tpu.memory_space<vmem>>
    %dma_start3A_152 = tpu.memref_squeeze %dma_start3A_151 : memref<1x128xi32, #tpu.memory_space<vmem>> -> memref<128xi32, #tpu.memory_space<vmem>>
    %dma_start3A_153 = arith.constant 0 : i32
    %dma_start3A_154 = arith.constant 0 : i32
    %dma_start3A_155 = tpu.memref_slice %arg3[%dma_start3A_153, %dma_start3A_154] : memref<100000x128xf32, #tpu.memory_space<hbm>> -> memref<100000x128xf32, #tpu.memory_space<hbm>>
    tpu.enqueue_indirect_dma source(%dma_start3A_155 : memref<100000x128xf32, #tpu.memory_space<hbm>>) target(%arg6 : memref<128x128xf32, #tpu.memory_space<vmem>>) offsets(%dma_start3A_152 : memref<128xi32, #tpu.memory_space<vmem>>) semaphore(%arg13 : memref<!tpu.dma_semaphore, #tpu.memory_space<semaphore_mem>>)
    %dma_wait3A_156 = arith.constant 40 : i32
    %dma_wait3A_157 = arith.constant 0 : i32
    %dma_wait3A_158 = tpu.memref_slice %arg5[%dma_wait3A_156, %dma_wait3A_157] : memref<50x128xi32, #tpu.memory_space<vmem>> -> memref<1x128xi32, #tpu.memory_space<vmem>>
    %dma_wait3A_159 = tpu.memref_squeeze %dma_wait3A_158 : memref<1x128xi32, #tpu.memory_space<vmem>> -> memref<128xi32, #tpu.memory_space<vmem>>
    %dma_wait3A_160 = arith.constant 0 : i32
    %dma_wait3A_161 = arith.constant 0 : i32
    %dma_wait3A_162 = tpu.memref_slice %arg3[%dma_wait3A_160, %dma_wait3A_161] : memref<100000x128xf32, #tpu.memory_space<hbm>> -> memref<100000x128xf32, #tpu.memory_space<hbm>>
    tpu.wait_indirect_dma semaphore(%arg14 : memref<!tpu.dma_semaphore, #tpu.memory_space<semaphore_mem>>) src(%dma_wait3A_162 : memref<100000x128xf32, #tpu.memory_space<hbm>>) dst(%arg7 : memref<128x128xf32, #tpu.memory_space<vmem>>)
    %scan3A_163 = arith.constant 0 : i32
    %scan3A_164 = arith.constant 0 : i32
    %scan3A_165 = arith.constant 128 : i32
    %scan3A_166 = arith.addi %scan3A_164, %scan3A_165 : i32
    %scan3A_167 = arith.constant 1 : i32
    scf.for %scan3A_482 = %scan3A_164 to %scan3A_166 step %scan3A_167  : i32 {
      %get3A = arith.index_cast %scan3A_482 : i32 to index
      %get3A_483 = arith.constant 0 : index
      %get3A_484 = tpu.vector_load %arg7[%get3A, %get3A_483] {strides = array<i32>} : memref<128x128xf32, #tpu.memory_space<vmem>>, vector<1x16xf32>,
      %get3A_485 = vector.shape_cast %get3A_484 : vector<1x16xf32> to vector<16xf32>
      %mul3A_486 = arith.constant 11.3137083 : f32
      %mul3A_487 = vector.broadcast %mul3A_486 : f32 to vector<16xf32>
      %mul3A_488 = arith.mulf %get3A_485, %mul3A_487 : vector<16xf32>
      %swap3A = arith.index_cast %scan3A_482 : i32 to index
      %swap3A_489 = arith.constant 0 : index
      %swap3A_490 = tpu.vector_load %arg9[%swap3A, %swap3A_489] {strides = array<i32>} : memref<128x128xf32, #tpu.memory_space<vmem>>, vector<1x16xf32>,
      %swap3A_491 = vector.shape_cast %swap3A_490 : vector<1x16xf32> to vector<16xf32>
      %swap3A_492 = vector.shape_cast %mul3A_488 : vector<16xf32> to vector<1x16xf32>
      tpu.vector_store %arg9[%swap3A, %swap3A_489], %swap3A_492 {strides = array<i32>} : memref<128x128xf32, #tpu.memory_space<vmem>>, vector<1x16xf32>,
      %get3A_493 = arith.index_cast %scan3A_482 : i32 to index
      %get3A_494 = arith.constant 16 : index
      %get3A_495 = tpu.vector_load %arg7[%get3A_493, %get3A_494] {strides = array<i32>} : memref<128x128xf32, #tpu.memory_space<vmem>>, vector<1x16xf32>,
      %get3A_496 = vector.shape_cast %get3A_495 : vector<1x16xf32> to vector<16xf32>
      %mul3A_497 = arith.constant 11.3137083 : f32
      %mul3A_498 = vector.broadcast %mul3A_497 : f32 to vector<16xf32>
      %mul3A_499 = arith.mulf %get3A_496, %mul3A_498 : vector<16xf32>
      %swap3A_500 = arith.index_cast %scan3A_482 : i32 to index
      %swap3A_501 = arith.constant 16 : index
      %swap3A_502 = tpu.vector_load %arg9[%swap3A_500, %swap3A_501] {strides = array<i32>} : memref<128x128xf32, #tpu.memory_space<vmem>>, vector<1x16xf32>,
      %swap3A_503 = vector.shape_cast %swap3A_502 : vector<1x16xf32> to vector<16xf32>
      %swap3A_504 = vector.shape_cast %mul3A_499 : vector<16xf32> to vector<1x16xf32>
      tpu.vector_store %arg9[%swap3A_500, %swap3A_501], %swap3A_504 {strides = array<i32>} : memref<128x128xf32, #tpu.memory_space<vmem>>, vector<1x16xf32>,
      %get3A_505 = arith.index_cast %scan3A_482 : i32 to index
      %get3A_506 = arith.constant 32 : index
      %get3A_507 = tpu.vector_load %arg7[%get3A_505, %get3A_506] {strides = array<i32>} : memref<128x128xf32, #tpu.memory_space<vmem>>, vector<1x16xf32>,
      %get3A_508 = vector.shape_cast %get3A_507 : vector<1x16xf32> to vector<16xf32>
      %mul3A_509 = arith.constant 11.3137083 : f32
      %mul3A_510 = vector.broadcast %mul3A_509 : f32 to vector<16xf32>
      %mul3A_511 = arith.mulf %get3A_508, %mul3A_510 : vector<16xf32>
      %swap3A_512 = arith.index_cast %scan3A_482 : i32 to index
      %swap3A_513 = arith.constant 32 : index
      %swap3A_514 = tpu.vector_load %arg9[%swap3A_512, %swap3A_513] {strides = array<i32>} : memref<128x128xf32, #tpu.memory_space<vmem>>, vector<1x16xf32>,
      %swap3A_515 = vector.shape_cast %swap3A_514 : vector<1x16xf32> to vector<16xf32>
      %swap3A_516 = vector.shape_cast %mul3A_511 : vector<16xf32> to vector<1x16xf32>
      tpu.vector_store %arg9[%swap3A_512, %swap3A_513], %swap3A_516 {strides = array<i32>} : memref<128x128xf32, #tpu.memory_space<vmem>>, vector<1x16xf32>,
      %get3A_517 = arith.index_cast %scan3A_482 : i32 to index
      %get3A_518 = arith.constant 48 : index
      %get3A_519 = tpu.vector_load %arg7[%get3A_517, %get3A_518] {strides = array<i32>} : memref<128x128xf32, #tpu.memory_space<vmem>>, vector<1x16xf32>,
      %get3A_520 = vector.shape_cast %get3A_519 : vector<1x16xf32> to vector<16xf32>
      %mul3A_521 = arith.constant 11.3137083 : f32
      %mul3A_522 = vector.broadcast %mul3A_521 : f32 to vector<16xf32>
      %mul3A_523 = arith.mulf %get3A_520, %mul3A_522 : vector<16xf32>
      %swap3A_524 = arith.index_cast %scan3A_482 : i32 to index
      %swap3A_525 = arith.constant 48 : index
      %swap3A_526 = tpu.vector_load %arg9[%swap3A_524, %swap3A_525] {strides = array<i32>} : memref<128x128xf32, #tpu.memory_space<vmem>>, vector<1x16xf32>,
      %swap3A_527 = vector.shape_cast %swap3A_526 : vector<1x16xf32> to vector<16xf32>
      %swap3A_528 = vector.shape_cast %mul3A_523 : vector<16xf32> to vector<1x16xf32>
      tpu.vector_store %arg9[%swap3A_524, %swap3A_525], %swap3A_528 {strides = array<i32>} : memref<128x128xf32, #tpu.memory_space<vmem>>, vector<1x16xf32>,
      %get3A_529 = arith.index_cast %scan3A_482 : i32 to index
      %get3A_530 = arith.constant 64 : index
      %get3A_531 = tpu.vector_load %arg7[%get3A_529, %get3A_530] {strides = array<i32>} : memref<128x128xf32, #tpu.memory_space<vmem>>, vector<1x16xf32>,
      %get3A_532 = vector.shape_cast %get3A_531 : vector<1x16xf32> to vector<16xf32>
      %mul3A_533 = arith.constant 11.3137083 : f32
      %mul3A_534 = vector.broadcast %mul3A_533 : f32 to vector<16xf32>
      %mul3A_535 = arith.mulf %get3A_532, %mul3A_534 : vector<16xf32>
      %swap3A_536 = arith.index_cast %scan3A_482 : i32 to index
      %swap3A_537 = arith.constant 64 : index
      %swap3A_538 = tpu.vector_load %arg9[%swap3A_536, %swap3A_537] {strides = array<i32>} : memref<128x128xf32, #tpu.memory_space<vmem>>, vector<1x16xf32>,
      %swap3A_539 = vector.shape_cast %swap3A_538 : vector<1x16xf32> to vector<16xf32>
      %swap3A_540 = vector.shape_cast %mul3A_535 : vector<16xf32> to vector<1x16xf32>
      tpu.vector_store %arg9[%swap3A_536, %swap3A_537], %swap3A_540 {strides = array<i32>} : memref<128x128xf32, #tpu.memory_space<vmem>>, vector<1x16xf32>,
      %get3A_541 = arith.index_cast %scan3A_482 : i32 to index
      %get3A_542 = arith.constant 80 : index
      %get3A_543 = tpu.vector_load %arg7[%get3A_541, %get3A_542] {strides = array<i32>} : memref<128x128xf32, #tpu.memory_space<vmem>>, vector<1x16xf32>,
      %get3A_544 = vector.shape_cast %get3A_543 : vector<1x16xf32> to vector<16xf32>
      %mul3A_545 = arith.constant 11.3137083 : f32
      %mul3A_546 = vector.broadcast %mul3A_545 : f32 to vector<16xf32>
      %mul3A_547 = arith.mulf %get3A_544, %mul3A_546 : vector<16xf32>
      %swap3A_548 = arith.index_cast %scan3A_482 : i32 to index
      %swap3A_549 = arith.constant 80 : index
      %swap3A_550 = tpu.vector_load %arg9[%swap3A_548, %swap3A_549] {strides = array<i32>} : memref<128x128xf32, #tpu.memory_space<vmem>>, vector<1x16xf32>,
      %swap3A_551 = vector.shape_cast %swap3A_550 : vector<1x16xf32> to vector<16xf32>
      %swap3A_552 = vector.shape_cast %mul3A_547 : vector<16xf32> to vector<1x16xf32>
      tpu.vector_store %arg9[%swap3A_548, %swap3A_549], %swap3A_552 {strides = array<i32>} : memref<128x128xf32, #tpu.memory_space<vmem>>, vector<1x16xf32>,
      %get3A_553 = arith.index_cast %scan3A_482 : i32 to index
      %get3A_554 = arith.constant 96 : index
      %get3A_555 = tpu.vector_load %arg7[%get3A_553, %get3A_554] {strides = array<i32>} : memref<128x128xf32, #tpu.memory_space<vmem>>, vector<1x16xf32>,
      %get3A_556 = vector.shape_cast %get3A_555 : vector<1x16xf32> to vector<16xf32>
      %mul3A_557 = arith.constant 11.3137083 : f32
      %mul3A_558 = vector.broadcast %mul3A_557 : f32 to vector<16xf32>
      %mul3A_559 = arith.mulf %get3A_556, %mul3A_558 : vector<16xf32>
      %swap3A_560 = arith.index_cast %scan3A_482 : i32 to index
      %swap3A_561 = arith.constant 96 : index
      %swap3A_562 = tpu.vector_load %arg9[%swap3A_560, %swap3A_561] {strides = array<i32>} : memref<128x128xf32, #tpu.memory_space<vmem>>, vector<1x16xf32>,
      %swap3A_563 = vector.shape_cast %swap3A_562 : vector<1x16xf32> to vector<16xf32>
      %swap3A_564 = vector.shape_cast %mul3A_559 : vector<16xf32> to vector<1x16xf32>
      tpu.vector_store %arg9[%swap3A_560, %swap3A_561], %swap3A_564 {strides = array<i32>} : memref<128x128xf32, #tpu.memory_space<vmem>>, vector<1x16xf32>,
      %get3A_565 = arith.index_cast %scan3A_482 : i32 to index
      %get3A_566 = arith.constant 112 : index
      %get3A_567 = tpu.vector_load %arg7[%get3A_565, %get3A_566] {strides = array<i32>} : memref<128x128xf32, #tpu.memory_space<vmem>>, vector<1x16xf32>,
      %get3A_568 = vector.shape_cast %get3A_567 : vector<1x16xf32> to vector<16xf32>
      %mul3A_569 = arith.constant 11.3137083 : f32
      %mul3A_570 = vector.broadcast %mul3A_569 : f32 to vector<16xf32>
      %mul3A_571 = arith.mulf %get3A_568, %mul3A_570 : vector<16xf32>
      %swap3A_572 = arith.index_cast %scan3A_482 : i32 to index
      %swap3A_573 = arith.constant 112 : index
      %swap3A_574 = tpu.vector_load %arg9[%swap3A_572, %swap3A_573] {strides = array<i32>} : memref<128x128xf32, #tpu.memory_space<vmem>>, vector<1x16xf32>,
      %swap3A_575 = vector.shape_cast %swap3A_574 : vector<1x16xf32> to vector<16xf32>
      %swap3A_576 = vector.shape_cast %mul3A_571 : vector<16xf32> to vector<1x16xf32>
      tpu.vector_store %arg9[%swap3A_572, %swap3A_573], %swap3A_576 {strides = array<i32>} : memref<128x128xf32, #tpu.memory_space<vmem>>, vector<1x16xf32>,
    }
    %scan3A_168 = arith.constant 128 : i32
    %dma_start3A_169 = arith.constant 40 : i32
    %dma_start3A_170 = arith.constant 0 : i32
    %dma_start3A_171 = tpu.memref_slice %arg4[%dma_start3A_169, %mul3A_2, %dma_start3A_170] : memref<50x4096x128xf32, #tpu.memory_space<hbm>> -> memref<1x128x128xf32, #tpu.memory_space<hbm>>
    %dma_start3A_172 = tpu.memref_squeeze %dma_start3A_171 : memref<1x128x128xf32, #tpu.memory_space<hbm>> -> memref<128x128xf32, #tpu.memory_space<hbm>>
    %dma_start3A_173 = arith.constant 0 : i32
    %dma_start3A_174 = tpu.memref_slice %arg4[%dma_start3A_169, %mul3A_2, %dma_start3A_173] : memref<50x4096x128xf32, #tpu.memory_space<hbm>> -> memref<1x128x128xf32, #tpu.memory_space<hbm>>
    %dma_start3A_175 = tpu.memref_squeeze %dma_start3A_174 : memref<1x128x128xf32, #tpu.memory_space<hbm>> -> memref<128x128xf32, #tpu.memory_space<hbm>>
    tpu.enqueue_dma source(%arg9 : memref<128x128xf32, #tpu.memory_space<vmem>>) target(%dma_start3A_175 : memref<128x128xf32, #tpu.memory_space<hbm>>) target_semaphore(%arg16 : memref<!tpu.dma_semaphore, #tpu.memory_space<semaphore_mem>>)
    %dma_wait3A_176 = arith.constant 41 : i32
    %dma_wait3A_177 = arith.constant 0 : i32
    %dma_wait3A_178 = tpu.memref_slice %arg4[%dma_wait3A_176, %mul3A_2, %dma_wait3A_177] : memref<50x4096x128xf32, #tpu.memory_space<hbm>> -> memref<1x128x128xf32, #tpu.memory_space<hbm>>
    %dma_wait3A_179 = tpu.memref_squeeze %dma_wait3A_178 : memref<1x128x128xf32, #tpu.memory_space<hbm>> -> memref<128x128xf32, #tpu.memory_space<hbm>>
    %dma_wait3A_180 = arith.constant 0 : i32
    %dma_wait3A_181 = tpu.memref_slice %arg4[%dma_wait3A_176, %mul3A_2, %dma_wait3A_180] : memref<50x4096x128xf32, #tpu.memory_space<hbm>> -> memref<1x128x128xf32, #tpu.memory_space<hbm>>
    %dma_wait3A_182 = tpu.memref_squeeze %dma_wait3A_181 : memref<1x128x128xf32, #tpu.memory_space<hbm>> -> memref<128x128xf32, #tpu.memory_space<hbm>>
    tpu.wait_dma2 semaphore(%arg19 : memref<!tpu.dma_semaphore, #tpu.memory_space<semaphore_mem>>) src(%arg12 : memref<128x128xf32, #tpu.memory_space<vmem>>) dst(%dma_wait3A_182 : memref<128x128xf32, #tpu.memory_space<hbm>>)
    %dma_start3A_183 = arith.constant 43 : i32
    %dma_start3A_184 = arith.constant 0 : i32
    %dma_start3A_185 = tpu.memref_slice %arg5[%dma_start3A_183, %dma_start3A_184] : memref<50x128xi32, #tpu.memory_space<vmem>> -> memref<1x128xi32, #tpu.memory_space<vmem>>
    %dma_start3A_186 = tpu.memref_squeeze %dma_start3A_185 : memref<1x128xi32, #tpu.memory_space<vmem>> -> memref<128xi32, #tpu.memory_space<vmem>>
    %dma_start3A_187 = arith.constant 0 : i32
    %dma_start3A_188 = arith.constant 0 : i32
    %dma_start3A_189 = tpu.memref_slice %arg3[%dma_start3A_187, %dma_start3A_188] : memref<100000x128xf32, #tpu.memory_space<hbm>> -> memref<100000x128xf32, #tpu.memory_space<hbm>>
    tpu.enqueue_indirect_dma source(%dma_start3A_189 : memref<100000x128xf32, #tpu.memory_space<hbm>>) target(%arg7 : memref<128x128xf32, #tpu.memory_space<vmem>>) offsets(%dma_start3A_186 : memref<128xi32, #tpu.memory_space<vmem>>) semaphore(%arg14 : memref<!tpu.dma_semaphore, #tpu.memory_space<semaphore_mem>>)
    %dma_wait3A_190 = arith.constant 41 : i32
    %dma_wait3A_191 = arith.constant 0 : i32
    %dma_wait3A_192 = tpu.memref_slice %arg5[%dma_wait3A_190, %dma_wait3A_191] : memref<50x128xi32, #tpu.memory_space<vmem>> -> memref<1x128xi32, #tpu.memory_space<vmem>>
    %dma_wait3A_193 = tpu.memref_squeeze %dma_wait3A_192 : memref<1x128xi32, #tpu.memory_space<vmem>> -> memref<128xi32, #tpu.memory_space<vmem>>
    %dma_wait3A_194 = arith.constant 0 : i32
    %dma_wait3A_195 = arith.constant 0 : i32
    %dma_wait3A_196 = tpu.memref_slice %arg3[%dma_wait3A_194, %dma_wait3A_195] : memref<100000x128xf32, #tpu.memory_space<hbm>> -> memref<100000x128xf32, #tpu.memory_space<hbm>>
    tpu.wait_indirect_dma semaphore(%arg15 : memref<!tpu.dma_semaphore, #tpu.memory_space<semaphore_mem>>) src(%dma_wait3A_196 : memref<100000x128xf32, #tpu.memory_space<hbm>>) dst(%arg8 : memref<128x128xf32, #tpu.memory_space<vmem>>)
    %scan3A_197 = arith.constant 0 : i32
    %scan3A_198 = arith.constant 0 : i32
    %scan3A_199 = arith.constant 128 : i32
    %scan3A_200 = arith.addi %scan3A_198, %scan3A_199 : i32
    %scan3A_201 = arith.constant 1 : i32
    scf.for %scan3A_482 = %scan3A_198 to %scan3A_200 step %scan3A_201  : i32 {
      %get3A = arith.index_cast %scan3A_482 : i32 to index
      %get3A_483 = arith.constant 0 : index
      %get3A_484 = tpu.vector_load %arg8[%get3A, %get3A_483] {strides = array<i32>} : memref<128x128xf32, #tpu.memory_space<vmem>>, vector<1x16xf32>,
      %get3A_485 = vector.shape_cast %get3A_484 : vector<1x16xf32> to vector<16xf32>
      %mul3A_486 = arith.constant 11.3137083 : f32
      %mul3A_487 = vector.broadcast %mul3A_486 : f32 to vector<16xf32>
      %mul3A_488 = arith.mulf %get3A_485, %mul3A_487 : vector<16xf32>
      %swap3A = arith.index_cast %scan3A_482 : i32 to index
      %swap3A_489 = arith.constant 0 : index
      %swap3A_490 = tpu.vector_load %arg10[%swap3A, %swap3A_489] {strides = array<i32>} : memref<128x128xf32, #tpu.memory_space<vmem>>, vector<1x16xf32>,
      %swap3A_491 = vector.shape_cast %swap3A_490 : vector<1x16xf32> to vector<16xf32>
      %swap3A_492 = vector.shape_cast %mul3A_488 : vector<16xf32> to vector<1x16xf32>
      tpu.vector_store %arg10[%swap3A, %swap3A_489], %swap3A_492 {strides = array<i32>} : memref<128x128xf32, #tpu.memory_space<vmem>>, vector<1x16xf32>,
      %get3A_493 = arith.index_cast %scan3A_482 : i32 to index
      %get3A_494 = arith.constant 16 : index
      %get3A_495 = tpu.vector_load %arg8[%get3A_493, %get3A_494] {strides = array<i32>} : memref<128x128xf32, #tpu.memory_space<vmem>>, vector<1x16xf32>,
      %get3A_496 = vector.shape_cast %get3A_495 : vector<1x16xf32> to vector<16xf32>
      %mul3A_497 = arith.constant 11.3137083 : f32
      %mul3A_498 = vector.broadcast %mul3A_497 : f32 to vector<16xf32>
      %mul3A_499 = arith.mulf %get3A_496, %mul3A_498 : vector<16xf32>
      %swap3A_500 = arith.index_cast %scan3A_482 : i32 to index
      %swap3A_501 = arith.constant 16 : index
      %swap3A_502 = tpu.vector_load %arg10[%swap3A_500, %swap3A_501] {strides = array<i32>} : memref<128x128xf32, #tpu.memory_space<vmem>>, vector<1x16xf32>,
      %swap3A_503 = vector.shape_cast %swap3A_502 : vector<1x16xf32> to vector<16xf32>
      %swap3A_504 = vector.shape_cast %mul3A_499 : vector<16xf32> to vector<1x16xf32>
      tpu.vector_store %arg10[%swap3A_500, %swap3A_501], %swap3A_504 {strides = array<i32>} : memref<128x128xf32, #tpu.memory_space<vmem>>, vector<1x16xf32>,
      %get3A_505 = arith.index_cast %scan3A_482 : i32 to index
      %get3A_506 = arith.constant 32 : index
      %get3A_507 = tpu.vector_load %arg8[%get3A_505, %get3A_506] {strides = array<i32>} : memref<128x128xf32, #tpu.memory_space<vmem>>, vector<1x16xf32>,
      %get3A_508 = vector.shape_cast %get3A_507 : vector<1x16xf32> to vector<16xf32>
      %mul3A_509 = arith.constant 11.3137083 : f32
      %mul3A_510 = vector.broadcast %mul3A_509 : f32 to vector<16xf32>
      %mul3A_511 = arith.mulf %get3A_508, %mul3A_510 : vector<16xf32>
      %swap3A_512 = arith.index_cast %scan3A_482 : i32 to index
      %swap3A_513 = arith.constant 32 : index
      %swap3A_514 = tpu.vector_load %arg10[%swap3A_512, %swap3A_513] {strides = array<i32>} : memref<128x128xf32, #tpu.memory_space<vmem>>, vector<1x16xf32>,
      %swap3A_515 = vector.shape_cast %swap3A_514 : vector<1x16xf32> to vector<16xf32>
      %swap3A_516 = vector.shape_cast %mul3A_511 : vector<16xf32> to vector<1x16xf32>
      tpu.vector_store %arg10[%swap3A_512, %swap3A_513], %swap3A_516 {strides = array<i32>} : memref<128x128xf32, #tpu.memory_space<vmem>>, vector<1x16xf32>,
      %get3A_517 = arith.index_cast %scan3A_482 : i32 to index
      %get3A_518 = arith.constant 48 : index
      %get3A_519 = tpu.vector_load %arg8[%get3A_517, %get3A_518] {strides = array<i32>} : memref<128x128xf32, #tpu.memory_space<vmem>>, vector<1x16xf32>,
      %get3A_520 = vector.shape_cast %get3A_519 : vector<1x16xf32> to vector<16xf32>
      %mul3A_521 = arith.constant 11.3137083 : f32
      %mul3A_522 = vector.broadcast %mul3A_521 : f32 to vector<16xf32>
      %mul3A_523 = arith.mulf %get3A_520, %mul3A_522 : vector<16xf32>
      %swap3A_524 = arith.index_cast %scan3A_482 : i32 to index
      %swap3A_525 = arith.constant 48 : index
      %swap3A_526 = tpu.vector_load %arg10[%swap3A_524, %swap3A_525] {strides = array<i32>} : memref<128x128xf32, #tpu.memory_space<vmem>>, vector<1x16xf32>,
      %swap3A_527 = vector.shape_cast %swap3A_526 : vector<1x16xf32> to vector<16xf32>
      %swap3A_528 = vector.shape_cast %mul3A_523 : vector<16xf32> to vector<1x16xf32>
      tpu.vector_store %arg10[%swap3A_524, %swap3A_525], %swap3A_528 {strides = array<i32>} : memref<128x128xf32, #tpu.memory_space<vmem>>, vector<1x16xf32>,
      %get3A_529 = arith.index_cast %scan3A_482 : i32 to index
      %get3A_530 = arith.constant 64 : index
      %get3A_531 = tpu.vector_load %arg8[%get3A_529, %get3A_530] {strides = array<i32>} : memref<128x128xf32, #tpu.memory_space<vmem>>, vector<1x16xf32>,
      %get3A_532 = vector.shape_cast %get3A_531 : vector<1x16xf32> to vector<16xf32>
      %mul3A_533 = arith.constant 11.3137083 : f32
      %mul3A_534 = vector.broadcast %mul3A_533 : f32 to vector<16xf32>
      %mul3A_535 = arith.mulf %get3A_532, %mul3A_534 : vector<16xf32>
      %swap3A_536 = arith.index_cast %scan3A_482 : i32 to index
      %swap3A_537 = arith.constant 64 : index
      %swap3A_538 = tpu.vector_load %arg10[%swap3A_536, %swap3A_537] {strides = array<i32>} : memref<128x128xf32, #tpu.memory_space<vmem>>, vector<1x16xf32>,
      %swap3A_539 = vector.shape_cast %swap3A_538 : vector<1x16xf32> to vector<16xf32>
      %swap3A_540 = vector.shape_cast %mul3A_535 : vector<16xf32> to vector<1x16xf32>
      tpu.vector_store %arg10[%swap3A_536, %swap3A_537], %swap3A_540 {strides = array<i32>} : memref<128x128xf32, #tpu.memory_space<vmem>>, vector<1x16xf32>,
      %get3A_541 = arith.index_cast %scan3A_482 : i32 to index
      %get3A_542 = arith.constant 80 : index
      %get3A_543 = tpu.vector_load %arg8[%get3A_541, %get3A_542] {strides = array<i32>} : memref<128x128xf32, #tpu.memory_space<vmem>>, vector<1x16xf32>,
      %get3A_544 = vector.shape_cast %get3A_543 : vector<1x16xf32> to vector<16xf32>
      %mul3A_545 = arith.constant 11.3137083 : f32
      %mul3A_546 = vector.broadcast %mul3A_545 : f32 to vector<16xf32>
      %mul3A_547 = arith.mulf %get3A_544, %mul3A_546 : vector<16xf32>
      %swap3A_548 = arith.index_cast %scan3A_482 : i32 to index
      %swap3A_549 = arith.constant 80 : index
      %swap3A_550 = tpu.vector_load %arg10[%swap3A_548, %swap3A_549] {strides = array<i32>} : memref<128x128xf32, #tpu.memory_space<vmem>>, vector<1x16xf32>,
      %swap3A_551 = vector.shape_cast %swap3A_550 : vector<1x16xf32> to vector<16xf32>
      %swap3A_552 = vector.shape_cast %mul3A_547 : vector<16xf32> to vector<1x16xf32>
      tpu.vector_store %arg10[%swap3A_548, %swap3A_549], %swap3A_552 {strides = array<i32>} : memref<128x128xf32, #tpu.memory_space<vmem>>, vector<1x16xf32>,
      %get3A_553 = arith.index_cast %scan3A_482 : i32 to index
      %get3A_554 = arith.constant 96 : index
      %get3A_555 = tpu.vector_load %arg8[%get3A_553, %get3A_554] {strides = array<i32>} : memref<128x128xf32, #tpu.memory_space<vmem>>, vector<1x16xf32>,
      %get3A_556 = vector.shape_cast %get3A_555 : vector<1x16xf32> to vector<16xf32>
      %mul3A_557 = arith.constant 11.3137083 : f32
      %mul3A_558 = vector.broadcast %mul3A_557 : f32 to vector<16xf32>
      %mul3A_559 = arith.mulf %get3A_556, %mul3A_558 : vector<16xf32>
      %swap3A_560 = arith.index_cast %scan3A_482 : i32 to index
      %swap3A_561 = arith.constant 96 : index
      %swap3A_562 = tpu.vector_load %arg10[%swap3A_560, %swap3A_561] {strides = array<i32>} : memref<128x128xf32, #tpu.memory_space<vmem>>, vector<1x16xf32>,
      %swap3A_563 = vector.shape_cast %swap3A_562 : vector<1x16xf32> to vector<16xf32>
      %swap3A_564 = vector.shape_cast %mul3A_559 : vector<16xf32> to vector<1x16xf32>
      tpu.vector_store %arg10[%swap3A_560, %swap3A_561], %swap3A_564 {strides = array<i32>} : memref<128x128xf32, #tpu.memory_space<vmem>>, vector<1x16xf32>,
      %get3A_565 = arith.index_cast %scan3A_482 : i32 to index
      %get3A_566 = arith.constant 112 : index
      %get3A_567 = tpu.vector_load %arg8[%get3A_565, %get3A_566] {strides = array<i32>} : memref<128x128xf32, #tpu.memory_space<vmem>>, vector<1x16xf32>,
      %get3A_568 = vector.shape_cast %get3A_567 : vector<1x16xf32> to vector<16xf32>
      %mul3A_569 = arith.constant 11.3137083 : f32
      %mul3A_570 = vector.broadcast %mul3A_569 : f32 to vector<16xf32>
      %mul3A_571 = arith.mulf %get3A_568, %mul3A_570 : vector<16xf32>
      %swap3A_572 = arith.index_cast %scan3A_482 : i32 to index
      %swap3A_573 = arith.constant 112 : index
      %swap3A_574 = tpu.vector_load %arg10[%swap3A_572, %swap3A_573] {strides = array<i32>} : memref<128x128xf32, #tpu.memory_space<vmem>>, vector<1x16xf32>,
      %swap3A_575 = vector.shape_cast %swap3A_574 : vector<1x16xf32> to vector<16xf32>
      %swap3A_576 = vector.shape_cast %mul3A_571 : vector<16xf32> to vector<1x16xf32>
      tpu.vector_store %arg10[%swap3A_572, %swap3A_573], %swap3A_576 {strides = array<i32>} : memref<128x128xf32, #tpu.memory_space<vmem>>, vector<1x16xf32>,
    }
    %scan3A_202 = arith.constant 128 : i32
    %dma_start3A_203 = arith.constant 41 : i32
    %dma_start3A_204 = arith.constant 0 : i32
    %dma_start3A_205 = tpu.memref_slice %arg4[%dma_start3A_203, %mul3A_2, %dma_start3A_204] : memref<50x4096x128xf32, #tpu.memory_space<hbm>> -> memref<1x128x128xf32, #tpu.memory_space<hbm>>
    %dma_start3A_206 = tpu.memref_squeeze %dma_start3A_205 : memref<1x128x128xf32, #tpu.memory_space<hbm>> -> memref<128x128xf32, #tpu.memory_space<hbm>>
    %dma_start3A_207 = arith.constant 0 : i32
    %dma_start3A_208 = tpu.memref_slice %arg4[%dma_start3A_203, %mul3A_2, %dma_start3A_207] : memref<50x4096x128xf32, #tpu.memory_space<hbm>> -> memref<1x128x128xf32, #tpu.memory_space<hbm>>
    %dma_start3A_209 = tpu.memref_squeeze %dma_start3A_208 : memref<1x128x128xf32, #tpu.memory_space<hbm>> -> memref<128x128xf32, #tpu.memory_space<hbm>>
    tpu.enqueue_dma source(%arg10 : memref<128x128xf32, #tpu.memory_space<vmem>>) target(%dma_start3A_209 : memref<128x128xf32, #tpu.memory_space<hbm>>) target_semaphore(%arg17 : memref<!tpu.dma_semaphore, #tpu.memory_space<semaphore_mem>>)
    %dma_wait3A_210 = arith.constant 42 : i32
    %dma_wait3A_211 = arith.constant 0 : i32
    %dma_wait3A_212 = tpu.memref_slice %arg4[%dma_wait3A_210, %mul3A_2, %dma_wait3A_211] : memref<50x4096x128xf32, #tpu.memory_space<hbm>> -> memref<1x128x128xf32, #tpu.memory_space<hbm>>
    %dma_wait3A_213 = tpu.memref_squeeze %dma_wait3A_212 : memref<1x128x128xf32, #tpu.memory_space<hbm>> -> memref<128x128xf32, #tpu.memory_space<hbm>>
    %dma_wait3A_214 = arith.constant 0 : i32
    %dma_wait3A_215 = tpu.memref_slice %arg4[%dma_wait3A_210, %mul3A_2, %dma_wait3A_214] : memref<50x4096x128xf32, #tpu.memory_space<hbm>> -> memref<1x128x128xf32, #tpu.memory_space<hbm>>
    %dma_wait3A_216 = tpu.memref_squeeze %dma_wait3A_215 : memref<1x128x128xf32, #tpu.memory_space<hbm>> -> memref<128x128xf32, #tpu.memory_space<hbm>>
    tpu.wait_dma2 semaphore(%arg16 : memref<!tpu.dma_semaphore, #tpu.memory_space<semaphore_mem>>) src(%arg9 : memref<128x128xf32, #tpu.memory_space<vmem>>) dst(%dma_wait3A_216 : memref<128x128xf32, #tpu.memory_space<hbm>>)
    %dma_start3A_217 = arith.constant 44 : i32
    %dma_start3A_218 = arith.constant 0 : i32
    %dma_start3A_219 = tpu.memref_slice %arg5[%dma_start3A_217, %dma_start3A_218] : memref<50x128xi32, #tpu.memory_space<vmem>> -> memref<1x128xi32, #tpu.memory_space<vmem>>
    %dma_start3A_220 = tpu.memref_squeeze %dma_start3A_219 : memref<1x128xi32, #tpu.memory_space<vmem>> -> memref<128xi32, #tpu.memory_space<vmem>>
    %dma_start3A_221 = arith.constant 0 : i32
    %dma_start3A_222 = arith.constant 0 : i32
    %dma_start3A_223 = tpu.memref_slice %arg3[%dma_start3A_221, %dma_start3A_222] : memref<100000x128xf32, #tpu.memory_space<hbm>> -> memref<100000x128xf32, #tpu.memory_space<hbm>>
    tpu.enqueue_indirect_dma source(%dma_start3A_223 : memref<100000x128xf32, #tpu.memory_space<hbm>>) target(%arg8 : memref<128x128xf32, #tpu.memory_space<vmem>>) offsets(%dma_start3A_220 : memref<128xi32, #tpu.memory_space<vmem>>) semaphore(%arg15 : memref<!tpu.dma_semaphore, #tpu.memory_space<semaphore_mem>>)
    %dma_wait3A_224 = arith.constant 42 : i32
    %dma_wait3A_225 = arith.constant 0 : i32
    %dma_wait3A_226 = tpu.memref_slice %arg5[%dma_wait3A_224, %dma_wait3A_225] : memref<50x128xi32, #tpu.memory_space<vmem>> -> memref<1x128xi32, #tpu.memory_space<vmem>>
    %dma_wait3A_227 = tpu.memref_squeeze %dma_wait3A_226 : memref<1x128xi32, #tpu.memory_space<vmem>> -> memref<128xi32, #tpu.memory_space<vmem>>
    %dma_wait3A_228 = arith.constant 0 : i32
    %dma_wait3A_229 = arith.constant 0 : i32
    %dma_wait3A_230 = tpu.memref_slice %arg3[%dma_wait3A_228, %dma_wait3A_229] : memref<100000x128xf32, #tpu.memory_space<hbm>> -> memref<100000x128xf32, #tpu.memory_space<hbm>>
    tpu.wait_indirect_dma semaphore(%arg13 : memref<!tpu.dma_semaphore, #tpu.memory_space<semaphore_mem>>) src(%dma_wait3A_230 : memref<100000x128xf32, #tpu.memory_space<hbm>>) dst(%arg6 : memref<128x128xf32, #tpu.memory_space<vmem>>)
    %scan3A_231 = arith.constant 0 : i32
    %scan3A_232 = arith.constant 0 : i32
    %scan3A_233 = arith.constant 128 : i32
    %scan3A_234 = arith.addi %scan3A_232, %scan3A_233 : i32
    %scan3A_235 = arith.constant 1 : i32
    scf.for %scan3A_482 = %scan3A_232 to %scan3A_234 step %scan3A_235  : i32 {
      %get3A = arith.index_cast %scan3A_482 : i32 to index
      %get3A_483 = arith.constant 0 : index
      %get3A_484 = tpu.vector_load %arg6[%get3A, %get3A_483] {strides = array<i32>} : memref<128x128xf32, #tpu.memory_space<vmem>>, vector<1x16xf32>,
      %get3A_485 = vector.shape_cast %get3A_484 : vector<1x16xf32> to vector<16xf32>
      %mul3A_486 = arith.constant 11.3137083 : f32
      %mul3A_487 = vector.broadcast %mul3A_486 : f32 to vector<16xf32>
      %mul3A_488 = arith.mulf %get3A_485, %mul3A_487 : vector<16xf32>
      %swap3A = arith.index_cast %scan3A_482 : i32 to index
      %swap3A_489 = arith.constant 0 : index
      %swap3A_490 = tpu.vector_load %arg11[%swap3A, %swap3A_489] {strides = array<i32>} : memref<128x128xf32, #tpu.memory_space<vmem>>, vector<1x16xf32>,
      %swap3A_491 = vector.shape_cast %swap3A_490 : vector<1x16xf32> to vector<16xf32>
      %swap3A_492 = vector.shape_cast %mul3A_488 : vector<16xf32> to vector<1x16xf32>
      tpu.vector_store %arg11[%swap3A, %swap3A_489], %swap3A_492 {strides = array<i32>} : memref<128x128xf32, #tpu.memory_space<vmem>>, vector<1x16xf32>,
      %get3A_493 = arith.index_cast %scan3A_482 : i32 to index
      %get3A_494 = arith.constant 16 : index
      %get3A_495 = tpu.vector_load %arg6[%get3A_493, %get3A_494] {strides = array<i32>} : memref<128x128xf32, #tpu.memory_space<vmem>>, vector<1x16xf32>,
      %get3A_496 = vector.shape_cast %get3A_495 : vector<1x16xf32> to vector<16xf32>
      %mul3A_497 = arith.constant 11.3137083 : f32
      %mul3A_498 = vector.broadcast %mul3A_497 : f32 to vector<16xf32>
      %mul3A_499 = arith.mulf %get3A_496, %mul3A_498 : vector<16xf32>
      %swap3A_500 = arith.index_cast %scan3A_482 : i32 to index
      %swap3A_501 = arith.constant 16 : index
      %swap3A_502 = tpu.vector_load %arg11[%swap3A_500, %swap3A_501] {strides = array<i32>} : memref<128x128xf32, #tpu.memory_space<vmem>>, vector<1x16xf32>,
      %swap3A_503 = vector.shape_cast %swap3A_502 : vector<1x16xf32> to vector<16xf32>
      %swap3A_504 = vector.shape_cast %mul3A_499 : vector<16xf32> to vector<1x16xf32>
      tpu.vector_store %arg11[%swap3A_500, %swap3A_501], %swap3A_504 {strides = array<i32>} : memref<128x128xf32, #tpu.memory_space<vmem>>, vector<1x16xf32>,
      %get3A_505 = arith.index_cast %scan3A_482 : i32 to index
      %get3A_506 = arith.constant 32 : index
      %get3A_507 = tpu.vector_load %arg6[%get3A_505, %get3A_506] {strides = array<i32>} : memref<128x128xf32, #tpu.memory_space<vmem>>, vector<1x16xf32>,
      %get3A_508 = vector.shape_cast %get3A_507 : vector<1x16xf32> to vector<16xf32>
      %mul3A_509 = arith.constant 11.3137083 : f32
      %mul3A_510 = vector.broadcast %mul3A_509 : f32 to vector<16xf32>
      %mul3A_511 = arith.mulf %get3A_508, %mul3A_510 : vector<16xf32>
      %swap3A_512 = arith.index_cast %scan3A_482 : i32 to index
      %swap3A_513 = arith.constant 32 : index
      %swap3A_514 = tpu.vector_load %arg11[%swap3A_512, %swap3A_513] {strides = array<i32>} : memref<128x128xf32, #tpu.memory_space<vmem>>, vector<1x16xf32>,
      %swap3A_515 = vector.shape_cast %swap3A_514 : vector<1x16xf32> to vector<16xf32>
      %swap3A_516 = vector.shape_cast %mul3A_511 : vector<16xf32> to vector<1x16xf32>
      tpu.vector_store %arg11[%swap3A_512, %swap3A_513], %swap3A_516 {strides = array<i32>} : memref<128x128xf32, #tpu.memory_space<vmem>>, vector<1x16xf32>,
      %get3A_517 = arith.index_cast %scan3A_482 : i32 to index
      %get3A_518 = arith.constant 48 : index
      %get3A_519 = tpu.vector_load %arg6[%get3A_517, %get3A_518] {strides = array<i32>} : memref<128x128xf32, #tpu.memory_space<vmem>>, vector<1x16xf32>,
      %get3A_520 = vector.shape_cast %get3A_519 : vector<1x16xf32> to vector<16xf32>
      %mul3A_521 = arith.constant 11.3137083 : f32
      %mul3A_522 = vector.broadcast %mul3A_521 : f32 to vector<16xf32>
      %mul3A_523 = arith.mulf %get3A_520, %mul3A_522 : vector<16xf32>
      %swap3A_524 = arith.index_cast %scan3A_482 : i32 to index
      %swap3A_525 = arith.constant 48 : index
      %swap3A_526 = tpu.vector_load %arg11[%swap3A_524, %swap3A_525] {strides = array<i32>} : memref<128x128xf32, #tpu.memory_space<vmem>>, vector<1x16xf32>,
      %swap3A_527 = vector.shape_cast %swap3A_526 : vector<1x16xf32> to vector<16xf32>
      %swap3A_528 = vector.shape_cast %mul3A_523 : vector<16xf32> to vector<1x16xf32>
      tpu.vector_store %arg11[%swap3A_524, %swap3A_525], %swap3A_528 {strides = array<i32>} : memref<128x128xf32, #tpu.memory_space<vmem>>, vector<1x16xf32>,
      %get3A_529 = arith.index_cast %scan3A_482 : i32 to index
      %get3A_530 = arith.constant 64 : index
      %get3A_531 = tpu.vector_load %arg6[%get3A_529, %get3A_530] {strides = array<i32>} : memref<128x128xf32, #tpu.memory_space<vmem>>, vector<1x16xf32>,
      %get3A_532 = vector.shape_cast %get3A_531 : vector<1x16xf32> to vector<16xf32>
      %mul3A_533 = arith.constant 11.3137083 : f32
      %mul3A_534 = vector.broadcast %mul3A_533 : f32 to vector<16xf32>
      %mul3A_535 = arith.mulf %get3A_532, %mul3A_534 : vector<16xf32>
      %swap3A_536 = arith.index_cast %scan3A_482 : i32 to index
      %swap3A_537 = arith.constant 64 : index
      %swap3A_538 = tpu.vector_load %arg11[%swap3A_536, %swap3A_537] {strides = array<i32>} : memref<128x128xf32, #tpu.memory_space<vmem>>, vector<1x16xf32>,
      %swap3A_539 = vector.shape_cast %swap3A_538 : vector<1x16xf32> to vector<16xf32>
      %swap3A_540 = vector.shape_cast %mul3A_535 : vector<16xf32> to vector<1x16xf32>
      tpu.vector_store %arg11[%swap3A_536, %swap3A_537], %swap3A_540 {strides = array<i32>} : memref<128x128xf32, #tpu.memory_space<vmem>>, vector<1x16xf32>,
      %get3A_541 = arith.index_cast %scan3A_482 : i32 to index
      %get3A_542 = arith.constant 80 : index
      %get3A_543 = tpu.vector_load %arg6[%get3A_541, %get3A_542] {strides = array<i32>} : memref<128x128xf32, #tpu.memory_space<vmem>>, vector<1x16xf32>,
      %get3A_544 = vector.shape_cast %get3A_543 : vector<1x16xf32> to vector<16xf32>
      %mul3A_545 = arith.constant 11.3137083 : f32
      %mul3A_546 = vector.broadcast %mul3A_545 : f32 to vector<16xf32>
      %mul3A_547 = arith.mulf %get3A_544, %mul3A_546 : vector<16xf32>
      %swap3A_548 = arith.index_cast %scan3A_482 : i32 to index
      %swap3A_549 = arith.constant 80 : index
      %swap3A_550 = tpu.vector_load %arg11[%swap3A_548, %swap3A_549] {strides = array<i32>} : memref<128x128xf32, #tpu.memory_space<vmem>>, vector<1x16xf32>,
      %swap3A_551 = vector.shape_cast %swap3A_550 : vector<1x16xf32> to vector<16xf32>
      %swap3A_552 = vector.shape_cast %mul3A_547 : vector<16xf32> to vector<1x16xf32>
      tpu.vector_store %arg11[%swap3A_548, %swap3A_549], %swap3A_552 {strides = array<i32>} : memref<128x128xf32, #tpu.memory_space<vmem>>, vector<1x16xf32>,
      %get3A_553 = arith.index_cast %scan3A_482 : i32 to index
      %get3A_554 = arith.constant 96 : index
      %get3A_555 = tpu.vector_load %arg6[%get3A_553, %get3A_554] {strides = array<i32>} : memref<128x128xf32, #tpu.memory_space<vmem>>, vector<1x16xf32>,
      %get3A_556 = vector.shape_cast %get3A_555 : vector<1x16xf32> to vector<16xf32>
      %mul3A_557 = arith.constant 11.3137083 : f32
      %mul3A_558 = vector.broadcast %mul3A_557 : f32 to vector<16xf32>
      %mul3A_559 = arith.mulf %get3A_556, %mul3A_558 : vector<16xf32>
      %swap3A_560 = arith.index_cast %scan3A_482 : i32 to index
      %swap3A_561 = arith.constant 96 : index
      %swap3A_562 = tpu.vector_load %arg11[%swap3A_560, %swap3A_561] {strides = array<i32>} : memref<128x128xf32, #tpu.memory_space<vmem>>, vector<1x16xf32>,
      %swap3A_563 = vector.shape_cast %swap3A_562 : vector<1x16xf32> to vector<16xf32>
      %swap3A_564 = vector.shape_cast %mul3A_559 : vector<16xf32> to vector<1x16xf32>
      tpu.vector_store %arg11[%swap3A_560, %swap3A_561], %swap3A_564 {strides = array<i32>} : memref<128x128xf32, #tpu.memory_space<vmem>>, vector<1x16xf32>,
      %get3A_565 = arith.index_cast %scan3A_482 : i32 to index
      %get3A_566 = arith.constant 112 : index
      %get3A_567 = tpu.vector_load %arg6[%get3A_565, %get3A_566] {strides = array<i32>} : memref<128x128xf32, #tpu.memory_space<vmem>>, vector<1x16xf32>,
      %get3A_568 = vector.shape_cast %get3A_567 : vector<1x16xf32> to vector<16xf32>
      %mul3A_569 = arith.constant 11.3137083 : f32
      %mul3A_570 = vector.broadcast %mul3A_569 : f32 to vector<16xf32>
      %mul3A_571 = arith.mulf %get3A_568, %mul3A_570 : vector<16xf32>
      %swap3A_572 = arith.index_cast %scan3A_482 : i32 to index
      %swap3A_573 = arith.constant 112 : index
      %swap3A_574 = tpu.vector_load %arg11[%swap3A_572, %swap3A_573] {strides = array<i32>} : memref<128x128xf32, #tpu.memory_space<vmem>>, vector<1x16xf32>,
      %swap3A_575 = vector.shape_cast %swap3A_574 : vector<1x16xf32> to vector<16xf32>
      %swap3A_576 = vector.shape_cast %mul3A_571 : vector<16xf32> to vector<1x16xf32>
      tpu.vector_store %arg11[%swap3A_572, %swap3A_573], %swap3A_576 {strides = array<i32>} : memref<128x128xf32, #tpu.memory_space<vmem>>, vector<1x16xf32>,
    }
    %scan3A_236 = arith.constant 128 : i32
    %dma_start3A_237 = arith.constant 42 : i32
    %dma_start3A_238 = arith.constant 0 : i32
    %dma_start3A_239 = tpu.memref_slice %arg4[%dma_start3A_237, %mul3A_2, %dma_start3A_238] : memref<50x4096x128xf32, #tpu.memory_space<hbm>> -> memref<1x128x128xf32, #tpu.memory_space<hbm>>
    %dma_start3A_240 = tpu.memref_squeeze %dma_start3A_239 : memref<1x128x128xf32, #tpu.memory_space<hbm>> -> memref<128x128xf32, #tpu.memory_space<hbm>>
    %dma_start3A_241 = arith.constant 0 : i32
    %dma_start3A_242 = tpu.memref_slice %arg4[%dma_start3A_237, %mul3A_2, %dma_start3A_241] : memref<50x4096x128xf32, #tpu.memory_space<hbm>> -> memref<1x128x128xf32, #tpu.memory_space<hbm>>
    %dma_start3A_243 = tpu.memref_squeeze %dma_start3A_242 : memref<1x128x128xf32, #tpu.memory_space<hbm>> -> memref<128x128xf32, #tpu.memory_space<hbm>>
    tpu.enqueue_dma source(%arg11 : memref<128x128xf32, #tpu.memory_space<vmem>>) target(%dma_start3A_243 : memref<128x128xf32, #tpu.memory_space<hbm>>) target_semaphore(%arg18 : memref<!tpu.dma_semaphore, #tpu.memory_space<semaphore_mem>>)
    %dma_wait3A_244 = arith.constant 43 : i32
    %dma_wait3A_245 = arith.constant 0 : i32
    %dma_wait3A_246 = tpu.memref_slice %arg4[%dma_wait3A_244, %mul3A_2, %dma_wait3A_245] : memref<50x4096x128xf32, #tpu.memory_space<hbm>> -> memref<1x128x128xf32, #tpu.memory_space<hbm>>
    %dma_wait3A_247 = tpu.memref_squeeze %dma_wait3A_246 : memref<1x128x128xf32, #tpu.memory_space<hbm>> -> memref<128x128xf32, #tpu.memory_space<hbm>>
    %dma_wait3A_248 = arith.constant 0 : i32
    %dma_wait3A_249 = tpu.memref_slice %arg4[%dma_wait3A_244, %mul3A_2, %dma_wait3A_248] : memref<50x4096x128xf32, #tpu.memory_space<hbm>> -> memref<1x128x128xf32, #tpu.memory_space<hbm>>
    %dma_wait3A_250 = tpu.memref_squeeze %dma_wait3A_249 : memref<1x128x128xf32, #tpu.memory_space<hbm>> -> memref<128x128xf32, #tpu.memory_space<hbm>>
    tpu.wait_dma2 semaphore(%arg17 : memref<!tpu.dma_semaphore, #tpu.memory_space<semaphore_mem>>) src(%arg10 : memref<128x128xf32, #tpu.memory_space<vmem>>) dst(%dma_wait3A_250 : memref<128x128xf32, #tpu.memory_space<hbm>>)
    %dma_start3A_251 = arith.constant 45 : i32
    %dma_start3A_252 = arith.constant 0 : i32
    %dma_start3A_253 = tpu.memref_slice %arg5[%dma_start3A_251, %dma_start3A_252] : memref<50x128xi32, #tpu.memory_space<vmem>> -> memref<1x128xi32, #tpu.memory_space<vmem>>
    %dma_start3A_254 = tpu.memref_squeeze %dma_start3A_253 : memref<1x128xi32, #tpu.memory_space<vmem>> -> memref<128xi32, #tpu.memory_space<vmem>>
    %dma_start3A_255 = arith.constant 0 : i32
    %dma_start3A_256 = arith.constant 0 : i32
    %dma_start3A_257 = tpu.memref_slice %arg3[%dma_start3A_255, %dma_start3A_256] : memref<100000x128xf32, #tpu.memory_space<hbm>> -> memref<100000x128xf32, #tpu.memory_space<hbm>>
    tpu.enqueue_indirect_dma source(%dma_start3A_257 : memref<100000x128xf32, #tpu.memory_space<hbm>>) target(%arg6 : memref<128x128xf32, #tpu.memory_space<vmem>>) offsets(%dma_start3A_254 : memref<128xi32, #tpu.memory_space<vmem>>) semaphore(%arg13 : memref<!tpu.dma_semaphore, #tpu.memory_space<semaphore_mem>>)
    %dma_wait3A_258 = arith.constant 43 : i32
    %dma_wait3A_259 = arith.constant 0 : i32
    %dma_wait3A_260 = tpu.memref_slice %arg5[%dma_wait3A_258, %dma_wait3A_259] : memref<50x128xi32, #tpu.memory_space<vmem>> -> memref<1x128xi32, #tpu.memory_space<vmem>>
    %dma_wait3A_261 = tpu.memref_squeeze %dma_wait3A_260 : memref<1x128xi32, #tpu.memory_space<vmem>> -> memref<128xi32, #tpu.memory_space<vmem>>
    %dma_wait3A_262 = arith.constant 0 : i32
    %dma_wait3A_263 = arith.constant 0 : i32
    %dma_wait3A_264 = tpu.memref_slice %arg3[%dma_wait3A_262, %dma_wait3A_263] : memref<100000x128xf32, #tpu.memory_space<hbm>> -> memref<100000x128xf32, #tpu.memory_space<hbm>>
    tpu.wait_indirect_dma semaphore(%arg14 : memref<!tpu.dma_semaphore, #tpu.memory_space<semaphore_mem>>) src(%dma_wait3A_264 : memref<100000x128xf32, #tpu.memory_space<hbm>>) dst(%arg7 : memref<128x128xf32, #tpu.memory_space<vmem>>)
    %scan3A_265 = arith.constant 0 : i32
    %scan3A_266 = arith.constant 0 : i32
    %scan3A_267 = arith.constant 128 : i32
    %scan3A_268 = arith.addi %scan3A_266, %scan3A_267 : i32
    %scan3A_269 = arith.constant 1 : i32
    scf.for %scan3A_482 = %scan3A_266 to %scan3A_268 step %scan3A_269  : i32 {
      %get3A = arith.index_cast %scan3A_482 : i32 to index
      %get3A_483 = arith.constant 0 : index
      %get3A_484 = tpu.vector_load %arg7[%get3A, %get3A_483] {strides = array<i32>} : memref<128x128xf32, #tpu.memory_space<vmem>>, vector<1x16xf32>,
      %get3A_485 = vector.shape_cast %get3A_484 : vector<1x16xf32> to vector<16xf32>
      %mul3A_486 = arith.constant 11.3137083 : f32
      %mul3A_487 = vector.broadcast %mul3A_486 : f32 to vector<16xf32>
      %mul3A_488 = arith.mulf %get3A_485, %mul3A_487 : vector<16xf32>
      %swap3A = arith.index_cast %scan3A_482 : i32 to index
      %swap3A_489 = arith.constant 0 : index
      %swap3A_490 = tpu.vector_load %arg12[%swap3A, %swap3A_489] {strides = array<i32>} : memref<128x128xf32, #tpu.memory_space<vmem>>, vector<1x16xf32>,
      %swap3A_491 = vector.shape_cast %swap3A_490 : vector<1x16xf32> to vector<16xf32>
      %swap3A_492 = vector.shape_cast %mul3A_488 : vector<16xf32> to vector<1x16xf32>
      tpu.vector_store %arg12[%swap3A, %swap3A_489], %swap3A_492 {strides = array<i32>} : memref<128x128xf32, #tpu.memory_space<vmem>>, vector<1x16xf32>,
      %get3A_493 = arith.index_cast %scan3A_482 : i32 to index
      %get3A_494 = arith.constant 16 : index
      %get3A_495 = tpu.vector_load %arg7[%get3A_493, %get3A_494] {strides = array<i32>} : memref<128x128xf32, #tpu.memory_space<vmem>>, vector<1x16xf32>,
      %get3A_496 = vector.shape_cast %get3A_495 : vector<1x16xf32> to vector<16xf32>
      %mul3A_497 = arith.constant 11.3137083 : f32
      %mul3A_498 = vector.broadcast %mul3A_497 : f32 to vector<16xf32>
      %mul3A_499 = arith.mulf %get3A_496, %mul3A_498 : vector<16xf32>
      %swap3A_500 = arith.index_cast %scan3A_482 : i32 to index
      %swap3A_501 = arith.constant 16 : index
      %swap3A_502 = tpu.vector_load %arg12[%swap3A_500, %swap3A_501] {strides = array<i32>} : memref<128x128xf32, #tpu.memory_space<vmem>>, vector<1x16xf32>,
      %swap3A_503 = vector.shape_cast %swap3A_502 : vector<1x16xf32> to vector<16xf32>
      %swap3A_504 = vector.shape_cast %mul3A_499 : vector<16xf32> to vector<1x16xf32>
      tpu.vector_store %arg12[%swap3A_500, %swap3A_501], %swap3A_504 {strides = array<i32>} : memref<128x128xf32, #tpu.memory_space<vmem>>, vector<1x16xf32>,
      %get3A_505 = arith.index_cast %scan3A_482 : i32 to index
      %get3A_506 = arith.constant 32 : index
      %get3A_507 = tpu.vector_load %arg7[%get3A_505, %get3A_506] {strides = array<i32>} : memref<128x128xf32, #tpu.memory_space<vmem>>, vector<1x16xf32>,
      %get3A_508 = vector.shape_cast %get3A_507 : vector<1x16xf32> to vector<16xf32>
      %mul3A_509 = arith.constant 11.3137083 : f32
      %mul3A_510 = vector.broadcast %mul3A_509 : f32 to vector<16xf32>
      %mul3A_511 = arith.mulf %get3A_508, %mul3A_510 : vector<16xf32>
      %swap3A_512 = arith.index_cast %scan3A_482 : i32 to index
      %swap3A_513 = arith.constant 32 : index
      %swap3A_514 = tpu.vector_load %arg12[%swap3A_512, %swap3A_513] {strides = array<i32>} : memref<128x128xf32, #tpu.memory_space<vmem>>, vector<1x16xf32>,
      %swap3A_515 = vector.shape_cast %swap3A_514 : vector<1x16xf32> to vector<16xf32>
      %swap3A_516 = vector.shape_cast %mul3A_511 : vector<16xf32> to vector<1x16xf32>
      tpu.vector_store %arg12[%swap3A_512, %swap3A_513], %swap3A_516 {strides = array<i32>} : memref<128x128xf32, #tpu.memory_space<vmem>>, vector<1x16xf32>,
      %get3A_517 = arith.index_cast %scan3A_482 : i32 to index
      %get3A_518 = arith.constant 48 : index
      %get3A_519 = tpu.vector_load %arg7[%get3A_517, %get3A_518] {strides = array<i32>} : memref<128x128xf32, #tpu.memory_space<vmem>>, vector<1x16xf32>,
      %get3A_520 = vector.shape_cast %get3A_519 : vector<1x16xf32> to vector<16xf32>
      %mul3A_521 = arith.constant 11.3137083 : f32
      %mul3A_522 = vector.broadcast %mul3A_521 : f32 to vector<16xf32>
      %mul3A_523 = arith.mulf %get3A_520, %mul3A_522 : vector<16xf32>
      %swap3A_524 = arith.index_cast %scan3A_482 : i32 to index
      %swap3A_525 = arith.constant 48 : index
      %swap3A_526 = tpu.vector_load %arg12[%swap3A_524, %swap3A_525] {strides = array<i32>} : memref<128x128xf32, #tpu.memory_space<vmem>>, vector<1x16xf32>,
      %swap3A_527 = vector.shape_cast %swap3A_526 : vector<1x16xf32> to vector<16xf32>
      %swap3A_528 = vector.shape_cast %mul3A_523 : vector<16xf32> to vector<1x16xf32>
      tpu.vector_store %arg12[%swap3A_524, %swap3A_525], %swap3A_528 {strides = array<i32>} : memref<128x128xf32, #tpu.memory_space<vmem>>, vector<1x16xf32>,
      %get3A_529 = arith.index_cast %scan3A_482 : i32 to index
      %get3A_530 = arith.constant 64 : index
      %get3A_531 = tpu.vector_load %arg7[%get3A_529, %get3A_530] {strides = array<i32>} : memref<128x128xf32, #tpu.memory_space<vmem>>, vector<1x16xf32>,
      %get3A_532 = vector.shape_cast %get3A_531 : vector<1x16xf32> to vector<16xf32>
      %mul3A_533 = arith.constant 11.3137083 : f32
      %mul3A_534 = vector.broadcast %mul3A_533 : f32 to vector<16xf32>
      %mul3A_535 = arith.mulf %get3A_532, %mul3A_534 : vector<16xf32>
      %swap3A_536 = arith.index_cast %scan3A_482 : i32 to index
      %swap3A_537 = arith.constant 64 : index
      %swap3A_538 = tpu.vector_load %arg12[%swap3A_536, %swap3A_537] {strides = array<i32>} : memref<128x128xf32, #tpu.memory_space<vmem>>, vector<1x16xf32>,
      %swap3A_539 = vector.shape_cast %swap3A_538 : vector<1x16xf32> to vector<16xf32>
      %swap3A_540 = vector.shape_cast %mul3A_535 : vector<16xf32> to vector<1x16xf32>
      tpu.vector_store %arg12[%swap3A_536, %swap3A_537], %swap3A_540 {strides = array<i32>} : memref<128x128xf32, #tpu.memory_space<vmem>>, vector<1x16xf32>,
      %get3A_541 = arith.index_cast %scan3A_482 : i32 to index
      %get3A_542 = arith.constant 80 : index
      %get3A_543 = tpu.vector_load %arg7[%get3A_541, %get3A_542] {strides = array<i32>} : memref<128x128xf32, #tpu.memory_space<vmem>>, vector<1x16xf32>,
      %get3A_544 = vector.shape_cast %get3A_543 : vector<1x16xf32> to vector<16xf32>
      %mul3A_545 = arith.constant 11.3137083 : f32
      %mul3A_546 = vector.broadcast %mul3A_545 : f32 to vector<16xf32>
      %mul3A_547 = arith.mulf %get3A_544, %mul3A_546 : vector<16xf32>
      %swap3A_548 = arith.index_cast %scan3A_482 : i32 to index
      %swap3A_549 = arith.constant 80 : index
      %swap3A_550 = tpu.vector_load %arg12[%swap3A_548, %swap3A_549] {strides = array<i32>} : memref<128x128xf32, #tpu.memory_space<vmem>>, vector<1x16xf32>,
      %swap3A_551 = vector.shape_cast %swap3A_550 : vector<1x16xf32> to vector<16xf32>
      %swap3A_552 = vector.shape_cast %mul3A_547 : vector<16xf32> to vector<1x16xf32>
      tpu.vector_store %arg12[%swap3A_548, %swap3A_549], %swap3A_552 {strides = array<i32>} : memref<128x128xf32, #tpu.memory_space<vmem>>, vector<1x16xf32>,
      %get3A_553 = arith.index_cast %scan3A_482 : i32 to index
      %get3A_554 = arith.constant 96 : index
      %get3A_555 = tpu.vector_load %arg7[%get3A_553, %get3A_554] {strides = array<i32>} : memref<128x128xf32, #tpu.memory_space<vmem>>, vector<1x16xf32>,
      %get3A_556 = vector.shape_cast %get3A_555 : vector<1x16xf32> to vector<16xf32>
      %mul3A_557 = arith.constant 11.3137083 : f32
      %mul3A_558 = vector.broadcast %mul3A_557 : f32 to vector<16xf32>
      %mul3A_559 = arith.mulf %get3A_556, %mul3A_558 : vector<16xf32>
      %swap3A_560 = arith.index_cast %scan3A_482 : i32 to index
      %swap3A_561 = arith.constant 96 : index
      %swap3A_562 = tpu.vector_load %arg12[%swap3A_560, %swap3A_561] {strides = array<i32>} : memref<128x128xf32, #tpu.memory_space<vmem>>, vector<1x16xf32>,
      %swap3A_563 = vector.shape_cast %swap3A_562 : vector<1x16xf32> to vector<16xf32>
      %swap3A_564 = vector.shape_cast %mul3A_559 : vector<16xf32> to vector<1x16xf32>
      tpu.vector_store %arg12[%swap3A_560, %swap3A_561], %swap3A_564 {strides = array<i32>} : memref<128x128xf32, #tpu.memory_space<vmem>>, vector<1x16xf32>,
      %get3A_565 = arith.index_cast %scan3A_482 : i32 to index
      %get3A_566 = arith.constant 112 : index
      %get3A_567 = tpu.vector_load %arg7[%get3A_565, %get3A_566] {strides = array<i32>} : memref<128x128xf32, #tpu.memory_space<vmem>>, vector<1x16xf32>,
      %get3A_568 = vector.shape_cast %get3A_567 : vector<1x16xf32> to vector<16xf32>
      %mul3A_569 = arith.constant 11.3137083 : f32
      %mul3A_570 = vector.broadcast %mul3A_569 : f32 to vector<16xf32>
      %mul3A_571 = arith.mulf %get3A_568, %mul3A_570 : vector<16xf32>
      %swap3A_572 = arith.index_cast %scan3A_482 : i32 to index
      %swap3A_573 = arith.constant 112 : index
      %swap3A_574 = tpu.vector_load %arg12[%swap3A_572, %swap3A_573] {strides = array<i32>} : memref<128x128xf32, #tpu.memory_space<vmem>>, vector<1x16xf32>,
      %swap3A_575 = vector.shape_cast %swap3A_574 : vector<1x16xf32> to vector<16xf32>
      %swap3A_576 = vector.shape_cast %mul3A_571 : vector<16xf32> to vector<1x16xf32>
      tpu.vector_store %arg12[%swap3A_572, %swap3A_573], %swap3A_576 {strides = array<i32>} : memref<128x128xf32, #tpu.memory_space<vmem>>, vector<1x16xf32>,
    }
    %scan3A_270 = arith.constant 128 : i32
    %dma_start3A_271 = arith.constant 43 : i32
    %dma_start3A_272 = arith.constant 0 : i32
    %dma_start3A_273 = tpu.memref_slice %arg4[%dma_start3A_271, %mul3A_2, %dma_start3A_272] : memref<50x4096x128xf32, #tpu.memory_space<hbm>> -> memref<1x128x128xf32, #tpu.memory_space<hbm>>
    %dma_start3A_274 = tpu.memref_squeeze %dma_start3A_273 : memref<1x128x128xf32, #tpu.memory_space<hbm>> -> memref<128x128xf32, #tpu.memory_space<hbm>>
    %dma_start3A_275 = arith.constant 0 : i32
    %dma_start3A_276 = tpu.memref_slice %arg4[%dma_start3A_271, %mul3A_2, %dma_start3A_275] : memref<50x4096x128xf32, #tpu.memory_space<hbm>> -> memref<1x128x128xf32, #tpu.memory_space<hbm>>
    %dma_start3A_277 = tpu.memref_squeeze %dma_start3A_276 : memref<1x128x128xf32, #tpu.memory_space<hbm>> -> memref<128x128xf32, #tpu.memory_space<hbm>>
    tpu.enqueue_dma source(%arg12 : memref<128x128xf32, #tpu.memory_space<vmem>>) target(%dma_start3A_277 : memref<128x128xf32, #tpu.memory_space<hbm>>) target_semaphore(%arg19 : memref<!tpu.dma_semaphore, #tpu.memory_space<semaphore_mem>>)
    %dma_wait3A_278 = arith.constant 44 : i32
    %dma_wait3A_279 = arith.constant 0 : i32
    %dma_wait3A_280 = tpu.memref_slice %arg4[%dma_wait3A_278, %mul3A_2, %dma_wait3A_279] : memref<50x4096x128xf32, #tpu.memory_space<hbm>> -> memref<1x128x128xf32, #tpu.memory_space<hbm>>
    %dma_wait3A_281 = tpu.memref_squeeze %dma_wait3A_280 : memref<1x128x128xf32, #tpu.memory_space<hbm>> -> memref<128x128xf32, #tpu.memory_space<hbm>>
    %dma_wait3A_282 = arith.constant 0 : i32
    %dma_wait3A_283 = tpu.memref_slice %arg4[%dma_wait3A_278, %mul3A_2, %dma_wait3A_282] : memref<50x4096x128xf32, #tpu.memory_space<hbm>> -> memref<1x128x128xf32, #tpu.memory_space<hbm>>
    %dma_wait3A_284 = tpu.memref_squeeze %dma_wait3A_283 : memref<1x128x128xf32, #tpu.memory_space<hbm>> -> memref<128x128xf32, #tpu.memory_space<hbm>>
    tpu.wait_dma2 semaphore(%arg18 : memref<!tpu.dma_semaphore, #tpu.memory_space<semaphore_mem>>) src(%arg11 : memref<128x128xf32, #tpu.memory_space<vmem>>) dst(%dma_wait3A_284 : memref<128x128xf32, #tpu.memory_space<hbm>>)
    %dma_start3A_285 = arith.constant 46 : i32
    %dma_start3A_286 = arith.constant 0 : i32
    %dma_start3A_287 = tpu.memref_slice %arg5[%dma_start3A_285, %dma_start3A_286] : memref<50x128xi32, #tpu.memory_space<vmem>> -> memref<1x128xi32, #tpu.memory_space<vmem>>
    %dma_start3A_288 = tpu.memref_squeeze %dma_start3A_287 : memref<1x128xi32, #tpu.memory_space<vmem>> -> memref<128xi32, #tpu.memory_space<vmem>>
    %dma_start3A_289 = arith.constant 0 : i32
    %dma_start3A_290 = arith.constant 0 : i32
    %dma_start3A_291 = tpu.memref_slice %arg3[%dma_start3A_289, %dma_start3A_290] : memref<100000x128xf32, #tpu.memory_space<hbm>> -> memref<100000x128xf32, #tpu.memory_space<hbm>>
    tpu.enqueue_indirect_dma source(%dma_start3A_291 : memref<100000x128xf32, #tpu.memory_space<hbm>>) target(%arg7 : memref<128x128xf32, #tpu.memory_space<vmem>>) offsets(%dma_start3A_288 : memref<128xi32, #tpu.memory_space<vmem>>) semaphore(%arg14 : memref<!tpu.dma_semaphore, #tpu.memory_space<semaphore_mem>>)
    %dma_wait3A_292 = arith.constant 44 : i32
    %dma_wait3A_293 = arith.constant 0 : i32
    %dma_wait3A_294 = tpu.memref_slice %arg5[%dma_wait3A_292, %dma_wait3A_293] : memref<50x128xi32, #tpu.memory_space<vmem>> -> memref<1x128xi32, #tpu.memory_space<vmem>>
    %dma_wait3A_295 = tpu.memref_squeeze %dma_wait3A_294 : memref<1x128xi32, #tpu.memory_space<vmem>> -> memref<128xi32, #tpu.memory_space<vmem>>
    %dma_wait3A_296 = arith.constant 0 : i32
    %dma_wait3A_297 = arith.constant 0 : i32
    %dma_wait3A_298 = tpu.memref_slice %arg3[%dma_wait3A_296, %dma_wait3A_297] : memref<100000x128xf32, #tpu.memory_space<hbm>> -> memref<100000x128xf32, #tpu.memory_space<hbm>>
    tpu.wait_indirect_dma semaphore(%arg15 : memref<!tpu.dma_semaphore, #tpu.memory_space<semaphore_mem>>) src(%dma_wait3A_298 : memref<100000x128xf32, #tpu.memory_space<hbm>>) dst(%arg8 : memref<128x128xf32, #tpu.memory_space<vmem>>)
    %scan3A_299 = arith.constant 0 : i32
    %scan3A_300 = arith.constant 0 : i32
    %scan3A_301 = arith.constant 128 : i32
    %scan3A_302 = arith.addi %scan3A_300, %scan3A_301 : i32
    %scan3A_303 = arith.constant 1 : i32
    scf.for %scan3A_482 = %scan3A_300 to %scan3A_302 step %scan3A_303  : i32 {
      %get3A = arith.index_cast %scan3A_482 : i32 to index
      %get3A_483 = arith.constant 0 : index
      %get3A_484 = tpu.vector_load %arg8[%get3A, %get3A_483] {strides = array<i32>} : memref<128x128xf32, #tpu.memory_space<vmem>>, vector<1x16xf32>,
      %get3A_485 = vector.shape_cast %get3A_484 : vector<1x16xf32> to vector<16xf32>
      %mul3A_486 = arith.constant 11.3137083 : f32
      %mul3A_487 = vector.broadcast %mul3A_486 : f32 to vector<16xf32>
      %mul3A_488 = arith.mulf %get3A_485, %mul3A_487 : vector<16xf32>
      %swap3A = arith.index_cast %scan3A_482 : i32 to index
      %swap3A_489 = arith.constant 0 : index
      %swap3A_490 = tpu.vector_load %arg9[%swap3A, %swap3A_489] {strides = array<i32>} : memref<128x128xf32, #tpu.memory_space<vmem>>, vector<1x16xf32>,
      %swap3A_491 = vector.shape_cast %swap3A_490 : vector<1x16xf32> to vector<16xf32>
      %swap3A_492 = vector.shape_cast %mul3A_488 : vector<16xf32> to vector<1x16xf32>
      tpu.vector_store %arg9[%swap3A, %swap3A_489], %swap3A_492 {strides = array<i32>} : memref<128x128xf32, #tpu.memory_space<vmem>>, vector<1x16xf32>,
      %get3A_493 = arith.index_cast %scan3A_482 : i32 to index
      %get3A_494 = arith.constant 16 : index
      %get3A_495 = tpu.vector_load %arg8[%get3A_493, %get3A_494] {strides = array<i32>} : memref<128x128xf32, #tpu.memory_space<vmem>>, vector<1x16xf32>,
      %get3A_496 = vector.shape_cast %get3A_495 : vector<1x16xf32> to vector<16xf32>
      %mul3A_497 = arith.constant 11.3137083 : f32
      %mul3A_498 = vector.broadcast %mul3A_497 : f32 to vector<16xf32>
      %mul3A_499 = arith.mulf %get3A_496, %mul3A_498 : vector<16xf32>
      %swap3A_500 = arith.index_cast %scan3A_482 : i32 to index
      %swap3A_501 = arith.constant 16 : index
      %swap3A_502 = tpu.vector_load %arg9[%swap3A_500, %swap3A_501] {strides = array<i32>} : memref<128x128xf32, #tpu.memory_space<vmem>>, vector<1x16xf32>,
      %swap3A_503 = vector.shape_cast %swap3A_502 : vector<1x16xf32> to vector<16xf32>
      %swap3A_504 = vector.shape_cast %mul3A_499 : vector<16xf32> to vector<1x16xf32>
      tpu.vector_store %arg9[%swap3A_500, %swap3A_501], %swap3A_504 {strides = array<i32>} : memref<128x128xf32, #tpu.memory_space<vmem>>, vector<1x16xf32>,
      %get3A_505 = arith.index_cast %scan3A_482 : i32 to index
      %get3A_506 = arith.constant 32 : index
      %get3A_507 = tpu.vector_load %arg8[%get3A_505, %get3A_506] {strides = array<i32>} : memref<128x128xf32, #tpu.memory_space<vmem>>, vector<1x16xf32>,
      %get3A_508 = vector.shape_cast %get3A_507 : vector<1x16xf32> to vector<16xf32>
      %mul3A_509 = arith.constant 11.3137083 : f32
      %mul3A_510 = vector.broadcast %mul3A_509 : f32 to vector<16xf32>
      %mul3A_511 = arith.mulf %get3A_508, %mul3A_510 : vector<16xf32>
      %swap3A_512 = arith.index_cast %scan3A_482 : i32 to index
      %swap3A_513 = arith.constant 32 : index
      %swap3A_514 = tpu.vector_load %arg9[%swap3A_512, %swap3A_513] {strides = array<i32>} : memref<128x128xf32, #tpu.memory_space<vmem>>, vector<1x16xf32>,
      %swap3A_515 = vector.shape_cast %swap3A_514 : vector<1x16xf32> to vector<16xf32>
      %swap3A_516 = vector.shape_cast %mul3A_511 : vector<16xf32> to vector<1x16xf32>
      tpu.vector_store %arg9[%swap3A_512, %swap3A_513], %swap3A_516 {strides = array<i32>} : memref<128x128xf32, #tpu.memory_space<vmem>>, vector<1x16xf32>,
      %get3A_517 = arith.index_cast %scan3A_482 : i32 to index
      %get3A_518 = arith.constant 48 : index
      %get3A_519 = tpu.vector_load %arg8[%get3A_517, %get3A_518] {strides = array<i32>} : memref<128x128xf32, #tpu.memory_space<vmem>>, vector<1x16xf32>,
      %get3A_520 = vector.shape_cast %get3A_519 : vector<1x16xf32> to vector<16xf32>
      %mul3A_521 = arith.constant 11.3137083 : f32
      %mul3A_522 = vector.broadcast %mul3A_521 : f32 to vector<16xf32>
      %mul3A_523 = arith.mulf %get3A_520, %mul3A_522 : vector<16xf32>
      %swap3A_524 = arith.index_cast %scan3A_482 : i32 to index
      %swap3A_525 = arith.constant 48 : index
      %swap3A_526 = tpu.vector_load %arg9[%swap3A_524, %swap3A_525] {strides = array<i32>} : memref<128x128xf32, #tpu.memory_space<vmem>>, vector<1x16xf32>,
      %swap3A_527 = vector.shape_cast %swap3A_526 : vector<1x16xf32> to vector<16xf32>
      %swap3A_528 = vector.shape_cast %mul3A_523 : vector<16xf32> to vector<1x16xf32>
      tpu.vector_store %arg9[%swap3A_524, %swap3A_525], %swap3A_528 {strides = array<i32>} : memref<128x128xf32, #tpu.memory_space<vmem>>, vector<1x16xf32>,
      %get3A_529 = arith.index_cast %scan3A_482 : i32 to index
      %get3A_530 = arith.constant 64 : index
      %get3A_531 = tpu.vector_load %arg8[%get3A_529, %get3A_530] {strides = array<i32>} : memref<128x128xf32, #tpu.memory_space<vmem>>, vector<1x16xf32>,
      %get3A_532 = vector.shape_cast %get3A_531 : vector<1x16xf32> to vector<16xf32>
      %mul3A_533 = arith.constant 11.3137083 : f32
      %mul3A_534 = vector.broadcast %mul3A_533 : f32 to vector<16xf32>
      %mul3A_535 = arith.mulf %get3A_532, %mul3A_534 : vector<16xf32>
      %swap3A_536 = arith.index_cast %scan3A_482 : i32 to index
      %swap3A_537 = arith.constant 64 : index
      %swap3A_538 = tpu.vector_load %arg9[%swap3A_536, %swap3A_537] {strides = array<i32>} : memref<128x128xf32, #tpu.memory_space<vmem>>, vector<1x16xf32>,
      %swap3A_539 = vector.shape_cast %swap3A_538 : vector<1x16xf32> to vector<16xf32>
      %swap3A_540 = vector.shape_cast %mul3A_535 : vector<16xf32> to vector<1x16xf32>
      tpu.vector_store %arg9[%swap3A_536, %swap3A_537], %swap3A_540 {strides = array<i32>} : memref<128x128xf32, #tpu.memory_space<vmem>>, vector<1x16xf32>,
      %get3A_541 = arith.index_cast %scan3A_482 : i32 to index
      %get3A_542 = arith.constant 80 : index
      %get3A_543 = tpu.vector_load %arg8[%get3A_541, %get3A_542] {strides = array<i32>} : memref<128x128xf32, #tpu.memory_space<vmem>>, vector<1x16xf32>,
      %get3A_544 = vector.shape_cast %get3A_543 : vector<1x16xf32> to vector<16xf32>
      %mul3A_545 = arith.constant 11.3137083 : f32
      %mul3A_546 = vector.broadcast %mul3A_545 : f32 to vector<16xf32>
      %mul3A_547 = arith.mulf %get3A_544, %mul3A_546 : vector<16xf32>
      %swap3A_548 = arith.index_cast %scan3A_482 : i32 to index
      %swap3A_549 = arith.constant 80 : index
      %swap3A_550 = tpu.vector_load %arg9[%swap3A_548, %swap3A_549] {strides = array<i32>} : memref<128x128xf32, #tpu.memory_space<vmem>>, vector<1x16xf32>,
      %swap3A_551 = vector.shape_cast %swap3A_550 : vector<1x16xf32> to vector<16xf32>
      %swap3A_552 = vector.shape_cast %mul3A_547 : vector<16xf32> to vector<1x16xf32>
      tpu.vector_store %arg9[%swap3A_548, %swap3A_549], %swap3A_552 {strides = array<i32>} : memref<128x128xf32, #tpu.memory_space<vmem>>, vector<1x16xf32>,
      %get3A_553 = arith.index_cast %scan3A_482 : i32 to index
      %get3A_554 = arith.constant 96 : index
      %get3A_555 = tpu.vector_load %arg8[%get3A_553, %get3A_554] {strides = array<i32>} : memref<128x128xf32, #tpu.memory_space<vmem>>, vector<1x16xf32>,
      %get3A_556 = vector.shape_cast %get3A_555 : vector<1x16xf32> to vector<16xf32>
      %mul3A_557 = arith.constant 11.3137083 : f32
      %mul3A_558 = vector.broadcast %mul3A_557 : f32 to vector<16xf32>
      %mul3A_559 = arith.mulf %get3A_556, %mul3A_558 : vector<16xf32>
      %swap3A_560 = arith.index_cast %scan3A_482 : i32 to index
      %swap3A_561 = arith.constant 96 : index
      %swap3A_562 = tpu.vector_load %arg9[%swap3A_560, %swap3A_561] {strides = array<i32>} : memref<128x128xf32, #tpu.memory_space<vmem>>, vector<1x16xf32>,
      %swap3A_563 = vector.shape_cast %swap3A_562 : vector<1x16xf32> to vector<16xf32>
      %swap3A_564 = vector.shape_cast %mul3A_559 : vector<16xf32> to vector<1x16xf32>
      tpu.vector_store %arg9[%swap3A_560, %swap3A_561], %swap3A_564 {strides = array<i32>} : memref<128x128xf32, #tpu.memory_space<vmem>>, vector<1x16xf32>,
      %get3A_565 = arith.index_cast %scan3A_482 : i32 to index
      %get3A_566 = arith.constant 112 : index
      %get3A_567 = tpu.vector_load %arg8[%get3A_565, %get3A_566] {strides = array<i32>} : memref<128x128xf32, #tpu.memory_space<vmem>>, vector<1x16xf32>,
      %get3A_568 = vector.shape_cast %get3A_567 : vector<1x16xf32> to vector<16xf32>
      %mul3A_569 = arith.constant 11.3137083 : f32
      %mul3A_570 = vector.broadcast %mul3A_569 : f32 to vector<16xf32>
      %mul3A_571 = arith.mulf %get3A_568, %mul3A_570 : vector<16xf32>
      %swap3A_572 = arith.index_cast %scan3A_482 : i32 to index
      %swap3A_573 = arith.constant 112 : index
      %swap3A_574 = tpu.vector_load %arg9[%swap3A_572, %swap3A_573] {strides = array<i32>} : memref<128x128xf32, #tpu.memory_space<vmem>>, vector<1x16xf32>,
      %swap3A_575 = vector.shape_cast %swap3A_574 : vector<1x16xf32> to vector<16xf32>
      %swap3A_576 = vector.shape_cast %mul3A_571 : vector<16xf32> to vector<1x16xf32>
      tpu.vector_store %arg9[%swap3A_572, %swap3A_573], %swap3A_576 {strides = array<i32>} : memref<128x128xf32, #tpu.memory_space<vmem>>, vector<1x16xf32>,
    }
    %scan3A_304 = arith.constant 128 : i32
    %dma_start3A_305 = arith.constant 44 : i32
    %dma_start3A_306 = arith.constant 0 : i32
    %dma_start3A_307 = tpu.memref_slice %arg4[%dma_start3A_305, %mul3A_2, %dma_start3A_306] : memref<50x4096x128xf32, #tpu.memory_space<hbm>> -> memref<1x128x128xf32, #tpu.memory_space<hbm>>
    %dma_start3A_308 = tpu.memref_squeeze %dma_start3A_307 : memref<1x128x128xf32, #tpu.memory_space<hbm>> -> memref<128x128xf32, #tpu.memory_space<hbm>>
    %dma_start3A_309 = arith.constant 0 : i32
    %dma_start3A_310 = tpu.memref_slice %arg4[%dma_start3A_305, %mul3A_2, %dma_start3A_309] : memref<50x4096x128xf32, #tpu.memory_space<hbm>> -> memref<1x128x128xf32, #tpu.memory_space<hbm>>
    %dma_start3A_311 = tpu.memref_squeeze %dma_start3A_310 : memref<1x128x128xf32, #tpu.memory_space<hbm>> -> memref<128x128xf32, #tpu.memory_space<hbm>>
    tpu.enqueue_dma source(%arg9 : memref<128x128xf32, #tpu.memory_space<vmem>>) target(%dma_start3A_311 : memref<128x128xf32, #tpu.memory_space<hbm>>) target_semaphore(%arg16 : memref<!tpu.dma_semaphore, #tpu.memory_space<semaphore_mem>>)
    %dma_wait3A_312 = arith.constant 45 : i32
    %dma_wait3A_313 = arith.constant 0 : i32
    %dma_wait3A_314 = tpu.memref_slice %arg4[%dma_wait3A_312, %mul3A_2, %dma_wait3A_313] : memref<50x4096x128xf32, #tpu.memory_space<hbm>> -> memref<1x128x128xf32, #tpu.memory_space<hbm>>
    %dma_wait3A_315 = tpu.memref_squeeze %dma_wait3A_314 : memref<1x128x128xf32, #tpu.memory_space<hbm>> -> memref<128x128xf32, #tpu.memory_space<hbm>>
    %dma_wait3A_316 = arith.constant 0 : i32
    %dma_wait3A_317 = tpu.memref_slice %arg4[%dma_wait3A_312, %mul3A_2, %dma_wait3A_316] : memref<50x4096x128xf32, #tpu.memory_space<hbm>> -> memref<1x128x128xf32, #tpu.memory_space<hbm>>
    %dma_wait3A_318 = tpu.memref_squeeze %dma_wait3A_317 : memref<1x128x128xf32, #tpu.memory_space<hbm>> -> memref<128x128xf32, #tpu.memory_space<hbm>>
    tpu.wait_dma2 semaphore(%arg19 : memref<!tpu.dma_semaphore, #tpu.memory_space<semaphore_mem>>) src(%arg12 : memref<128x128xf32, #tpu.memory_space<vmem>>) dst(%dma_wait3A_318 : memref<128x128xf32, #tpu.memory_space<hbm>>)
    %dma_start3A_319 = arith.constant 47 : i32
    %dma_start3A_320 = arith.constant 0 : i32
    %dma_start3A_321 = tpu.memref_slice %arg5[%dma_start3A_319, %dma_start3A_320] : memref<50x128xi32, #tpu.memory_space<vmem>> -> memref<1x128xi32, #tpu.memory_space<vmem>>
    %dma_start3A_322 = tpu.memref_squeeze %dma_start3A_321 : memref<1x128xi32, #tpu.memory_space<vmem>> -> memref<128xi32, #tpu.memory_space<vmem>>
    %dma_start3A_323 = arith.constant 0 : i32
    %dma_start3A_324 = arith.constant 0 : i32
    %dma_start3A_325 = tpu.memref_slice %arg3[%dma_start3A_323, %dma_start3A_324] : memref<100000x128xf32, #tpu.memory_space<hbm>> -> memref<100000x128xf32, #tpu.memory_space<hbm>>
    tpu.enqueue_indirect_dma source(%dma_start3A_325 : memref<100000x128xf32, #tpu.memory_space<hbm>>) target(%arg8 : memref<128x128xf32, #tpu.memory_space<vmem>>) offsets(%dma_start3A_322 : memref<128xi32, #tpu.memory_space<vmem>>) semaphore(%arg15 : memref<!tpu.dma_semaphore, #tpu.memory_space<semaphore_mem>>)
    %dma_wait3A_326 = arith.constant 45 : i32
    %dma_wait3A_327 = arith.constant 0 : i32
    %dma_wait3A_328 = tpu.memref_slice %arg5[%dma_wait3A_326, %dma_wait3A_327] : memref<50x128xi32, #tpu.memory_space<vmem>> -> memref<1x128xi32, #tpu.memory_space<vmem>>
    %dma_wait3A_329 = tpu.memref_squeeze %dma_wait3A_328 : memref<1x128xi32, #tpu.memory_space<vmem>> -> memref<128xi32, #tpu.memory_space<vmem>>
    %dma_wait3A_330 = arith.constant 0 : i32
    %dma_wait3A_331 = arith.constant 0 : i32
    %dma_wait3A_332 = tpu.memref_slice %arg3[%dma_wait3A_330, %dma_wait3A_331] : memref<100000x128xf32, #tpu.memory_space<hbm>> -> memref<100000x128xf32, #tpu.memory_space<hbm>>
    tpu.wait_indirect_dma semaphore(%arg13 : memref<!tpu.dma_semaphore, #tpu.memory_space<semaphore_mem>>) src(%dma_wait3A_332 : memref<100000x128xf32, #tpu.memory_space<hbm>>) dst(%arg6 : memref<128x128xf32, #tpu.memory_space<vmem>>)
    %scan3A_333 = arith.constant 0 : i32
    %scan3A_334 = arith.constant 0 : i32
    %scan3A_335 = arith.constant 128 : i32
    %scan3A_336 = arith.addi %scan3A_334, %scan3A_335 : i32
    %scan3A_337 = arith.constant 1 : i32
    scf.for %scan3A_482 = %scan3A_334 to %scan3A_336 step %scan3A_337  : i32 {
      %get3A = arith.index_cast %scan3A_482 : i32 to index
      %get3A_483 = arith.constant 0 : index
      %get3A_484 = tpu.vector_load %arg6[%get3A, %get3A_483] {strides = array<i32>} : memref<128x128xf32, #tpu.memory_space<vmem>>, vector<1x16xf32>,
      %get3A_485 = vector.shape_cast %get3A_484 : vector<1x16xf32> to vector<16xf32>
      %mul3A_486 = arith.constant 11.3137083 : f32
      %mul3A_487 = vector.broadcast %mul3A_486 : f32 to vector<16xf32>
      %mul3A_488 = arith.mulf %get3A_485, %mul3A_487 : vector<16xf32>
      %swap3A = arith.index_cast %scan3A_482 : i32 to index
      %swap3A_489 = arith.constant 0 : index
      %swap3A_490 = tpu.vector_load %arg10[%swap3A, %swap3A_489] {strides = array<i32>} : memref<128x128xf32, #tpu.memory_space<vmem>>, vector<1x16xf32>,
      %swap3A_491 = vector.shape_cast %swap3A_490 : vector<1x16xf32> to vector<16xf32>
      %swap3A_492 = vector.shape_cast %mul3A_488 : vector<16xf32> to vector<1x16xf32>
      tpu.vector_store %arg10[%swap3A, %swap3A_489], %swap3A_492 {strides = array<i32>} : memref<128x128xf32, #tpu.memory_space<vmem>>, vector<1x16xf32>,
      %get3A_493 = arith.index_cast %scan3A_482 : i32 to index
      %get3A_494 = arith.constant 16 : index
      %get3A_495 = tpu.vector_load %arg6[%get3A_493, %get3A_494] {strides = array<i32>} : memref<128x128xf32, #tpu.memory_space<vmem>>, vector<1x16xf32>,
      %get3A_496 = vector.shape_cast %get3A_495 : vector<1x16xf32> to vector<16xf32>
      %mul3A_497 = arith.constant 11.3137083 : f32
      %mul3A_498 = vector.broadcast %mul3A_497 : f32 to vector<16xf32>
      %mul3A_499 = arith.mulf %get3A_496, %mul3A_498 : vector<16xf32>
      %swap3A_500 = arith.index_cast %scan3A_482 : i32 to index
      %swap3A_501 = arith.constant 16 : index
      %swap3A_502 = tpu.vector_load %arg10[%swap3A_500, %swap3A_501] {strides = array<i32>} : memref<128x128xf32, #tpu.memory_space<vmem>>, vector<1x16xf32>,
      %swap3A_503 = vector.shape_cast %swap3A_502 : vector<1x16xf32> to vector<16xf32>
      %swap3A_504 = vector.shape_cast %mul3A_499 : vector<16xf32> to vector<1x16xf32>
      tpu.vector_store %arg10[%swap3A_500, %swap3A_501], %swap3A_504 {strides = array<i32>} : memref<128x128xf32, #tpu.memory_space<vmem>>, vector<1x16xf32>,
      %get3A_505 = arith.index_cast %scan3A_482 : i32 to index
      %get3A_506 = arith.constant 32 : index
      %get3A_507 = tpu.vector_load %arg6[%get3A_505, %get3A_506] {strides = array<i32>} : memref<128x128xf32, #tpu.memory_space<vmem>>, vector<1x16xf32>,
      %get3A_508 = vector.shape_cast %get3A_507 : vector<1x16xf32> to vector<16xf32>
      %mul3A_509 = arith.constant 11.3137083 : f32
      %mul3A_510 = vector.broadcast %mul3A_509 : f32 to vector<16xf32>
      %mul3A_511 = arith.mulf %get3A_508, %mul3A_510 : vector<16xf32>
      %swap3A_512 = arith.index_cast %scan3A_482 : i32 to index
      %swap3A_513 = arith.constant 32 : index
      %swap3A_514 = tpu.vector_load %arg10[%swap3A_512, %swap3A_513] {strides = array<i32>} : memref<128x128xf32, #tpu.memory_space<vmem>>, vector<1x16xf32>,
      %swap3A_515 = vector.shape_cast %swap3A_514 : vector<1x16xf32> to vector<16xf32>
      %swap3A_516 = vector.shape_cast %mul3A_511 : vector<16xf32> to vector<1x16xf32>
      tpu.vector_store %arg10[%swap3A_512, %swap3A_513], %swap3A_516 {strides = array<i32>} : memref<128x128xf32, #tpu.memory_space<vmem>>, vector<1x16xf32>,
      %get3A_517 = arith.index_cast %scan3A_482 : i32 to index
      %get3A_518 = arith.constant 48 : index
      %get3A_519 = tpu.vector_load %arg6[%get3A_517, %get3A_518] {strides = array<i32>} : memref<128x128xf32, #tpu.memory_space<vmem>>, vector<1x16xf32>,
      %get3A_520 = vector.shape_cast %get3A_519 : vector<1x16xf32> to vector<16xf32>
      %mul3A_521 = arith.constant 11.3137083 : f32
      %mul3A_522 = vector.broadcast %mul3A_521 : f32 to vector<16xf32>
      %mul3A_523 = arith.mulf %get3A_520, %mul3A_522 : vector<16xf32>
      %swap3A_524 = arith.index_cast %scan3A_482 : i32 to index
      %swap3A_525 = arith.constant 48 : index
      %swap3A_526 = tpu.vector_load %arg10[%swap3A_524, %swap3A_525] {strides = array<i32>} : memref<128x128xf32, #tpu.memory_space<vmem>>, vector<1x16xf32>,
      %swap3A_527 = vector.shape_cast %swap3A_526 : vector<1x16xf32> to vector<16xf32>
      %swap3A_528 = vector.shape_cast %mul3A_523 : vector<16xf32> to vector<1x16xf32>
      tpu.vector_store %arg10[%swap3A_524, %swap3A_525], %swap3A_528 {strides = array<i32>} : memref<128x128xf32, #tpu.memory_space<vmem>>, vector<1x16xf32>,
      %get3A_529 = arith.index_cast %scan3A_482 : i32 to index
      %get3A_530 = arith.constant 64 : index
      %get3A_531 = tpu.vector_load %arg6[%get3A_529, %get3A_530] {strides = array<i32>} : memref<128x128xf32, #tpu.memory_space<vmem>>, vector<1x16xf32>,
      %get3A_532 = vector.shape_cast %get3A_531 : vector<1x16xf32> to vector<16xf32>
      %mul3A_533 = arith.constant 11.3137083 : f32
      %mul3A_534 = vector.broadcast %mul3A_533 : f32 to vector<16xf32>
      %mul3A_535 = arith.mulf %get3A_532, %mul3A_534 : vector<16xf32>
      %swap3A_536 = arith.index_cast %scan3A_482 : i32 to index
      %swap3A_537 = arith.constant 64 : index
      %swap3A_538 = tpu.vector_load %arg10[%swap3A_536, %swap3A_537] {strides = array<i32>} : memref<128x128xf32, #tpu.memory_space<vmem>>, vector<1x16xf32>,
      %swap3A_539 = vector.shape_cast %swap3A_538 : vector<1x16xf32> to vector<16xf32>
      %swap3A_540 = vector.shape_cast %mul3A_535 : vector<16xf32> to vector<1x16xf32>
      tpu.vector_store %arg10[%swap3A_536, %swap3A_537], %swap3A_540 {strides = array<i32>} : memref<128x128xf32, #tpu.memory_space<vmem>>, vector<1x16xf32>,
      %get3A_541 = arith.index_cast %scan3A_482 : i32 to index
      %get3A_542 = arith.constant 80 : index
      %get3A_543 = tpu.vector_load %arg6[%get3A_541, %get3A_542] {strides = array<i32>} : memref<128x128xf32, #tpu.memory_space<vmem>>, vector<1x16xf32>,
      %get3A_544 = vector.shape_cast %get3A_543 : vector<1x16xf32> to vector<16xf32>
      %mul3A_545 = arith.constant 11.3137083 : f32
      %mul3A_546 = vector.broadcast %mul3A_545 : f32 to vector<16xf32>
      %mul3A_547 = arith.mulf %get3A_544, %mul3A_546 : vector<16xf32>
      %swap3A_548 = arith.index_cast %scan3A_482 : i32 to index
      %swap3A_549 = arith.constant 80 : index
      %swap3A_550 = tpu.vector_load %arg10[%swap3A_548, %swap3A_549] {strides = array<i32>} : memref<128x128xf32, #tpu.memory_space<vmem>>, vector<1x16xf32>,
      %swap3A_551 = vector.shape_cast %swap3A_550 : vector<1x16xf32> to vector<16xf32>
      %swap3A_552 = vector.shape_cast %mul3A_547 : vector<16xf32> to vector<1x16xf32>
      tpu.vector_store %arg10[%swap3A_548, %swap3A_549], %swap3A_552 {strides = array<i32>} : memref<128x128xf32, #tpu.memory_space<vmem>>, vector<1x16xf32>,
      %get3A_553 = arith.index_cast %scan3A_482 : i32 to index
      %get3A_554 = arith.constant 96 : index
      %get3A_555 = tpu.vector_load %arg6[%get3A_553, %get3A_554] {strides = array<i32>} : memref<128x128xf32, #tpu.memory_space<vmem>>, vector<1x16xf32>,
      %get3A_556 = vector.shape_cast %get3A_555 : vector<1x16xf32> to vector<16xf32>
      %mul3A_557 = arith.constant 11.3137083 : f32
      %mul3A_558 = vector.broadcast %mul3A_557 : f32 to vector<16xf32>
      %mul3A_559 = arith.mulf %get3A_556, %mul3A_558 : vector<16xf32>
      %swap3A_560 = arith.index_cast %scan3A_482 : i32 to index
      %swap3A_561 = arith.constant 96 : index
      %swap3A_562 = tpu.vector_load %arg10[%swap3A_560, %swap3A_561] {strides = array<i32>} : memref<128x128xf32, #tpu.memory_space<vmem>>, vector<1x16xf32>,
      %swap3A_563 = vector.shape_cast %swap3A_562 : vector<1x16xf32> to vector<16xf32>
      %swap3A_564 = vector.shape_cast %mul3A_559 : vector<16xf32> to vector<1x16xf32>
      tpu.vector_store %arg10[%swap3A_560, %swap3A_561], %swap3A_564 {strides = array<i32>} : memref<128x128xf32, #tpu.memory_space<vmem>>, vector<1x16xf32>,
      %get3A_565 = arith.index_cast %scan3A_482 : i32 to index
      %get3A_566 = arith.constant 112 : index
      %get3A_567 = tpu.vector_load %arg6[%get3A_565, %get3A_566] {strides = array<i32>} : memref<128x128xf32, #tpu.memory_space<vmem>>, vector<1x16xf32>,
      %get3A_568 = vector.shape_cast %get3A_567 : vector<1x16xf32> to vector<16xf32>
      %mul3A_569 = arith.constant 11.3137083 : f32
      %mul3A_570 = vector.broadcast %mul3A_569 : f32 to vector<16xf32>
      %mul3A_571 = arith.mulf %get3A_568, %mul3A_570 : vector<16xf32>
      %swap3A_572 = arith.index_cast %scan3A_482 : i32 to index
      %swap3A_573 = arith.constant 112 : index
      %swap3A_574 = tpu.vector_load %arg10[%swap3A_572, %swap3A_573] {strides = array<i32>} : memref<128x128xf32, #tpu.memory_space<vmem>>, vector<1x16xf32>,
      %swap3A_575 = vector.shape_cast %swap3A_574 : vector<1x16xf32> to vector<16xf32>
      %swap3A_576 = vector.shape_cast %mul3A_571 : vector<16xf32> to vector<1x16xf32>
      tpu.vector_store %arg10[%swap3A_572, %swap3A_573], %swap3A_576 {strides = array<i32>} : memref<128x128xf32, #tpu.memory_space<vmem>>, vector<1x16xf32>,
    }
    %scan3A_338 = arith.constant 128 : i32
    %dma_start3A_339 = arith.constant 45 : i32
    %dma_start3A_340 = arith.constant 0 : i32
    %dma_start3A_341 = tpu.memref_slice %arg4[%dma_start3A_339, %mul3A_2, %dma_start3A_340] : memref<50x4096x128xf32, #tpu.memory_space<hbm>> -> memref<1x128x128xf32, #tpu.memory_space<hbm>>
    %dma_start3A_342 = tpu.memref_squeeze %dma_start3A_341 : memref<1x128x128xf32, #tpu.memory_space<hbm>> -> memref<128x128xf32, #tpu.memory_space<hbm>>
    %dma_start3A_343 = arith.constant 0 : i32
    %dma_start3A_344 = tpu.memref_slice %arg4[%dma_start3A_339, %mul3A_2, %dma_start3A_343] : memref<50x4096x128xf32, #tpu.memory_space<hbm>> -> memref<1x128x128xf32, #tpu.memory_space<hbm>>
    %dma_start3A_345 = tpu.memref_squeeze %dma_start3A_344 : memref<1x128x128xf32, #tpu.memory_space<hbm>> -> memref<128x128xf32, #tpu.memory_space<hbm>>
    tpu.enqueue_dma source(%arg10 : memref<128x128xf32, #tpu.memory_space<vmem>>) target(%dma_start3A_345 : memref<128x128xf32, #tpu.memory_space<hbm>>) target_semaphore(%arg17 : memref<!tpu.dma_semaphore, #tpu.memory_space<semaphore_mem>>)
    %dma_wait3A_346 = arith.constant 46 : i32
    %dma_wait3A_347 = arith.constant 0 : i32
    %dma_wait3A_348 = tpu.memref_slice %arg4[%dma_wait3A_346, %mul3A_2, %dma_wait3A_347] : memref<50x4096x128xf32, #tpu.memory_space<hbm>> -> memref<1x128x128xf32, #tpu.memory_space<hbm>>
    %dma_wait3A_349 = tpu.memref_squeeze %dma_wait3A_348 : memref<1x128x128xf32, #tpu.memory_space<hbm>> -> memref<128x128xf32, #tpu.memory_space<hbm>>
    %dma_wait3A_350 = arith.constant 0 : i32
    %dma_wait3A_351 = tpu.memref_slice %arg4[%dma_wait3A_346, %mul3A_2, %dma_wait3A_350] : memref<50x4096x128xf32, #tpu.memory_space<hbm>> -> memref<1x128x128xf32, #tpu.memory_space<hbm>>
    %dma_wait3A_352 = tpu.memref_squeeze %dma_wait3A_351 : memref<1x128x128xf32, #tpu.memory_space<hbm>> -> memref<128x128xf32, #tpu.memory_space<hbm>>
    tpu.wait_dma2 semaphore(%arg16 : memref<!tpu.dma_semaphore, #tpu.memory_space<semaphore_mem>>) src(%arg9 : memref<128x128xf32, #tpu.memory_space<vmem>>) dst(%dma_wait3A_352 : memref<128x128xf32, #tpu.memory_space<hbm>>)
    %dma_start3A_353 = arith.constant 48 : i32
    %dma_start3A_354 = arith.constant 0 : i32
    %dma_start3A_355 = tpu.memref_slice %arg5[%dma_start3A_353, %dma_start3A_354] : memref<50x128xi32, #tpu.memory_space<vmem>> -> memref<1x128xi32, #tpu.memory_space<vmem>>
    %dma_start3A_356 = tpu.memref_squeeze %dma_start3A_355 : memref<1x128xi32, #tpu.memory_space<vmem>> -> memref<128xi32, #tpu.memory_space<vmem>>
    %dma_start3A_357 = arith.constant 0 : i32
    %dma_start3A_358 = arith.constant 0 : i32
    %dma_start3A_359 = tpu.memref_slice %arg3[%dma_start3A_357, %dma_start3A_358] : memref<100000x128xf32, #tpu.memory_space<hbm>> -> memref<100000x128xf32, #tpu.memory_space<hbm>>
    tpu.enqueue_indirect_dma source(%dma_start3A_359 : memref<100000x128xf32, #tpu.memory_space<hbm>>) target(%arg6 : memref<128x128xf32, #tpu.memory_space<vmem>>) offsets(%dma_start3A_356 : memref<128xi32, #tpu.memory_space<vmem>>) semaphore(%arg13 : memref<!tpu.dma_semaphore, #tpu.memory_space<semaphore_mem>>)
    %dma_wait3A_360 = arith.constant 46 : i32
    %dma_wait3A_361 = arith.constant 0 : i32
    %dma_wait3A_362 = tpu.memref_slice %arg5[%dma_wait3A_360, %dma_wait3A_361] : memref<50x128xi32, #tpu.memory_space<vmem>> -> memref<1x128xi32, #tpu.memory_space<vmem>>
    %dma_wait3A_363 = tpu.memref_squeeze %dma_wait3A_362 : memref<1x128xi32, #tpu.memory_space<vmem>> -> memref<128xi32, #tpu.memory_space<vmem>>
    %dma_wait3A_364 = arith.constant 0 : i32
    %dma_wait3A_365 = arith.constant 0 : i32
    %dma_wait3A_366 = tpu.memref_slice %arg3[%dma_wait3A_364, %dma_wait3A_365] : memref<100000x128xf32, #tpu.memory_space<hbm>> -> memref<100000x128xf32, #tpu.memory_space<hbm>>
    tpu.wait_indirect_dma semaphore(%arg14 : memref<!tpu.dma_semaphore, #tpu.memory_space<semaphore_mem>>) src(%dma_wait3A_366 : memref<100000x128xf32, #tpu.memory_space<hbm>>) dst(%arg7 : memref<128x128xf32, #tpu.memory_space<vmem>>)
    %scan3A_367 = arith.constant 0 : i32
    %scan3A_368 = arith.constant 0 : i32
    %scan3A_369 = arith.constant 128 : i32
    %scan3A_370 = arith.addi %scan3A_368, %scan3A_369 : i32
    %scan3A_371 = arith.constant 1 : i32
    scf.for %scan3A_482 = %scan3A_368 to %scan3A_370 step %scan3A_371  : i32 {
      %get3A = arith.index_cast %scan3A_482 : i32 to index
      %get3A_483 = arith.constant 0 : index
      %get3A_484 = tpu.vector_load %arg7[%get3A, %get3A_483] {strides = array<i32>} : memref<128x128xf32, #tpu.memory_space<vmem>>, vector<1x16xf32>,
      %get3A_485 = vector.shape_cast %get3A_484 : vector<1x16xf32> to vector<16xf32>
      %mul3A_486 = arith.constant 11.3137083 : f32
      %mul3A_487 = vector.broadcast %mul3A_486 : f32 to vector<16xf32>
      %mul3A_488 = arith.mulf %get3A_485, %mul3A_487 : vector<16xf32>
      %swap3A = arith.index_cast %scan3A_482 : i32 to index
      %swap3A_489 = arith.constant 0 : index
      %swap3A_490 = tpu.vector_load %arg11[%swap3A, %swap3A_489] {strides = array<i32>} : memref<128x128xf32, #tpu.memory_space<vmem>>, vector<1x16xf32>,
      %swap3A_491 = vector.shape_cast %swap3A_490 : vector<1x16xf32> to vector<16xf32>
      %swap3A_492 = vector.shape_cast %mul3A_488 : vector<16xf32> to vector<1x16xf32>
      tpu.vector_store %arg11[%swap3A, %swap3A_489], %swap3A_492 {strides = array<i32>} : memref<128x128xf32, #tpu.memory_space<vmem>>, vector<1x16xf32>,
      %get3A_493 = arith.index_cast %scan3A_482 : i32 to index
      %get3A_494 = arith.constant 16 : index
      %get3A_495 = tpu.vector_load %arg7[%get3A_493, %get3A_494] {strides = array<i32>} : memref<128x128xf32, #tpu.memory_space<vmem>>, vector<1x16xf32>,
      %get3A_496 = vector.shape_cast %get3A_495 : vector<1x16xf32> to vector<16xf32>
      %mul3A_497 = arith.constant 11.3137083 : f32
      %mul3A_498 = vector.broadcast %mul3A_497 : f32 to vector<16xf32>
      %mul3A_499 = arith.mulf %get3A_496, %mul3A_498 : vector<16xf32>
      %swap3A_500 = arith.index_cast %scan3A_482 : i32 to index
      %swap3A_501 = arith.constant 16 : index
      %swap3A_502 = tpu.vector_load %arg11[%swap3A_500, %swap3A_501] {strides = array<i32>} : memref<128x128xf32, #tpu.memory_space<vmem>>, vector<1x16xf32>,
      %swap3A_503 = vector.shape_cast %swap3A_502 : vector<1x16xf32> to vector<16xf32>
      %swap3A_504 = vector.shape_cast %mul3A_499 : vector<16xf32> to vector<1x16xf32>
      tpu.vector_store %arg11[%swap3A_500, %swap3A_501], %swap3A_504 {strides = array<i32>} : memref<128x128xf32, #tpu.memory_space<vmem>>, vector<1x16xf32>,
      %get3A_505 = arith.index_cast %scan3A_482 : i32 to index
      %get3A_506 = arith.constant 32 : index
      %get3A_507 = tpu.vector_load %arg7[%get3A_505, %get3A_506] {strides = array<i32>} : memref<128x128xf32, #tpu.memory_space<vmem>>, vector<1x16xf32>,
      %get3A_508 = vector.shape_cast %get3A_507 : vector<1x16xf32> to vector<16xf32>
      %mul3A_509 = arith.constant 11.3137083 : f32
      %mul3A_510 = vector.broadcast %mul3A_509 : f32 to vector<16xf32>
      %mul3A_511 = arith.mulf %get3A_508, %mul3A_510 : vector<16xf32>
      %swap3A_512 = arith.index_cast %scan3A_482 : i32 to index
      %swap3A_513 = arith.constant 32 : index
      %swap3A_514 = tpu.vector_load %arg11[%swap3A_512, %swap3A_513] {strides = array<i32>} : memref<128x128xf32, #tpu.memory_space<vmem>>, vector<1x16xf32>,
      %swap3A_515 = vector.shape_cast %swap3A_514 : vector<1x16xf32> to vector<16xf32>
      %swap3A_516 = vector.shape_cast %mul3A_511 : vector<16xf32> to vector<1x16xf32>
      tpu.vector_store %arg11[%swap3A_512, %swap3A_513], %swap3A_516 {strides = array<i32>} : memref<128x128xf32, #tpu.memory_space<vmem>>, vector<1x16xf32>,
      %get3A_517 = arith.index_cast %scan3A_482 : i32 to index
      %get3A_518 = arith.constant 48 : index
      %get3A_519 = tpu.vector_load %arg7[%get3A_517, %get3A_518] {strides = array<i32>} : memref<128x128xf32, #tpu.memory_space<vmem>>, vector<1x16xf32>,
      %get3A_520 = vector.shape_cast %get3A_519 : vector<1x16xf32> to vector<16xf32>
      %mul3A_521 = arith.constant 11.3137083 : f32
      %mul3A_522 = vector.broadcast %mul3A_521 : f32 to vector<16xf32>
      %mul3A_523 = arith.mulf %get3A_520, %mul3A_522 : vector<16xf32>
      %swap3A_524 = arith.index_cast %scan3A_482 : i32 to index
      %swap3A_525 = arith.constant 48 : index
      %swap3A_526 = tpu.vector_load %arg11[%swap3A_524, %swap3A_525] {strides = array<i32>} : memref<128x128xf32, #tpu.memory_space<vmem>>, vector<1x16xf32>,
      %swap3A_527 = vector.shape_cast %swap3A_526 : vector<1x16xf32> to vector<16xf32>
      %swap3A_528 = vector.shape_cast %mul3A_523 : vector<16xf32> to vector<1x16xf32>
      tpu.vector_store %arg11[%swap3A_524, %swap3A_525], %swap3A_528 {strides = array<i32>} : memref<128x128xf32, #tpu.memory_space<vmem>>, vector<1x16xf32>,
      %get3A_529 = arith.index_cast %scan3A_482 : i32 to index
      %get3A_530 = arith.constant 64 : index
      %get3A_531 = tpu.vector_load %arg7[%get3A_529, %get3A_530] {strides = array<i32>} : memref<128x128xf32, #tpu.memory_space<vmem>>, vector<1x16xf32>,
      %get3A_532 = vector.shape_cast %get3A_531 : vector<1x16xf32> to vector<16xf32>
      %mul3A_533 = arith.constant 11.3137083 : f32
      %mul3A_534 = vector.broadcast %mul3A_533 : f32 to vector<16xf32>
      %mul3A_535 = arith.mulf %get3A_532, %mul3A_534 : vector<16xf32>
      %swap3A_536 = arith.index_cast %scan3A_482 : i32 to index
      %swap3A_537 = arith.constant 64 : index
      %swap3A_538 = tpu.vector_load %arg11[%swap3A_536, %swap3A_537] {strides = array<i32>} : memref<128x128xf32, #tpu.memory_space<vmem>>, vector<1x16xf32>,
      %swap3A_539 = vector.shape_cast %swap3A_538 : vector<1x16xf32> to vector<16xf32>
      %swap3A_540 = vector.shape_cast %mul3A_535 : vector<16xf32> to vector<1x16xf32>
      tpu.vector_store %arg11[%swap3A_536, %swap3A_537], %swap3A_540 {strides = array<i32>} : memref<128x128xf32, #tpu.memory_space<vmem>>, vector<1x16xf32>,
      %get3A_541 = arith.index_cast %scan3A_482 : i32 to index
      %get3A_542 = arith.constant 80 : index
      %get3A_543 = tpu.vector_load %arg7[%get3A_541, %get3A_542] {strides = array<i32>} : memref<128x128xf32, #tpu.memory_space<vmem>>, vector<1x16xf32>,
      %get3A_544 = vector.shape_cast %get3A_543 : vector<1x16xf32> to vector<16xf32>
      %mul3A_545 = arith.constant 11.3137083 : f32
      %mul3A_546 = vector.broadcast %mul3A_545 : f32 to vector<16xf32>
      %mul3A_547 = arith.mulf %get3A_544, %mul3A_546 : vector<16xf32>
      %swap3A_548 = arith.index_cast %scan3A_482 : i32 to index
      %swap3A_549 = arith.constant 80 : index
      %swap3A_550 = tpu.vector_load %arg11[%swap3A_548, %swap3A_549] {strides = array<i32>} : memref<128x128xf32, #tpu.memory_space<vmem>>, vector<1x16xf32>,
      %swap3A_551 = vector.shape_cast %swap3A_550 : vector<1x16xf32> to vector<16xf32>
      %swap3A_552 = vector.shape_cast %mul3A_547 : vector<16xf32> to vector<1x16xf32>
      tpu.vector_store %arg11[%swap3A_548, %swap3A_549], %swap3A_552 {strides = array<i32>} : memref<128x128xf32, #tpu.memory_space<vmem>>, vector<1x16xf32>,
      %get3A_553 = arith.index_cast %scan3A_482 : i32 to index
      %get3A_554 = arith.constant 96 : index
      %get3A_555 = tpu.vector_load %arg7[%get3A_553, %get3A_554] {strides = array<i32>} : memref<128x128xf32, #tpu.memory_space<vmem>>, vector<1x16xf32>,
      %get3A_556 = vector.shape_cast %get3A_555 : vector<1x16xf32> to vector<16xf32>
      %mul3A_557 = arith.constant 11.3137083 : f32
      %mul3A_558 = vector.broadcast %mul3A_557 : f32 to vector<16xf32>
      %mul3A_559 = arith.mulf %get3A_556, %mul3A_558 : vector<16xf32>
      %swap3A_560 = arith.index_cast %scan3A_482 : i32 to index
      %swap3A_561 = arith.constant 96 : index
      %swap3A_562 = tpu.vector_load %arg11[%swap3A_560, %swap3A_561] {strides = array<i32>} : memref<128x128xf32, #tpu.memory_space<vmem>>, vector<1x16xf32>,
      %swap3A_563 = vector.shape_cast %swap3A_562 : vector<1x16xf32> to vector<16xf32>
      %swap3A_564 = vector.shape_cast %mul3A_559 : vector<16xf32> to vector<1x16xf32>
      tpu.vector_store %arg11[%swap3A_560, %swap3A_561], %swap3A_564 {strides = array<i32>} : memref<128x128xf32, #tpu.memory_space<vmem>>, vector<1x16xf32>,
      %get3A_565 = arith.index_cast %scan3A_482 : i32 to index
      %get3A_566 = arith.constant 112 : index
      %get3A_567 = tpu.vector_load %arg7[%get3A_565, %get3A_566] {strides = array<i32>} : memref<128x128xf32, #tpu.memory_space<vmem>>, vector<1x16xf32>,
      %get3A_568 = vector.shape_cast %get3A_567 : vector<1x16xf32> to vector<16xf32>
      %mul3A_569 = arith.constant 11.3137083 : f32
      %mul3A_570 = vector.broadcast %mul3A_569 : f32 to vector<16xf32>
      %mul3A_571 = arith.mulf %get3A_568, %mul3A_570 : vector<16xf32>
      %swap3A_572 = arith.index_cast %scan3A_482 : i32 to index
      %swap3A_573 = arith.constant 112 : index
      %swap3A_574 = tpu.vector_load %arg11[%swap3A_572, %swap3A_573] {strides = array<i32>} : memref<128x128xf32, #tpu.memory_space<vmem>>, vector<1x16xf32>,
      %swap3A_575 = vector.shape_cast %swap3A_574 : vector<1x16xf32> to vector<16xf32>
      %swap3A_576 = vector.shape_cast %mul3A_571 : vector<16xf32> to vector<1x16xf32>
      tpu.vector_store %arg11[%swap3A_572, %swap3A_573], %swap3A_576 {strides = array<i32>} : memref<128x128xf32, #tpu.memory_space<vmem>>, vector<1x16xf32>,
    }
    %scan3A_372 = arith.constant 128 : i32
    %dma_start3A_373 = arith.constant 46 : i32
    %dma_start3A_374 = arith.constant 0 : i32
    %dma_start3A_375 = tpu.memref_slice %arg4[%dma_start3A_373, %mul3A_2, %dma_start3A_374] : memref<50x4096x128xf32, #tpu.memory_space<hbm>> -> memref<1x128x128xf32, #tpu.memory_space<hbm>>
    %dma_start3A_376 = tpu.memref_squeeze %dma_start3A_375 : memref<1x128x128xf32, #tpu.memory_space<hbm>> -> memref<128x128xf32, #tpu.memory_space<hbm>>
    %dma_start3A_377 = arith.constant 0 : i32
    %dma_start3A_378 = tpu.memref_slice %arg4[%dma_start3A_373, %mul3A_2, %dma_start3A_377] : memref<50x4096x128xf32, #tpu.memory_space<hbm>> -> memref<1x128x128xf32, #tpu.memory_space<hbm>>
    %dma_start3A_379 = tpu.memref_squeeze %dma_start3A_378 : memref<1x128x128xf32, #tpu.memory_space<hbm>> -> memref<128x128xf32, #tpu.memory_space<hbm>>
    tpu.enqueue_dma source(%arg11 : memref<128x128xf32, #tpu.memory_space<vmem>>) target(%dma_start3A_379 : memref<128x128xf32, #tpu.memory_space<hbm>>) target_semaphore(%arg18 : memref<!tpu.dma_semaphore, #tpu.memory_space<semaphore_mem>>)
    %dma_wait3A_380 = arith.constant 47 : i32
    %dma_wait3A_381 = arith.constant 0 : i32
    %dma_wait3A_382 = tpu.memref_slice %arg4[%dma_wait3A_380, %mul3A_2, %dma_wait3A_381] : memref<50x4096x128xf32, #tpu.memory_space<hbm>> -> memref<1x128x128xf32, #tpu.memory_space<hbm>>
    %dma_wait3A_383 = tpu.memref_squeeze %dma_wait3A_382 : memref<1x128x128xf32, #tpu.memory_space<hbm>> -> memref<128x128xf32, #tpu.memory_space<hbm>>
    %dma_wait3A_384 = arith.constant 0 : i32
    %dma_wait3A_385 = tpu.memref_slice %arg4[%dma_wait3A_380, %mul3A_2, %dma_wait3A_384] : memref<50x4096x128xf32, #tpu.memory_space<hbm>> -> memref<1x128x128xf32, #tpu.memory_space<hbm>>
    %dma_wait3A_386 = tpu.memref_squeeze %dma_wait3A_385 : memref<1x128x128xf32, #tpu.memory_space<hbm>> -> memref<128x128xf32, #tpu.memory_space<hbm>>
    tpu.wait_dma2 semaphore(%arg17 : memref<!tpu.dma_semaphore, #tpu.memory_space<semaphore_mem>>) src(%arg10 : memref<128x128xf32, #tpu.memory_space<vmem>>) dst(%dma_wait3A_386 : memref<128x128xf32, #tpu.memory_space<hbm>>)
    %dma_start3A_387 = arith.constant 49 : i32
    %dma_start3A_388 = arith.constant 0 : i32
    %dma_start3A_389 = tpu.memref_slice %arg5[%dma_start3A_387, %dma_start3A_388] : memref<50x128xi32, #tpu.memory_space<vmem>> -> memref<1x128xi32, #tpu.memory_space<vmem>>
    %dma_start3A_390 = tpu.memref_squeeze %dma_start3A_389 : memref<1x128xi32, #tpu.memory_space<vmem>> -> memref<128xi32, #tpu.memory_space<vmem>>
    %dma_start3A_391 = arith.constant 0 : i32
    %dma_start3A_392 = arith.constant 0 : i32
    %dma_start3A_393 = tpu.memref_slice %arg3[%dma_start3A_391, %dma_start3A_392] : memref<100000x128xf32, #tpu.memory_space<hbm>> -> memref<100000x128xf32, #tpu.memory_space<hbm>>
    tpu.enqueue_indirect_dma source(%dma_start3A_393 : memref<100000x128xf32, #tpu.memory_space<hbm>>) target(%arg7 : memref<128x128xf32, #tpu.memory_space<vmem>>) offsets(%dma_start3A_390 : memref<128xi32, #tpu.memory_space<vmem>>) semaphore(%arg14 : memref<!tpu.dma_semaphore, #tpu.memory_space<semaphore_mem>>)
    %dma_wait3A_394 = arith.constant 47 : i32
    %dma_wait3A_395 = arith.constant 0 : i32
    %dma_wait3A_396 = tpu.memref_slice %arg5[%dma_wait3A_394, %dma_wait3A_395] : memref<50x128xi32, #tpu.memory_space<vmem>> -> memref<1x128xi32, #tpu.memory_space<vmem>>
    %dma_wait3A_397 = tpu.memref_squeeze %dma_wait3A_396 : memref<1x128xi32, #tpu.memory_space<vmem>> -> memref<128xi32, #tpu.memory_space<vmem>>
    %dma_wait3A_398 = arith.constant 0 : i32
    %dma_wait3A_399 = arith.constant 0 : i32
    %dma_wait3A_400 = tpu.memref_slice %arg3[%dma_wait3A_398, %dma_wait3A_399] : memref<100000x128xf32, #tpu.memory_space<hbm>> -> memref<100000x128xf32, #tpu.memory_space<hbm>>
    tpu.wait_indirect_dma semaphore(%arg15 : memref<!tpu.dma_semaphore, #tpu.memory_space<semaphore_mem>>) src(%dma_wait3A_400 : memref<100000x128xf32, #tpu.memory_space<hbm>>) dst(%arg8 : memref<128x128xf32, #tpu.memory_space<vmem>>)
    %scan3A_401 = arith.constant 0 : i32
    %scan3A_402 = arith.constant 0 : i32
    %scan3A_403 = arith.constant 128 : i32
    %scan3A_404 = arith.addi %scan3A_402, %scan3A_403 : i32
    %scan3A_405 = arith.constant 1 : i32
    scf.for %scan3A_482 = %scan3A_402 to %scan3A_404 step %scan3A_405  : i32 {
      %get3A = arith.index_cast %scan3A_482 : i32 to index
      %get3A_483 = arith.constant 0 : index
      %get3A_484 = tpu.vector_load %arg8[%get3A, %get3A_483] {strides = array<i32>} : memref<128x128xf32, #tpu.memory_space<vmem>>, vector<1x16xf32>,
      %get3A_485 = vector.shape_cast %get3A_484 : vector<1x16xf32> to vector<16xf32>
      %mul3A_486 = arith.constant 11.3137083 : f32
      %mul3A_487 = vector.broadcast %mul3A_486 : f32 to vector<16xf32>
      %mul3A_488 = arith.mulf %get3A_485, %mul3A_487 : vector<16xf32>
      %swap3A = arith.index_cast %scan3A_482 : i32 to index
      %swap3A_489 = arith.constant 0 : index
      %swap3A_490 = tpu.vector_load %arg12[%swap3A, %swap3A_489] {strides = array<i32>} : memref<128x128xf32, #tpu.memory_space<vmem>>, vector<1x16xf32>,
      %swap3A_491 = vector.shape_cast %swap3A_490 : vector<1x16xf32> to vector<16xf32>
      %swap3A_492 = vector.shape_cast %mul3A_488 : vector<16xf32> to vector<1x16xf32>
      tpu.vector_store %arg12[%swap3A, %swap3A_489], %swap3A_492 {strides = array<i32>} : memref<128x128xf32, #tpu.memory_space<vmem>>, vector<1x16xf32>,
      %get3A_493 = arith.index_cast %scan3A_482 : i32 to index
      %get3A_494 = arith.constant 16 : index
      %get3A_495 = tpu.vector_load %arg8[%get3A_493, %get3A_494] {strides = array<i32>} : memref<128x128xf32, #tpu.memory_space<vmem>>, vector<1x16xf32>,
      %get3A_496 = vector.shape_cast %get3A_495 : vector<1x16xf32> to vector<16xf32>
      %mul3A_497 = arith.constant 11.3137083 : f32
      %mul3A_498 = vector.broadcast %mul3A_497 : f32 to vector<16xf32>
      %mul3A_499 = arith.mulf %get3A_496, %mul3A_498 : vector<16xf32>
      %swap3A_500 = arith.index_cast %scan3A_482 : i32 to index
      %swap3A_501 = arith.constant 16 : index
      %swap3A_502 = tpu.vector_load %arg12[%swap3A_500, %swap3A_501] {strides = array<i32>} : memref<128x128xf32, #tpu.memory_space<vmem>>, vector<1x16xf32>,
      %swap3A_503 = vector.shape_cast %swap3A_502 : vector<1x16xf32> to vector<16xf32>
      %swap3A_504 = vector.shape_cast %mul3A_499 : vector<16xf32> to vector<1x16xf32>
      tpu.vector_store %arg12[%swap3A_500, %swap3A_501], %swap3A_504 {strides = array<i32>} : memref<128x128xf32, #tpu.memory_space<vmem>>, vector<1x16xf32>,
      %get3A_505 = arith.index_cast %scan3A_482 : i32 to index
      %get3A_506 = arith.constant 32 : index
      %get3A_507 = tpu.vector_load %arg8[%get3A_505, %get3A_506] {strides = array<i32>} : memref<128x128xf32, #tpu.memory_space<vmem>>, vector<1x16xf32>,
      %get3A_508 = vector.shape_cast %get3A_507 : vector<1x16xf32> to vector<16xf32>
      %mul3A_509 = arith.constant 11.3137083 : f32
      %mul3A_510 = vector.broadcast %mul3A_509 : f32 to vector<16xf32>
      %mul3A_511 = arith.mulf %get3A_508, %mul3A_510 : vector<16xf32>
      %swap3A_512 = arith.index_cast %scan3A_482 : i32 to index
      %swap3A_513 = arith.constant 32 : index
      %swap3A_514 = tpu.vector_load %arg12[%swap3A_512, %swap3A_513] {strides = array<i32>} : memref<128x128xf32, #tpu.memory_space<vmem>>, vector<1x16xf32>,
      %swap3A_515 = vector.shape_cast %swap3A_514 : vector<1x16xf32> to vector<16xf32>
      %swap3A_516 = vector.shape_cast %mul3A_511 : vector<16xf32> to vector<1x16xf32>
      tpu.vector_store %arg12[%swap3A_512, %swap3A_513], %swap3A_516 {strides = array<i32>} : memref<128x128xf32, #tpu.memory_space<vmem>>, vector<1x16xf32>,
      %get3A_517 = arith.index_cast %scan3A_482 : i32 to index
      %get3A_518 = arith.constant 48 : index
      %get3A_519 = tpu.vector_load %arg8[%get3A_517, %get3A_518] {strides = array<i32>} : memref<128x128xf32, #tpu.memory_space<vmem>>, vector<1x16xf32>,
      %get3A_520 = vector.shape_cast %get3A_519 : vector<1x16xf32> to vector<16xf32>
      %mul3A_521 = arith.constant 11.3137083 : f32
      %mul3A_522 = vector.broadcast %mul3A_521 : f32 to vector<16xf32>
      %mul3A_523 = arith.mulf %get3A_520, %mul3A_522 : vector<16xf32>
      %swap3A_524 = arith.index_cast %scan3A_482 : i32 to index
      %swap3A_525 = arith.constant 48 : index
      %swap3A_526 = tpu.vector_load %arg12[%swap3A_524, %swap3A_525] {strides = array<i32>} : memref<128x128xf32, #tpu.memory_space<vmem>>, vector<1x16xf32>,
      %swap3A_527 = vector.shape_cast %swap3A_526 : vector<1x16xf32> to vector<16xf32>
      %swap3A_528 = vector.shape_cast %mul3A_523 : vector<16xf32> to vector<1x16xf32>
      tpu.vector_store %arg12[%swap3A_524, %swap3A_525], %swap3A_528 {strides = array<i32>} : memref<128x128xf32, #tpu.memory_space<vmem>>, vector<1x16xf32>,
      %get3A_529 = arith.index_cast %scan3A_482 : i32 to index
      %get3A_530 = arith.constant 64 : index
      %get3A_531 = tpu.vector_load %arg8[%get3A_529, %get3A_530] {strides = array<i32>} : memref<128x128xf32, #tpu.memory_space<vmem>>, vector<1x16xf32>,
      %get3A_532 = vector.shape_cast %get3A_531 : vector<1x16xf32> to vector<16xf32>
      %mul3A_533 = arith.constant 11.3137083 : f32
      %mul3A_534 = vector.broadcast %mul3A_533 : f32 to vector<16xf32>
      %mul3A_535 = arith.mulf %get3A_532, %mul3A_534 : vector<16xf32>
      %swap3A_536 = arith.index_cast %scan3A_482 : i32 to index
      %swap3A_537 = arith.constant 64 : index
      %swap3A_538 = tpu.vector_load %arg12[%swap3A_536, %swap3A_537] {strides = array<i32>} : memref<128x128xf32, #tpu.memory_space<vmem>>, vector<1x16xf32>,
      %swap3A_539 = vector.shape_cast %swap3A_538 : vector<1x16xf32> to vector<16xf32>
      %swap3A_540 = vector.shape_cast %mul3A_535 : vector<16xf32> to vector<1x16xf32>
      tpu.vector_store %arg12[%swap3A_536, %swap3A_537], %swap3A_540 {strides = array<i32>} : memref<128x128xf32, #tpu.memory_space<vmem>>, vector<1x16xf32>,
      %get3A_541 = arith.index_cast %scan3A_482 : i32 to index
      %get3A_542 = arith.constant 80 : index
      %get3A_543 = tpu.vector_load %arg8[%get3A_541, %get3A_542] {strides = array<i32>} : memref<128x128xf32, #tpu.memory_space<vmem>>, vector<1x16xf32>,
      %get3A_544 = vector.shape_cast %get3A_543 : vector<1x16xf32> to vector<16xf32>
      %mul3A_545 = arith.constant 11.3137083 : f32
      %mul3A_546 = vector.broadcast %mul3A_545 : f32 to vector<16xf32>
      %mul3A_547 = arith.mulf %get3A_544, %mul3A_546 : vector<16xf32>
      %swap3A_548 = arith.index_cast %scan3A_482 : i32 to index
      %swap3A_549 = arith.constant 80 : index
      %swap3A_550 = tpu.vector_load %arg12[%swap3A_548, %swap3A_549] {strides = array<i32>} : memref<128x128xf32, #tpu.memory_space<vmem>>, vector<1x16xf32>,
      %swap3A_551 = vector.shape_cast %swap3A_550 : vector<1x16xf32> to vector<16xf32>
      %swap3A_552 = vector.shape_cast %mul3A_547 : vector<16xf32> to vector<1x16xf32>
      tpu.vector_store %arg12[%swap3A_548, %swap3A_549], %swap3A_552 {strides = array<i32>} : memref<128x128xf32, #tpu.memory_space<vmem>>, vector<1x16xf32>,
      %get3A_553 = arith.index_cast %scan3A_482 : i32 to index
      %get3A_554 = arith.constant 96 : index
      %get3A_555 = tpu.vector_load %arg8[%get3A_553, %get3A_554] {strides = array<i32>} : memref<128x128xf32, #tpu.memory_space<vmem>>, vector<1x16xf32>,
      %get3A_556 = vector.shape_cast %get3A_555 : vector<1x16xf32> to vector<16xf32>
      %mul3A_557 = arith.constant 11.3137083 : f32
      %mul3A_558 = vector.broadcast %mul3A_557 : f32 to vector<16xf32>
      %mul3A_559 = arith.mulf %get3A_556, %mul3A_558 : vector<16xf32>
      %swap3A_560 = arith.index_cast %scan3A_482 : i32 to index
      %swap3A_561 = arith.constant 96 : index
      %swap3A_562 = tpu.vector_load %arg12[%swap3A_560, %swap3A_561] {strides = array<i32>} : memref<128x128xf32, #tpu.memory_space<vmem>>, vector<1x16xf32>,
      %swap3A_563 = vector.shape_cast %swap3A_562 : vector<1x16xf32> to vector<16xf32>
      %swap3A_564 = vector.shape_cast %mul3A_559 : vector<16xf32> to vector<1x16xf32>
      tpu.vector_store %arg12[%swap3A_560, %swap3A_561], %swap3A_564 {strides = array<i32>} : memref<128x128xf32, #tpu.memory_space<vmem>>, vector<1x16xf32>,
      %get3A_565 = arith.index_cast %scan3A_482 : i32 to index
      %get3A_566 = arith.constant 112 : index
      %get3A_567 = tpu.vector_load %arg8[%get3A_565, %get3A_566] {strides = array<i32>} : memref<128x128xf32, #tpu.memory_space<vmem>>, vector<1x16xf32>,
      %get3A_568 = vector.shape_cast %get3A_567 : vector<1x16xf32> to vector<16xf32>
      %mul3A_569 = arith.constant 11.3137083 : f32
      %mul3A_570 = vector.broadcast %mul3A_569 : f32 to vector<16xf32>
      %mul3A_571 = arith.mulf %get3A_568, %mul3A_570 : vector<16xf32>
      %swap3A_572 = arith.index_cast %scan3A_482 : i32 to index
      %swap3A_573 = arith.constant 112 : index
      %swap3A_574 = tpu.vector_load %arg12[%swap3A_572, %swap3A_573] {strides = array<i32>} : memref<128x128xf32, #tpu.memory_space<vmem>>, vector<1x16xf32>,
      %swap3A_575 = vector.shape_cast %swap3A_574 : vector<1x16xf32> to vector<16xf32>
      %swap3A_576 = vector.shape_cast %mul3A_571 : vector<16xf32> to vector<1x16xf32>
      tpu.vector_store %arg12[%swap3A_572, %swap3A_573], %swap3A_576 {strides = array<i32>} : memref<128x128xf32, #tpu.memory_space<vmem>>, vector<1x16xf32>,
    }
    %scan3A_406 = arith.constant 128 : i32
    %dma_start3A_407 = arith.constant 47 : i32
    %dma_start3A_408 = arith.constant 0 : i32
    %dma_start3A_409 = tpu.memref_slice %arg4[%dma_start3A_407, %mul3A_2, %dma_start3A_408] : memref<50x4096x128xf32, #tpu.memory_space<hbm>> -> memref<1x128x128xf32, #tpu.memory_space<hbm>>
    %dma_start3A_410 = tpu.memref_squeeze %dma_start3A_409 : memref<1x128x128xf32, #tpu.memory_space<hbm>> -> memref<128x128xf32, #tpu.memory_space<hbm>>
    %dma_start3A_411 = arith.constant 0 : i32
    %dma_start3A_412 = tpu.memref_slice %arg4[%dma_start3A_407, %mul3A_2, %dma_start3A_411] : memref<50x4096x128xf32, #tpu.memory_space<hbm>> -> memref<1x128x128xf32, #tpu.memory_space<hbm>>
    %dma_start3A_413 = tpu.memref_squeeze %dma_start3A_412 : memref<1x128x128xf32, #tpu.memory_space<hbm>> -> memref<128x128xf32, #tpu.memory_space<hbm>>
    tpu.enqueue_dma source(%arg12 : memref<128x128xf32, #tpu.memory_space<vmem>>) target(%dma_start3A_413 : memref<128x128xf32, #tpu.memory_space<hbm>>) target_semaphore(%arg19 : memref<!tpu.dma_semaphore, #tpu.memory_space<semaphore_mem>>)
    %dma_wait3A_414 = arith.constant 48 : i32
    %dma_wait3A_415 = arith.constant 0 : i32
    %dma_wait3A_416 = tpu.memref_slice %arg4[%dma_wait3A_414, %mul3A_2, %dma_wait3A_415] : memref<50x4096x128xf32, #tpu.memory_space<hbm>> -> memref<1x128x128xf32, #tpu.memory_space<hbm>>
    %dma_wait3A_417 = tpu.memref_squeeze %dma_wait3A_416 : memref<1x128x128xf32, #tpu.memory_space<hbm>> -> memref<128x128xf32, #tpu.memory_space<hbm>>
    %dma_wait3A_418 = arith.constant 0 : i32
    %dma_wait3A_419 = tpu.memref_slice %arg4[%dma_wait3A_414, %mul3A_2, %dma_wait3A_418] : memref<50x4096x128xf32, #tpu.memory_space<hbm>> -> memref<1x128x128xf32, #tpu.memory_space<hbm>>
    %dma_wait3A_420 = tpu.memref_squeeze %dma_wait3A_419 : memref<1x128x128xf32, #tpu.memory_space<hbm>> -> memref<128x128xf32, #tpu.memory_space<hbm>>
    tpu.wait_dma2 semaphore(%arg18 : memref<!tpu.dma_semaphore, #tpu.memory_space<semaphore_mem>>) src(%arg11 : memref<128x128xf32, #tpu.memory_space<vmem>>) dst(%dma_wait3A_420 : memref<128x128xf32, #tpu.memory_space<hbm>>)
    %dma_wait3A_421 = arith.constant 48 : i32
    %dma_wait3A_422 = arith.constant 0 : i32
    %dma_wait3A_423 = tpu.memref_slice %arg5[%dma_wait3A_421, %dma_wait3A_422] : memref<50x128xi32, #tpu.memory_space<vmem>> -> memref<1x128xi32, #tpu.memory_space<vmem>>
    %dma_wait3A_424 = tpu.memref_squeeze %dma_wait3A_423 : memref<1x128xi32, #tpu.memory_space<vmem>> -> memref<128xi32, #tpu.memory_space<vmem>>
    %dma_wait3A_425 = arith.constant 0 : i32
    %dma_wait3A_426 = arith.constant 0 : i32
    %dma_wait3A_427 = tpu.memref_slice %arg3[%dma_wait3A_425, %dma_wait3A_426] : memref<100000x128xf32, #tpu.memory_space<hbm>> -> memref<100000x128xf32, #tpu.memory_space<hbm>>
    tpu.wait_indirect_dma semaphore(%arg13 : memref<!tpu.dma_semaphore, #tpu.memory_space<semaphore_mem>>) src(%dma_wait3A_427 : memref<100000x128xf32, #tpu.memory_space<hbm>>) dst(%arg6 : memref<128x128xf32, #tpu.memory_space<vmem>>)
    %scan3A_428 = arith.constant 0 : i32
    %scan3A_429 = arith.constant 0 : i32
    %scan3A_430 = arith.constant 128 : i32
    %scan3A_431 = arith.addi %scan3A_429, %scan3A_430 : i32
    %scan3A_432 = arith.constant 1 : i32
    scf.for %scan3A_482 = %scan3A_429 to %scan3A_431 step %scan3A_432  : i32 {
      %get3A = arith.index_cast %scan3A_482 : i32 to index
      %get3A_483 = arith.constant 0 : index
      %get3A_484 = tpu.vector_load %arg6[%get3A, %get3A_483] {strides = array<i32>} : memref<128x128xf32, #tpu.memory_space<vmem>>, vector<1x16xf32>,
      %get3A_485 = vector.shape_cast %get3A_484 : vector<1x16xf32> to vector<16xf32>
      %mul3A_486 = arith.constant 11.3137083 : f32
      %mul3A_487 = vector.broadcast %mul3A_486 : f32 to vector<16xf32>
      %mul3A_488 = arith.mulf %get3A_485, %mul3A_487 : vector<16xf32>
      %swap3A = arith.index_cast %scan3A_482 : i32 to index
      %swap3A_489 = arith.constant 0 : index
      %swap3A_490 = tpu.vector_load %arg9[%swap3A, %swap3A_489] {strides = array<i32>} : memref<128x128xf32, #tpu.memory_space<vmem>>, vector<1x16xf32>,
      %swap3A_491 = vector.shape_cast %swap3A_490 : vector<1x16xf32> to vector<16xf32>
      %swap3A_492 = vector.shape_cast %mul3A_488 : vector<16xf32> to vector<1x16xf32>
      tpu.vector_store %arg9[%swap3A, %swap3A_489], %swap3A_492 {strides = array<i32>} : memref<128x128xf32, #tpu.memory_space<vmem>>, vector<1x16xf32>,
      %get3A_493 = arith.index_cast %scan3A_482 : i32 to index
      %get3A_494 = arith.constant 16 : index
      %get3A_495 = tpu.vector_load %arg6[%get3A_493, %get3A_494] {strides = array<i32>} : memref<128x128xf32, #tpu.memory_space<vmem>>, vector<1x16xf32>,
      %get3A_496 = vector.shape_cast %get3A_495 : vector<1x16xf32> to vector<16xf32>
      %mul3A_497 = arith.constant 11.3137083 : f32
      %mul3A_498 = vector.broadcast %mul3A_497 : f32 to vector<16xf32>
      %mul3A_499 = arith.mulf %get3A_496, %mul3A_498 : vector<16xf32>
      %swap3A_500 = arith.index_cast %scan3A_482 : i32 to index
      %swap3A_501 = arith.constant 16 : index
      %swap3A_502 = tpu.vector_load %arg9[%swap3A_500, %swap3A_501] {strides = array<i32>} : memref<128x128xf32, #tpu.memory_space<vmem>>, vector<1x16xf32>,
      %swap3A_503 = vector.shape_cast %swap3A_502 : vector<1x16xf32> to vector<16xf32>
      %swap3A_504 = vector.shape_cast %mul3A_499 : vector<16xf32> to vector<1x16xf32>
      tpu.vector_store %arg9[%swap3A_500, %swap3A_501], %swap3A_504 {strides = array<i32>} : memref<128x128xf32, #tpu.memory_space<vmem>>, vector<1x16xf32>,
      %get3A_505 = arith.index_cast %scan3A_482 : i32 to index
      %get3A_506 = arith.constant 32 : index
      %get3A_507 = tpu.vector_load %arg6[%get3A_505, %get3A_506] {strides = array<i32>} : memref<128x128xf32, #tpu.memory_space<vmem>>, vector<1x16xf32>,
      %get3A_508 = vector.shape_cast %get3A_507 : vector<1x16xf32> to vector<16xf32>
      %mul3A_509 = arith.constant 11.3137083 : f32
      %mul3A_510 = vector.broadcast %mul3A_509 : f32 to vector<16xf32>
      %mul3A_511 = arith.mulf %get3A_508, %mul3A_510 : vector<16xf32>
      %swap3A_512 = arith.index_cast %scan3A_482 : i32 to index
      %swap3A_513 = arith.constant 32 : index
      %swap3A_514 = tpu.vector_load %arg9[%swap3A_512, %swap3A_513] {strides = array<i32>} : memref<128x128xf32, #tpu.memory_space<vmem>>, vector<1x16xf32>,
      %swap3A_515 = vector.shape_cast %swap3A_514 : vector<1x16xf32> to vector<16xf32>
      %swap3A_516 = vector.shape_cast %mul3A_511 : vector<16xf32> to vector<1x16xf32>
      tpu.vector_store %arg9[%swap3A_512, %swap3A_513], %swap3A_516 {strides = array<i32>} : memref<128x128xf32, #tpu.memory_space<vmem>>, vector<1x16xf32>,
      %get3A_517 = arith.index_cast %scan3A_482 : i32 to index
      %get3A_518 = arith.constant 48 : index
      %get3A_519 = tpu.vector_load %arg6[%get3A_517, %get3A_518] {strides = array<i32>} : memref<128x128xf32, #tpu.memory_space<vmem>>, vector<1x16xf32>,
      %get3A_520 = vector.shape_cast %get3A_519 : vector<1x16xf32> to vector<16xf32>
      %mul3A_521 = arith.constant 11.3137083 : f32
      %mul3A_522 = vector.broadcast %mul3A_521 : f32 to vector<16xf32>
      %mul3A_523 = arith.mulf %get3A_520, %mul3A_522 : vector<16xf32>
      %swap3A_524 = arith.index_cast %scan3A_482 : i32 to index
      %swap3A_525 = arith.constant 48 : index
      %swap3A_526 = tpu.vector_load %arg9[%swap3A_524, %swap3A_525] {strides = array<i32>} : memref<128x128xf32, #tpu.memory_space<vmem>>, vector<1x16xf32>,
      %swap3A_527 = vector.shape_cast %swap3A_526 : vector<1x16xf32> to vector<16xf32>
      %swap3A_528 = vector.shape_cast %mul3A_523 : vector<16xf32> to vector<1x16xf32>
      tpu.vector_store %arg9[%swap3A_524, %swap3A_525], %swap3A_528 {strides = array<i32>} : memref<128x128xf32, #tpu.memory_space<vmem>>, vector<1x16xf32>,
      %get3A_529 = arith.index_cast %scan3A_482 : i32 to index
      %get3A_530 = arith.constant 64 : index
      %get3A_531 = tpu.vector_load %arg6[%get3A_529, %get3A_530] {strides = array<i32>} : memref<128x128xf32, #tpu.memory_space<vmem>>, vector<1x16xf32>,
      %get3A_532 = vector.shape_cast %get3A_531 : vector<1x16xf32> to vector<16xf32>
      %mul3A_533 = arith.constant 11.3137083 : f32
      %mul3A_534 = vector.broadcast %mul3A_533 : f32 to vector<16xf32>
      %mul3A_535 = arith.mulf %get3A_532, %mul3A_534 : vector<16xf32>
      %swap3A_536 = arith.index_cast %scan3A_482 : i32 to index
      %swap3A_537 = arith.constant 64 : index
      %swap3A_538 = tpu.vector_load %arg9[%swap3A_536, %swap3A_537] {strides = array<i32>} : memref<128x128xf32, #tpu.memory_space<vmem>>, vector<1x16xf32>,
      %swap3A_539 = vector.shape_cast %swap3A_538 : vector<1x16xf32> to vector<16xf32>
      %swap3A_540 = vector.shape_cast %mul3A_535 : vector<16xf32> to vector<1x16xf32>
      tpu.vector_store %arg9[%swap3A_536, %swap3A_537], %swap3A_540 {strides = array<i32>} : memref<128x128xf32, #tpu.memory_space<vmem>>, vector<1x16xf32>,
      %get3A_541 = arith.index_cast %scan3A_482 : i32 to index
      %get3A_542 = arith.constant 80 : index
      %get3A_543 = tpu.vector_load %arg6[%get3A_541, %get3A_542] {strides = array<i32>} : memref<128x128xf32, #tpu.memory_space<vmem>>, vector<1x16xf32>,
      %get3A_544 = vector.shape_cast %get3A_543 : vector<1x16xf32> to vector<16xf32>
      %mul3A_545 = arith.constant 11.3137083 : f32
      %mul3A_546 = vector.broadcast %mul3A_545 : f32 to vector<16xf32>
      %mul3A_547 = arith.mulf %get3A_544, %mul3A_546 : vector<16xf32>
      %swap3A_548 = arith.index_cast %scan3A_482 : i32 to index
      %swap3A_549 = arith.constant 80 : index
      %swap3A_550 = tpu.vector_load %arg9[%swap3A_548, %swap3A_549] {strides = array<i32>} : memref<128x128xf32, #tpu.memory_space<vmem>>, vector<1x16xf32>,
      %swap3A_551 = vector.shape_cast %swap3A_550 : vector<1x16xf32> to vector<16xf32>
      %swap3A_552 = vector.shape_cast %mul3A_547 : vector<16xf32> to vector<1x16xf32>
      tpu.vector_store %arg9[%swap3A_548, %swap3A_549], %swap3A_552 {strides = array<i32>} : memref<128x128xf32, #tpu.memory_space<vmem>>, vector<1x16xf32>,
      %get3A_553 = arith.index_cast %scan3A_482 : i32 to index
      %get3A_554 = arith.constant 96 : index
      %get3A_555 = tpu.vector_load %arg6[%get3A_553, %get3A_554] {strides = array<i32>} : memref<128x128xf32, #tpu.memory_space<vmem>>, vector<1x16xf32>,
      %get3A_556 = vector.shape_cast %get3A_555 : vector<1x16xf32> to vector<16xf32>
      %mul3A_557 = arith.constant 11.3137083 : f32
      %mul3A_558 = vector.broadcast %mul3A_557 : f32 to vector<16xf32>
      %mul3A_559 = arith.mulf %get3A_556, %mul3A_558 : vector<16xf32>
      %swap3A_560 = arith.index_cast %scan3A_482 : i32 to index
      %swap3A_561 = arith.constant 96 : index
      %swap3A_562 = tpu.vector_load %arg9[%swap3A_560, %swap3A_561] {strides = array<i32>} : memref<128x128xf32, #tpu.memory_space<vmem>>, vector<1x16xf32>,
      %swap3A_563 = vector.shape_cast %swap3A_562 : vector<1x16xf32> to vector<16xf32>
      %swap3A_564 = vector.shape_cast %mul3A_559 : vector<16xf32> to vector<1x16xf32>
      tpu.vector_store %arg9[%swap3A_560, %swap3A_561], %swap3A_564 {strides = array<i32>} : memref<128x128xf32, #tpu.memory_space<vmem>>, vector<1x16xf32>,
      %get3A_565 = arith.index_cast %scan3A_482 : i32 to index
      %get3A_566 = arith.constant 112 : index
      %get3A_567 = tpu.vector_load %arg6[%get3A_565, %get3A_566] {strides = array<i32>} : memref<128x128xf32, #tpu.memory_space<vmem>>, vector<1x16xf32>,
      %get3A_568 = vector.shape_cast %get3A_567 : vector<1x16xf32> to vector<16xf32>
      %mul3A_569 = arith.constant 11.3137083 : f32
      %mul3A_570 = vector.broadcast %mul3A_569 : f32 to vector<16xf32>
      %mul3A_571 = arith.mulf %get3A_568, %mul3A_570 : vector<16xf32>
      %swap3A_572 = arith.index_cast %scan3A_482 : i32 to index
      %swap3A_573 = arith.constant 112 : index
      %swap3A_574 = tpu.vector_load %arg9[%swap3A_572, %swap3A_573] {strides = array<i32>} : memref<128x128xf32, #tpu.memory_space<vmem>>, vector<1x16xf32>,
      %swap3A_575 = vector.shape_cast %swap3A_574 : vector<1x16xf32> to vector<16xf32>
      %swap3A_576 = vector.shape_cast %mul3A_571 : vector<16xf32> to vector<1x16xf32>
      tpu.vector_store %arg9[%swap3A_572, %swap3A_573], %swap3A_576 {strides = array<i32>} : memref<128x128xf32, #tpu.memory_space<vmem>>, vector<1x16xf32>,
    }
    %scan3A_433 = arith.constant 128 : i32
    %dma_start3A_434 = arith.constant 48 : i32
    %dma_start3A_435 = arith.constant 0 : i32
    %dma_start3A_436 = tpu.memref_slice %arg4[%dma_start3A_434, %mul3A_2, %dma_start3A_435] : memref<50x4096x128xf32, #tpu.memory_space<hbm>> -> memref<1x128x128xf32, #tpu.memory_space<hbm>>
    %dma_start3A_437 = tpu.memref_squeeze %dma_start3A_436 : memref<1x128x128xf32, #tpu.memory_space<hbm>> -> memref<128x128xf32, #tpu.memory_space<hbm>>
    %dma_start3A_438 = arith.constant 0 : i32
    %dma_start3A_439 = tpu.memref_slice %arg4[%dma_start3A_434, %mul3A_2, %dma_start3A_438] : memref<50x4096x128xf32, #tpu.memory_space<hbm>> -> memref<1x128x128xf32, #tpu.memory_space<hbm>>
    %dma_start3A_440 = tpu.memref_squeeze %dma_start3A_439 : memref<1x128x128xf32, #tpu.memory_space<hbm>> -> memref<128x128xf32, #tpu.memory_space<hbm>>
    tpu.enqueue_dma source(%arg9 : memref<128x128xf32, #tpu.memory_space<vmem>>) target(%dma_start3A_440 : memref<128x128xf32, #tpu.memory_space<hbm>>) target_semaphore(%arg16 : memref<!tpu.dma_semaphore, #tpu.memory_space<semaphore_mem>>)
    %dma_wait3A_441 = arith.constant 49 : i32
    %dma_wait3A_442 = arith.constant 0 : i32
    %dma_wait3A_443 = tpu.memref_slice %arg4[%dma_wait3A_441, %mul3A_2, %dma_wait3A_442] : memref<50x4096x128xf32, #tpu.memory_space<hbm>> -> memref<1x128x128xf32, #tpu.memory_space<hbm>>
    %dma_wait3A_444 = tpu.memref_squeeze %dma_wait3A_443 : memref<1x128x128xf32, #tpu.memory_space<hbm>> -> memref<128x128xf32, #tpu.memory_space<hbm>>
    %dma_wait3A_445 = arith.constant 0 : i32
    %dma_wait3A_446 = tpu.memref_slice %arg4[%dma_wait3A_441, %mul3A_2, %dma_wait3A_445] : memref<50x4096x128xf32, #tpu.memory_space<hbm>> -> memref<1x128x128xf32, #tpu.memory_space<hbm>>
    %dma_wait3A_447 = tpu.memref_squeeze %dma_wait3A_446 : memref<1x128x128xf32, #tpu.memory_space<hbm>> -> memref<128x128xf32, #tpu.memory_space<hbm>>
    tpu.wait_dma2 semaphore(%arg19 : memref<!tpu.dma_semaphore, #tpu.memory_space<semaphore_mem>>) src(%arg12 : memref<128x128xf32, #tpu.memory_space<vmem>>) dst(%dma_wait3A_447 : memref<128x128xf32, #tpu.memory_space<hbm>>)
    %dma_wait3A_448 = arith.constant 49 : i32
    %dma_wait3A_449 = arith.constant 0 : i32
    %dma_wait3A_450 = tpu.memref_slice %arg5[%dma_wait3A_448, %dma_wait3A_449] : memref<50x128xi32, #tpu.memory_space<vmem>> -> memref<1x128xi32, #tpu.memory_space<vmem>>
    %dma_wait3A_451 = tpu.memref_squeeze %dma_wait3A_450 : memref<1x128xi32, #tpu.memory_space<vmem>> -> memref<128xi32, #tpu.memory_space<vmem>>
    %dma_wait3A_452 = arith.constant 0 : i32
    %dma_wait3A_453 = arith.constant 0 : i32
    %dma_wait3A_454 = tpu.memref_slice %arg3[%dma_wait3A_452, %dma_wait3A_453] : memref<100000x128xf32, #tpu.memory_space<hbm>> -> memref<100000x128xf32, #tpu.memory_space<hbm>>
    tpu.wait_indirect_dma semaphore(%arg14 : memref<!tpu.dma_semaphore, #tpu.memory_space<semaphore_mem>>) src(%dma_wait3A_454 : memref<100000x128xf32, #tpu.memory_space<hbm>>) dst(%arg7 : memref<128x128xf32, #tpu.memory_space<vmem>>)
    %scan3A_455 = arith.constant 0 : i32
    %scan3A_456 = arith.constant 0 : i32
    %scan3A_457 = arith.constant 128 : i32
    %scan3A_458 = arith.addi %scan3A_456, %scan3A_457 : i32
    %scan3A_459 = arith.constant 1 : i32
    scf.for %scan3A_482 = %scan3A_456 to %scan3A_458 step %scan3A_459  : i32 {
      %get3A = arith.index_cast %scan3A_482 : i32 to index
      %get3A_483 = arith.constant 0 : index
      %get3A_484 = tpu.vector_load %arg7[%get3A, %get3A_483] {strides = array<i32>} : memref<128x128xf32, #tpu.memory_space<vmem>>, vector<1x16xf32>,
      %get3A_485 = vector.shape_cast %get3A_484 : vector<1x16xf32> to vector<16xf32>
      %mul3A_486 = arith.constant 11.3137083 : f32
      %mul3A_487 = vector.broadcast %mul3A_486 : f32 to vector<16xf32>
      %mul3A_488 = arith.mulf %get3A_485, %mul3A_487 : vector<16xf32>
      %swap3A = arith.index_cast %scan3A_482 : i32 to index
      %swap3A_489 = arith.constant 0 : index
      %swap3A_490 = tpu.vector_load %arg10[%swap3A, %swap3A_489] {strides = array<i32>} : memref<128x128xf32, #tpu.memory_space<vmem>>, vector<1x16xf32>,
      %swap3A_491 = vector.shape_cast %swap3A_490 : vector<1x16xf32> to vector<16xf32>
      %swap3A_492 = vector.shape_cast %mul3A_488 : vector<16xf32> to vector<1x16xf32>
      tpu.vector_store %arg10[%swap3A, %swap3A_489], %swap3A_492 {strides = array<i32>} : memref<128x128xf32, #tpu.memory_space<vmem>>, vector<1x16xf32>,
      %get3A_493 = arith.index_cast %scan3A_482 : i32 to index
      %get3A_494 = arith.constant 16 : index
      %get3A_495 = tpu.vector_load %arg7[%get3A_493, %get3A_494] {strides = array<i32>} : memref<128x128xf32, #tpu.memory_space<vmem>>, vector<1x16xf32>,
      %get3A_496 = vector.shape_cast %get3A_495 : vector<1x16xf32> to vector<16xf32>
      %mul3A_497 = arith.constant 11.3137083 : f32
      %mul3A_498 = vector.broadcast %mul3A_497 : f32 to vector<16xf32>
      %mul3A_499 = arith.mulf %get3A_496, %mul3A_498 : vector<16xf32>
      %swap3A_500 = arith.index_cast %scan3A_482 : i32 to index
      %swap3A_501 = arith.constant 16 : index
      %swap3A_502 = tpu.vector_load %arg10[%swap3A_500, %swap3A_501] {strides = array<i32>} : memref<128x128xf32, #tpu.memory_space<vmem>>, vector<1x16xf32>,
      %swap3A_503 = vector.shape_cast %swap3A_502 : vector<1x16xf32> to vector<16xf32>
      %swap3A_504 = vector.shape_cast %mul3A_499 : vector<16xf32> to vector<1x16xf32>
      tpu.vector_store %arg10[%swap3A_500, %swap3A_501], %swap3A_504 {strides = array<i32>} : memref<128x128xf32, #tpu.memory_space<vmem>>, vector<1x16xf32>,
      %get3A_505 = arith.index_cast %scan3A_482 : i32 to index
      %get3A_506 = arith.constant 32 : index
      %get3A_507 = tpu.vector_load %arg7[%get3A_505, %get3A_506] {strides = array<i32>} : memref<128x128xf32, #tpu.memory_space<vmem>>, vector<1x16xf32>,
      %get3A_508 = vector.shape_cast %get3A_507 : vector<1x16xf32> to vector<16xf32>
      %mul3A_509 = arith.constant 11.3137083 : f32
      %mul3A_510 = vector.broadcast %mul3A_509 : f32 to vector<16xf32>
      %mul3A_511 = arith.mulf %get3A_508, %mul3A_510 : vector<16xf32>
      %swap3A_512 = arith.index_cast %scan3A_482 : i32 to index
      %swap3A_513 = arith.constant 32 : index
      %swap3A_514 = tpu.vector_load %arg10[%swap3A_512, %swap3A_513] {strides = array<i32>} : memref<128x128xf32, #tpu.memory_space<vmem>>, vector<1x16xf32>,
      %swap3A_515 = vector.shape_cast %swap3A_514 : vector<1x16xf32> to vector<16xf32>
      %swap3A_516 = vector.shape_cast %mul3A_511 : vector<16xf32> to vector<1x16xf32>
      tpu.vector_store %arg10[%swap3A_512, %swap3A_513], %swap3A_516 {strides = array<i32>} : memref<128x128xf32, #tpu.memory_space<vmem>>, vector<1x16xf32>,
      %get3A_517 = arith.index_cast %scan3A_482 : i32 to index
      %get3A_518 = arith.constant 48 : index
      %get3A_519 = tpu.vector_load %arg7[%get3A_517, %get3A_518] {strides = array<i32>} : memref<128x128xf32, #tpu.memory_space<vmem>>, vector<1x16xf32>,
      %get3A_520 = vector.shape_cast %get3A_519 : vector<1x16xf32> to vector<16xf32>
      %mul3A_521 = arith.constant 11.3137083 : f32
      %mul3A_522 = vector.broadcast %mul3A_521 : f32 to vector<16xf32>
      %mul3A_523 = arith.mulf %get3A_520, %mul3A_522 : vector<16xf32>
      %swap3A_524 = arith.index_cast %scan3A_482 : i32 to index
      %swap3A_525 = arith.constant 48 : index
      %swap3A_526 = tpu.vector_load %arg10[%swap3A_524, %swap3A_525] {strides = array<i32>} : memref<128x128xf32, #tpu.memory_space<vmem>>, vector<1x16xf32>,
      %swap3A_527 = vector.shape_cast %swap3A_526 : vector<1x16xf32> to vector<16xf32>
      %swap3A_528 = vector.shape_cast %mul3A_523 : vector<16xf32> to vector<1x16xf32>
      tpu.vector_store %arg10[%swap3A_524, %swap3A_525], %swap3A_528 {strides = array<i32>} : memref<128x128xf32, #tpu.memory_space<vmem>>, vector<1x16xf32>,
      %get3A_529 = arith.index_cast %scan3A_482 : i32 to index
      %get3A_530 = arith.constant 64 : index
      %get3A_531 = tpu.vector_load %arg7[%get3A_529, %get3A_530] {strides = array<i32>} : memref<128x128xf32, #tpu.memory_space<vmem>>, vector<1x16xf32>,
      %get3A_532 = vector.shape_cast %get3A_531 : vector<1x16xf32> to vector<16xf32>
      %mul3A_533 = arith.constant 11.3137083 : f32
      %mul3A_534 = vector.broadcast %mul3A_533 : f32 to vector<16xf32>
      %mul3A_535 = arith.mulf %get3A_532, %mul3A_534 : vector<16xf32>
      %swap3A_536 = arith.index_cast %scan3A_482 : i32 to index
      %swap3A_537 = arith.constant 64 : index
      %swap3A_538 = tpu.vector_load %arg10[%swap3A_536, %swap3A_537] {strides = array<i32>} : memref<128x128xf32, #tpu.memory_space<vmem>>, vector<1x16xf32>,
      %swap3A_539 = vector.shape_cast %swap3A_538 : vector<1x16xf32> to vector<16xf32>
      %swap3A_540 = vector.shape_cast %mul3A_535 : vector<16xf32> to vector<1x16xf32>
      tpu.vector_store %arg10[%swap3A_536, %swap3A_537], %swap3A_540 {strides = array<i32>} : memref<128x128xf32, #tpu.memory_space<vmem>>, vector<1x16xf32>,
      %get3A_541 = arith.index_cast %scan3A_482 : i32 to index
      %get3A_542 = arith.constant 80 : index
      %get3A_543 = tpu.vector_load %arg7[%get3A_541, %get3A_542] {strides = array<i32>} : memref<128x128xf32, #tpu.memory_space<vmem>>, vector<1x16xf32>,
      %get3A_544 = vector.shape_cast %get3A_543 : vector<1x16xf32> to vector<16xf32>
      %mul3A_545 = arith.constant 11.3137083 : f32
      %mul3A_546 = vector.broadcast %mul3A_545 : f32 to vector<16xf32>
      %mul3A_547 = arith.mulf %get3A_544, %mul3A_546 : vector<16xf32>
      %swap3A_548 = arith.index_cast %scan3A_482 : i32 to index
      %swap3A_549 = arith.constant 80 : index
      %swap3A_550 = tpu.vector_load %arg10[%swap3A_548, %swap3A_549] {strides = array<i32>} : memref<128x128xf32, #tpu.memory_space<vmem>>, vector<1x16xf32>,
      %swap3A_551 = vector.shape_cast %swap3A_550 : vector<1x16xf32> to vector<16xf32>
      %swap3A_552 = vector.shape_cast %mul3A_547 : vector<16xf32> to vector<1x16xf32>
      tpu.vector_store %arg10[%swap3A_548, %swap3A_549], %swap3A_552 {strides = array<i32>} : memref<128x128xf32, #tpu.memory_space<vmem>>, vector<1x16xf32>,
      %get3A_553 = arith.index_cast %scan3A_482 : i32 to index
      %get3A_554 = arith.constant 96 : index
      %get3A_555 = tpu.vector_load %arg7[%get3A_553, %get3A_554] {strides = array<i32>} : memref<128x128xf32, #tpu.memory_space<vmem>>, vector<1x16xf32>,
      %get3A_556 = vector.shape_cast %get3A_555 : vector<1x16xf32> to vector<16xf32>
      %mul3A_557 = arith.constant 11.3137083 : f32
      %mul3A_558 = vector.broadcast %mul3A_557 : f32 to vector<16xf32>
      %mul3A_559 = arith.mulf %get3A_556, %mul3A_558 : vector<16xf32>
      %swap3A_560 = arith.index_cast %scan3A_482 : i32 to index
      %swap3A_561 = arith.constant 96 : index
      %swap3A_562 = tpu.vector_load %arg10[%swap3A_560, %swap3A_561] {strides = array<i32>} : memref<128x128xf32, #tpu.memory_space<vmem>>, vector<1x16xf32>,
      %swap3A_563 = vector.shape_cast %swap3A_562 : vector<1x16xf32> to vector<16xf32>
      %swap3A_564 = vector.shape_cast %mul3A_559 : vector<16xf32> to vector<1x16xf32>
      tpu.vector_store %arg10[%swap3A_560, %swap3A_561], %swap3A_564 {strides = array<i32>} : memref<128x128xf32, #tpu.memory_space<vmem>>, vector<1x16xf32>,
      %get3A_565 = arith.index_cast %scan3A_482 : i32 to index
      %get3A_566 = arith.constant 112 : index
      %get3A_567 = tpu.vector_load %arg7[%get3A_565, %get3A_566] {strides = array<i32>} : memref<128x128xf32, #tpu.memory_space<vmem>>, vector<1x16xf32>,
      %get3A_568 = vector.shape_cast %get3A_567 : vector<1x16xf32> to vector<16xf32>
      %mul3A_569 = arith.constant 11.3137083 : f32
      %mul3A_570 = vector.broadcast %mul3A_569 : f32 to vector<16xf32>
      %mul3A_571 = arith.mulf %get3A_568, %mul3A_570 : vector<16xf32>
      %swap3A_572 = arith.index_cast %scan3A_482 : i32 to index
      %swap3A_573 = arith.constant 112 : index
      %swap3A_574 = tpu.vector_load %arg10[%swap3A_572, %swap3A_573] {strides = array<i32>} : memref<128x128xf32, #tpu.memory_space<vmem>>, vector<1x16xf32>,
      %swap3A_575 = vector.shape_cast %swap3A_574 : vector<1x16xf32> to vector<16xf32>
      %swap3A_576 = vector.shape_cast %mul3A_571 : vector<16xf32> to vector<1x16xf32>
      tpu.vector_store %arg10[%swap3A_572, %swap3A_573], %swap3A_576 {strides = array<i32>} : memref<128x128xf32, #tpu.memory_space<vmem>>, vector<1x16xf32>,
    }
    %scan3A_460 = arith.constant 128 : i32
    %dma_start3A_461 = arith.constant 49 : i32
    %dma_start3A_462 = arith.constant 0 : i32
    %dma_start3A_463 = tpu.memref_slice %arg4[%dma_start3A_461, %mul3A_2, %dma_start3A_462] : memref<50x4096x128xf32, #tpu.memory_space<hbm>> -> memref<1x128x128xf32, #tpu.memory_space<hbm>>
    %dma_start3A_464 = tpu.memref_squeeze %dma_start3A_463 : memref<1x128x128xf32, #tpu.memory_space<hbm>> -> memref<128x128xf32, #tpu.memory_space<hbm>>
    %dma_start3A_465 = arith.constant 0 : i32
    %dma_start3A_466 = tpu.memref_slice %arg4[%dma_start3A_461, %mul3A_2, %dma_start3A_465] : memref<50x4096x128xf32, #tpu.memory_space<hbm>> -> memref<1x128x128xf32, #tpu.memory_space<hbm>>
    %dma_start3A_467 = tpu.memref_squeeze %dma_start3A_466 : memref<1x128x128xf32, #tpu.memory_space<hbm>> -> memref<128x128xf32, #tpu.memory_space<hbm>>
    tpu.enqueue_dma source(%arg10 : memref<128x128xf32, #tpu.memory_space<vmem>>) target(%dma_start3A_467 : memref<128x128xf32, #tpu.memory_space<hbm>>) target_semaphore(%arg17 : memref<!tpu.dma_semaphore, #tpu.memory_space<semaphore_mem>>)
    %dma_wait3A_468 = arith.constant 48 : i32
    %dma_wait3A_469 = arith.constant 0 : i32
    %dma_wait3A_470 = tpu.memref_slice %arg4[%dma_wait3A_468, %mul3A_2, %dma_wait3A_469] : memref<50x4096x128xf32, #tpu.memory_space<hbm>> -> memref<1x128x128xf32, #tpu.memory_space<hbm>>
    %dma_wait3A_471 = tpu.memref_squeeze %dma_wait3A_470 : memref<1x128x128xf32, #tpu.memory_space<hbm>> -> memref<128x128xf32, #tpu.memory_space<hbm>>
    %dma_wait3A_472 = arith.constant 0 : i32
    %dma_wait3A_473 = tpu.memref_slice %arg4[%dma_wait3A_468, %mul3A_2, %dma_wait3A_472] : memref<50x4096x128xf32, #tpu.memory_space<hbm>> -> memref<1x128x128xf32, #tpu.memory_space<hbm>>
    %dma_wait3A_474 = tpu.memref_squeeze %dma_wait3A_473 : memref<1x128x128xf32, #tpu.memory_space<hbm>> -> memref<128x128xf32, #tpu.memory_space<hbm>>
    tpu.wait_dma2 semaphore(%arg16 : memref<!tpu.dma_semaphore, #tpu.memory_space<semaphore_mem>>) src(%arg9 : memref<128x128xf32, #tpu.memory_space<vmem>>) dst(%dma_wait3A_474 : memref<128x128xf32, #tpu.memory_space<hbm>>)
    %dma_wait3A_475 = arith.constant 49 : i32
    %dma_wait3A_476 = arith.constant 0 : i32
    %dma_wait3A_477 = tpu.memref_slice %arg4[%dma_wait3A_475, %mul3A_2, %dma_wait3A_476] : memref<50x4096x128xf32, #tpu.memory_space<hbm>> -> memref<1x128x128xf32, #tpu.memory_space<hbm>>
    %dma_wait3A_478 = tpu.memref_squeeze %dma_wait3A_477 : memref<1x128x128xf32, #tpu.memory_space<hbm>> -> memref<128x128xf32, #tpu.memory_space<hbm>>
    %dma_wait3A_479 = arith.constant 0 : i32
    %dma_wait3A_480 = tpu.memref_slice %arg4[%dma_wait3A_475, %mul3A_2, %dma_wait3A_479] : memref<50x4096x128xf32, #tpu.memory_space<hbm>> -> memref<1x128x128xf32, #tpu.memory_space<hbm>>
    %dma_wait3A_481 = tpu.memref_squeeze %dma_wait3A_480 : memref<1x128x128xf32, #tpu.memory_space<hbm>> -> memref<128x128xf32, #tpu.memory_space<hbm>>
    tpu.wait_dma2 semaphore(%arg17 : memref<!tpu.dma_semaphore, #tpu.memory_space<semaphore_mem>>) src(%arg10 : memref<128x128xf32, #tpu.memory_space<vmem>>) dst(%dma_wait3A_481 : memref<128x128xf32, #tpu.memory_space<hbm>>)
    return
  }
}

</mosaic_0001>

<sc_bundles>
// kernel: kernel.3.cloned.1.call-start
scs
__scs_entry_jumppad:
0x0: {  	(pc) =	sbr.rel $0x88, $3  }
0x1: {  	(tag) =	ssettag $0x0;
	lr =	simm.s32 $0x1  }
0x2: {  	[smem:$0x3F9F] =	sst lr;
	_ =	strace $0xD0000000  }
0x3: {  	_ = 	snop  }
0x4: {  	_ = 	snop  }
0x5: {  	_ = 	snop  }
0x6: {  	_ = 	snop  }
0x7: {  	_ = 	snop  }
__scs_overlays_trampoline_lowered:
0x8: {  	[smem:$0x3FAE] =	sst s0  }
0x9: {  	[smem:$0x3FAF] =	sst s1  }
0xa: {  	[smem:$0x3FB0] =	sst s2  }
0xb: {  	[smem:$0x3FB1] =	sst s3  }
0xc: {  	[smem:$0x3FB2] =	sst s4  }
0xd: {  	[smem:$0x3FB3] =	sst s5  }
0xe: {  	[smem:$0x3FB4] =	sst s6  }
0xf: {  	[smem:$0x3FB5] =	sst s7  }
0x10: {  	[smem:$0x3FB6] =	sst s8  }
0x11: {  	[smem:$0x3FB7] =	sst s9;
	s0 =	simm.s32 @!p0 $0x0  }
0x12: {  	s1 =	sld [smem:$0x3F9D];
	s0 =	simm.s32 @p0 $0x1  }
0x13: {  	[smem:$0x3FB8] =	sst s0;
	s0 =	simm.s32 @!p1 $0x0  }
0x14: {  	s2 =	sld [smem:$0x3F9C];
	s0 =	simm.s32 @p1 $0x1  }
0x15: {  	[smem:$0x3FB9] =	sst s0;
	s0 =	simm.s32 @!p2 $0x0  }
0x16: {  	s3 =	sld [smem:$0x3FDB];
	s0 =	simm.s32 @p2 $0x1  }
0x17: {  	s4 =	simm.s32 $0x1BF5;
	[smem:$0x3FBB] =	sst s0  }
0x18: {  	s0 =	sld [smem:$0x3F9E];
	_ =	swait.ge [sflag:s4], $0x0  }
0x19: {  	s7 =	sld [smem:$0x3F9F]  }
0x1a: {  	s8 =	sadd.s32 $0xFFFFE003, lr  }
0x1b: {  	s9 =	sadd.s32 $0xFFFFFEF7, lr;
	s5 =	simm.s32 $0xFFFFFFFF;
	p2 =	slt.u32 s8, $0xFFFFF086  }
0x1c: {  	p1 =	slt.u32 s9, $0xF7A;
	s5 =	simm.s32 @!p2 $0x0  }
0x1d: {  	s5 =	simm.s32 @p1 $0x1;
	p0 =	seq.s32 s7, s2  }
0x1e: {  	s7 =	smul.u32 @!p0 $0xF7A, s2;
	p2 =	seq.s32 @!p0 s5, $0x0  }
0x1f: {  	s9 =	smul.u32 $0xF7A, s1;
	s8 =	simm.s32 @!p0 $0x1BF5;
	p2 =	por !p2, p0  }
0x20: {  	[sflag:s8] =	ssyncset.s32 @!p0 $0xFFFFF086;
	s6 =	sadd.s32 @!p0 s3, s7;
	s7 =	simm.s32 @!p0 $0x108  }
0x21: {  	s3 =	sadd.s32 s3, s9;
	s6 =	sadd.s32 @!p0 $0x88, s6;
	s7 =	simm.s32 @p2 $0x1082  }
0x22: {  	[simem:s7], [sflag:s8] =	dma.local @!p0 [hbm:s6], $0xF7A  }
0x23: {  	s9 =	sor.u32 $0xD0000000, s2;
	s6 =	simm.s32 $0x108;
	_ =	swait.ge @!p0 [sflag:s8], $0x0  }
0x24: {  	s3 =	sadd.s32 $0x88, s3;
	s6 =	simm.s32 @!p1 $0x1082;
	[sflag:s4] =	ssyncset.s32 $0xFFFFF086  }
0x25: {  	[simem:s6], [sflag:s4] =	dma.local [hbm:s3], $0xF7A  }
0x26: {  	[smem:$0x3F9F] =	sst s1;
	(tag) =	ssettag s2;
	_ =	strace s9  }
0x27: {  	s1 =	sld [smem:$0x3FAF]  }
0x28: {  	s2 =	sld [smem:$0x3FB0]  }
0x29: {  	s4 =	sld [smem:$0x3FB2]  }
0x2a: {  	p0 =	seq.s32 s5, $0x0;
	s5 =	sld [smem:$0x3FB3]  }
0x2b: {  	s6 =	sld [smem:$0x3FB4]  }
0x2c: {  	s7 =	sld [smem:$0x3FB5]  }
0x2d: {  	s3 =	simm.s32 $0x108;
	s8 =	sld [smem:$0x3FB6]  }
0x2e: {  	s3 =	simm.s32 @!p0 $0x1082;
	s9 =	sld [smem:$0x3FB7]  }
0x2f: {  	lr =	sadd.s32 s0, s3;
	s0 =	sld [smem:$0x3FAE]  }
0x30: {  	s3 =	sld [smem:$0x3FB1]  }
0x31: {  	[smem:$0x3FBA] =	sst s10  }
0x32: {  	s10 =	sld [smem:$0x3FB8];
	_ =	sdelay $0x3  }
0x33: {  	p0 =	seq.s32 s10, $0x1;
	s10 =	sld [smem:$0x3FBA];
	_ =	sdelay $0x3  }
0x34: {  	[smem:$0x3FBA] =	sst s10  }
0x35: {  	s10 =	sld [smem:$0x3FB9];
	_ =	sdelay $0x3  }
0x36: {  	p1 =	seq.s32 s10, $0x1;
	s10 =	sld [smem:$0x3FBA];
	_ =	sdelay $0x3  }
0x37: {  	[smem:$0x3FBA] =	sst s10  }
0x38: {  	s10 =	sld [smem:$0x3FBB]  }
0x39: {  	_ = 	snop;
	(pc) =	sbr.ind lr, $3  }
0x3a: {  	_ = 	snop  }
0x3b: {  	_ = 	snop  }
0x3c: {  	p2 =	seq.s32 s10, $0x1;
	s10 =	sld [smem:$0x3FBA]  }
0x3d: {  	_ =	shalt  }
0x3e: {  	_ =	shalt  }
0x3f: {  	_ =	shalt  }
0x40: {  	_ =	shalt  }
0x41: {  	_ =	shalt  }
0x42: {  	_ =	shalt  }
0x43: {  	_ =	shalt  }
0x44: {  	_ =	shalt  }
0x45: {  	_ =	shalt  }
0x46: {  	_ =	shalt  }
0x47: {  	_ =	shalt  }
0x48: {  	_ =	shalt  }
0x49: {  	_ =	shalt  }
0x4a: {  	_ =	shalt  }
0x4b: {  	_ =	shalt  }
0x4c: {  	_ =	shalt  }
0x4d: {  	_ =	shalt  }
0x4e: {  	_ =	shalt  }
0x4f: {  	_ =	shalt  }
0x50: {  	_ =	shalt  }
0x51: {  	_ =	shalt  }
0x52: {  	_ =	shalt  }
0x53: {  	_ =	shalt  }
0x54: {  	_ =	shalt  }
0x55: {  	_ =	shalt  }
0x56: {  	_ =	shalt  }
0x57: {  	_ =	shalt  }
0x58: {  	_ =	shalt  }
0x59: {  	_ =	shalt  }
0x5a: {  	_ =	shalt  }
0x5b: {  	_ =	shalt  }
0x5c: {  	_ =	shalt  }
0x5d: {  	_ =	shalt  }
0x5e: {  	_ =	shalt  }
0x5f: {  	_ =	shalt  }
0x60: {  	_ =	shalt  }
0x61: {  	_ =	shalt  }
0x62: {  	_ =	shalt  }
0x63: {  	_ =	shalt  }
0x64: {  	_ =	shalt  }
0x65: {  	_ =	shalt  }
0x66: {  	_ =	shalt  }
0x67: {  	_ =	shalt  }
0x68: {  	_ =	shalt  }
0x69: {  	_ =	shalt  }
0x6a: {  	_ =	shalt  }
0x6b: {  	_ =	shalt  }
0x6c: {  	_ =	shalt  }
0x6d: {  	_ =	shalt  }
0x6e: {  	_ =	shalt  }
0x6f: {  	_ =	shalt  }
0x70: {  	_ =	shalt  }
0x71: {  	_ =	shalt  }
0x72: {  	_ =	shalt  }
0x73: {  	_ =	shalt  }
0x74: {  	_ =	shalt  }
0x75: {  	_ =	shalt  }
0x76: {  	_ =	shalt  }
0x77: {  	_ =	shalt  }
0x78: {  	_ =	shalt  }
0x79: {  	_ =	shalt  }
0x7a: {  	_ =	shalt  }
0x7b: {  	_ =	shalt  }
0x7c: {  	_ =	shalt  }
0x7d: {  	_ =	shalt  }
0x7e: {  	_ =	shalt  }
0x7f: {  	_ =	shalt  }
0x80: {  	_ =	shalt  }
0x81: {  	_ =	shalt  }
0x82: {  	_ =	shalt  }
0x83: {  	_ =	shalt  }
0x84: {  	_ =	shalt  }
0x85: {  	_ =	shalt  }
0x86: {  	_ =	shalt  }
0x87: {  	_ =	shalt  }
.Lfunc_end0:
.L_simem_size_0:
called_computation_lowered:
.L_overlay_start_0:
0x88: {  	s2 =	sld [smem:$0x3FD9]  }
0x89: {  	s3 =	sld [smem:$0x3FFE];
	_ =	sdelay $0x1  }
0x8a: {  	s1 =	srdreg.scid  }
0x8b: {  	s0 =	sand.u32 $0x1, s1  }
0x8c: {  	s18 =	sshll.u32 s0, $0xA;
	s2 =	sadd.s32 s3, s2  }
0x8d: {  	s2 =	sadd.s32 s2, s18  }
0x8e: {  	[smem:$0x3FC6] =	sst s2  }
0x8f: {  	_ = 	snop  }
0x90: {  	s2 =	sld [smem:$0x3FC9]  }
0x91: {  	s19 =	sld [smem:$0x3FC8]  }
0x92: {  	s4 =	sld [smem:$0x3FD0];
	(tm) =	ssettm $0x1  }
0x93: {  	s5 =	sld [smem:$0x3FFB];
	_ =	sdelay $0x3  }
0x94: {  	_ =	strace s5  }
0x95: {  	s5 =	sld [smem:$0x3FFC];
	_ =	sdelay $0x3  }
0x96: {  	_ =	strace s5  }
0x97: {  	s5 =	sld [smem:$0x3FFD];
	_ =	sdelay $0x3  }
0x98: {  	_ =	strace s5  }
0x99: {  	_ =	strace $0x8FFFFFFF  }
0x9a: {  	s20 =	sld [smem:$0x3FDB];
	_ =	sdelay $0x1  }
0x9b: {  	s6 =	simm.s32 $_scs_section_size  }
0x9c: {  	s7 =	simm.s32 $_size__tile_overlayer_lowered;
	s8 =	simm.s32 $_tile_overlayer_lowered  }
0x9d: {  	s23 =	simm.s32 $0x1BFF;
	s22 =	sshll.u32 s8, $0x1;
	s5 =	sadd.s32 s6, s20  }
0x9e: {  	s9 =	simm.s32 $0x0;
	s21 =	sshll.u32 s7, $0x1;
	s7 =	sadd.s32 s22, s5  }
0x9f: {  	[timem:s9], [sflag:s23] =	dma.local [hbm:s7], s21  }
0xa0: {  	_ =	swait.ge [sflag:s23], s21  }
0xa1: {  	s6 =	ssub.s32 $0x0, s21;
	[sflag:s23] =	ssyncset.done $0x0  }
0xa2: {  	[sflag:s23] =	ssyncadd.s32 s6;
	_ =	sdelay $0x1  }
0xa3: {  	s24 =	simm.s32 $0x1B8B  }
0xa4: {  	_ =	swait.ge [sflag:s24], $0x1  }
0xa5: {  	[sflag:s24] =	ssyncset.done $0x0  }
0xa6: {  	s25 =	simm.s32 $0x1B8E;
	[sflag:s24] =	ssyncadd.s32 $0xFFFFFFFF  }
0xa7: {  	s26 =	simm.s32 $execute0_lowered;
	[smem:$0x3FD2] =	sst s25  }
0xa8: {  	s6 =	sshll.u32 s26, $0x1;
	_ =	strace $0x80000046;
	[dreg:$0x1] =	wrdreg $0xFFFFFFFF  }
0xa9: {  	s28 =	simm.s32 $_size_execute0_lowered;
	s5 =	sadd.s32 s5, s6;
	[dreg:$0x0] =	wrdreg $0x0  }
0xaa: {  	s6 =	sshll.u32 s28, $0x1;
	[dreg:$0x2] =	wrdreg s5  }
0xab: {  	[dreg:$0x3] =	wrdreg s6  }
0xac: {  	[dreg:$0x4] =	wrdreg $0xC0  }
0xad: {  	_ =	task [dreg:s9], $0x5FFFF  }
0xae: {  	[dreg:$0x1] =	wrdreg $0xFFFFFFFF  }
0xaf: {  	[dreg:$0x0] =	wrdreg $0x60  }
0xb0: {  	[dreg:$0x2] =	wrdreg s2  }
0xb1: {  	[dreg:$0x3] =	wrdreg s19  }
0xb2: {  	[dreg:$0x4] =	wrdreg s4  }
0xb3: {  	[dreg:$0x5] =	wrdreg $0x9  }
0xb4: {  	_ =	task.clear_ibuf [dreg:s9], $0x6FFFF;
	_ =	strace $0x90000046  }
0xb5: {  	s29 =	simm.s32 $0x9;
	_ =	strace $0x80000048  }
0xb6: {  	_ =	swait.ge [sflag:s29], $0x1  }
0xb7: {  	[sflag:s29] =	ssyncadd.s32 $0xFFFFFFFF  }
0xb8: {  	_ =	strace $0x90000048  }
0xb9: {  	_ =	sfence  }
0xba: {  	s30 =	sld [smem:$0x0];
	_ =	sdelay $0x2  }
0xbb: {  	s31 =	sshll.u32 s1, $0xD;
	s1 =	sshrl.u32 s1, $0x2  }
0xbc: {  	s3 =	sand.u32 $0x4000, s31;
	s1 =	sadd.s32 s1, s30  }
0xbd: {  	s0 =	sor.u32 s3, s0;
	s1 =	sshll.u32 s1, $0x11  }
0xbe: {  	s0 =	sor.u32 s1, s0  }
0xbf: {  	s0 =	sadd.s32 $0x8F2B, s0  }
0xc0: {  	[sflag:s0] =	ssyncadd.remote.s32 $0x1  }
0xc1: {  	_ =	sfence.sel $0xFFFF  }
0xc2: {  	[dreg:$0x0] =	wrdreg $0xFFFFFFFF;
	(pc) =	sbr.abs _section_cstart, $3  }
0xc3: {  	[dreg:$0x1] =	wrdreg $0xFFFFFFFF  }
0xc4: {  	_ =	task.clear_ibuf [dreg:s9], $0x2FFFF;
	_ =	strace $0x9FFFFFFF  }
0xc5: {  	(tm) =	ssettm $0x7FFFFFFF  }
tec
execute0_lowered:
.L_overlay_start_1:
0x0: {  	(tag) =	ssettag $0x1  }
0x1: {  	s0 =	rddreg [dreg:$0x0]  }
0x2: {  	s1 =	rddreg [dreg:$0x1];
	s2 =	srdreg.scid  }
0x3: {  	s3 =	rddreg [dreg:$0x2];
	s5 =	stileid.u32;
	s2 =	sand.u32 $0x1, s2  }
0x4: {  	s4 =	simm.s32 $0x0;
	s5 =	sshll.u32 s5, $0x8;
	s6 =	sshll.u32 s2, $0x7  }
0x5: {  	[smem:$0x7FF] =	sst s4;
	s2 =	ssub.s32 $0x2, s2;
	s5 =	sor.u32 s6, s5  }
0x6: {  	_ =	strace $0x80000047;
	s11 =	sshrl.u32 s2, $0x1;
	s7 =	sadd.s32 s0, s5  }
0x7: {  	s12 =	sshll.u32 s5, $0x4;
	[dreg:$0x4] =	wrdreg s7;
	s13 =	sadd.s32 $0x6000, s7  }
0x8: {  	s2 =	ssub.s32 s2, s11;
	s0 =	sadd.s32 s3, s12;
	[dreg:$0x5] =	wrdreg s13  }
0x9: {  	s26 =	smax.u32 s2, $0x1;
	[dreg:$0x6] =	wrdreg s0  }
0xa: {  	s29 =	simm.s32 $0x8;
	s14 =	sadd.s32 $0x10000, s0;
	[dreg:$0x14] =	wrdreg s26  }
0xb: {  	s30 =	simm.s32 $0x80;
	s15 =	sadd.s32 $0x260000, s0;
	[dreg:$0x7] =	wrdreg s14  }
0xc: {  	s31 =	simm.s32 $0x1C00;
	s16 =	sadd.s32 $0x270000, s0;
	[dreg:$0x8] =	wrdreg s15  }
0xd: {  	s28 =	simm.s32 $0x2;
	s17 =	sadd.s32 $0x280000, s0;
	[dreg:$0x9] =	wrdreg s16  }
0xe: {  	s9 =	simm.s32 $0x4;
	s18 =	sadd.s32 $0x290000, s0;
	[dreg:$0xa] =	wrdreg s17  }
0xf: {  	s10 =	sadd.s32 $0x20000, s3;
	s19 =	sadd.s32 $0x2A0000, s0;
	[dreg:$0xb] =	wrdreg s18  }
0x10: {  	s6 =	simm.s32 $0x11C00;
	s20 =	sadd.s32 $0x2B0000, s0;
	[dreg:$0xc] =	wrdreg s19  }
0x11: {  	s8 =	sshll.u32 s5, $0x7;
	s21 =	sadd.s32 $0x2C0000, s0;
	[dreg:$0xd] =	wrdreg s20  }
0x12: {  	s11 =	sadd.s32 $0x30000, s3;
	s22 =	sadd.s32 $0x2D0000, s0;
	[dreg:$0xe] =	wrdreg s21  }
0x13: {  	s2 =	simm.s32 $0xDC00;
	s23 =	sadd.s32 $0x2E0000, s0;
	[dreg:$0xf] =	wrdreg s22  }
0x14: {  	s12 =	simm.s32 $0x3;
	s24 =	sadd.s32 $0x2F0000, s0;
	[dreg:$0x10] =	wrdreg s23  }
0x15: {  	s25 =	sadd.s32 $0x300000, s0;
	s0 =	sadd.s32 $0x310000, s0;
	[dreg:$0x11] =	wrdreg s24  }
0x16: {  	s26 =	simm.s32 $0x1;
	s13 =	simm.s32 $0x15C00;
	[dreg:$0x12] =	wrdreg s25  }
0x17: {  	[dreg:$0x13] =	wrdreg s0;
	s20 =	simm.s32 $0x1800;
	s0 =	simm.s32 $0x5C00  }
0x18: {  	s25 =	simm.s32 $0x9C00;
	s14 =	simm.s32 $0x5;
	s15 =	simm.s32 $0x19C00  }
0x19: {  	s16 =	simm.s32 $0x6;
	s17 =	simm.s32 $0x7;
	s18 =	simm.s32 $0x0  }
.LBB2_1:
0x1a: {  	s5 =	rddreg [dreg:$0x4];
	s7 =	simm.s32 $0x400;
	s19 =	simm.s32 $0x8000  }
0x1b: {  	[tilespmem:s4], [sflag:$0x8] =	stream.strided.gather [hbm4b:s5+s7], $0x1800, s19, s7, $0x38;
	[tilespmem:$0x1DC00] =	vst v63  }
0x1c: {  	s23 =	rddreg [dreg:$0x5]  }
0x1d: {  	[tilespmem:s20], [sflag:$0x8] =	stream.linear.gather [hbm4b:s23+s4], $0x100, $0x38;
	[tilespmem:$0x1DC00] =	vst v63  }
0x1e: {  	_ =	swait.ge [sflag:s29], $0x1900  }
0x1f: {  	[sflag:s29] =	ssyncset.done $0x0  }
0x20: {  	[sflag:s29] =	ssyncadd.s32 $0xFFFFE700  }
0x21: {  	[tilespmem:s31], [sflag:$0x1] =	stream.indirect.gather [hbm4b:s1+s30], $0x80, s4, s30, $0xb8;
	[tilespmem:$0x1DC00] =	vst v63  }
0x22: {  	_ = 	snop  }
0x23: {  	[tilespmem:s0], [sflag:$0x2] =	stream.indirect.gather [hbm4b:s1+s30], $0x80, s30, s30, $0xb8;
	[tilespmem:$0x1DC00] =	vst v63  }
0x24: {  	s24 =	simm.s32 $0x100  }
0x25: {  	[tilespmem:s25], [sflag:$0x3] =	stream.indirect.gather [hbm4b:s1+s30], $0x80, s24, s30, $0xb8;
	[tilespmem:$0x1DC00] =	vst v63  }
0x26: {  	_ =	swait.ge [sflag:s26], $0x4000  }
0x27: {  	[sflag:s26] =	ssyncset.done $0x0  }
0x28: {  	s5 =	simm.s32 $0x0;
	[sflag:s26] =	ssyncadd.s32 $0xFFFFC000  }
0x29: {  	v1 =	vld [tilespmem:s5+$0x1C70]  }
0x2a: {  	v5 =	vld [tilespmem:s5+$0x1C00]  }
0x2b: {  	v6 =	vld [tilespmem:s5+$0x1C10]  }
0x2c: {  	v4 =	vld [tilespmem:s5+$0x1C20]  }
0x2d: {  	v3 =	vld [tilespmem:s5+$0x1C30]  }
0x2e: {  	v0 =	vld [tilespmem:s5+$0x1C40];
	v7 =	vmul.f32 $1.131370830e+01, v1  }
0x2f: {  	v1 =	vld [tilespmem:s5+$0x1C50];
	v5 =	vmul.f32 $1.131370830e+01, v5  }
0x30: {  	s19 =	simm.s32 $0x80;
	s20 =	simm.s32 $0x400;
	v2 =	vld [tilespmem:s5+$0x1C60];
	v6 =	vmul.f32 $1.131370830e+01, v6;
	[tilespmem:s5+$0xDC70] =	vst v7  }
.LBB2_2:
0x31: {  	p0 =	sne.s32 s20, $0xFE00;
	v7 =	vld [tilespmem:s19+$0x1C70];
	[tilespmem:s5+$0xDC00] =	vst v5;
	v4 =	vmul.f32 $1.131370830e+01, v4  }
0x32: {  	v5 =	vld [tilespmem:s19+$0x1C00];
	[tilespmem:s5+$0xDC10] =	vst v6;
	v3 =	vmul.f32 $1.131370830e+01, v3  }
0x33: {  	v6 =	vld [tilespmem:s19+$0x1C10];
	[tilespmem:s5+$0xDC20] =	vst v4;
	v0 =	vmul.f32 $1.131370830e+01, v0  }
.Ltmp0:
0x34: {  	v4 =	vld [tilespmem:s19+$0x1C20];
	[tilespmem:s5+$0xDC30] =	vst v3;
	v1 =	vmul.f32 $1.131370830e+01, v1;
	(pc) =	sbr.rel @p0 .LBB2_2-.Ltmp0, $4  }
0x35: {  	v3 =	vld [tilespmem:s19+$0x1C30];
	[tilespmem:s5+$0xDC40] =	vst v0;
	v2 =	vmul.f32 $1.131370830e+01, v2  }
0x36: {  	v0 =	vld [tilespmem:s19+$0x1C40];
	v7 =	vmul.f32 $1.131370830e+01, v7;
	[tilespmem:s5+$0xDC50] =	vst v1  }
0x37: {  	v5 =	vmul.f32 $1.131370830e+01, v5;
	v1 =	vld [tilespmem:s19+$0x1C50];
	[tilespmem:s5+$0xDC60] =	vst v2;
	s5 =	smov.u32 s19  }
0x38: {  	s19 =	sshra.s32 s20, $0x2;
	s20 =	sadd.s32 $0x200, s20;
	v6 =	vmul.f32 $1.131370830e+01, v6;
	v2 =	vld [tilespmem:s5+$0x1C60];
	[tilespmem:s5+$0xDC70] =	vst v7  }
0x39: {  	v7 =	vld [tilespmem:s19+$0x1C70];
	[tilespmem:s5+$0xDC00] =	vst v5;
	v4 =	vmul.f32 $1.131370830e+01, v4  }
0x3a: {  	v5 =	vld [tilespmem:s19+$0x1C00];
	[tilespmem:s5+$0xDC10] =	vst v6;
	v3 =	vmul.f32 $1.131370830e+01, v3  }
0x3b: {  	v6 =	vld [tilespmem:s19+$0x1C10];
	[tilespmem:s5+$0xDC20] =	vst v4;
	v0 =	vmul.f32 $1.131370830e+01, v0  }
0x3c: {  	v4 =	vld [tilespmem:s19+$0x1C20];
	[tilespmem:s5+$0xDC30] =	vst v3;
	v1 =	vmul.f32 $1.131370830e+01, v1  }
0x3d: {  	v3 =	vld [tilespmem:s19+$0x1C30];
	[tilespmem:s5+$0xDC40] =	vst v0;
	v2 =	vmul.f32 $1.131370830e+01, v2  }
0x3e: {  	v0 =	vld [tilespmem:s19+$0x1C40];
	[tilespmem:s5+$0xDC50] =	vst v1;
	v7 =	vmul.f32 $1.131370830e+01, v7  }
0x3f: {  	v1 =	vld [tilespmem:s19+$0x1C50];
	[tilespmem:s5+$0xDC60] =	vst v2;
	v2 =	vmul.f32 $1.131370830e+01, v5  }
0x40: {  	v5 =	vld [tilespmem:s19+$0x1C60];
	v6 =	vmul.f32 $1.131370830e+01, v6;
	[tilespmem:s19+$0xDC70] =	vst v7  }
0x41: {  	[tilespmem:s19+$0xDC00] =	vst v2;
	v2 =	vmul.f32 $1.131370830e+01, v4  }
0x42: {  	[tilespmem:s19+$0xDC10] =	vst v6;
	v3 =	vmul.f32 $1.131370830e+01, v3  }
0x43: {  	[tilespmem:s19+$0xDC20] =	vst v2;
	v0 =	vmul.f32 $1.131370830e+01, v0  }
0x44: {  	[tilespmem:s19+$0xDC30] =	vst v3;
	v1 =	vmul.f32 $1.131370830e+01, v1  }
0x45: {  	[tilespmem:s19+$0xDC40] =	vst v0;
	v0 =	vmul.f32 $1.131370830e+01, v5  }
0x46: {  	[tilespmem:s19+$0xDC50] =	vst v1  }
0x47: {  	s23 =	simm.s32 $0x0;
	s7 =	rddreg [dreg:$0x6];
	[tilespmem:s19+$0xDC60] =	vst v0  }
0x48: {  	[hbm4b:s7+s23] =	stream.linear.scatter [tilespmem:s2], [sflag:$0x4], $0x4000, $0x38;
	[tilespmem:$0x1DC00] =	vst v63  }
0x49: {  	s24 =	simm.s32 $0x180  }
0x4a: {  	[tilespmem:s31], [sflag:$0x1] =	stream.indirect.gather [hbm4b:s1+s30], $0x80, s24, s30, $0xb8;
	[tilespmem:$0x1DC00] =	vst v63  }
0x4b: {  	_ =	swait.ge [sflag:s28], $0x4000  }
0x4c: {  	[sflag:s28] =	ssyncset.done $0x0  }
0x4d: {  	s5 =	simm.s32 $0x0;
	[sflag:s28] =	ssyncadd.s32 $0xFFFFC000  }
0x4e: {  	v1 =	vld [tilespmem:s5+$0x5C70]  }
0x4f: {  	v5 =	vld [tilespmem:s5+$0x5C00]  }
0x50: {  	v6 =	vld [tilespmem:s5+$0x5C10]  }
0x51: {  	v4 =	vld [tilespmem:s5+$0x5C20]  }
0x52: {  	v3 =	vld [tilespmem:s5+$0x5C30]  }
0x53: {  	v0 =	vld [tilespmem:s5+$0x5C40];
	v7 =	vmul.f32 $1.131370830e+01, v1  }
0x54: {  	v1 =	vld [tilespmem:s5+$0x5C50];
	v5 =	vmul.f32 $1.131370830e+01, v5  }
0x55: {  	s20 =	simm.s32 $0x400;
	s19 =	simm.s32 $0x80;
	v2 =	vld [tilespmem:s5+$0x5C60];
	v6 =	vmul.f32 $1.131370830e+01, v6;
	[tilespmem:s5+$0x11C70] =	vst v7  }
.LBB2_4:
0x56: {  	p0 =	sne.s32 s20, $0xFE00;
	v7 =	vld [tilespmem:s19+$0x5C70];
	[tilespmem:s5+$0x11C00] =	vst v5;
	v4 =	vmul.f32 $1.131370830e+01, v4  }
0x57: {  	v5 =	vld [tilespmem:s19+$0x5C00];
	[tilespmem:s5+$0x11C10] =	vst v6;
	v3 =	vmul.f32 $1.131370830e+01, v3  }
0x58: {  	v6 =	vld [tilespmem:s19+$0x5C10];
	[tilespmem:s5+$0x11C20] =	vst v4;
	v0 =	vmul.f32 $1.131370830e+01, v0  }
.Ltmp1:
0x59: {  	v4 =	vld [tilespmem:s19+$0x5C20];
	[tilespmem:s5+$0x11C30] =	vst v3;
	v1 =	vmul.f32 $1.131370830e+01, v1;
	(pc) =	sbr.rel @p0 .LBB2_4-.Ltmp1, $4  }
0x5a: {  	v3 =	vld [tilespmem:s19+$0x5C30];
	[tilespmem:s5+$0x11C40] =	vst v0;
	v2 =	vmul.f32 $1.131370830e+01, v2  }
0x5b: {  	v0 =	vld [tilespmem:s19+$0x5C40];
	v7 =	vmul.f32 $1.131370830e+01, v7;
	[tilespmem:s5+$0x11C50] =	vst v1  }
0x5c: {  	v5 =	vmul.f32 $1.131370830e+01, v5;
	v1 =	vld [tilespmem:s19+$0x5C50];
	[tilespmem:s5+$0x11C60] =	vst v2;
	s5 =	smov.u32 s19  }
0x5d: {  	s19 =	sshra.s32 s20, $0x2;
	s20 =	sadd.s32 $0x200, s20;
	v6 =	vmul.f32 $1.131370830e+01, v6;
	v2 =	vld [tilespmem:s5+$0x5C60];
	[tilespmem:s5+$0x11C70] =	vst v7  }
0x5e: {  	v7 =	vld [tilespmem:s19+$0x5C70];
	[tilespmem:s5+$0x11C00] =	vst v5;
	v4 =	vmul.f32 $1.131370830e+01, v4  }
0x5f: {  	v5 =	vld [tilespmem:s19+$0x5C00];
	[tilespmem:s5+$0x11C10] =	vst v6;
	v3 =	vmul.f32 $1.131370830e+01, v3  }
0x60: {  	v6 =	vld [tilespmem:s19+$0x5C10];
	[tilespmem:s5+$0x11C20] =	vst v4;
	v0 =	vmul.f32 $1.131370830e+01, v0  }
0x61: {  	v4 =	vld [tilespmem:s19+$0x5C20];
	[tilespmem:s5+$0x11C30] =	vst v3;
	v1 =	vmul.f32 $1.131370830e+01, v1  }
0x62: {  	v3 =	vld [tilespmem:s19+$0x5C30];
	[tilespmem:s5+$0x11C40] =	vst v0;
	v2 =	vmul.f32 $1.131370830e+01, v2  }
0x63: {  	v0 =	vld [tilespmem:s19+$0x5C40];
	[tilespmem:s5+$0x11C50] =	vst v1;
	v7 =	vmul.f32 $1.131370830e+01, v7  }
0x64: {  	v1 =	vld [tilespmem:s19+$0x5C50];
	[tilespmem:s5+$0x11C60] =	vst v2;
	v60 =	vmul.f32 $1.131370830e+01, v5  }
0x65: {  	v61 =	vld [tilespmem:s19+$0x5C60];
	v6 =	vmul.f32 $1.131370830e+01, v6;
	[tilespmem:s19+$0x11C70] =	vst v7  }
0x66: {  	[tilespmem:s19+$0x11C00] =	vst v60;
	v62 =	vmul.f32 $1.131370830e+01, v4  }
0x67: {  	[tilespmem:s19+$0x11C10] =	vst v6;
	v3 =	vmul.f32 $1.131370830e+01, v3  }
0x68: {  	[tilespmem:s19+$0x11C20] =	vst v62;
	v0 =	vmul.f32 $1.131370830e+01, v0  }
0x69: {  	[tilespmem:s19+$0x11C30] =	vst v3;
	v1 =	vmul.f32 $1.131370830e+01, v1  }
0x6a: {  	[tilespmem:s19+$0x11C40] =	vst v0;
	v63 =	vmul.f32 $1.131370830e+01, v61  }
0x6b: {  	[tilespmem:s19+$0x11C50] =	vst v1  }
0x6c: {  	s24 =	rddreg [dreg:$0x7];
	[tilespmem:s19+$0x11C60] =	vst v63;
	s19 =	simm.s32 $0x0  }
0x6d: {  	[hbm4b:s24+s19] =	stream.linear.scatter [tilespmem:s6], [sflag:$0x5], $0x4000, $0x38;
	[tilespmem:$0x1DC00] =	vst v63  }
.LBB2_6:
0x6e: {  	s20 =	smul.u32 $0xC, s19;
	_ =	sdelay $0x1  }
0x6f: {  	_ =	swait.ge [sflag:s9], $0x4000;
	s22 =	sadd.s32 $0x4, s20  }
0x70: {  	[sflag:s9] =	ssyncset.done $0x0;
	s5 =	sshll.u32 s22, $0x7  }
0x71: {  	[sflag:s9] =	ssyncadd.s32 $0xFFFFC000;
	s5 =	sand.u32 $0x3FFFFE00, s5  }
0x72: {  	[tilespmem:s0], [sflag:$0x2] =	stream.indirect.gather [hbm4b:s1+s30], $0x80, s5, s30, $0xb8;
	[tilespmem:$0x1DC00] =	vst v63  }
0x73: {  	_ =	swait.ge [sflag:s12], $0x4000  }
0x74: {  	[sflag:s12] =	ssyncset.done $0x0  }
0x75: {  	s24 =	simm.s32 $0x0;
	[sflag:s12] =	ssyncadd.s32 $0xFFFFC000  }
0x76: {  	v1 =	vld [tilespmem:s24+$0x9C70]  }
0x77: {  	v5 =	vld [tilespmem:s24+$0x9C00]  }
0x78: {  	v6 =	vld [tilespmem:s24+$0x9C10]  }
0x79: {  	s23 =	smul.u32 $0x600000, s19;
	v3 =	vld [tilespmem:s24+$0x9C20]  }
0x7a: {  	v2 =	vld [tilespmem:s24+$0x9C30]  }
0x7b: {  	s5 =	sor.u32 s8, s23;
	v0 =	vld [tilespmem:s24+$0x9C40];
	v7 =	vmul.f32 $1.131370830e+01, v1  }
0x7c: {  	s21 =	sshrl.u32 s5, $0x3;
	v1 =	vld [tilespmem:s24+$0x9C50];
	v5 =	vmul.f32 $1.131370830e+01, v5  }
0x7d: {  	s7 =	simm.s32 $0x400;
	s5 =	simm.s32 $0x80;
	s23 =	sadd.s32 s21, s10;
	v4 =	vld [tilespmem:s24+$0x9C60];
	v6 =	vmul.f32 $1.131370830e+01, v6;
	[tilespmem:s24+$0x15C70] =	vst v7  }
.LBB2_7:
0x7e: {  	p0 =	sne.s32 s7, $0xFE00;
	v7 =	vld [tilespmem:s5+$0x9C70];
	[tilespmem:s24+$0x15C00] =	vst v5;
	v3 =	vmul.f32 $1.131370830e+01, v3  }
0x7f: {  	v5 =	vld [tilespmem:s5+$0x9C00];
	[tilespmem:s24+$0x15C10] =	vst v6;
	v2 =	vmul.f32 $1.131370830e+01, v2  }
0x80: {  	v6 =	vld [tilespmem:s5+$0x9C10];
	[tilespmem:s24+$0x15C20] =	vst v3;
	v0 =	vmul.f32 $1.131370830e+01, v0  }
.Ltmp2:
0x81: {  	v3 =	vld [tilespmem:s5+$0x9C20];
	[tilespmem:s24+$0x15C30] =	vst v2;
	v1 =	vmul.f32 $1.131370830e+01, v1;
	(pc) =	sbr.rel @p0 .LBB2_7-.Ltmp2, $4  }
0x82: {  	v2 =	vld [tilespmem:s5+$0x9C30];
	[tilespmem:s24+$0x15C40] =	vst v0;
	v4 =	vmul.f32 $1.131370830e+01, v4  }
0x83: {  	v0 =	vld [tilespmem:s5+$0x9C40];
	v7 =	vmul.f32 $1.131370830e+01, v7;
	[tilespmem:s24+$0x15C50] =	vst v1  }
0x84: {  	v5 =	vmul.f32 $1.131370830e+01, v5;
	v1 =	vld [tilespmem:s5+$0x9C50];
	[tilespmem:s24+$0x15C60] =	vst v4;
	s24 =	smov.u32 s5  }
0x85: {  	s5 =	sshra.s32 s7, $0x2;
	s7 =	sadd.s32 $0x200, s7;
	v6 =	vmul.f32 $1.131370830e+01, v6;
	v4 =	vld [tilespmem:s24+$0x9C60];
	[tilespmem:s24+$0x15C70] =	vst v7  }
0x86: {  	v7 =	vld [tilespmem:s5+$0x9C70];
	[tilespmem:s24+$0x15C00] =	vst v5;
	v3 =	vmul.f32 $1.131370830e+01, v3  }
0x87: {  	v5 =	vld [tilespmem:s5+$0x9C00];
	[tilespmem:s24+$0x15C10] =	vst v6;
	v2 =	vmul.f32 $1.131370830e+01, v2  }
0x88: {  	v6 =	vld [tilespmem:s5+$0x9C10];
	[tilespmem:s24+$0x15C20] =	vst v3;
	v0 =	vmul.f32 $1.131370830e+01, v0  }
0x89: {  	v3 =	vld [tilespmem:s5+$0x9C20];
	[tilespmem:s24+$0x15C30] =	vst v2;
	v1 =	vmul.f32 $1.131370830e+01, v1  }
0x8a: {  	v2 =	vld [tilespmem:s5+$0x9C30];
	[tilespmem:s24+$0x15C40] =	vst v0;
	v4 =	vmul.f32 $1.131370830e+01, v4  }
0x8b: {  	v0 =	vld [tilespmem:s5+$0x9C40];
	[tilespmem:s24+$0x15C50] =	vst v1;
	v7 =	vmul.f32 $1.131370830e+01, v7  }
0x8c: {  	v1 =	vld [tilespmem:s5+$0x9C50];
	[tilespmem:s24+$0x15C60] =	vst v4;
	v4 =	vmul.f32 $1.131370830e+01, v5  }
0x8d: {  	v5 =	vld [tilespmem:s5+$0x9C60];
	v6 =	vmul.f32 $1.131370830e+01, v6;
	[tilespmem:s5+$0x15C70] =	vst v7  }
0x8e: {  	[tilespmem:s5+$0x15C00] =	vst v4;
	v3 =	vmul.f32 $1.131370830e+01, v3  }
0x8f: {  	[tilespmem:s5+$0x15C10] =	vst v6;
	v2 =	vmul.f32 $1.131370830e+01, v2  }
0x90: {  	[tilespmem:s5+$0x15C20] =	vst v3;
	v0 =	vmul.f32 $1.131370830e+01, v0  }
0x91: {  	[tilespmem:s5+$0x15C30] =	vst v2;
	v1 =	vmul.f32 $1.131370830e+01, v1  }
0x92: {  	[tilespmem:s5+$0x15C40] =	vst v0;
	v0 =	vmul.f32 $1.131370830e+01, v5  }
0x93: {  	[tilespmem:s5+$0x15C50] =	vst v1  }
0x94: {  	s7 =	simm.s32 $0x0;
	[tilespmem:s5+$0x15C60] =	vst v0  }
0x95: {  	[hbm4b:s23+s7] =	stream.linear.scatter [tilespmem:s13], [sflag:$0x6], $0x4000, $0x38;
	[tilespmem:$0x1DC00] =	vst v63  }
0x96: {  	s23 =	sadd.s32 $0x5, s20;
	_ =	swait.ge [sflag:s14], $0x4000  }
0x97: {  	s24 =	sshll.u32 s23, $0x7;
	[sflag:s14] =	ssyncset.done $0x0  }
0x98: {  	s5 =	sand.u32 $0x3FFFFF80, s24;
	[sflag:s14] =	ssyncadd.s32 $0xFFFFC000  }
0x99: {  	[tilespmem:s25], [sflag:$0x3] =	stream.indirect.gather [hbm4b:s1+s30], $0x80, s5, s30, $0xb8;
	[tilespmem:$0x1DC00] =	vst v63  }
0x9a: {  	_ =	swait.ge [sflag:s26], $0x4000  }
0x9b: {  	[sflag:s26] =	ssyncset.done $0x0  }
0x9c: {  	s24 =	simm.s32 $0x0;
	[sflag:s26] =	ssyncadd.s32 $0xFFFFC000  }
0x9d: {  	v1 =	vld [tilespmem:s24+$0x1C70]  }
0x9e: {  	v5 =	vld [tilespmem:s24+$0x1C00]  }
0x9f: {  	v6 =	vld [tilespmem:s24+$0x1C10]  }
0xa0: {  	v4 =	vld [tilespmem:s24+$0x1C20]  }
0xa1: {  	v3 =	vld [tilespmem:s24+$0x1C30]  }
0xa2: {  	v0 =	vld [tilespmem:s24+$0x1C40];
	v7 =	vmul.f32 $1.131370830e+01, v1  }
0xa3: {  	v1 =	vld [tilespmem:s24+$0x1C50];
	v5 =	vmul.f32 $1.131370830e+01, v5  }
0xa4: {  	s21 =	sadd.s32 s21, s11;
	s7 =	simm.s32 $0x400;
	s5 =	simm.s32 $0x80;
	v2 =	vld [tilespmem:s24+$0x1C60];
	v6 =	vmul.f32 $1.131370830e+01, v6;
	[tilespmem:s24+$0x19C70] =	vst v7  }
.LBB2_9:
0xa5: {  	p0 =	sne.s32 s7, $0xFE00;
	v7 =	vld [tilespmem:s5+$0x1C70];
	[tilespmem:s24+$0x19C00] =	vst v5;
	v4 =	vmul.f32 $1.131370830e+01, v4  }
0xa6: {  	v5 =	vld [tilespmem:s5+$0x1C00];
	[tilespmem:s24+$0x19C10] =	vst v6;
	v3 =	vmul.f32 $1.131370830e+01, v3  }
0xa7: {  	v6 =	vld [tilespmem:s5+$0x1C10];
	[tilespmem:s24+$0x19C20] =	vst v4;
	v0 =	vmul.f32 $1.131370830e+01, v0  }
.Ltmp3:
0xa8: {  	v4 =	vld [tilespmem:s5+$0x1C20];
	[tilespmem:s24+$0x19C30] =	vst v3;
	v1 =	vmul.f32 $1.131370830e+01, v1;
	(pc) =	sbr.rel @p0 .LBB2_9-.Ltmp3, $4  }
0xa9: {  	v3 =	vld [tilespmem:s5+$0x1C30];
	[tilespmem:s24+$0x19C40] =	vst v0;
	v2 =	vmul.f32 $1.131370830e+01, v2  }
0xaa: {  	v0 =	vld [tilespmem:s5+$0x1C40];
	v7 =	vmul.f32 $1.131370830e+01, v7;
	[tilespmem:s24+$0x19C50] =	vst v1  }
0xab: {  	v5 =	vmul.f32 $1.131370830e+01, v5;
	v1 =	vld [tilespmem:s5+$0x1C50];
	[tilespmem:s24+$0x19C60] =	vst v2;
	s24 =	smov.u32 s5  }
0xac: {  	s5 =	sshra.s32 s7, $0x2;
	s7 =	sadd.s32 $0x200, s7;
	v6 =	vmul.f32 $1.131370830e+01, v6;
	v2 =	vld [tilespmem:s24+$0x1C60];
	[tilespmem:s24+$0x19C70] =	vst v7  }
0xad: {  	v7 =	vld [tilespmem:s5+$0x1C70];
	[tilespmem:s24+$0x19C00] =	vst v5;
	v4 =	vmul.f32 $1.131370830e+01, v4  }
0xae: {  	v5 =	vld [tilespmem:s5+$0x1C00];
	[tilespmem:s24+$0x19C10] =	vst v6;
	v3 =	vmul.f32 $1.131370830e+01, v3  }
0xaf: {  	v6 =	vld [tilespmem:s5+$0x1C10];
	[tilespmem:s24+$0x19C20] =	vst v4;
	v0 =	vmul.f32 $1.131370830e+01, v0  }
0xb0: {  	v4 =	vld [tilespmem:s5+$0x1C20];
	[tilespmem:s24+$0x19C30] =	vst v3;
	v1 =	vmul.f32 $1.131370830e+01, v1  }
0xb1: {  	v3 =	vld [tilespmem:s5+$0x1C30];
	[tilespmem:s24+$0x19C40] =	vst v0;
	v2 =	vmul.f32 $1.131370830e+01, v2  }
0xb2: {  	v0 =	vld [tilespmem:s5+$0x1C40];
	[tilespmem:s24+$0x19C50] =	vst v1;
	v7 =	vmul.f32 $1.131370830e+01, v7  }
0xb3: {  	v1 =	vld [tilespmem:s5+$0x1C50];
	[tilespmem:s24+$0x19C60] =	vst v2;
	v2 =	vmul.f32 $1.131370830e+01, v5  }
0xb4: {  	v5 =	vld [tilespmem:s5+$0x1C60];
	v6 =	vmul.f32 $1.131370830e+01, v6;
	[tilespmem:s5+$0x19C70] =	vst v7  }
0xb5: {  	[tilespmem:s5+$0x19C00] =	vst v2;
	v2 =	vmul.f32 $1.131370830e+01, v4  }
0xb6: {  	[tilespmem:s5+$0x19C10] =	vst v6;
	v3 =	vmul.f32 $1.131370830e+01, v3  }
0xb7: {  	[tilespmem:s5+$0x19C20] =	vst v2;
	v0 =	vmul.f32 $1.131370830e+01, v0  }
0xb8: {  	[tilespmem:s5+$0x19C30] =	vst v3;
	v1 =	vmul.f32 $1.131370830e+01, v1  }
0xb9: {  	[tilespmem:s5+$0x19C40] =	vst v0;
	v0 =	vmul.f32 $1.131370830e+01, v5  }
0xba: {  	[tilespmem:s5+$0x19C50] =	vst v1  }
0xbb: {  	s24 =	simm.s32 $0x0;
	[tilespmem:s5+$0x19C60] =	vst v0  }
0xbc: {  	[hbm4b:s21+s24] =	stream.linear.scatter [tilespmem:s15], [sflag:$0x7], $0x4000, $0x38;
	[tilespmem:$0x1DC00] =	vst v63  }
0xbd: {  	s21 =	sadd.s32 $0x6, s20;
	_ =	swait.ge [sflag:s16], $0x4000  }
0xbe: {  	s7 =	sshll.u32 s21, $0x7;
	[sflag:s16] =	ssyncset.done $0x0  }
0xbf: {  	s5 =	sand.u32 $0x3FFFFF80, s7;
	[sflag:s16] =	ssyncadd.s32 $0xFFFFC000  }
0xc0: {  	[tilespmem:s31], [sflag:$0x1] =	stream.indirect.gather [hbm4b:s1+s30], $0x80, s5, s30, $0xb8;
	[tilespmem:$0x1DC00] =	vst v63  }
0xc1: {  	_ =	swait.ge [sflag:s28], $0x4000  }
0xc2: {  	[sflag:s28] =	ssyncset.done $0x0  }
0xc3: {  	s24 =	simm.s32 $0x0;
	[sflag:s28] =	ssyncadd.s32 $0xFFFFC000  }
0xc4: {  	v2 =	vld [tilespmem:s24+$0x5C70]  }
0xc5: {  	v5 =	vld [tilespmem:s24+$0x5C00]  }
0xc6: {  	v6 =	vld [tilespmem:s24+$0x5C10]  }
0xc7: {  	v3 =	vld [tilespmem:s24+$0x5C20]  }
0xc8: {  	s22 =	sshll.u32 s22, $0x13;
	v1 =	vld [tilespmem:s24+$0x5C30]  }
0xc9: {  	s5 =	sor.u32 s8, s22;
	v0 =	vld [tilespmem:s24+$0x5C40];
	v7 =	vmul.f32 $1.131370830e+01, v2  }
0xca: {  	s5 =	sshrl.u32 s5, $0x3;
	v2 =	vld [tilespmem:s24+$0x5C50];
	v5 =	vmul.f32 $1.131370830e+01, v5  }
0xcb: {  	s7 =	simm.s32 $0x400;
	s22 =	sadd.s32 s3, s5;
	s5 =	simm.s32 $0x80;
	v4 =	vld [tilespmem:s24+$0x5C60];
	v6 =	vmul.f32 $1.131370830e+01, v6;
	[tilespmem:s24+$0xDC70] =	vst v7  }
.LBB2_11:
0xcc: {  	p0 =	sne.s32 s7, $0xFE00;
	v7 =	vld [tilespmem:s5+$0x5C70];
	[tilespmem:s24+$0xDC00] =	vst v5;
	v3 =	vmul.f32 $1.131370830e+01, v3  }
0xcd: {  	v5 =	vld [tilespmem:s5+$0x5C00];
	[tilespmem:s24+$0xDC10] =	vst v6;
	v1 =	vmul.f32 $1.131370830e+01, v1  }
0xce: {  	v6 =	vld [tilespmem:s5+$0x5C10];
	[tilespmem:s24+$0xDC20] =	vst v3;
	v0 =	vmul.f32 $1.131370830e+01, v0  }
.Ltmp4:
0xcf: {  	v3 =	vld [tilespmem:s5+$0x5C20];
	[tilespmem:s24+$0xDC30] =	vst v1;
	v2 =	vmul.f32 $1.131370830e+01, v2;
	(pc) =	sbr.rel @p0 .LBB2_11-.Ltmp4, $4  }
0xd0: {  	v1 =	vld [tilespmem:s5+$0x5C30];
	[tilespmem:s24+$0xDC40] =	vst v0;
	v4 =	vmul.f32 $1.131370830e+01, v4  }
0xd1: {  	v0 =	vld [tilespmem:s5+$0x5C40];
	v7 =	vmul.f32 $1.131370830e+01, v7;
	[tilespmem:s24+$0xDC50] =	vst v2  }
0xd2: {  	v5 =	vmul.f32 $1.131370830e+01, v5;
	v2 =	vld [tilespmem:s5+$0x5C50];
	[tilespmem:s24+$0xDC60] =	vst v4;
	s24 =	smov.u32 s5  }
0xd3: {  	s5 =	sshra.s32 s7, $0x2;
	s7 =	sadd.s32 $0x200, s7;
	v6 =	vmul.f32 $1.131370830e+01, v6;
	v4 =	vld [tilespmem:s24+$0x5C60];
	[tilespmem:s24+$0xDC70] =	vst v7  }
0xd4: {  	v7 =	vld [tilespmem:s5+$0x5C70];
	[tilespmem:s24+$0xDC00] =	vst v5;
	v3 =	vmul.f32 $1.131370830e+01, v3  }
0xd5: {  	v5 =	vld [tilespmem:s5+$0x5C00];
	[tilespmem:s24+$0xDC10] =	vst v6;
	v1 =	vmul.f32 $1.131370830e+01, v1  }
0xd6: {  	v6 =	vld [tilespmem:s5+$0x5C10];
	[tilespmem:s24+$0xDC20] =	vst v3;
	v0 =	vmul.f32 $1.131370830e+01, v0  }
0xd7: {  	v3 =	vld [tilespmem:s5+$0x5C20];
	[tilespmem:s24+$0xDC30] =	vst v1;
	v2 =	vmul.f32 $1.131370830e+01, v2  }
0xd8: {  	v1 =	vld [tilespmem:s5+$0x5C30];
	[tilespmem:s24+$0xDC40] =	vst v0;
	v4 =	vmul.f32 $1.131370830e+01, v4  }
0xd9: {  	v0 =	vld [tilespmem:s5+$0x5C40];
	[tilespmem:s24+$0xDC50] =	vst v2;
	v7 =	vmul.f32 $1.131370830e+01, v7  }
0xda: {  	v2 =	vld [tilespmem:s5+$0x5C50];
	[tilespmem:s24+$0xDC60] =	vst v4;
	v4 =	vmul.f32 $1.131370830e+01, v5  }
0xdb: {  	v5 =	vld [tilespmem:s5+$0x5C60];
	v6 =	vmul.f32 $1.131370830e+01, v6;
	[tilespmem:s5+$0xDC70] =	vst v7  }
0xdc: {  	[tilespmem:s5+$0xDC00] =	vst v4;
	v3 =	vmul.f32 $1.131370830e+01, v3  }
0xdd: {  	[tilespmem:s5+$0xDC10] =	vst v6;
	v1 =	vmul.f32 $1.131370830e+01, v1  }
0xde: {  	[tilespmem:s5+$0xDC20] =	vst v3;
	v0 =	vmul.f32 $1.131370830e+01, v0  }
0xdf: {  	[tilespmem:s5+$0xDC30] =	vst v1;
	v1 =	vmul.f32 $1.131370830e+01, v2  }
0xe0: {  	[tilespmem:s5+$0xDC40] =	vst v0;
	v0 =	vmul.f32 $1.131370830e+01, v5  }
0xe1: {  	[tilespmem:s5+$0xDC50] =	vst v1  }
0xe2: {  	s24 =	simm.s32 $0x0;
	[tilespmem:s5+$0xDC60] =	vst v0  }
0xe3: {  	[hbm4b:s22+s24] =	stream.linear.scatter [tilespmem:s2], [sflag:$0x4], $0x4000, $0x38;
	[tilespmem:$0x1DC00] =	vst v63  }
0xe4: {  	s22 =	sadd.s32 $0x7, s20;
	_ =	swait.ge [sflag:s17], $0x4000  }
0xe5: {  	s7 =	sshll.u32 s22, $0x7;
	[sflag:s17] =	ssyncset.done $0x0  }
0xe6: {  	s5 =	sand.u32 $0x3FFFFF80, s7;
	[sflag:s17] =	ssyncadd.s32 $0xFFFFC000  }
0xe7: {  	[tilespmem:s0], [sflag:$0x2] =	stream.indirect.gather [hbm4b:s1+s30], $0x80, s5, s30, $0xb8;
	[tilespmem:$0x1DC00] =	vst v63  }
0xe8: {  	_ =	swait.ge [sflag:s12], $0x4000  }
0xe9: {  	[sflag:s12] =	ssyncset.done $0x0  }
0xea: {  	s24 =	simm.s32 $0x0;
	[sflag:s12] =	ssyncadd.s32 $0xFFFFC000  }
0xeb: {  	v2 =	vld [tilespmem:s24+$0x9C70]  }
0xec: {  	v5 =	vld [tilespmem:s24+$0x9C00]  }
0xed: {  	v6 =	vld [tilespmem:s24+$0x9C10]  }
0xee: {  	v3 =	vld [tilespmem:s24+$0x9C20]  }
0xef: {  	s23 =	sshll.u32 s23, $0x13;
	v1 =	vld [tilespmem:s24+$0x9C30]  }
0xf0: {  	s5 =	sor.u32 s8, s23;
	v0 =	vld [tilespmem:s24+$0x9C40];
	v7 =	vmul.f32 $1.131370830e+01, v2  }
0xf1: {  	s5 =	sshrl.u32 s5, $0x3;
	v2 =	vld [tilespmem:s24+$0x9C50];
	v5 =	vmul.f32 $1.131370830e+01, v5  }
0xf2: {  	s7 =	simm.s32 $0x400;
	s23 =	sadd.s32 s3, s5;
	s5 =	simm.s32 $0x80;
	v4 =	vld [tilespmem:s24+$0x9C60];
	v6 =	vmul.f32 $1.131370830e+01, v6;
	[tilespmem:s24+$0x11C70] =	vst v7  }
.LBB2_13:
0xf3: {  	p0 =	sne.s32 s7, $0xFE00;
	v7 =	vld [tilespmem:s5+$0x9C70];
	[tilespmem:s24+$0x11C00] =	vst v5;
	v3 =	vmul.f32 $1.131370830e+01, v3  }
0xf4: {  	v5 =	vld [tilespmem:s5+$0x9C00];
	[tilespmem:s24+$0x11C10] =	vst v6;
	v1 =	vmul.f32 $1.131370830e+01, v1  }
0xf5: {  	v6 =	vld [tilespmem:s5+$0x9C10];
	[tilespmem:s24+$0x11C20] =	vst v3;
	v0 =	vmul.f32 $1.131370830e+01, v0  }
.Ltmp5:
0xf6: {  	v3 =	vld [tilespmem:s5+$0x9C20];
	[tilespmem:s24+$0x11C30] =	vst v1;
	v2 =	vmul.f32 $1.131370830e+01, v2;
	(pc) =	sbr.rel @p0 .LBB2_13-.Ltmp5, $4  }
0xf7: {  	v1 =	vld [tilespmem:s5+$0x9C30];
	[tilespmem:s24+$0x11C40] =	vst v0;
	v4 =	vmul.f32 $1.131370830e+01, v4  }
0xf8: {  	v0 =	vld [tilespmem:s5+$0x9C40];
	v7 =	vmul.f32 $1.131370830e+01, v7;
	[tilespmem:s24+$0x11C50] =	vst v2  }
0xf9: {  	v5 =	vmul.f32 $1.131370830e+01, v5;
	v2 =	vld [tilespmem:s5+$0x9C50];
	[tilespmem:s24+$0x11C60] =	vst v4;
	s24 =	smov.u32 s5  }
0xfa: {  	s5 =	sshra.s32 s7, $0x2;
	s7 =	sadd.s32 $0x200, s7;
	v6 =	vmul.f32 $1.131370830e+01, v6;
	v4 =	vld [tilespmem:s24+$0x9C60];
	[tilespmem:s24+$0x11C70] =	vst v7  }
0xfb: {  	v7 =	vld [tilespmem:s5+$0x9C70];
	[tilespmem:s24+$0x11C00] =	vst v5;
	v3 =	vmul.f32 $1.131370830e+01, v3  }
0xfc: {  	v5 =	vld [tilespmem:s5+$0x9C00];
	[tilespmem:s24+$0x11C10] =	vst v6;
	v1 =	vmul.f32 $1.131370830e+01, v1  }
0xfd: {  	v6 =	vld [tilespmem:s5+$0x9C10];
	[tilespmem:s24+$0x11C20] =	vst v3;
	v0 =	vmul.f32 $1.131370830e+01, v0  }
0xfe: {  	v3 =	vld [tilespmem:s5+$0x9C20];
	[tilespmem:s24+$0x11C30] =	vst v1;
	v2 =	vmul.f32 $1.131370830e+01, v2  }
0xff: {  	v1 =	vld [tilespmem:s5+$0x9C30];
	[tilespmem:s24+$0x11C40] =	vst v0;
	v4 =	vmul.f32 $1.131370830e+01, v4  }
0x100: {  	v0 =	vld [tilespmem:s5+$0x9C40];
	[tilespmem:s24+$0x11C50] =	vst v2;
	v7 =	vmul.f32 $1.131370830e+01, v7  }
0x101: {  	v2 =	vld [tilespmem:s5+$0x9C50];
	[tilespmem:s24+$0x11C60] =	vst v4;
	v4 =	vmul.f32 $1.131370830e+01, v5  }
0x102: {  	v5 =	vld [tilespmem:s5+$0x9C60];
	v6 =	vmul.f32 $1.131370830e+01, v6;
	[tilespmem:s5+$0x11C70] =	vst v7  }
0x103: {  	[tilespmem:s5+$0x11C00] =	vst v4;
	v3 =	vmul.f32 $1.131370830e+01, v3  }
0x104: {  	[tilespmem:s5+$0x11C10] =	vst v6;
	v1 =	vmul.f32 $1.131370830e+01, v1  }
0x105: {  	[tilespmem:s5+$0x11C20] =	vst v3;
	v0 =	vmul.f32 $1.131370830e+01, v0  }
0x106: {  	[tilespmem:s5+$0x11C30] =	vst v1;
	v1 =	vmul.f32 $1.131370830e+01, v2  }
0x107: {  	[tilespmem:s5+$0x11C40] =	vst v0;
	v0 =	vmul.f32 $1.131370830e+01, v5  }
0x108: {  	[tilespmem:s5+$0x11C50] =	vst v1  }
0x109: {  	s24 =	simm.s32 $0x0;
	[tilespmem:s5+$0x11C60] =	vst v0  }
0x10a: {  	[hbm4b:s23+s24] =	stream.linear.scatter [tilespmem:s6], [sflag:$0x5], $0x4000, $0x38;
	[tilespmem:$0x1DC00] =	vst v63  }
0x10b: {  	s23 =	sadd.s32 $0x8, s20;
	_ =	swait.ge [sflag:s9], $0x4000  }
0x10c: {  	s7 =	sshll.u32 s23, $0x7;
	[sflag:s9] =	ssyncset.done $0x0  }
0x10d: {  	s5 =	sand.u32 $0x3FFFFF80, s7;
	[sflag:s9] =	ssyncadd.s32 $0xFFFFC000  }
0x10e: {  	[tilespmem:s25], [sflag:$0x3] =	stream.indirect.gather [hbm4b:s1+s30], $0x80, s5, s30, $0xb8;
	[tilespmem:$0x1DC00] =	vst v63  }
0x10f: {  	_ =	swait.ge [sflag:s26], $0x4000  }
0x110: {  	[sflag:s26] =	ssyncset.done $0x0  }
0x111: {  	s24 =	simm.s32 $0x0;
	[sflag:s26] =	ssyncadd.s32 $0xFFFFC000  }
0x112: {  	v2 =	vld [tilespmem:s24+$0x1C70]  }
0x113: {  	v5 =	vld [tilespmem:s24+$0x1C00]  }
0x114: {  	v6 =	vld [tilespmem:s24+$0x1C10]  }
0x115: {  	v3 =	vld [tilespmem:s24+$0x1C20]  }
0x116: {  	s21 =	sshll.u32 s21, $0x13;
	v1 =	vld [tilespmem:s24+$0x1C30]  }
0x117: {  	s5 =	sor.u32 s8, s21;
	v0 =	vld [tilespmem:s24+$0x1C40];
	v7 =	vmul.f32 $1.131370830e+01, v2  }
0x118: {  	s5 =	sshrl.u32 s5, $0x3;
	v2 =	vld [tilespmem:s24+$0x1C50];
	v5 =	vmul.f32 $1.131370830e+01, v5  }
0x119: {  	s7 =	simm.s32 $0x400;
	s21 =	sadd.s32 s3, s5;
	s5 =	simm.s32 $0x80;
	v4 =	vld [tilespmem:s24+$0x1C60];
	v6 =	vmul.f32 $1.131370830e+01, v6;
	[tilespmem:s24+$0x15C70] =	vst v7  }
.LBB2_15:
0x11a: {  	p0 =	sne.s32 s7, $0xFE00;
	v7 =	vld [tilespmem:s5+$0x1C70];
	[tilespmem:s24+$0x15C00] =	vst v5;
	v3 =	vmul.f32 $1.131370830e+01, v3  }
0x11b: {  	v5 =	vld [tilespmem:s5+$0x1C00];
	[tilespmem:s24+$0x15C10] =	vst v6;
	v1 =	vmul.f32 $1.131370830e+01, v1  }
0x11c: {  	v6 =	vld [tilespmem:s5+$0x1C10];
	[tilespmem:s24+$0x15C20] =	vst v3;
	v0 =	vmul.f32 $1.131370830e+01, v0  }
.Ltmp6:
0x11d: {  	v3 =	vld [tilespmem:s5+$0x1C20];
	[tilespmem:s24+$0x15C30] =	vst v1;
	v2 =	vmul.f32 $1.131370830e+01, v2;
	(pc) =	sbr.rel @p0 .LBB2_15-.Ltmp6, $4  }
0x11e: {  	v1 =	vld [tilespmem:s5+$0x1C30];
	[tilespmem:s24+$0x15C40] =	vst v0;
	v4 =	vmul.f32 $1.131370830e+01, v4  }
0x11f: {  	v0 =	vld [tilespmem:s5+$0x1C40];
	v7 =	vmul.f32 $1.131370830e+01, v7;
	[tilespmem:s24+$0x15C50] =	vst v2  }
0x120: {  	v5 =	vmul.f32 $1.131370830e+01, v5;
	v2 =	vld [tilespmem:s5+$0x1C50];
	[tilespmem:s24+$0x15C60] =	vst v4;
	s24 =	smov.u32 s5  }
0x121: {  	s5 =	sshra.s32 s7, $0x2;
	s7 =	sadd.s32 $0x200, s7;
	v6 =	vmul.f32 $1.131370830e+01, v6;
	v4 =	vld [tilespmem:s24+$0x1C60];
	[tilespmem:s24+$0x15C70] =	vst v7  }
0x122: {  	v7 =	vld [tilespmem:s5+$0x1C70];
	[tilespmem:s24+$0x15C00] =	vst v5;
	v3 =	vmul.f32 $1.131370830e+01, v3  }
0x123: {  	v5 =	vld [tilespmem:s5+$0x1C00];
	[tilespmem:s24+$0x15C10] =	vst v6;
	v1 =	vmul.f32 $1.131370830e+01, v1  }
0x124: {  	v6 =	vld [tilespmem:s5+$0x1C10];
	[tilespmem:s24+$0x15C20] =	vst v3;
	v0 =	vmul.f32 $1.131370830e+01, v0  }
0x125: {  	v3 =	vld [tilespmem:s5+$0x1C20];
	[tilespmem:s24+$0x15C30] =	vst v1;
	v2 =	vmul.f32 $1.131370830e+01, v2  }
0x126: {  	v1 =	vld [tilespmem:s5+$0x1C30];
	[tilespmem:s24+$0x15C40] =	vst v0;
	v4 =	vmul.f32 $1.131370830e+01, v4  }
0x127: {  	v0 =	vld [tilespmem:s5+$0x1C40];
	[tilespmem:s24+$0x15C50] =	vst v2;
	v7 =	vmul.f32 $1.131370830e+01, v7  }
0x128: {  	v2 =	vld [tilespmem:s5+$0x1C50];
	[tilespmem:s24+$0x15C60] =	vst v4;
	v4 =	vmul.f32 $1.131370830e+01, v5  }
0x129: {  	v5 =	vld [tilespmem:s5+$0x1C60];
	v6 =	vmul.f32 $1.131370830e+01, v6;
	[tilespmem:s5+$0x15C70] =	vst v7  }
0x12a: {  	[tilespmem:s5+$0x15C00] =	vst v4;
	v3 =	vmul.f32 $1.131370830e+01, v3  }
0x12b: {  	[tilespmem:s5+$0x15C10] =	vst v6;
	v1 =	vmul.f32 $1.131370830e+01, v1  }
0x12c: {  	[tilespmem:s5+$0x15C20] =	vst v3;
	v0 =	vmul.f32 $1.131370830e+01, v0  }
0x12d: {  	[tilespmem:s5+$0x15C30] =	vst v1;
	v1 =	vmul.f32 $1.131370830e+01, v2  }
0x12e: {  	[tilespmem:s5+$0x15C40] =	vst v0;
	v0 =	vmul.f32 $1.131370830e+01, v5  }
0x12f: {  	[tilespmem:s5+$0x15C50] =	vst v1  }
0x130: {  	s24 =	simm.s32 $0x0;
	[tilespmem:s5+$0x15C60] =	vst v0  }
0x131: {  	[hbm4b:s21+s24] =	stream.linear.scatter [tilespmem:s13], [sflag:$0x6], $0x4000, $0x38;
	[tilespmem:$0x1DC00] =	vst v63  }
0x132: {  	s21 =	sadd.s32 $0x9, s20;
	_ =	swait.ge [sflag:s14], $0x4000  }
0x133: {  	s7 =	sshll.u32 s21, $0x7;
	[sflag:s14] =	ssyncset.done $0x0  }
0x134: {  	s5 =	sand.u32 $0x3FFFFF80, s7;
	[sflag:s14] =	ssyncadd.s32 $0xFFFFC000  }
0x135: {  	[tilespmem:s31], [sflag:$0x1] =	stream.indirect.gather [hbm4b:s1+s30], $0x80, s5, s30, $0xb8;
	[tilespmem:$0x1DC00] =	vst v63  }
0x136: {  	_ =	swait.ge [sflag:s28], $0x4000  }
0x137: {  	[sflag:s28] =	ssyncset.done $0x0  }
0x138: {  	s24 =	simm.s32 $0x0;
	[sflag:s28] =	ssyncadd.s32 $0xFFFFC000  }
0x139: {  	v2 =	vld [tilespmem:s24+$0x5C70]  }
0x13a: {  	v5 =	vld [tilespmem:s24+$0x5C00]  }
0x13b: {  	v6 =	vld [tilespmem:s24+$0x5C10]  }
0x13c: {  	v3 =	vld [tilespmem:s24+$0x5C20]  }
0x13d: {  	s22 =	sshll.u32 s22, $0x13;
	v1 =	vld [tilespmem:s24+$0x5C30]  }
0x13e: {  	s5 =	sor.u32 s8, s22;
	v0 =	vld [tilespmem:s24+$0x5C40];
	v7 =	vmul.f32 $1.131370830e+01, v2  }
0x13f: {  	s5 =	sshrl.u32 s5, $0x3;
	v2 =	vld [tilespmem:s24+$0x5C50];
	v5 =	vmul.f32 $1.131370830e+01, v5  }
0x140: {  	s7 =	simm.s32 $0x400;
	s22 =	sadd.s32 s3, s5;
	s5 =	simm.s32 $0x80;
	v4 =	vld [tilespmem:s24+$0x5C60];
	v6 =	vmul.f32 $1.131370830e+01, v6;
	[tilespmem:s24+$0x19C70] =	vst v7  }
.LBB2_17:
0x141: {  	p0 =	sne.s32 s7, $0xFE00;
	v7 =	vld [tilespmem:s5+$0x5C70];
	[tilespmem:s24+$0x19C00] =	vst v5;
	v3 =	vmul.f32 $1.131370830e+01, v3  }
0x142: {  	v5 =	vld [tilespmem:s5+$0x5C00];
	[tilespmem:s24+$0x19C10] =	vst v6;
	v1 =	vmul.f32 $1.131370830e+01, v1  }
0x143: {  	v6 =	vld [tilespmem:s5+$0x5C10];
	[tilespmem:s24+$0x19C20] =	vst v3;
	v0 =	vmul.f32 $1.131370830e+01, v0  }
.Ltmp7:
0x144: {  	v3 =	vld [tilespmem:s5+$0x5C20];
	[tilespmem:s24+$0x19C30] =	vst v1;
	v2 =	vmul.f32 $1.131370830e+01, v2;
	(pc) =	sbr.rel @p0 .LBB2_17-.Ltmp7, $4  }
0x145: {  	v1 =	vld [tilespmem:s5+$0x5C30];
	[tilespmem:s24+$0x19C40] =	vst v0;
	v4 =	vmul.f32 $1.131370830e+01, v4  }
0x146: {  	v0 =	vld [tilespmem:s5+$0x5C40];
	v7 =	vmul.f32 $1.131370830e+01, v7;
	[tilespmem:s24+$0x19C50] =	vst v2  }
0x147: {  	v5 =	vmul.f32 $1.131370830e+01, v5;
	v2 =	vld [tilespmem:s5+$0x5C50];
	[tilespmem:s24+$0x19C60] =	vst v4;
	s24 =	smov.u32 s5  }
0x148: {  	s5 =	sshra.s32 s7, $0x2;
	s7 =	sadd.s32 $0x200, s7;
	v6 =	vmul.f32 $1.131370830e+01, v6;
	v4 =	vld [tilespmem:s24+$0x5C60];
	[tilespmem:s24+$0x19C70] =	vst v7  }
0x149: {  	v7 =	vld [tilespmem:s5+$0x5C70];
	[tilespmem:s24+$0x19C00] =	vst v5;
	v3 =	vmul.f32 $1.131370830e+01, v3  }
0x14a: {  	v5 =	vld [tilespmem:s5+$0x5C00];
	[tilespmem:s24+$0x19C10] =	vst v6;
	v1 =	vmul.f32 $1.131370830e+01, v1  }
0x14b: {  	v6 =	vld [tilespmem:s5+$0x5C10];
	[tilespmem:s24+$0x19C20] =	vst v3;
	v0 =	vmul.f32 $1.131370830e+01, v0  }
0x14c: {  	v3 =	vld [tilespmem:s5+$0x5C20];
	[tilespmem:s24+$0x19C30] =	vst v1;
	v2 =	vmul.f32 $1.131370830e+01, v2  }
0x14d: {  	v1 =	vld [tilespmem:s5+$0x5C30];
	[tilespmem:s24+$0x19C40] =	vst v0;
	v4 =	vmul.f32 $1.131370830e+01, v4  }
0x14e: {  	v0 =	vld [tilespmem:s5+$0x5C40];
	[tilespmem:s24+$0x19C50] =	vst v2;
	v7 =	vmul.f32 $1.131370830e+01, v7  }
0x14f: {  	v2 =	vld [tilespmem:s5+$0x5C50];
	[tilespmem:s24+$0x19C60] =	vst v4;
	v4 =	vmul.f32 $1.131370830e+01, v5  }
0x150: {  	v5 =	vld [tilespmem:s5+$0x5C60];
	v6 =	vmul.f32 $1.131370830e+01, v6;
	[tilespmem:s5+$0x19C70] =	vst v7  }
0x151: {  	[tilespmem:s5+$0x19C00] =	vst v4;
	v3 =	vmul.f32 $1.131370830e+01, v3  }
0x152: {  	[tilespmem:s5+$0x19C10] =	vst v6;
	v1 =	vmul.f32 $1.131370830e+01, v1  }
0x153: {  	[tilespmem:s5+$0x19C20] =	vst v3;
	v0 =	vmul.f32 $1.131370830e+01, v0  }
0x154: {  	[tilespmem:s5+$0x19C30] =	vst v1;
	v1 =	vmul.f32 $1.131370830e+01, v2  }
0x155: {  	[tilespmem:s5+$0x19C40] =	vst v0;
	v0 =	vmul.f32 $1.131370830e+01, v5  }
0x156: {  	[tilespmem:s5+$0x19C50] =	vst v1  }
0x157: {  	s24 =	simm.s32 $0x0;
	[tilespmem:s5+$0x19C60] =	vst v0  }
0x158: {  	[hbm4b:s22+s24] =	stream.linear.scatter [tilespmem:s15], [sflag:$0x7], $0x4000, $0x38;
	[tilespmem:$0x1DC00] =	vst v63  }
0x159: {  	s22 =	sadd.s32 $0xA, s20;
	_ =	swait.ge [sflag:s16], $0x4000  }
0x15a: {  	s7 =	sshll.u32 s22, $0x7;
	[sflag:s16] =	ssyncset.done $0x0  }
0x15b: {  	s5 =	sand.u32 $0x3FFFFF80, s7;
	[sflag:s16] =	ssyncadd.s32 $0xFFFFC000  }
0x15c: {  	[tilespmem:s0], [sflag:$0x2] =	stream.indirect.gather [hbm4b:s1+s30], $0x80, s5, s30, $0xb8;
	[tilespmem:$0x1DC00] =	vst v63  }
0x15d: {  	_ =	swait.ge [sflag:s12], $0x4000  }
0x15e: {  	[sflag:s12] =	ssyncset.done $0x0  }
0x15f: {  	s24 =	simm.s32 $0x0;
	[sflag:s12] =	ssyncadd.s32 $0xFFFFC000  }
0x160: {  	v2 =	vld [tilespmem:s24+$0x9C70]  }
0x161: {  	v5 =	vld [tilespmem:s24+$0x9C00]  }
0x162: {  	v6 =	vld [tilespmem:s24+$0x9C10]  }
0x163: {  	v3 =	vld [tilespmem:s24+$0x9C20]  }
0x164: {  	s23 =	sshll.u32 s23, $0x13;
	v1 =	vld [tilespmem:s24+$0x9C30]  }
0x165: {  	s5 =	sor.u32 s8, s23;
	v0 =	vld [tilespmem:s24+$0x9C40];
	v7 =	vmul.f32 $1.131370830e+01, v2  }
0x166: {  	s5 =	sshrl.u32 s5, $0x3;
	v2 =	vld [tilespmem:s24+$0x9C50];
	v5 =	vmul.f32 $1.131370830e+01, v5  }
0x167: {  	s7 =	simm.s32 $0x400;
	s23 =	sadd.s32 s3, s5;
	s5 =	simm.s32 $0x80;
	v4 =	vld [tilespmem:s24+$0x9C60];
	v6 =	vmul.f32 $1.131370830e+01, v6;
	[tilespmem:s24+$0xDC70] =	vst v7  }
.LBB2_19:
0x168: {  	p0 =	sne.s32 s7, $0xFE00;
	v7 =	vld [tilespmem:s5+$0x9C70];
	[tilespmem:s24+$0xDC00] =	vst v5;
	v3 =	vmul.f32 $1.131370830e+01, v3  }
0x169: {  	v5 =	vld [tilespmem:s5+$0x9C00];
	[tilespmem:s24+$0xDC10] =	vst v6;
	v1 =	vmul.f32 $1.131370830e+01, v1  }
0x16a: {  	v6 =	vld [tilespmem:s5+$0x9C10];
	[tilespmem:s24+$0xDC20] =	vst v3;
	v0 =	vmul.f32 $1.131370830e+01, v0  }
.Ltmp8:
0x16b: {  	v3 =	vld [tilespmem:s5+$0x9C20];
	[tilespmem:s24+$0xDC30] =	vst v1;
	v2 =	vmul.f32 $1.131370830e+01, v2;
	(pc) =	sbr.rel @p0 .LBB2_19-.Ltmp8, $4  }
0x16c: {  	v1 =	vld [tilespmem:s5+$0x9C30];
	[tilespmem:s24+$0xDC40] =	vst v0;
	v4 =	vmul.f32 $1.131370830e+01, v4  }
0x16d: {  	v0 =	vld [tilespmem:s5+$0x9C40];
	v7 =	vmul.f32 $1.131370830e+01, v7;
	[tilespmem:s24+$0xDC50] =	vst v2  }
0x16e: {  	v5 =	vmul.f32 $1.131370830e+01, v5;
	v2 =	vld [tilespmem:s5+$0x9C50];
	[tilespmem:s24+$0xDC60] =	vst v4;
	s24 =	smov.u32 s5  }
0x16f: {  	s5 =	sshra.s32 s7, $0x2;
	s7 =	sadd.s32 $0x200, s7;
	v6 =	vmul.f32 $1.131370830e+01, v6;
	v4 =	vld [tilespmem:s24+$0x9C60];
	[tilespmem:s24+$0xDC70] =	vst v7  }
0x170: {  	v7 =	vld [tilespmem:s5+$0x9C70];
	[tilespmem:s24+$0xDC00] =	vst v5;
	v3 =	vmul.f32 $1.131370830e+01, v3  }
0x171: {  	v5 =	vld [tilespmem:s5+$0x9C00];
	[tilespmem:s24+$0xDC10] =	vst v6;
	v1 =	vmul.f32 $1.131370830e+01, v1  }
0x172: {  	v6 =	vld [tilespmem:s5+$0x9C10];
	[tilespmem:s24+$0xDC20] =	vst v3;
	v0 =	vmul.f32 $1.131370830e+01, v0  }
0x173: {  	v3 =	vld [tilespmem:s5+$0x9C20];
	[tilespmem:s24+$0xDC30] =	vst v1;
	v2 =	vmul.f32 $1.131370830e+01, v2  }
0x174: {  	v1 =	vld [tilespmem:s5+$0x9C30];
	[tilespmem:s24+$0xDC40] =	vst v0;
	v4 =	vmul.f32 $1.131370830e+01, v4  }
0x175: {  	v0 =	vld [tilespmem:s5+$0x9C40];
	[tilespmem:s24+$0xDC50] =	vst v2;
	v7 =	vmul.f32 $1.131370830e+01, v7  }
0x176: {  	v2 =	vld [tilespmem:s5+$0x9C50];
	[tilespmem:s24+$0xDC60] =	vst v4;
	v4 =	vmul.f32 $1.131370830e+01, v5  }
0x177: {  	v5 =	vld [tilespmem:s5+$0x9C60];
	v6 =	vmul.f32 $1.131370830e+01, v6;
	[tilespmem:s5+$0xDC70] =	vst v7  }
0x178: {  	[tilespmem:s5+$0xDC00] =	vst v4;
	v3 =	vmul.f32 $1.131370830e+01, v3  }
0x179: {  	[tilespmem:s5+$0xDC10] =	vst v6;
	v1 =	vmul.f32 $1.131370830e+01, v1  }
0x17a: {  	[tilespmem:s5+$0xDC20] =	vst v3;
	v0 =	vmul.f32 $1.131370830e+01, v0  }
0x17b: {  	[tilespmem:s5+$0xDC30] =	vst v1;
	v1 =	vmul.f32 $1.131370830e+01, v2  }
0x17c: {  	[tilespmem:s5+$0xDC40] =	vst v0;
	v0 =	vmul.f32 $1.131370830e+01, v5  }
0x17d: {  	[tilespmem:s5+$0xDC50] =	vst v1  }
0x17e: {  	s24 =	simm.s32 $0x0;
	[tilespmem:s5+$0xDC60] =	vst v0  }
0x17f: {  	[hbm4b:s23+s24] =	stream.linear.scatter [tilespmem:s2], [sflag:$0x4], $0x4000, $0x38;
	[tilespmem:$0x1DC00] =	vst v63  }
0x180: {  	s23 =	sadd.s32 $0xB, s20;
	_ =	swait.ge [sflag:s17], $0x4000  }
0x181: {  	s7 =	sshll.u32 s23, $0x7;
	[sflag:s17] =	ssyncset.done $0x0  }
0x182: {  	s5 =	sand.u32 $0x3FFFFF80, s7;
	[sflag:s17] =	ssyncadd.s32 $0xFFFFC000  }
0x183: {  	[tilespmem:s25], [sflag:$0x3] =	stream.indirect.gather [hbm4b:s1+s30], $0x80, s5, s30, $0xb8;
	[tilespmem:$0x1DC00] =	vst v63  }
0x184: {  	_ =	swait.ge [sflag:s26], $0x4000  }
0x185: {  	[sflag:s26] =	ssyncset.done $0x0  }
0x186: {  	s24 =	simm.s32 $0x0;
	[sflag:s26] =	ssyncadd.s32 $0xFFFFC000  }
0x187: {  	v2 =	vld [tilespmem:s24+$0x1C70]  }
0x188: {  	v5 =	vld [tilespmem:s24+$0x1C00]  }
0x189: {  	v6 =	vld [tilespmem:s24+$0x1C10]  }
0x18a: {  	v3 =	vld [tilespmem:s24+$0x1C20]  }
0x18b: {  	s21 =	sshll.u32 s21, $0x13;
	v1 =	vld [tilespmem:s24+$0x1C30]  }
0x18c: {  	s5 =	sor.u32 s8, s21;
	v0 =	vld [tilespmem:s24+$0x1C40];
	v7 =	vmul.f32 $1.131370830e+01, v2  }
0x18d: {  	s5 =	sshrl.u32 s5, $0x3;
	v2 =	vld [tilespmem:s24+$0x1C50];
	v5 =	vmul.f32 $1.131370830e+01, v5  }
0x18e: {  	s7 =	simm.s32 $0x400;
	s21 =	sadd.s32 s3, s5;
	s5 =	simm.s32 $0x80;
	v4 =	vld [tilespmem:s24+$0x1C60];
	v6 =	vmul.f32 $1.131370830e+01, v6;
	[tilespmem:s24+$0x11C70] =	vst v7  }
.LBB2_21:
0x18f: {  	p0 =	sne.s32 s7, $0xFE00;
	v7 =	vld [tilespmem:s5+$0x1C70];
	[tilespmem:s24+$0x11C00] =	vst v5;
	v3 =	vmul.f32 $1.131370830e+01, v3  }
0x190: {  	v5 =	vld [tilespmem:s5+$0x1C00];
	[tilespmem:s24+$0x11C10] =	vst v6;
	v1 =	vmul.f32 $1.131370830e+01, v1  }
0x191: {  	v6 =	vld [tilespmem:s5+$0x1C10];
	[tilespmem:s24+$0x11C20] =	vst v3;
	v0 =	vmul.f32 $1.131370830e+01, v0  }
.Ltmp9:
0x192: {  	v3 =	vld [tilespmem:s5+$0x1C20];
	[tilespmem:s24+$0x11C30] =	vst v1;
	v2 =	vmul.f32 $1.131370830e+01, v2;
	(pc) =	sbr.rel @p0 .LBB2_21-.Ltmp9, $4  }
0x193: {  	v1 =	vld [tilespmem:s5+$0x1C30];
	[tilespmem:s24+$0x11C40] =	vst v0;
	v4 =	vmul.f32 $1.131370830e+01, v4  }
0x194: {  	v0 =	vld [tilespmem:s5+$0x1C40];
	v7 =	vmul.f32 $1.131370830e+01, v7;
	[tilespmem:s24+$0x11C50] =	vst v2  }
0x195: {  	v5 =	vmul.f32 $1.131370830e+01, v5;
	v2 =	vld [tilespmem:s5+$0x1C50];
	[tilespmem:s24+$0x11C60] =	vst v4;
	s24 =	smov.u32 s5  }
0x196: {  	s5 =	sshra.s32 s7, $0x2;
	s7 =	sadd.s32 $0x200, s7;
	v6 =	vmul.f32 $1.131370830e+01, v6;
	v4 =	vld [tilespmem:s24+$0x1C60];
	[tilespmem:s24+$0x11C70] =	vst v7  }
0x197: {  	v7 =	vld [tilespmem:s5+$0x1C70];
	[tilespmem:s24+$0x11C00] =	vst v5;
	v3 =	vmul.f32 $1.131370830e+01, v3  }
0x198: {  	v5 =	vld [tilespmem:s5+$0x1C00];
	[tilespmem:s24+$0x11C10] =	vst v6;
	v1 =	vmul.f32 $1.131370830e+01, v1  }
0x199: {  	v6 =	vld [tilespmem:s5+$0x1C10];
	[tilespmem:s24+$0x11C20] =	vst v3;
	v0 =	vmul.f32 $1.131370830e+01, v0  }
0x19a: {  	v3 =	vld [tilespmem:s5+$0x1C20];
	[tilespmem:s24+$0x11C30] =	vst v1;
	v2 =	vmul.f32 $1.131370830e+01, v2  }
0x19b: {  	v1 =	vld [tilespmem:s5+$0x1C30];
	[tilespmem:s24+$0x11C40] =	vst v0;
	v4 =	vmul.f32 $1.131370830e+01, v4  }
0x19c: {  	v0 =	vld [tilespmem:s5+$0x1C40];
	[tilespmem:s24+$0x11C50] =	vst v2;
	v7 =	vmul.f32 $1.131370830e+01, v7  }
0x19d: {  	v2 =	vld [tilespmem:s5+$0x1C50];
	[tilespmem:s24+$0x11C60] =	vst v4;
	v4 =	vmul.f32 $1.131370830e+01, v5  }
0x19e: {  	v5 =	vld [tilespmem:s5+$0x1C60];
	v6 =	vmul.f32 $1.131370830e+01, v6;
	[tilespmem:s5+$0x11C70] =	vst v7  }
0x19f: {  	[tilespmem:s5+$0x11C00] =	vst v4;
	v3 =	vmul.f32 $1.131370830e+01, v3  }
0x1a0: {  	[tilespmem:s5+$0x11C10] =	vst v6;
	v1 =	vmul.f32 $1.131370830e+01, v1  }
0x1a1: {  	[tilespmem:s5+$0x11C20] =	vst v3;
	v0 =	vmul.f32 $1.131370830e+01, v0  }
0x1a2: {  	[tilespmem:s5+$0x11C30] =	vst v1;
	v1 =	vmul.f32 $1.131370830e+01, v2  }
0x1a3: {  	[tilespmem:s5+$0x11C40] =	vst v0;
	v0 =	vmul.f32 $1.131370830e+01, v5  }
0x1a4: {  	[tilespmem:s5+$0x11C50] =	vst v1  }
0x1a5: {  	s24 =	simm.s32 $0x0;
	[tilespmem:s5+$0x11C60] =	vst v0  }
0x1a6: {  	[hbm4b:s21+s24] =	stream.linear.scatter [tilespmem:s6], [sflag:$0x5], $0x4000, $0x38;
	[tilespmem:$0x1DC00] =	vst v63  }
0x1a7: {  	s21 =	sadd.s32 $0xC, s20;
	_ =	swait.ge [sflag:s9], $0x4000  }
0x1a8: {  	s7 =	sshll.u32 s21, $0x7;
	[sflag:s9] =	ssyncset.done $0x0  }
0x1a9: {  	s5 =	sand.u32 $0x3FFFFF80, s7;
	[sflag:s9] =	ssyncadd.s32 $0xFFFFC000  }
0x1aa: {  	[tilespmem:s31], [sflag:$0x1] =	stream.indirect.gather [hbm4b:s1+s30], $0x80, s5, s30, $0xb8;
	[tilespmem:$0x1DC00] =	vst v63  }
0x1ab: {  	_ =	swait.ge [sflag:s28], $0x4000  }
0x1ac: {  	[sflag:s28] =	ssyncset.done $0x0  }
0x1ad: {  	s24 =	simm.s32 $0x0;
	[sflag:s28] =	ssyncadd.s32 $0xFFFFC000  }
0x1ae: {  	v2 =	vld [tilespmem:s24+$0x5C70]  }
0x1af: {  	v5 =	vld [tilespmem:s24+$0x5C00]  }
0x1b0: {  	v6 =	vld [tilespmem:s24+$0x5C10]  }
0x1b1: {  	v3 =	vld [tilespmem:s24+$0x5C20]  }
0x1b2: {  	s22 =	sshll.u32 s22, $0x13;
	v1 =	vld [tilespmem:s24+$0x5C30]  }
0x1b3: {  	s5 =	sor.u32 s8, s22;
	v0 =	vld [tilespmem:s24+$0x5C40];
	v7 =	vmul.f32 $1.131370830e+01, v2  }
0x1b4: {  	s5 =	sshrl.u32 s5, $0x3;
	v2 =	vld [tilespmem:s24+$0x5C50];
	v5 =	vmul.f32 $1.131370830e+01, v5  }
0x1b5: {  	s7 =	simm.s32 $0x400;
	s22 =	sadd.s32 s3, s5;
	s5 =	simm.s32 $0x80;
	v4 =	vld [tilespmem:s24+$0x5C60];
	v6 =	vmul.f32 $1.131370830e+01, v6;
	[tilespmem:s24+$0x15C70] =	vst v7  }
.LBB2_23:
0x1b6: {  	p0 =	sne.s32 s7, $0xFE00;
	v7 =	vld [tilespmem:s5+$0x5C70];
	[tilespmem:s24+$0x15C00] =	vst v5;
	v3 =	vmul.f32 $1.131370830e+01, v3  }
0x1b7: {  	v5 =	vld [tilespmem:s5+$0x5C00];
	[tilespmem:s24+$0x15C10] =	vst v6;
	v1 =	vmul.f32 $1.131370830e+01, v1  }
0x1b8: {  	v6 =	vld [tilespmem:s5+$0x5C10];
	[tilespmem:s24+$0x15C20] =	vst v3;
	v0 =	vmul.f32 $1.131370830e+01, v0  }
.Ltmp10:
0x1b9: {  	v3 =	vld [tilespmem:s5+$0x5C20];
	[tilespmem:s24+$0x15C30] =	vst v1;
	v2 =	vmul.f32 $1.131370830e+01, v2;
	(pc) =	sbr.rel @p0 .LBB2_23-.Ltmp10, $4  }
0x1ba: {  	v1 =	vld [tilespmem:s5+$0x5C30];
	[tilespmem:s24+$0x15C40] =	vst v0;
	v4 =	vmul.f32 $1.131370830e+01, v4  }
0x1bb: {  	v0 =	vld [tilespmem:s5+$0x5C40];
	v7 =	vmul.f32 $1.131370830e+01, v7;
	[tilespmem:s24+$0x15C50] =	vst v2  }
0x1bc: {  	v5 =	vmul.f32 $1.131370830e+01, v5;
	v2 =	vld [tilespmem:s5+$0x5C50];
	[tilespmem:s24+$0x15C60] =	vst v4;
	s24 =	smov.u32 s5  }
0x1bd: {  	s5 =	sshra.s32 s7, $0x2;
	s7 =	sadd.s32 $0x200, s7;
	v6 =	vmul.f32 $1.131370830e+01, v6;
	v4 =	vld [tilespmem:s24+$0x5C60];
	[tilespmem:s24+$0x15C70] =	vst v7  }
0x1be: {  	v7 =	vld [tilespmem:s5+$0x5C70];
	[tilespmem:s24+$0x15C00] =	vst v5;
	v3 =	vmul.f32 $1.131370830e+01, v3  }
0x1bf: {  	v5 =	vld [tilespmem:s5+$0x5C00];
	[tilespmem:s24+$0x15C10] =	vst v6;
	v1 =	vmul.f32 $1.131370830e+01, v1  }
0x1c0: {  	v6 =	vld [tilespmem:s5+$0x5C10];
	[tilespmem:s24+$0x15C20] =	vst v3;
	v0 =	vmul.f32 $1.131370830e+01, v0  }
0x1c1: {  	v3 =	vld [tilespmem:s5+$0x5C20];
	[tilespmem:s24+$0x15C30] =	vst v1;
	v2 =	vmul.f32 $1.131370830e+01, v2  }
0x1c2: {  	v1 =	vld [tilespmem:s5+$0x5C30];
	[tilespmem:s24+$0x15C40] =	vst v0;
	v4 =	vmul.f32 $1.131370830e+01, v4  }
0x1c3: {  	v0 =	vld [tilespmem:s5+$0x5C40];
	[tilespmem:s24+$0x15C50] =	vst v2;
	v7 =	vmul.f32 $1.131370830e+01, v7  }
0x1c4: {  	v2 =	vld [tilespmem:s5+$0x5C50];
	[tilespmem:s24+$0x15C60] =	vst v4;
	v4 =	vmul.f32 $1.131370830e+01, v5  }
0x1c5: {  	v5 =	vld [tilespmem:s5+$0x5C60];
	v6 =	vmul.f32 $1.131370830e+01, v6;
	[tilespmem:s5+$0x15C70] =	vst v7  }
0x1c6: {  	[tilespmem:s5+$0x15C00] =	vst v4;
	v3 =	vmul.f32 $1.131370830e+01, v3  }
0x1c7: {  	[tilespmem:s5+$0x15C10] =	vst v6;
	v1 =	vmul.f32 $1.131370830e+01, v1  }
0x1c8: {  	[tilespmem:s5+$0x15C20] =	vst v3;
	v0 =	vmul.f32 $1.131370830e+01, v0  }
0x1c9: {  	[tilespmem:s5+$0x15C30] =	vst v1;
	v1 =	vmul.f32 $1.131370830e+01, v2  }
0x1ca: {  	[tilespmem:s5+$0x15C40] =	vst v0;
	v0 =	vmul.f32 $1.131370830e+01, v5  }
0x1cb: {  	[tilespmem:s5+$0x15C50] =	vst v1  }
0x1cc: {  	s7 =	simm.s32 $0x0;
	[tilespmem:s5+$0x15C60] =	vst v0  }
0x1cd: {  	[hbm4b:s22+s7] =	stream.linear.scatter [tilespmem:s13], [sflag:$0x6], $0x4000, $0x38;
	[tilespmem:$0x1DC00] =	vst v63  }
0x1ce: {  	s20 =	sadd.s32 $0xD, s20;
	_ =	swait.ge [sflag:s14], $0x4000  }
0x1cf: {  	s22 =	sshll.u32 s20, $0x7;
	[sflag:s14] =	ssyncset.done $0x0  }
0x1d0: {  	s5 =	sand.u32 $0x3FFFFF80, s22;
	[sflag:s14] =	ssyncadd.s32 $0xFFFFC000  }
0x1d1: {  	[tilespmem:s0], [sflag:$0x2] =	stream.indirect.gather [hbm4b:s1+s30], $0x80, s5, s30, $0xb8;
	[tilespmem:$0x1DC00] =	vst v63  }
0x1d2: {  	_ =	swait.ge [sflag:s12], $0x4000  }
0x1d3: {  	[sflag:s12] =	ssyncset.done $0x0  }
0x1d4: {  	s24 =	simm.s32 $0x0;
	[sflag:s12] =	ssyncadd.s32 $0xFFFFC000  }
0x1d5: {  	v2 =	vld [tilespmem:s24+$0x9C70]  }
0x1d6: {  	v5 =	vld [tilespmem:s24+$0x9C00]  }
0x1d7: {  	v6 =	vld [tilespmem:s24+$0x9C10]  }
0x1d8: {  	v3 =	vld [tilespmem:s24+$0x9C20]  }
0x1d9: {  	s23 =	sshll.u32 s23, $0x13;
	v1 =	vld [tilespmem:s24+$0x9C30]  }
0x1da: {  	s5 =	sor.u32 s8, s23;
	v0 =	vld [tilespmem:s24+$0x9C40];
	v7 =	vmul.f32 $1.131370830e+01, v2  }
0x1db: {  	s5 =	sshrl.u32 s5, $0x3;
	v2 =	vld [tilespmem:s24+$0x9C50];
	v5 =	vmul.f32 $1.131370830e+01, v5  }
0x1dc: {  	s7 =	simm.s32 $0x400;
	s22 =	sadd.s32 s3, s5;
	s5 =	simm.s32 $0x80;
	v4 =	vld [tilespmem:s24+$0x9C60];
	v6 =	vmul.f32 $1.131370830e+01, v6;
	[tilespmem:s24+$0x19C70] =	vst v7  }
.LBB2_25:
0x1dd: {  	p0 =	sne.s32 s7, $0xFE00;
	v7 =	vld [tilespmem:s5+$0x9C70];
	[tilespmem:s24+$0x19C00] =	vst v5;
	v3 =	vmul.f32 $1.131370830e+01, v3  }
0x1de: {  	v5 =	vld [tilespmem:s5+$0x9C00];
	[tilespmem:s24+$0x19C10] =	vst v6;
	v1 =	vmul.f32 $1.131370830e+01, v1  }
0x1df: {  	v6 =	vld [tilespmem:s5+$0x9C10];
	[tilespmem:s24+$0x19C20] =	vst v3;
	v0 =	vmul.f32 $1.131370830e+01, v0  }
.Ltmp11:
0x1e0: {  	v3 =	vld [tilespmem:s5+$0x9C20];
	[tilespmem:s24+$0x19C30] =	vst v1;
	v2 =	vmul.f32 $1.131370830e+01, v2;
	(pc) =	sbr.rel @p0 .LBB2_25-.Ltmp11, $4  }
0x1e1: {  	v1 =	vld [tilespmem:s5+$0x9C30];
	[tilespmem:s24+$0x19C40] =	vst v0;
	v4 =	vmul.f32 $1.131370830e+01, v4  }
0x1e2: {  	v0 =	vld [tilespmem:s5+$0x9C40];
	v7 =	vmul.f32 $1.131370830e+01, v7;
	[tilespmem:s24+$0x19C50] =	vst v2  }
0x1e3: {  	v5 =	vmul.f32 $1.131370830e+01, v5;
	v2 =	vld [tilespmem:s5+$0x9C50];
	[tilespmem:s24+$0x19C60] =	vst v4;
	s24 =	smov.u32 s5  }
0x1e4: {  	s5 =	sshra.s32 s7, $0x2;
	s7 =	sadd.s32 $0x200, s7;
	v6 =	vmul.f32 $1.131370830e+01, v6;
	v4 =	vld [tilespmem:s24+$0x9C60];
	[tilespmem:s24+$0x19C70] =	vst v7  }
0x1e5: {  	v7 =	vld [tilespmem:s5+$0x9C70];
	[tilespmem:s24+$0x19C00] =	vst v5;
	v3 =	vmul.f32 $1.131370830e+01, v3  }
0x1e6: {  	v5 =	vld [tilespmem:s5+$0x9C00];
	[tilespmem:s24+$0x19C10] =	vst v6;
	v1 =	vmul.f32 $1.131370830e+01, v1  }
0x1e7: {  	v6 =	vld [tilespmem:s5+$0x9C10];
	[tilespmem:s24+$0x19C20] =	vst v3;
	v0 =	vmul.f32 $1.131370830e+01, v0  }
0x1e8: {  	v3 =	vld [tilespmem:s5+$0x9C20];
	[tilespmem:s24+$0x19C30] =	vst v1;
	v2 =	vmul.f32 $1.131370830e+01, v2  }
0x1e9: {  	v1 =	vld [tilespmem:s5+$0x9C30];
	[tilespmem:s24+$0x19C40] =	vst v0;
	v4 =	vmul.f32 $1.131370830e+01, v4  }
0x1ea: {  	v0 =	vld [tilespmem:s5+$0x9C40];
	[tilespmem:s24+$0x19C50] =	vst v2;
	v7 =	vmul.f32 $1.131370830e+01, v7  }
0x1eb: {  	v2 =	vld [tilespmem:s5+$0x9C50];
	[tilespmem:s24+$0x19C60] =	vst v4;
	v4 =	vmul.f32 $1.131370830e+01, v5  }
0x1ec: {  	v5 =	vld [tilespmem:s5+$0x9C60];
	v6 =	vmul.f32 $1.131370830e+01, v6;
	[tilespmem:s5+$0x19C70] =	vst v7  }
0x1ed: {  	[tilespmem:s5+$0x19C00] =	vst v4;
	v3 =	vmul.f32 $1.131370830e+01, v3  }
0x1ee: {  	[tilespmem:s5+$0x19C10] =	vst v6;
	v1 =	vmul.f32 $1.131370830e+01, v1  }
0x1ef: {  	[tilespmem:s5+$0x19C20] =	vst v3;
	v0 =	vmul.f32 $1.131370830e+01, v0  }
0x1f0: {  	[tilespmem:s5+$0x19C30] =	vst v1;
	v1 =	vmul.f32 $1.131370830e+01, v2  }
0x1f1: {  	[tilespmem:s5+$0x19C40] =	vst v0;
	v0 =	vmul.f32 $1.131370830e+01, v5  }
0x1f2: {  	[tilespmem:s5+$0x19C50] =	vst v1  }
0x1f3: {  	s7 =	simm.s32 $0x0;
	s23 =	smul.u32 $0x1800, s19;
	[tilespmem:s5+$0x19C60] =	vst v0  }
0x1f4: {  	[hbm4b:s22+s7] =	stream.linear.scatter [tilespmem:s15], [sflag:$0x7], $0x4000, $0x38;
	[tilespmem:$0x1DC00] =	vst v63  }
0x1f5: {  	_ =	swait.ge [sflag:s16], $0x4000  }
0x1f6: {  	s22 =	sshra.s32 s23, $0x2;
	[sflag:s16] =	ssyncset.done $0x0  }
0x1f7: {  	s5 =	sadd.s32 $0x700, s22;
	[sflag:s16] =	ssyncadd.s32 $0xFFFFC000  }
0x1f8: {  	[tilespmem:s25], [sflag:$0x3] =	stream.indirect.gather [hbm4b:s1+s30], $0x80, s5, s30, $0xb8;
	[tilespmem:$0x1DC00] =	vst v63  }
0x1f9: {  	_ =	swait.ge [sflag:s26], $0x4000  }
0x1fa: {  	[sflag:s26] =	ssyncset.done $0x0  }
0x1fb: {  	s23 =	simm.s32 $0x0;
	[sflag:s26] =	ssyncadd.s32 $0xFFFFC000  }
0x1fc: {  	v2 =	vld [tilespmem:s23+$0x1C70]  }
0x1fd: {  	v5 =	vld [tilespmem:s23+$0x1C00]  }
0x1fe: {  	v6 =	vld [tilespmem:s23+$0x1C10]  }
0x1ff: {  	v3 =	vld [tilespmem:s23+$0x1C20]  }
0x200: {  	s24 =	sshll.u32 s21, $0x13;
	v1 =	vld [tilespmem:s23+$0x1C30]  }
0x201: {  	s5 =	sor.u32 s8, s24;
	v0 =	vld [tilespmem:s23+$0x1C40];
	v7 =	vmul.f32 $1.131370830e+01, v2  }
0x202: {  	s5 =	sshrl.u32 s5, $0x3;
	v2 =	vld [tilespmem:s23+$0x1C50];
	v5 =	vmul.f32 $1.131370830e+01, v5  }
0x203: {  	s7 =	simm.s32 $0x400;
	s21 =	sadd.s32 s3, s5;
	s5 =	simm.s32 $0x80;
	v4 =	vld [tilespmem:s23+$0x1C60];
	v6 =	vmul.f32 $1.131370830e+01, v6;
	[tilespmem:s23+$0xDC70] =	vst v7  }
.LBB2_27:
0x204: {  	p0 =	sne.s32 s7, $0xFE00;
	v7 =	vld [tilespmem:s5+$0x1C70];
	[tilespmem:s23+$0xDC00] =	vst v5;
	v3 =	vmul.f32 $1.131370830e+01, v3  }
0x205: {  	v5 =	vld [tilespmem:s5+$0x1C00];
	[tilespmem:s23+$0xDC10] =	vst v6;
	v1 =	vmul.f32 $1.131370830e+01, v1  }
0x206: {  	v6 =	vld [tilespmem:s5+$0x1C10];
	[tilespmem:s23+$0xDC20] =	vst v3;
	v0 =	vmul.f32 $1.131370830e+01, v0  }
.Ltmp12:
0x207: {  	v3 =	vld [tilespmem:s5+$0x1C20];
	[tilespmem:s23+$0xDC30] =	vst v1;
	v2 =	vmul.f32 $1.131370830e+01, v2;
	(pc) =	sbr.rel @p0 .LBB2_27-.Ltmp12, $4  }
0x208: {  	v1 =	vld [tilespmem:s5+$0x1C30];
	[tilespmem:s23+$0xDC40] =	vst v0;
	v4 =	vmul.f32 $1.131370830e+01, v4  }
0x209: {  	v0 =	vld [tilespmem:s5+$0x1C40];
	v7 =	vmul.f32 $1.131370830e+01, v7;
	[tilespmem:s23+$0xDC50] =	vst v2  }
0x20a: {  	v5 =	vmul.f32 $1.131370830e+01, v5;
	v2 =	vld [tilespmem:s5+$0x1C50];
	[tilespmem:s23+$0xDC60] =	vst v4;
	s23 =	smov.u32 s5  }
0x20b: {  	s5 =	sshra.s32 s7, $0x2;
	s7 =	sadd.s32 $0x200, s7;
	v6 =	vmul.f32 $1.131370830e+01, v6;
	v4 =	vld [tilespmem:s23+$0x1C60];
	[tilespmem:s23+$0xDC70] =	vst v7  }
0x20c: {  	v7 =	vld [tilespmem:s5+$0x1C70];
	[tilespmem:s23+$0xDC00] =	vst v5;
	v3 =	vmul.f32 $1.131370830e+01, v3  }
0x20d: {  	v5 =	vld [tilespmem:s5+$0x1C00];
	[tilespmem:s23+$0xDC10] =	vst v6;
	v1 =	vmul.f32 $1.131370830e+01, v1  }
0x20e: {  	v6 =	vld [tilespmem:s5+$0x1C10];
	[tilespmem:s23+$0xDC20] =	vst v3;
	v0 =	vmul.f32 $1.131370830e+01, v0  }
0x20f: {  	v3 =	vld [tilespmem:s5+$0x1C20];
	[tilespmem:s23+$0xDC30] =	vst v1;
	v2 =	vmul.f32 $1.131370830e+01, v2  }
0x210: {  	v1 =	vld [tilespmem:s5+$0x1C30];
	[tilespmem:s23+$0xDC40] =	vst v0;
	v4 =	vmul.f32 $1.131370830e+01, v4  }
0x211: {  	v0 =	vld [tilespmem:s5+$0x1C40];
	[tilespmem:s23+$0xDC50] =	vst v2;
	v7 =	vmul.f32 $1.131370830e+01, v7  }
0x212: {  	v2 =	vld [tilespmem:s5+$0x1C50];
	[tilespmem:s23+$0xDC60] =	vst v4;
	v4 =	vmul.f32 $1.131370830e+01, v5  }
0x213: {  	v5 =	vld [tilespmem:s5+$0x1C60];
	v6 =	vmul.f32 $1.131370830e+01, v6;
	[tilespmem:s5+$0xDC70] =	vst v7  }
0x214: {  	[tilespmem:s5+$0xDC00] =	vst v4;
	v3 =	vmul.f32 $1.131370830e+01, v3  }
0x215: {  	[tilespmem:s5+$0xDC10] =	vst v6;
	v1 =	vmul.f32 $1.131370830e+01, v1  }
0x216: {  	[tilespmem:s5+$0xDC20] =	vst v3;
	v0 =	vmul.f32 $1.131370830e+01, v0  }
0x217: {  	[tilespmem:s5+$0xDC30] =	vst v1;
	v1 =	vmul.f32 $1.131370830e+01, v2  }
0x218: {  	[tilespmem:s5+$0xDC40] =	vst v0;
	v0 =	vmul.f32 $1.131370830e+01, v5  }
0x219: {  	[tilespmem:s5+$0xDC50] =	vst v1  }
0x21a: {  	s7 =	simm.s32 $0x0;
	[tilespmem:s5+$0xDC60] =	vst v0  }
0x21b: {  	[hbm4b:s21+s7] =	stream.linear.scatter [tilespmem:s2], [sflag:$0x4], $0x4000, $0x38;
	[tilespmem:$0x1DC00] =	vst v63  }
0x21c: {  	_ =	swait.ge [sflag:s17], $0x4000  }
0x21d: {  	[sflag:s17] =	ssyncset.done $0x0  }
0x21e: {  	s23 =	sadd.s32 $0x780, s22;
	[sflag:s17] =	ssyncadd.s32 $0xFFFFC000  }
0x21f: {  	[tilespmem:s31], [sflag:$0x1] =	stream.indirect.gather [hbm4b:s1+s30], $0x80, s23, s30, $0xb8;
	[tilespmem:$0x1DC00] =	vst v63  }
0x220: {  	_ =	swait.ge [sflag:s28], $0x4000  }
0x221: {  	[sflag:s28] =	ssyncset.done $0x0  }
0x222: {  	s21 =	simm.s32 $0x0;
	[sflag:s28] =	ssyncadd.s32 $0xFFFFC000  }
0x223: {  	v2 =	vld [tilespmem:s21+$0x5C70]  }
0x224: {  	v5 =	vld [tilespmem:s21+$0x5C00]  }
0x225: {  	v6 =	vld [tilespmem:s21+$0x5C10]  }
0x226: {  	v3 =	vld [tilespmem:s21+$0x5C20]  }
0x227: {  	s24 =	sshll.u32 s20, $0x13;
	v1 =	vld [tilespmem:s21+$0x5C30]  }
0x228: {  	s5 =	sor.u32 s8, s24;
	v0 =	vld [tilespmem:s21+$0x5C40];
	v7 =	vmul.f32 $1.131370830e+01, v2  }
0x229: {  	s5 =	sshrl.u32 s5, $0x3;
	v2 =	vld [tilespmem:s21+$0x5C50];
	v5 =	vmul.f32 $1.131370830e+01, v5  }
0x22a: {  	s7 =	simm.s32 $0x400;
	s20 =	sadd.s32 s3, s5;
	s5 =	simm.s32 $0x80;
	v4 =	vld [tilespmem:s21+$0x5C60];
	v6 =	vmul.f32 $1.131370830e+01, v6;
	[tilespmem:s21+$0x11C70] =	vst v7  }
.LBB2_29:
0x22b: {  	p0 =	sne.s32 s7, $0xFE00;
	v7 =	vld [tilespmem:s5+$0x5C70];
	[tilespmem:s21+$0x11C00] =	vst v5;
	v3 =	vmul.f32 $1.131370830e+01, v3  }
0x22c: {  	v5 =	vld [tilespmem:s5+$0x5C00];
	[tilespmem:s21+$0x11C10] =	vst v6;
	v1 =	vmul.f32 $1.131370830e+01, v1  }
0x22d: {  	v6 =	vld [tilespmem:s5+$0x5C10];
	[tilespmem:s21+$0x11C20] =	vst v3;
	v0 =	vmul.f32 $1.131370830e+01, v0  }
.Ltmp13:
0x22e: {  	v3 =	vld [tilespmem:s5+$0x5C20];
	[tilespmem:s21+$0x11C30] =	vst v1;
	v2 =	vmul.f32 $1.131370830e+01, v2;
	(pc) =	sbr.rel @p0 .LBB2_29-.Ltmp13, $4  }
0x22f: {  	v1 =	vld [tilespmem:s5+$0x5C30];
	[tilespmem:s21+$0x11C40] =	vst v0;
	v4 =	vmul.f32 $1.131370830e+01, v4  }
0x230: {  	v0 =	vld [tilespmem:s5+$0x5C40];
	v7 =	vmul.f32 $1.131370830e+01, v7;
	[tilespmem:s21+$0x11C50] =	vst v2  }
0x231: {  	v5 =	vmul.f32 $1.131370830e+01, v5;
	v2 =	vld [tilespmem:s5+$0x5C50];
	[tilespmem:s21+$0x11C60] =	vst v4;
	s21 =	smov.u32 s5  }
0x232: {  	s5 =	sshra.s32 s7, $0x2;
	s7 =	sadd.s32 $0x200, s7;
	v6 =	vmul.f32 $1.131370830e+01, v6;
	v4 =	vld [tilespmem:s21+$0x5C60];
	[tilespmem:s21+$0x11C70] =	vst v7  }
0x233: {  	v7 =	vld [tilespmem:s5+$0x5C70];
	[tilespmem:s21+$0x11C00] =	vst v5;
	v3 =	vmul.f32 $1.131370830e+01, v3  }
0x234: {  	v5 =	vld [tilespmem:s5+$0x5C00];
	[tilespmem:s21+$0x11C10] =	vst v6;
	v1 =	vmul.f32 $1.131370830e+01, v1  }
0x235: {  	v6 =	vld [tilespmem:s5+$0x5C10];
	[tilespmem:s21+$0x11C20] =	vst v3;
	v0 =	vmul.f32 $1.131370830e+01, v0  }
0x236: {  	v3 =	vld [tilespmem:s5+$0x5C20];
	[tilespmem:s21+$0x11C30] =	vst v1;
	v2 =	vmul.f32 $1.131370830e+01, v2  }
0x237: {  	v1 =	vld [tilespmem:s5+$0x5C30];
	[tilespmem:s21+$0x11C40] =	vst v0;
	v4 =	vmul.f32 $1.131370830e+01, v4  }
0x238: {  	v0 =	vld [tilespmem:s5+$0x5C40];
	[tilespmem:s21+$0x11C50] =	vst v2;
	v7 =	vmul.f32 $1.131370830e+01, v7  }
0x239: {  	v2 =	vld [tilespmem:s5+$0x5C50];
	[tilespmem:s21+$0x11C60] =	vst v4;
	v60 =	vmul.f32 $1.131370830e+01, v5  }
0x23a: {  	v61 =	vld [tilespmem:s5+$0x5C60];
	v6 =	vmul.f32 $1.131370830e+01, v6;
	[tilespmem:s5+$0x11C70] =	vst v7  }
0x23b: {  	[tilespmem:s5+$0x11C00] =	vst v60;
	v3 =	vmul.f32 $1.131370830e+01, v3  }
0x23c: {  	s19 =	sadd.s32 $0x1, s19;
	[tilespmem:s5+$0x11C10] =	vst v6;
	v1 =	vmul.f32 $1.131370830e+01, v1  }
0x23d: {  	p0 =	sne.s32 s19, $0x3;
	[tilespmem:s5+$0x11C20] =	vst v3;
	v0 =	vmul.f32 $1.131370830e+01, v0  }
.Ltmp14:
0x23e: {  	[tilespmem:s5+$0x11C30] =	vst v1;
	v62 =	vmul.f32 $1.131370830e+01, v2;
	(pc) =	sbr.rel @p0 .LBB2_6-.Ltmp14, $4  }
0x23f: {  	[tilespmem:s5+$0x11C40] =	vst v0;
	v63 =	vmul.f32 $1.131370830e+01, v61  }
0x240: {  	[tilespmem:s5+$0x11C50] =	vst v62  }
0x241: {  	[tilespmem:s5+$0x11C60] =	vst v63  }
0x242: {  	[hbm4b:s20+s4] =	stream.linear.scatter [tilespmem:s6], [sflag:$0x5], $0x4000, $0x38;
	[tilespmem:$0x1DC00] =	vst v63  }
0x243: {  	_ =	swait.ge [sflag:s9], $0x4000  }
0x244: {  	[sflag:s9] =	ssyncset.done $0x0  }
0x245: {  	s5 =	simm.s32 $0x1400;
	[sflag:s9] =	ssyncadd.s32 $0xFFFFC000  }
0x246: {  	[tilespmem:s0], [sflag:$0x2] =	stream.indirect.gather [hbm4b:s1+s30], $0x80, s5, s30, $0xb8;
	[tilespmem:$0x1DC00] =	vst v63  }
0x247: {  	_ =	swait.ge [sflag:s12], $0x4000  }
0x248: {  	[sflag:s12] =	ssyncset.done $0x0  }
0x249: {  	s19 =	simm.s32 $0x0;
	[sflag:s12] =	ssyncadd.s32 $0xFFFFC000  }
0x24a: {  	v1 =	vld [tilespmem:s19+$0x9C70]  }
0x24b: {  	v5 =	vld [tilespmem:s19+$0x9C00]  }
0x24c: {  	v6 =	vld [tilespmem:s19+$0x9C10]  }
0x24d: {  	v4 =	vld [tilespmem:s19+$0x9C20]  }
0x24e: {  	v3 =	vld [tilespmem:s19+$0x9C30]  }
0x24f: {  	v0 =	vld [tilespmem:s19+$0x9C40];
	v7 =	vmul.f32 $1.131370830e+01, v1  }
0x250: {  	v1 =	vld [tilespmem:s19+$0x9C50];
	v5 =	vmul.f32 $1.131370830e+01, v5  }
0x251: {  	s7 =	simm.s32 $0x400;
	s5 =	simm.s32 $0x80;
	v2 =	vld [tilespmem:s19+$0x9C60];
	v6 =	vmul.f32 $1.131370830e+01, v6;
	[tilespmem:s19+$0x15C70] =	vst v7  }
.LBB2_32:
0x252: {  	p0 =	sne.s32 s7, $0xFE00;
	v7 =	vld [tilespmem:s5+$0x9C70];
	[tilespmem:s19+$0x15C00] =	vst v5;
	v4 =	vmul.f32 $1.131370830e+01, v4  }
0x253: {  	v5 =	vld [tilespmem:s5+$0x9C00];
	[tilespmem:s19+$0x15C10] =	vst v6;
	v3 =	vmul.f32 $1.131370830e+01, v3  }
0x254: {  	v6 =	vld [tilespmem:s5+$0x9C10];
	[tilespmem:s19+$0x15C20] =	vst v4;
	v0 =	vmul.f32 $1.131370830e+01, v0  }
.Ltmp15:
0x255: {  	v4 =	vld [tilespmem:s5+$0x9C20];
	[tilespmem:s19+$0x15C30] =	vst v3;
	v1 =	vmul.f32 $1.131370830e+01, v1;
	(pc) =	sbr.rel @p0 .LBB2_32-.Ltmp15, $4  }
0x256: {  	v3 =	vld [tilespmem:s5+$0x9C30];
	[tilespmem:s19+$0x15C40] =	vst v0;
	v2 =	vmul.f32 $1.131370830e+01, v2  }
0x257: {  	v0 =	vld [tilespmem:s5+$0x9C40];
	v7 =	vmul.f32 $1.131370830e+01, v7;
	[tilespmem:s19+$0x15C50] =	vst v1  }
0x258: {  	v5 =	vmul.f32 $1.131370830e+01, v5;
	v1 =	vld [tilespmem:s5+$0x9C50];
	[tilespmem:s19+$0x15C60] =	vst v2;
	s19 =	smov.u32 s5  }
0x259: {  	s5 =	sshra.s32 s7, $0x2;
	s7 =	sadd.s32 $0x200, s7;
	v6 =	vmul.f32 $1.131370830e+01, v6;
	v2 =	vld [tilespmem:s19+$0x9C60];
	[tilespmem:s19+$0x15C70] =	vst v7  }
0x25a: {  	v7 =	vld [tilespmem:s5+$0x9C70];
	[tilespmem:s19+$0x15C00] =	vst v5;
	v4 =	vmul.f32 $1.131370830e+01, v4  }
0x25b: {  	v5 =	vld [tilespmem:s5+$0x9C00];
	[tilespmem:s19+$0x15C10] =	vst v6;
	v3 =	vmul.f32 $1.131370830e+01, v3  }
0x25c: {  	v6 =	vld [tilespmem:s5+$0x9C10];
	[tilespmem:s19+$0x15C20] =	vst v4;
	v0 =	vmul.f32 $1.131370830e+01, v0  }
0x25d: {  	v4 =	vld [tilespmem:s5+$0x9C20];
	[tilespmem:s19+$0x15C30] =	vst v3;
	v1 =	vmul.f32 $1.131370830e+01, v1  }
0x25e: {  	v3 =	vld [tilespmem:s5+$0x9C30];
	[tilespmem:s19+$0x15C40] =	vst v0;
	v2 =	vmul.f32 $1.131370830e+01, v2  }
0x25f: {  	v0 =	vld [tilespmem:s5+$0x9C40];
	[tilespmem:s19+$0x15C50] =	vst v1;
	v7 =	vmul.f32 $1.131370830e+01, v7  }
0x260: {  	v1 =	vld [tilespmem:s5+$0x9C50];
	[tilespmem:s19+$0x15C60] =	vst v2;
	v2 =	vmul.f32 $1.131370830e+01, v5  }
0x261: {  	v5 =	vld [tilespmem:s5+$0x9C60];
	v6 =	vmul.f32 $1.131370830e+01, v6;
	[tilespmem:s5+$0x15C70] =	vst v7  }
0x262: {  	[tilespmem:s5+$0x15C00] =	vst v2;
	v2 =	vmul.f32 $1.131370830e+01, v4  }
0x263: {  	[tilespmem:s5+$0x15C10] =	vst v6;
	v3 =	vmul.f32 $1.131370830e+01, v3  }
0x264: {  	[tilespmem:s5+$0x15C20] =	vst v2;
	v0 =	vmul.f32 $1.131370830e+01, v0  }
0x265: {  	[tilespmem:s5+$0x15C30] =	vst v3;
	v1 =	vmul.f32 $1.131370830e+01, v1  }
0x266: {  	[tilespmem:s5+$0x15C40] =	vst v0;
	v0 =	vmul.f32 $1.131370830e+01, v5  }
0x267: {  	[tilespmem:s5+$0x15C50] =	vst v1  }
0x268: {  	s23 =	simm.s32 $0x0;
	s7 =	rddreg [dreg:$0x8];
	[tilespmem:s5+$0x15C60] =	vst v0  }
0x269: {  	[hbm4b:s7+s23] =	stream.linear.scatter [tilespmem:s13], [sflag:$0x6], $0x4000, $0x38;
	[tilespmem:$0x1DC00] =	vst v63  }
0x26a: {  	_ =	swait.ge [sflag:s14], $0x4000  }
0x26b: {  	[sflag:s14] =	ssyncset.done $0x0  }
0x26c: {  	s24 =	simm.s32 $0x1480;
	[sflag:s14] =	ssyncadd.s32 $0xFFFFC000  }
0x26d: {  	[tilespmem:s25], [sflag:$0x3] =	stream.indirect.gather [hbm4b:s1+s30], $0x80, s24, s30, $0xb8;
	[tilespmem:$0x1DC00] =	vst v63  }
0x26e: {  	_ =	swait.ge [sflag:s26], $0x4000  }
0x26f: {  	[sflag:s26] =	ssyncset.done $0x0  }
0x270: {  	s19 =	simm.s32 $0x0;
	[sflag:s26] =	ssyncadd.s32 $0xFFFFC000  }
0x271: {  	v1 =	vld [tilespmem:s19+$0x1C70]  }
0x272: {  	v5 =	vld [tilespmem:s19+$0x1C00]  }
0x273: {  	v6 =	vld [tilespmem:s19+$0x1C10]  }
0x274: {  	v4 =	vld [tilespmem:s19+$0x1C20]  }
0x275: {  	v3 =	vld [tilespmem:s19+$0x1C30]  }
0x276: {  	v0 =	vld [tilespmem:s19+$0x1C40];
	v7 =	vmul.f32 $1.131370830e+01, v1  }
0x277: {  	v1 =	vld [tilespmem:s19+$0x1C50];
	v5 =	vmul.f32 $1.131370830e+01, v5  }
0x278: {  	s20 =	simm.s32 $0x1800;
	s5 =	simm.s32 $0x80;
	s7 =	simm.s32 $0x400;
	v2 =	vld [tilespmem:s19+$0x1C60];
	v6 =	vmul.f32 $1.131370830e+01, v6;
	[tilespmem:s19+$0x19C70] =	vst v7  }
.LBB2_34:
0x279: {  	p0 =	sne.s32 s7, $0xFE00;
	v7 =	vld [tilespmem:s5+$0x1C70];
	[tilespmem:s19+$0x19C00] =	vst v5;
	v4 =	vmul.f32 $1.131370830e+01, v4  }
0x27a: {  	v5 =	vld [tilespmem:s5+$0x1C00];
	[tilespmem:s19+$0x19C10] =	vst v6;
	v3 =	vmul.f32 $1.131370830e+01, v3  }
0x27b: {  	v6 =	vld [tilespmem:s5+$0x1C10];
	[tilespmem:s19+$0x19C20] =	vst v4;
	v0 =	vmul.f32 $1.131370830e+01, v0  }
.Ltmp16:
0x27c: {  	v4 =	vld [tilespmem:s5+$0x1C20];
	[tilespmem:s19+$0x19C30] =	vst v3;
	v1 =	vmul.f32 $1.131370830e+01, v1;
	(pc) =	sbr.rel @p0 .LBB2_34-.Ltmp16, $4  }
0x27d: {  	v3 =	vld [tilespmem:s5+$0x1C30];
	[tilespmem:s19+$0x19C40] =	vst v0;
	v2 =	vmul.f32 $1.131370830e+01, v2  }
0x27e: {  	v0 =	vld [tilespmem:s5+$0x1C40];
	v7 =	vmul.f32 $1.131370830e+01, v7;
	[tilespmem:s19+$0x19C50] =	vst v1  }
0x27f: {  	v5 =	vmul.f32 $1.131370830e+01, v5;
	v1 =	vld [tilespmem:s5+$0x1C50];
	[tilespmem:s19+$0x19C60] =	vst v2;
	s19 =	smov.u32 s5  }
0x280: {  	s5 =	sshra.s32 s7, $0x2;
	s7 =	sadd.s32 $0x200, s7;
	v6 =	vmul.f32 $1.131370830e+01, v6;
	v2 =	vld [tilespmem:s19+$0x1C60];
	[tilespmem:s19+$0x19C70] =	vst v7  }
0x281: {  	v7 =	vld [tilespmem:s5+$0x1C70];
	[tilespmem:s19+$0x19C00] =	vst v5;
	v4 =	vmul.f32 $1.131370830e+01, v4  }
0x282: {  	v5 =	vld [tilespmem:s5+$0x1C00];
	[tilespmem:s19+$0x19C10] =	vst v6;
	v3 =	vmul.f32 $1.131370830e+01, v3  }
0x283: {  	v6 =	vld [tilespmem:s5+$0x1C10];
	[tilespmem:s19+$0x19C20] =	vst v4;
	v0 =	vmul.f32 $1.131370830e+01, v0  }
0x284: {  	v4 =	vld [tilespmem:s5+$0x1C20];
	[tilespmem:s19+$0x19C30] =	vst v3;
	v1 =	vmul.f32 $1.131370830e+01, v1  }
0x285: {  	v3 =	vld [tilespmem:s5+$0x1C30];
	[tilespmem:s19+$0x19C40] =	vst v0;
	v2 =	vmul.f32 $1.131370830e+01, v2  }
0x286: {  	v0 =	vld [tilespmem:s5+$0x1C40];
	[tilespmem:s19+$0x19C50] =	vst v1;
	v7 =	vmul.f32 $1.131370830e+01, v7  }
0x287: {  	v1 =	vld [tilespmem:s5+$0x1C50];
	[tilespmem:s19+$0x19C60] =	vst v2;
	v2 =	vmul.f32 $1.131370830e+01, v5  }
0x288: {  	v5 =	vld [tilespmem:s5+$0x1C60];
	v6 =	vmul.f32 $1.131370830e+01, v6;
	[tilespmem:s5+$0x19C70] =	vst v7  }
0x289: {  	[tilespmem:s5+$0x19C00] =	vst v2;
	v2 =	vmul.f32 $1.131370830e+01, v4  }
0x28a: {  	[tilespmem:s5+$0x19C10] =	vst v6;
	v3 =	vmul.f32 $1.131370830e+01, v3  }
0x28b: {  	[tilespmem:s5+$0x19C20] =	vst v2;
	v0 =	vmul.f32 $1.131370830e+01, v0  }
0x28c: {  	[tilespmem:s5+$0x19C30] =	vst v3;
	v1 =	vmul.f32 $1.131370830e+01, v1  }
0x28d: {  	[tilespmem:s5+$0x19C40] =	vst v0;
	v0 =	vmul.f32 $1.131370830e+01, v5  }
0x28e: {  	[tilespmem:s5+$0x19C50] =	vst v1  }
0x28f: {  	s23 =	simm.s32 $0x0;
	s7 =	rddreg [dreg:$0x9];
	[tilespmem:s5+$0x19C60] =	vst v0  }
0x290: {  	[hbm4b:s7+s23] =	stream.linear.scatter [tilespmem:s15], [sflag:$0x7], $0x4000, $0x38;
	[tilespmem:$0x1DC00] =	vst v63  }
0x291: {  	_ =	swait.ge [sflag:s16], $0x4000  }
0x292: {  	[sflag:s16] =	ssyncset.done $0x0  }
0x293: {  	s24 =	simm.s32 $0x1500;
	[sflag:s16] =	ssyncadd.s32 $0xFFFFC000  }
0x294: {  	[tilespmem:s31], [sflag:$0x1] =	stream.indirect.gather [hbm4b:s1+s30], $0x80, s24, s30, $0xb8;
	[tilespmem:$0x1DC00] =	vst v63  }
0x295: {  	_ =	swait.ge [sflag:s28], $0x4000  }
0x296: {  	[sflag:s28] =	ssyncset.done $0x0  }
0x297: {  	s19 =	simm.s32 $0x0;
	[sflag:s28] =	ssyncadd.s32 $0xFFFFC000  }
0x298: {  	v1 =	vld [tilespmem:s19+$0x5C70]  }
0x299: {  	v5 =	vld [tilespmem:s19+$0x5C00]  }
0x29a: {  	v6 =	vld [tilespmem:s19+$0x5C10]  }
0x29b: {  	v4 =	vld [tilespmem:s19+$0x5C20]  }
0x29c: {  	v3 =	vld [tilespmem:s19+$0x5C30]  }
0x29d: {  	v0 =	vld [tilespmem:s19+$0x5C40];
	v7 =	vmul.f32 $1.131370830e+01, v1  }
0x29e: {  	v1 =	vld [tilespmem:s19+$0x5C50];
	v5 =	vmul.f32 $1.131370830e+01, v5  }
0x29f: {  	s5 =	simm.s32 $0x80;
	s7 =	simm.s32 $0x400;
	v2 =	vld [tilespmem:s19+$0x5C60];
	v6 =	vmul.f32 $1.131370830e+01, v6;
	[tilespmem:s19+$0xDC70] =	vst v7  }
.LBB2_36:
0x2a0: {  	p0 =	sne.s32 s7, $0xFE00;
	v7 =	vld [tilespmem:s5+$0x5C70];
	[tilespmem:s19+$0xDC00] =	vst v5;
	v4 =	vmul.f32 $1.131370830e+01, v4  }
0x2a1: {  	v5 =	vld [tilespmem:s5+$0x5C00];
	[tilespmem:s19+$0xDC10] =	vst v6;
	v3 =	vmul.f32 $1.131370830e+01, v3  }
0x2a2: {  	v6 =	vld [tilespmem:s5+$0x5C10];
	[tilespmem:s19+$0xDC20] =	vst v4;
	v0 =	vmul.f32 $1.131370830e+01, v0  }
.Ltmp17:
0x2a3: {  	v4 =	vld [tilespmem:s5+$0x5C20];
	[tilespmem:s19+$0xDC30] =	vst v3;
	v1 =	vmul.f32 $1.131370830e+01, v1;
	(pc) =	sbr.rel @p0 .LBB2_36-.Ltmp17, $4  }
0x2a4: {  	v3 =	vld [tilespmem:s5+$0x5C30];
	[tilespmem:s19+$0xDC40] =	vst v0;
	v2 =	vmul.f32 $1.131370830e+01, v2  }
0x2a5: {  	v0 =	vld [tilespmem:s5+$0x5C40];
	v7 =	vmul.f32 $1.131370830e+01, v7;
	[tilespmem:s19+$0xDC50] =	vst v1  }
0x2a6: {  	v5 =	vmul.f32 $1.131370830e+01, v5;
	v1 =	vld [tilespmem:s5+$0x5C50];
	[tilespmem:s19+$0xDC60] =	vst v2;
	s19 =	smov.u32 s5  }
0x2a7: {  	s5 =	sshra.s32 s7, $0x2;
	s7 =	sadd.s32 $0x200, s7;
	v6 =	vmul.f32 $1.131370830e+01, v6;
	v2 =	vld [tilespmem:s19+$0x5C60];
	[tilespmem:s19+$0xDC70] =	vst v7  }
0x2a8: {  	v7 =	vld [tilespmem:s5+$0x5C70];
	[tilespmem:s19+$0xDC00] =	vst v5;
	v4 =	vmul.f32 $1.131370830e+01, v4  }
0x2a9: {  	v5 =	vld [tilespmem:s5+$0x5C00];
	[tilespmem:s19+$0xDC10] =	vst v6;
	v3 =	vmul.f32 $1.131370830e+01, v3  }
0x2aa: {  	v6 =	vld [tilespmem:s5+$0x5C10];
	[tilespmem:s19+$0xDC20] =	vst v4;
	v0 =	vmul.f32 $1.131370830e+01, v0  }
0x2ab: {  	v4 =	vld [tilespmem:s5+$0x5C20];
	[tilespmem:s19+$0xDC30] =	vst v3;
	v1 =	vmul.f32 $1.131370830e+01, v1  }
0x2ac: {  	v3 =	vld [tilespmem:s5+$0x5C30];
	[tilespmem:s19+$0xDC40] =	vst v0;
	v2 =	vmul.f32 $1.131370830e+01, v2  }
0x2ad: {  	v0 =	vld [tilespmem:s5+$0x5C40];
	[tilespmem:s19+$0xDC50] =	vst v1;
	v7 =	vmul.f32 $1.131370830e+01, v7  }
0x2ae: {  	v1 =	vld [tilespmem:s5+$0x5C50];
	[tilespmem:s19+$0xDC60] =	vst v2;
	v2 =	vmul.f32 $1.131370830e+01, v5  }
0x2af: {  	v5 =	vld [tilespmem:s5+$0x5C60];
	v6 =	vmul.f32 $1.131370830e+01, v6;
	[tilespmem:s5+$0xDC70] =	vst v7  }
0x2b0: {  	[tilespmem:s5+$0xDC00] =	vst v2;
	v2 =	vmul.f32 $1.131370830e+01, v4  }
0x2b1: {  	[tilespmem:s5+$0xDC10] =	vst v6;
	v3 =	vmul.f32 $1.131370830e+01, v3  }
0x2b2: {  	[tilespmem:s5+$0xDC20] =	vst v2;
	v0 =	vmul.f32 $1.131370830e+01, v0  }
0x2b3: {  	[tilespmem:s5+$0xDC30] =	vst v3;
	v1 =	vmul.f32 $1.131370830e+01, v1  }
0x2b4: {  	[tilespmem:s5+$0xDC40] =	vst v0;
	v0 =	vmul.f32 $1.131370830e+01, v5  }
0x2b5: {  	[tilespmem:s5+$0xDC50] =	vst v1  }
0x2b6: {  	s23 =	simm.s32 $0x0;
	s7 =	rddreg [dreg:$0xa];
	[tilespmem:s5+$0xDC60] =	vst v0  }
0x2b7: {  	[hbm4b:s7+s23] =	stream.linear.scatter [tilespmem:s2], [sflag:$0x4], $0x4000, $0x38;
	[tilespmem:$0x1DC00] =	vst v63  }
0x2b8: {  	_ =	swait.ge [sflag:s17], $0x4000  }
0x2b9: {  	[sflag:s17] =	ssyncset.done $0x0  }
0x2ba: {  	s24 =	simm.s32 $0x1580;
	[sflag:s17] =	ssyncadd.s32 $0xFFFFC000  }
0x2bb: {  	[tilespmem:s0], [sflag:$0x2] =	stream.indirect.gather [hbm4b:s1+s30], $0x80, s24, s30, $0xb8;
	[tilespmem:$0x1DC00] =	vst v63  }
0x2bc: {  	_ =	swait.ge [sflag:s12], $0x4000  }
0x2bd: {  	[sflag:s12] =	ssyncset.done $0x0  }
0x2be: {  	s19 =	simm.s32 $0x0;
	[sflag:s12] =	ssyncadd.s32 $0xFFFFC000  }
0x2bf: {  	v1 =	vld [tilespmem:s19+$0x9C70]  }
0x2c0: {  	v5 =	vld [tilespmem:s19+$0x9C00]  }
0x2c1: {  	v6 =	vld [tilespmem:s19+$0x9C10]  }
0x2c2: {  	v4 =	vld [tilespmem:s19+$0x9C20]  }
0x2c3: {  	v3 =	vld [tilespmem:s19+$0x9C30]  }
0x2c4: {  	v0 =	vld [tilespmem:s19+$0x9C40];
	v7 =	vmul.f32 $1.131370830e+01, v1  }
0x2c5: {  	v1 =	vld [tilespmem:s19+$0x9C50];
	v5 =	vmul.f32 $1.131370830e+01, v5  }
0x2c6: {  	s5 =	simm.s32 $0x80;
	s7 =	simm.s32 $0x400;
	v2 =	vld [tilespmem:s19+$0x9C60];
	v6 =	vmul.f32 $1.131370830e+01, v6;
	[tilespmem:s19+$0x11C70] =	vst v7  }
.LBB2_38:
0x2c7: {  	p0 =	sne.s32 s7, $0xFE00;
	v7 =	vld [tilespmem:s5+$0x9C70];
	[tilespmem:s19+$0x11C00] =	vst v5;
	v4 =	vmul.f32 $1.131370830e+01, v4  }
0x2c8: {  	v5 =	vld [tilespmem:s5+$0x9C00];
	[tilespmem:s19+$0x11C10] =	vst v6;
	v3 =	vmul.f32 $1.131370830e+01, v3  }
0x2c9: {  	v6 =	vld [tilespmem:s5+$0x9C10];
	[tilespmem:s19+$0x11C20] =	vst v4;
	v0 =	vmul.f32 $1.131370830e+01, v0  }
.Ltmp18:
0x2ca: {  	v4 =	vld [tilespmem:s5+$0x9C20];
	[tilespmem:s19+$0x11C30] =	vst v3;
	v1 =	vmul.f32 $1.131370830e+01, v1;
	(pc) =	sbr.rel @p0 .LBB2_38-.Ltmp18, $4  }
0x2cb: {  	v3 =	vld [tilespmem:s5+$0x9C30];
	[tilespmem:s19+$0x11C40] =	vst v0;
	v2 =	vmul.f32 $1.131370830e+01, v2  }
0x2cc: {  	v0 =	vld [tilespmem:s5+$0x9C40];
	v7 =	vmul.f32 $1.131370830e+01, v7;
	[tilespmem:s19+$0x11C50] =	vst v1  }
0x2cd: {  	v5 =	vmul.f32 $1.131370830e+01, v5;
	v1 =	vld [tilespmem:s5+$0x9C50];
	[tilespmem:s19+$0x11C60] =	vst v2;
	s19 =	smov.u32 s5  }
0x2ce: {  	s5 =	sshra.s32 s7, $0x2;
	s7 =	sadd.s32 $0x200, s7;
	v6 =	vmul.f32 $1.131370830e+01, v6;
	v2 =	vld [tilespmem:s19+$0x9C60];
	[tilespmem:s19+$0x11C70] =	vst v7  }
0x2cf: {  	v7 =	vld [tilespmem:s5+$0x9C70];
	[tilespmem:s19+$0x11C00] =	vst v5;
	v4 =	vmul.f32 $1.131370830e+01, v4  }
0x2d0: {  	v5 =	vld [tilespmem:s5+$0x9C00];
	[tilespmem:s19+$0x11C10] =	vst v6;
	v3 =	vmul.f32 $1.131370830e+01, v3  }
0x2d1: {  	v6 =	vld [tilespmem:s5+$0x9C10];
	[tilespmem:s19+$0x11C20] =	vst v4;
	v0 =	vmul.f32 $1.131370830e+01, v0  }
0x2d2: {  	v4 =	vld [tilespmem:s5+$0x9C20];
	[tilespmem:s19+$0x11C30] =	vst v3;
	v1 =	vmul.f32 $1.131370830e+01, v1  }
0x2d3: {  	v3 =	vld [tilespmem:s5+$0x9C30];
	[tilespmem:s19+$0x11C40] =	vst v0;
	v2 =	vmul.f32 $1.131370830e+01, v2  }
0x2d4: {  	v0 =	vld [tilespmem:s5+$0x9C40];
	[tilespmem:s19+$0x11C50] =	vst v1;
	v7 =	vmul.f32 $1.131370830e+01, v7  }
0x2d5: {  	v1 =	vld [tilespmem:s5+$0x9C50];
	[tilespmem:s19+$0x11C60] =	vst v2;
	v2 =	vmul.f32 $1.131370830e+01, v5  }
0x2d6: {  	v5 =	vld [tilespmem:s5+$0x9C60];
	v6 =	vmul.f32 $1.131370830e+01, v6;
	[tilespmem:s5+$0x11C70] =	vst v7  }
0x2d7: {  	[tilespmem:s5+$0x11C00] =	vst v2;
	v2 =	vmul.f32 $1.131370830e+01, v4  }
0x2d8: {  	[tilespmem:s5+$0x11C10] =	vst v6;
	v3 =	vmul.f32 $1.131370830e+01, v3  }
0x2d9: {  	[tilespmem:s5+$0x11C20] =	vst v2;
	v0 =	vmul.f32 $1.131370830e+01, v0  }
0x2da: {  	[tilespmem:s5+$0x11C30] =	vst v3;
	v1 =	vmul.f32 $1.131370830e+01, v1  }
0x2db: {  	[tilespmem:s5+$0x11C40] =	vst v0;
	v0 =	vmul.f32 $1.131370830e+01, v5  }
0x2dc: {  	[tilespmem:s5+$0x11C50] =	vst v1  }
0x2dd: {  	s23 =	simm.s32 $0x0;
	s7 =	rddreg [dreg:$0xb];
	[tilespmem:s5+$0x11C60] =	vst v0  }
0x2de: {  	[hbm4b:s7+s23] =	stream.linear.scatter [tilespmem:s6], [sflag:$0x5], $0x4000, $0x38;
	[tilespmem:$0x1DC00] =	vst v63  }
0x2df: {  	_ =	swait.ge [sflag:s9], $0x4000  }
0x2e0: {  	[sflag:s9] =	ssyncset.done $0x0  }
0x2e1: {  	s24 =	simm.s32 $0x1600;
	[sflag:s9] =	ssyncadd.s32 $0xFFFFC000  }
0x2e2: {  	[tilespmem:s25], [sflag:$0x3] =	stream.indirect.gather [hbm4b:s1+s30], $0x80, s24, s30, $0xb8;
	[tilespmem:$0x1DC00] =	vst v63  }
0x2e3: {  	_ =	swait.ge [sflag:s26], $0x4000  }
0x2e4: {  	[sflag:s26] =	ssyncset.done $0x0  }
0x2e5: {  	s19 =	simm.s32 $0x0;
	[sflag:s26] =	ssyncadd.s32 $0xFFFFC000  }
0x2e6: {  	v1 =	vld [tilespmem:s19+$0x1C70]  }
0x2e7: {  	v5 =	vld [tilespmem:s19+$0x1C00]  }
0x2e8: {  	v6 =	vld [tilespmem:s19+$0x1C10]  }
0x2e9: {  	v4 =	vld [tilespmem:s19+$0x1C20]  }
0x2ea: {  	v3 =	vld [tilespmem:s19+$0x1C30]  }
0x2eb: {  	v0 =	vld [tilespmem:s19+$0x1C40];
	v7 =	vmul.f32 $1.131370830e+01, v1  }
0x2ec: {  	v1 =	vld [tilespmem:s19+$0x1C50];
	v5 =	vmul.f32 $1.131370830e+01, v5  }
0x2ed: {  	s5 =	simm.s32 $0x80;
	s7 =	simm.s32 $0x400;
	v2 =	vld [tilespmem:s19+$0x1C60];
	v6 =	vmul.f32 $1.131370830e+01, v6;
	[tilespmem:s19+$0x15C70] =	vst v7  }
.LBB2_40:
0x2ee: {  	p0 =	sne.s32 s7, $0xFE00;
	v7 =	vld [tilespmem:s5+$0x1C70];
	[tilespmem:s19+$0x15C00] =	vst v5;
	v4 =	vmul.f32 $1.131370830e+01, v4  }
0x2ef: {  	v5 =	vld [tilespmem:s5+$0x1C00];
	[tilespmem:s19+$0x15C10] =	vst v6;
	v3 =	vmul.f32 $1.131370830e+01, v3  }
0x2f0: {  	v6 =	vld [tilespmem:s5+$0x1C10];
	[tilespmem:s19+$0x15C20] =	vst v4;
	v0 =	vmul.f32 $1.131370830e+01, v0  }
.Ltmp19:
0x2f1: {  	v4 =	vld [tilespmem:s5+$0x1C20];
	[tilespmem:s19+$0x15C30] =	vst v3;
	v1 =	vmul.f32 $1.131370830e+01, v1;
	(pc) =	sbr.rel @p0 .LBB2_40-.Ltmp19, $4  }
0x2f2: {  	v3 =	vld [tilespmem:s5+$0x1C30];
	[tilespmem:s19+$0x15C40] =	vst v0;
	v2 =	vmul.f32 $1.131370830e+01, v2  }
0x2f3: {  	v0 =	vld [tilespmem:s5+$0x1C40];
	v7 =	vmul.f32 $1.131370830e+01, v7;
	[tilespmem:s19+$0x15C50] =	vst v1  }
0x2f4: {  	v5 =	vmul.f32 $1.131370830e+01, v5;
	v1 =	vld [tilespmem:s5+$0x1C50];
	[tilespmem:s19+$0x15C60] =	vst v2;
	s19 =	smov.u32 s5  }
0x2f5: {  	s5 =	sshra.s32 s7, $0x2;
	s7 =	sadd.s32 $0x200, s7;
	v6 =	vmul.f32 $1.131370830e+01, v6;
	v2 =	vld [tilespmem:s19+$0x1C60];
	[tilespmem:s19+$0x15C70] =	vst v7  }
0x2f6: {  	v7 =	vld [tilespmem:s5+$0x1C70];
	[tilespmem:s19+$0x15C00] =	vst v5;
	v4 =	vmul.f32 $1.131370830e+01, v4  }
0x2f7: {  	v5 =	vld [tilespmem:s5+$0x1C00];
	[tilespmem:s19+$0x15C10] =	vst v6;
	v3 =	vmul.f32 $1.131370830e+01, v3  }
0x2f8: {  	v6 =	vld [tilespmem:s5+$0x1C10];
	[tilespmem:s19+$0x15C20] =	vst v4;
	v0 =	vmul.f32 $1.131370830e+01, v0  }
0x2f9: {  	v4 =	vld [tilespmem:s5+$0x1C20];
	[tilespmem:s19+$0x15C30] =	vst v3;
	v1 =	vmul.f32 $1.131370830e+01, v1  }
0x2fa: {  	v3 =	vld [tilespmem:s5+$0x1C30];
	[tilespmem:s19+$0x15C40] =	vst v0;
	v2 =	vmul.f32 $1.131370830e+01, v2  }
0x2fb: {  	v0 =	vld [tilespmem:s5+$0x1C40];
	[tilespmem:s19+$0x15C50] =	vst v1;
	v7 =	vmul.f32 $1.131370830e+01, v7  }
0x2fc: {  	v1 =	vld [tilespmem:s5+$0x1C50];
	[tilespmem:s19+$0x15C60] =	vst v2;
	v2 =	vmul.f32 $1.131370830e+01, v5  }
0x2fd: {  	v5 =	vld [tilespmem:s5+$0x1C60];
	v6 =	vmul.f32 $1.131370830e+01, v6;
	[tilespmem:s5+$0x15C70] =	vst v7  }
0x2fe: {  	[tilespmem:s5+$0x15C00] =	vst v2;
	v2 =	vmul.f32 $1.131370830e+01, v4  }
0x2ff: {  	[tilespmem:s5+$0x15C10] =	vst v6;
	v3 =	vmul.f32 $1.131370830e+01, v3  }
0x300: {  	[tilespmem:s5+$0x15C20] =	vst v2;
	v0 =	vmul.f32 $1.131370830e+01, v0  }
0x301: {  	[tilespmem:s5+$0x15C30] =	vst v3;
	v1 =	vmul.f32 $1.131370830e+01, v1  }
0x302: {  	[tilespmem:s5+$0x15C40] =	vst v0;
	v0 =	vmul.f32 $1.131370830e+01, v5  }
0x303: {  	[tilespmem:s5+$0x15C50] =	vst v1  }
0x304: {  	s23 =	simm.s32 $0x0;
	s7 =	rddreg [dreg:$0xc];
	[tilespmem:s5+$0x15C60] =	vst v0  }
0x305: {  	[hbm4b:s7+s23] =	stream.linear.scatter [tilespmem:s13], [sflag:$0x6], $0x4000, $0x38;
	[tilespmem:$0x1DC00] =	vst v63  }
0x306: {  	_ =	swait.ge [sflag:s14], $0x4000  }
0x307: {  	[sflag:s14] =	ssyncset.done $0x0  }
0x308: {  	s24 =	simm.s32 $0x1680;
	[sflag:s14] =	ssyncadd.s32 $0xFFFFC000  }
0x309: {  	[tilespmem:s31], [sflag:$0x1] =	stream.indirect.gather [hbm4b:s1+s30], $0x80, s24, s30, $0xb8;
	[tilespmem:$0x1DC00] =	vst v63  }
0x30a: {  	_ =	swait.ge [sflag:s28], $0x4000  }
0x30b: {  	[sflag:s28] =	ssyncset.done $0x0  }
0x30c: {  	s19 =	simm.s32 $0x0;
	[sflag:s28] =	ssyncadd.s32 $0xFFFFC000  }
0x30d: {  	v1 =	vld [tilespmem:s19+$0x5C70]  }
0x30e: {  	v5 =	vld [tilespmem:s19+$0x5C00]  }
0x30f: {  	v6 =	vld [tilespmem:s19+$0x5C10]  }
0x310: {  	v4 =	vld [tilespmem:s19+$0x5C20]  }
0x311: {  	v3 =	vld [tilespmem:s19+$0x5C30]  }
0x312: {  	v0 =	vld [tilespmem:s19+$0x5C40];
	v7 =	vmul.f32 $1.131370830e+01, v1  }
0x313: {  	v1 =	vld [tilespmem:s19+$0x5C50];
	v5 =	vmul.f32 $1.131370830e+01, v5  }
0x314: {  	s5 =	simm.s32 $0x80;
	s7 =	simm.s32 $0x400;
	v2 =	vld [tilespmem:s19+$0x5C60];
	v6 =	vmul.f32 $1.131370830e+01, v6;
	[tilespmem:s19+$0x19C70] =	vst v7  }
.LBB2_42:
0x315: {  	p0 =	sne.s32 s7, $0xFE00;
	v7 =	vld [tilespmem:s5+$0x5C70];
	[tilespmem:s19+$0x19C00] =	vst v5;
	v4 =	vmul.f32 $1.131370830e+01, v4  }
0x316: {  	v5 =	vld [tilespmem:s5+$0x5C00];
	[tilespmem:s19+$0x19C10] =	vst v6;
	v3 =	vmul.f32 $1.131370830e+01, v3  }
0x317: {  	v6 =	vld [tilespmem:s5+$0x5C10];
	[tilespmem:s19+$0x19C20] =	vst v4;
	v0 =	vmul.f32 $1.131370830e+01, v0  }
.Ltmp20:
0x318: {  	v4 =	vld [tilespmem:s5+$0x5C20];
	[tilespmem:s19+$0x19C30] =	vst v3;
	v1 =	vmul.f32 $1.131370830e+01, v1;
	(pc) =	sbr.rel @p0 .LBB2_42-.Ltmp20, $4  }
0x319: {  	v3 =	vld [tilespmem:s5+$0x5C30];
	[tilespmem:s19+$0x19C40] =	vst v0;
	v2 =	vmul.f32 $1.131370830e+01, v2  }
0x31a: {  	v0 =	vld [tilespmem:s5+$0x5C40];
	v7 =	vmul.f32 $1.131370830e+01, v7;
	[tilespmem:s19+$0x19C50] =	vst v1  }
0x31b: {  	v5 =	vmul.f32 $1.131370830e+01, v5;
	v1 =	vld [tilespmem:s5+$0x5C50];
	[tilespmem:s19+$0x19C60] =	vst v2;
	s19 =	smov.u32 s5  }
0x31c: {  	s5 =	sshra.s32 s7, $0x2;
	s7 =	sadd.s32 $0x200, s7;
	v6 =	vmul.f32 $1.131370830e+01, v6;
	v2 =	vld [tilespmem:s19+$0x5C60];
	[tilespmem:s19+$0x19C70] =	vst v7  }
0x31d: {  	v7 =	vld [tilespmem:s5+$0x5C70];
	[tilespmem:s19+$0x19C00] =	vst v5;
	v4 =	vmul.f32 $1.131370830e+01, v4  }
0x31e: {  	v5 =	vld [tilespmem:s5+$0x5C00];
	[tilespmem:s19+$0x19C10] =	vst v6;
	v3 =	vmul.f32 $1.131370830e+01, v3  }
0x31f: {  	v6 =	vld [tilespmem:s5+$0x5C10];
	[tilespmem:s19+$0x19C20] =	vst v4;
	v0 =	vmul.f32 $1.131370830e+01, v0  }
0x320: {  	v4 =	vld [tilespmem:s5+$0x5C20];
	[tilespmem:s19+$0x19C30] =	vst v3;
	v1 =	vmul.f32 $1.131370830e+01, v1  }
0x321: {  	v3 =	vld [tilespmem:s5+$0x5C30];
	[tilespmem:s19+$0x19C40] =	vst v0;
	v2 =	vmul.f32 $1.131370830e+01, v2  }
0x322: {  	v0 =	vld [tilespmem:s5+$0x5C40];
	[tilespmem:s19+$0x19C50] =	vst v1;
	v7 =	vmul.f32 $1.131370830e+01, v7  }
0x323: {  	v1 =	vld [tilespmem:s5+$0x5C50];
	[tilespmem:s19+$0x19C60] =	vst v2;
	v2 =	vmul.f32 $1.131370830e+01, v5  }
0x324: {  	v5 =	vld [tilespmem:s5+$0x5C60];
	v6 =	vmul.f32 $1.131370830e+01, v6;
	[tilespmem:s5+$0x19C70] =	vst v7  }
0x325: {  	[tilespmem:s5+$0x19C00] =	vst v2;
	v2 =	vmul.f32 $1.131370830e+01, v4  }
0x326: {  	[tilespmem:s5+$0x19C10] =	vst v6;
	v3 =	vmul.f32 $1.131370830e+01, v3  }
0x327: {  	[tilespmem:s5+$0x19C20] =	vst v2;
	v0 =	vmul.f32 $1.131370830e+01, v0  }
0x328: {  	[tilespmem:s5+$0x19C30] =	vst v3;
	v1 =	vmul.f32 $1.131370830e+01, v1  }
0x329: {  	[tilespmem:s5+$0x19C40] =	vst v0;
	v0 =	vmul.f32 $1.131370830e+01, v5  }
0x32a: {  	[tilespmem:s5+$0x19C50] =	vst v1  }
0x32b: {  	s23 =	simm.s32 $0x0;
	s7 =	rddreg [dreg:$0xd];
	[tilespmem:s5+$0x19C60] =	vst v0  }
0x32c: {  	[hbm4b:s7+s23] =	stream.linear.scatter [tilespmem:s15], [sflag:$0x7], $0x4000, $0x38;
	[tilespmem:$0x1DC00] =	vst v63  }
0x32d: {  	_ =	swait.ge [sflag:s16], $0x4000  }
0x32e: {  	[sflag:s16] =	ssyncset.done $0x0  }
0x32f: {  	s24 =	simm.s32 $0x1700;
	[sflag:s16] =	ssyncadd.s32 $0xFFFFC000  }
0x330: {  	[tilespmem:s0], [sflag:$0x2] =	stream.indirect.gather [hbm4b:s1+s30], $0x80, s24, s30, $0xb8;
	[tilespmem:$0x1DC00] =	vst v63  }
0x331: {  	_ =	swait.ge [sflag:s12], $0x4000  }
0x332: {  	[sflag:s12] =	ssyncset.done $0x0  }
0x333: {  	s19 =	simm.s32 $0x0;
	[sflag:s12] =	ssyncadd.s32 $0xFFFFC000  }
0x334: {  	v1 =	vld [tilespmem:s19+$0x9C70]  }
0x335: {  	v5 =	vld [tilespmem:s19+$0x9C00]  }
0x336: {  	v6 =	vld [tilespmem:s19+$0x9C10]  }
0x337: {  	v4 =	vld [tilespmem:s19+$0x9C20]  }
0x338: {  	v3 =	vld [tilespmem:s19+$0x9C30]  }
0x339: {  	v0 =	vld [tilespmem:s19+$0x9C40];
	v7 =	vmul.f32 $1.131370830e+01, v1  }
0x33a: {  	v1 =	vld [tilespmem:s19+$0x9C50];
	v5 =	vmul.f32 $1.131370830e+01, v5  }
0x33b: {  	s5 =	simm.s32 $0x80;
	s7 =	simm.s32 $0x400;
	v2 =	vld [tilespmem:s19+$0x9C60];
	v6 =	vmul.f32 $1.131370830e+01, v6;
	[tilespmem:s19+$0xDC70] =	vst v7  }
.LBB2_44:
0x33c: {  	p0 =	sne.s32 s7, $0xFE00;
	v7 =	vld [tilespmem:s5+$0x9C70];
	[tilespmem:s19+$0xDC00] =	vst v5;
	v4 =	vmul.f32 $1.131370830e+01, v4  }
0x33d: {  	v5 =	vld [tilespmem:s5+$0x9C00];
	[tilespmem:s19+$0xDC10] =	vst v6;
	v3 =	vmul.f32 $1.131370830e+01, v3  }
0x33e: {  	v6 =	vld [tilespmem:s5+$0x9C10];
	[tilespmem:s19+$0xDC20] =	vst v4;
	v0 =	vmul.f32 $1.131370830e+01, v0  }
.Ltmp21:
0x33f: {  	v4 =	vld [tilespmem:s5+$0x9C20];
	[tilespmem:s19+$0xDC30] =	vst v3;
	v1 =	vmul.f32 $1.131370830e+01, v1;
	(pc) =	sbr.rel @p0 .LBB2_44-.Ltmp21, $4  }
0x340: {  	v3 =	vld [tilespmem:s5+$0x9C30];
	[tilespmem:s19+$0xDC40] =	vst v0;
	v2 =	vmul.f32 $1.131370830e+01, v2  }
0x341: {  	v0 =	vld [tilespmem:s5+$0x9C40];
	v7 =	vmul.f32 $1.131370830e+01, v7;
	[tilespmem:s19+$0xDC50] =	vst v1  }
0x342: {  	v5 =	vmul.f32 $1.131370830e+01, v5;
	v1 =	vld [tilespmem:s5+$0x9C50];
	[tilespmem:s19+$0xDC60] =	vst v2;
	s19 =	smov.u32 s5  }
0x343: {  	s5 =	sshra.s32 s7, $0x2;
	s7 =	sadd.s32 $0x200, s7;
	v6 =	vmul.f32 $1.131370830e+01, v6;
	v2 =	vld [tilespmem:s19+$0x9C60];
	[tilespmem:s19+$0xDC70] =	vst v7  }
0x344: {  	v7 =	vld [tilespmem:s5+$0x9C70];
	[tilespmem:s19+$0xDC00] =	vst v5;
	v4 =	vmul.f32 $1.131370830e+01, v4  }
0x345: {  	v5 =	vld [tilespmem:s5+$0x9C00];
	[tilespmem:s19+$0xDC10] =	vst v6;
	v3 =	vmul.f32 $1.131370830e+01, v3  }
0x346: {  	v6 =	vld [tilespmem:s5+$0x9C10];
	[tilespmem:s19+$0xDC20] =	vst v4;
	v0 =	vmul.f32 $1.131370830e+01, v0  }
0x347: {  	v4 =	vld [tilespmem:s5+$0x9C20];
	[tilespmem:s19+$0xDC30] =	vst v3;
	v1 =	vmul.f32 $1.131370830e+01, v1  }
0x348: {  	v3 =	vld [tilespmem:s5+$0x9C30];
	[tilespmem:s19+$0xDC40] =	vst v0;
	v2 =	vmul.f32 $1.131370830e+01, v2  }
0x349: {  	v0 =	vld [tilespmem:s5+$0x9C40];
	[tilespmem:s19+$0xDC50] =	vst v1;
	v7 =	vmul.f32 $1.131370830e+01, v7  }
0x34a: {  	v1 =	vld [tilespmem:s5+$0x9C50];
	[tilespmem:s19+$0xDC60] =	vst v2;
	v2 =	vmul.f32 $1.131370830e+01, v5  }
0x34b: {  	v5 =	vld [tilespmem:s5+$0x9C60];
	v6 =	vmul.f32 $1.131370830e+01, v6;
	[tilespmem:s5+$0xDC70] =	vst v7  }
0x34c: {  	[tilespmem:s5+$0xDC00] =	vst v2;
	v2 =	vmul.f32 $1.131370830e+01, v4  }
0x34d: {  	[tilespmem:s5+$0xDC10] =	vst v6;
	v3 =	vmul.f32 $1.131370830e+01, v3  }
0x34e: {  	[tilespmem:s5+$0xDC20] =	vst v2;
	v0 =	vmul.f32 $1.131370830e+01, v0  }
0x34f: {  	[tilespmem:s5+$0xDC30] =	vst v3;
	v1 =	vmul.f32 $1.131370830e+01, v1  }
0x350: {  	[tilespmem:s5+$0xDC40] =	vst v0;
	v0 =	vmul.f32 $1.131370830e+01, v5  }
0x351: {  	[tilespmem:s5+$0xDC50] =	vst v1  }
0x352: {  	s23 =	simm.s32 $0x0;
	s7 =	rddreg [dreg:$0xe];
	[tilespmem:s5+$0xDC60] =	vst v0  }
0x353: {  	[hbm4b:s7+s23] =	stream.linear.scatter [tilespmem:s2], [sflag:$0x4], $0x4000, $0x38;
	[tilespmem:$0x1DC00] =	vst v63  }
0x354: {  	_ =	swait.ge [sflag:s17], $0x4000  }
0x355: {  	[sflag:s17] =	ssyncset.done $0x0  }
0x356: {  	s24 =	simm.s32 $0x1780;
	[sflag:s17] =	ssyncadd.s32 $0xFFFFC000  }
0x357: {  	[tilespmem:s25], [sflag:$0x3] =	stream.indirect.gather [hbm4b:s1+s30], $0x80, s24, s30, $0xb8;
	[tilespmem:$0x1DC00] =	vst v63  }
0x358: {  	_ =	swait.ge [sflag:s26], $0x4000  }
0x359: {  	[sflag:s26] =	ssyncset.done $0x0  }
0x35a: {  	s19 =	simm.s32 $0x0;
	[sflag:s26] =	ssyncadd.s32 $0xFFFFC000  }
0x35b: {  	v1 =	vld [tilespmem:s19+$0x1C70]  }
0x35c: {  	v5 =	vld [tilespmem:s19+$0x1C00]  }
0x35d: {  	v6 =	vld [tilespmem:s19+$0x1C10]  }
0x35e: {  	v4 =	vld [tilespmem:s19+$0x1C20]  }
0x35f: {  	v3 =	vld [tilespmem:s19+$0x1C30]  }
0x360: {  	v0 =	vld [tilespmem:s19+$0x1C40];
	v7 =	vmul.f32 $1.131370830e+01, v1  }
0x361: {  	v1 =	vld [tilespmem:s19+$0x1C50];
	v5 =	vmul.f32 $1.131370830e+01, v5  }
0x362: {  	s5 =	simm.s32 $0x80;
	s7 =	simm.s32 $0x400;
	v2 =	vld [tilespmem:s19+$0x1C60];
	v6 =	vmul.f32 $1.131370830e+01, v6;
	[tilespmem:s19+$0x11C70] =	vst v7  }
.LBB2_46:
0x363: {  	p0 =	sne.s32 s7, $0xFE00;
	v7 =	vld [tilespmem:s5+$0x1C70];
	[tilespmem:s19+$0x11C00] =	vst v5;
	v4 =	vmul.f32 $1.131370830e+01, v4  }
0x364: {  	v5 =	vld [tilespmem:s5+$0x1C00];
	[tilespmem:s19+$0x11C10] =	vst v6;
	v3 =	vmul.f32 $1.131370830e+01, v3  }
0x365: {  	v6 =	vld [tilespmem:s5+$0x1C10];
	[tilespmem:s19+$0x11C20] =	vst v4;
	v0 =	vmul.f32 $1.131370830e+01, v0  }
.Ltmp22:
0x366: {  	v4 =	vld [tilespmem:s5+$0x1C20];
	[tilespmem:s19+$0x11C30] =	vst v3;
	v1 =	vmul.f32 $1.131370830e+01, v1;
	(pc) =	sbr.rel @p0 .LBB2_46-.Ltmp22, $4  }
0x367: {  	v3 =	vld [tilespmem:s5+$0x1C30];
	[tilespmem:s19+$0x11C40] =	vst v0;
	v2 =	vmul.f32 $1.131370830e+01, v2  }
0x368: {  	v0 =	vld [tilespmem:s5+$0x1C40];
	v7 =	vmul.f32 $1.131370830e+01, v7;
	[tilespmem:s19+$0x11C50] =	vst v1  }
0x369: {  	v5 =	vmul.f32 $1.131370830e+01, v5;
	v1 =	vld [tilespmem:s5+$0x1C50];
	[tilespmem:s19+$0x11C60] =	vst v2;
	s19 =	smov.u32 s5  }
0x36a: {  	s5 =	sshra.s32 s7, $0x2;
	s7 =	sadd.s32 $0x200, s7;
	v6 =	vmul.f32 $1.131370830e+01, v6;
	v2 =	vld [tilespmem:s19+$0x1C60];
	[tilespmem:s19+$0x11C70] =	vst v7  }
0x36b: {  	v7 =	vld [tilespmem:s5+$0x1C70];
	[tilespmem:s19+$0x11C00] =	vst v5;
	v4 =	vmul.f32 $1.131370830e+01, v4  }
0x36c: {  	v5 =	vld [tilespmem:s5+$0x1C00];
	[tilespmem:s19+$0x11C10] =	vst v6;
	v3 =	vmul.f32 $1.131370830e+01, v3  }
0x36d: {  	v6 =	vld [tilespmem:s5+$0x1C10];
	[tilespmem:s19+$0x11C20] =	vst v4;
	v0 =	vmul.f32 $1.131370830e+01, v0  }
0x36e: {  	v4 =	vld [tilespmem:s5+$0x1C20];
	[tilespmem:s19+$0x11C30] =	vst v3;
	v1 =	vmul.f32 $1.131370830e+01, v1  }
0x36f: {  	v3 =	vld [tilespmem:s5+$0x1C30];
	[tilespmem:s19+$0x11C40] =	vst v0;
	v2 =	vmul.f32 $1.131370830e+01, v2  }
0x370: {  	v0 =	vld [tilespmem:s5+$0x1C40];
	[tilespmem:s19+$0x11C50] =	vst v1;
	v7 =	vmul.f32 $1.131370830e+01, v7  }
0x371: {  	v1 =	vld [tilespmem:s5+$0x1C50];
	[tilespmem:s19+$0x11C60] =	vst v2;
	v2 =	vmul.f32 $1.131370830e+01, v5  }
0x372: {  	v5 =	vld [tilespmem:s5+$0x1C60];
	v6 =	vmul.f32 $1.131370830e+01, v6;
	[tilespmem:s5+$0x11C70] =	vst v7  }
0x373: {  	[tilespmem:s5+$0x11C00] =	vst v2;
	v2 =	vmul.f32 $1.131370830e+01, v4  }
0x374: {  	[tilespmem:s5+$0x11C10] =	vst v6;
	v3 =	vmul.f32 $1.131370830e+01, v3  }
0x375: {  	[tilespmem:s5+$0x11C20] =	vst v2;
	v0 =	vmul.f32 $1.131370830e+01, v0  }
0x376: {  	[tilespmem:s5+$0x11C30] =	vst v3;
	v1 =	vmul.f32 $1.131370830e+01, v1  }
0x377: {  	[tilespmem:s5+$0x11C40] =	vst v0;
	v0 =	vmul.f32 $1.131370830e+01, v5  }
0x378: {  	[tilespmem:s5+$0x11C50] =	vst v1  }
0x379: {  	s24 =	simm.s32 $0x0;
	s7 =	rddreg [dreg:$0xf];
	[tilespmem:s5+$0x11C60] =	vst v0  }
0x37a: {  	[hbm4b:s7+s24] =	stream.linear.scatter [tilespmem:s6], [sflag:$0x5], $0x4000, $0x38;
	[tilespmem:$0x1DC00] =	vst v63  }
0x37b: {  	_ =	swait.ge [sflag:s9], $0x4000  }
0x37c: {  	[sflag:s9] =	ssyncset.done $0x0  }
0x37d: {  	[sflag:s9] =	ssyncadd.s32 $0xFFFFC000  }
0x37e: {  	[tilespmem:s31], [sflag:$0x1] =	stream.indirect.gather [hbm4b:s1+s30], $0x80, s20, s30, $0xb8;
	[tilespmem:$0x1DC00] =	vst v63  }
0x37f: {  	_ =	swait.ge [sflag:s28], $0x4000  }
0x380: {  	[sflag:s28] =	ssyncset.done $0x0  }
0x381: {  	s19 =	simm.s32 $0x0;
	[sflag:s28] =	ssyncadd.s32 $0xFFFFC000  }
0x382: {  	v1 =	vld [tilespmem:s19+$0x5C70]  }
0x383: {  	v5 =	vld [tilespmem:s19+$0x5C00]  }
0x384: {  	v6 =	vld [tilespmem:s19+$0x5C10]  }
0x385: {  	v4 =	vld [tilespmem:s19+$0x5C20]  }
0x386: {  	v3 =	vld [tilespmem:s19+$0x5C30]  }
0x387: {  	v0 =	vld [tilespmem:s19+$0x5C40];
	v7 =	vmul.f32 $1.131370830e+01, v1  }
0x388: {  	v1 =	vld [tilespmem:s19+$0x5C50];
	v5 =	vmul.f32 $1.131370830e+01, v5  }
0x389: {  	s5 =	simm.s32 $0x80;
	s7 =	simm.s32 $0x400;
	v2 =	vld [tilespmem:s19+$0x5C60];
	v6 =	vmul.f32 $1.131370830e+01, v6;
	[tilespmem:s19+$0x15C70] =	vst v7  }
.LBB2_48:
0x38a: {  	p0 =	sne.s32 s7, $0xFE00;
	v7 =	vld [tilespmem:s5+$0x5C70];
	[tilespmem:s19+$0x15C00] =	vst v5;
	v4 =	vmul.f32 $1.131370830e+01, v4  }
0x38b: {  	v5 =	vld [tilespmem:s5+$0x5C00];
	[tilespmem:s19+$0x15C10] =	vst v6;
	v3 =	vmul.f32 $1.131370830e+01, v3  }
0x38c: {  	v6 =	vld [tilespmem:s5+$0x5C10];
	[tilespmem:s19+$0x15C20] =	vst v4;
	v0 =	vmul.f32 $1.131370830e+01, v0  }
.Ltmp23:
0x38d: {  	v4 =	vld [tilespmem:s5+$0x5C20];
	[tilespmem:s19+$0x15C30] =	vst v3;
	v1 =	vmul.f32 $1.131370830e+01, v1;
	(pc) =	sbr.rel @p0 .LBB2_48-.Ltmp23, $4  }
0x38e: {  	v3 =	vld [tilespmem:s5+$0x5C30];
	[tilespmem:s19+$0x15C40] =	vst v0;
	v2 =	vmul.f32 $1.131370830e+01, v2  }
0x38f: {  	v0 =	vld [tilespmem:s5+$0x5C40];
	v7 =	vmul.f32 $1.131370830e+01, v7;
	[tilespmem:s19+$0x15C50] =	vst v1  }
0x390: {  	v5 =	vmul.f32 $1.131370830e+01, v5;
	v1 =	vld [tilespmem:s5+$0x5C50];
	[tilespmem:s19+$0x15C60] =	vst v2;
	s19 =	smov.u32 s5  }
0x391: {  	s5 =	sshra.s32 s7, $0x2;
	s7 =	sadd.s32 $0x200, s7;
	v6 =	vmul.f32 $1.131370830e+01, v6;
	v2 =	vld [tilespmem:s19+$0x5C60];
	[tilespmem:s19+$0x15C70] =	vst v7  }
0x392: {  	v7 =	vld [tilespmem:s5+$0x5C70];
	[tilespmem:s19+$0x15C00] =	vst v5;
	v4 =	vmul.f32 $1.131370830e+01, v4  }
0x393: {  	v5 =	vld [tilespmem:s5+$0x5C00];
	[tilespmem:s19+$0x15C10] =	vst v6;
	v3 =	vmul.f32 $1.131370830e+01, v3  }
0x394: {  	v6 =	vld [tilespmem:s5+$0x5C10];
	[tilespmem:s19+$0x15C20] =	vst v4;
	v0 =	vmul.f32 $1.131370830e+01, v0  }
0x395: {  	v4 =	vld [tilespmem:s5+$0x5C20];
	[tilespmem:s19+$0x15C30] =	vst v3;
	v1 =	vmul.f32 $1.131370830e+01, v1  }
0x396: {  	v3 =	vld [tilespmem:s5+$0x5C30];
	[tilespmem:s19+$0x15C40] =	vst v0;
	v2 =	vmul.f32 $1.131370830e+01, v2  }
0x397: {  	v0 =	vld [tilespmem:s5+$0x5C40];
	[tilespmem:s19+$0x15C50] =	vst v1;
	v7 =	vmul.f32 $1.131370830e+01, v7  }
0x398: {  	v1 =	vld [tilespmem:s5+$0x5C50];
	[tilespmem:s19+$0x15C60] =	vst v2;
	v2 =	vmul.f32 $1.131370830e+01, v5  }
0x399: {  	v5 =	vld [tilespmem:s5+$0x5C60];
	v6 =	vmul.f32 $1.131370830e+01, v6;
	[tilespmem:s5+$0x15C70] =	vst v7  }
0x39a: {  	[tilespmem:s5+$0x15C00] =	vst v2;
	v2 =	vmul.f32 $1.131370830e+01, v4  }
0x39b: {  	[tilespmem:s5+$0x15C10] =	vst v6;
	v3 =	vmul.f32 $1.131370830e+01, v3  }
0x39c: {  	[tilespmem:s5+$0x15C20] =	vst v2;
	v0 =	vmul.f32 $1.131370830e+01, v0  }
0x39d: {  	[tilespmem:s5+$0x15C30] =	vst v3;
	v1 =	vmul.f32 $1.131370830e+01, v1  }
0x39e: {  	[tilespmem:s5+$0x15C40] =	vst v0;
	v0 =	vmul.f32 $1.131370830e+01, v5  }
0x39f: {  	[tilespmem:s5+$0x15C50] =	vst v1  }
0x3a0: {  	s23 =	simm.s32 $0x0;
	s7 =	rddreg [dreg:$0x10];
	[tilespmem:s5+$0x15C60] =	vst v0  }
0x3a1: {  	[hbm4b:s7+s23] =	stream.linear.scatter [tilespmem:s13], [sflag:$0x6], $0x4000, $0x38;
	[tilespmem:$0x1DC00] =	vst v63  }
0x3a2: {  	_ =	swait.ge [sflag:s14], $0x4000  }
0x3a3: {  	[sflag:s14] =	ssyncset.done $0x0  }
0x3a4: {  	s24 =	simm.s32 $0x1880;
	[sflag:s14] =	ssyncadd.s32 $0xFFFFC000  }
0x3a5: {  	[tilespmem:s0], [sflag:$0x2] =	stream.indirect.gather [hbm4b:s1+s30], $0x80, s24, s30, $0xb8;
	[tilespmem:$0x1DC00] =	vst v63  }
0x3a6: {  	_ =	swait.ge [sflag:s12], $0x4000  }
0x3a7: {  	[sflag:s12] =	ssyncset.done $0x0  }
0x3a8: {  	s19 =	simm.s32 $0x0;
	[sflag:s12] =	ssyncadd.s32 $0xFFFFC000  }
0x3a9: {  	v1 =	vld [tilespmem:s19+$0x9C70]  }
0x3aa: {  	v5 =	vld [tilespmem:s19+$0x9C00]  }
0x3ab: {  	v6 =	vld [tilespmem:s19+$0x9C10]  }
0x3ac: {  	v4 =	vld [tilespmem:s19+$0x9C20]  }
0x3ad: {  	v3 =	vld [tilespmem:s19+$0x9C30]  }
0x3ae: {  	v0 =	vld [tilespmem:s19+$0x9C40];
	v7 =	vmul.f32 $1.131370830e+01, v1  }
0x3af: {  	v1 =	vld [tilespmem:s19+$0x9C50];
	v5 =	vmul.f32 $1.131370830e+01, v5  }
0x3b0: {  	s5 =	simm.s32 $0x80;
	s7 =	simm.s32 $0x400;
	v2 =	vld [tilespmem:s19+$0x9C60];
	v6 =	vmul.f32 $1.131370830e+01, v6;
	[tilespmem:s19+$0x19C70] =	vst v7  }
.LBB2_50:
0x3b1: {  	p0 =	sne.s32 s7, $0xFE00;
	v7 =	vld [tilespmem:s5+$0x9C70];
	[tilespmem:s19+$0x19C00] =	vst v5;
	v4 =	vmul.f32 $1.131370830e+01, v4  }
0x3b2: {  	v5 =	vld [tilespmem:s5+$0x9C00];
	[tilespmem:s19+$0x19C10] =	vst v6;
	v3 =	vmul.f32 $1.131370830e+01, v3  }
0x3b3: {  	v6 =	vld [tilespmem:s5+$0x9C10];
	[tilespmem:s19+$0x19C20] =	vst v4;
	v0 =	vmul.f32 $1.131370830e+01, v0  }
.Ltmp24:
0x3b4: {  	v4 =	vld [tilespmem:s5+$0x9C20];
	[tilespmem:s19+$0x19C30] =	vst v3;
	v1 =	vmul.f32 $1.131370830e+01, v1;
	(pc) =	sbr.rel @p0 .LBB2_50-.Ltmp24, $4  }
0x3b5: {  	v3 =	vld [tilespmem:s5+$0x9C30];
	[tilespmem:s19+$0x19C40] =	vst v0;
	v2 =	vmul.f32 $1.131370830e+01, v2  }
0x3b6: {  	v0 =	vld [tilespmem:s5+$0x9C40];
	v7 =	vmul.f32 $1.131370830e+01, v7;
	[tilespmem:s19+$0x19C50] =	vst v1  }
0x3b7: {  	v5 =	vmul.f32 $1.131370830e+01, v5;
	v1 =	vld [tilespmem:s5+$0x9C50];
	[tilespmem:s19+$0x19C60] =	vst v2;
	s19 =	smov.u32 s5  }
0x3b8: {  	s5 =	sshra.s32 s7, $0x2;
	s7 =	sadd.s32 $0x200, s7;
	v6 =	vmul.f32 $1.131370830e+01, v6;
	v2 =	vld [tilespmem:s19+$0x9C60];
	[tilespmem:s19+$0x19C70] =	vst v7  }
0x3b9: {  	v7 =	vld [tilespmem:s5+$0x9C70];
	[tilespmem:s19+$0x19C00] =	vst v5;
	v4 =	vmul.f32 $1.131370830e+01, v4  }
0x3ba: {  	v5 =	vld [tilespmem:s5+$0x9C00];
	[tilespmem:s19+$0x19C10] =	vst v6;
	v3 =	vmul.f32 $1.131370830e+01, v3  }
0x3bb: {  	v6 =	vld [tilespmem:s5+$0x9C10];
	[tilespmem:s19+$0x19C20] =	vst v4;
	v0 =	vmul.f32 $1.131370830e+01, v0  }
0x3bc: {  	v4 =	vld [tilespmem:s5+$0x9C20];
	[tilespmem:s19+$0x19C30] =	vst v3;
	v1 =	vmul.f32 $1.131370830e+01, v1  }
0x3bd: {  	v3 =	vld [tilespmem:s5+$0x9C30];
	[tilespmem:s19+$0x19C40] =	vst v0;
	v2 =	vmul.f32 $1.131370830e+01, v2  }
0x3be: {  	v0 =	vld [tilespmem:s5+$0x9C40];
	[tilespmem:s19+$0x19C50] =	vst v1;
	v7 =	vmul.f32 $1.131370830e+01, v7  }
0x3bf: {  	v1 =	vld [tilespmem:s5+$0x9C50];
	[tilespmem:s19+$0x19C60] =	vst v2;
	v2 =	vmul.f32 $1.131370830e+01, v5  }
0x3c0: {  	v5 =	vld [tilespmem:s5+$0x9C60];
	v6 =	vmul.f32 $1.131370830e+01, v6;
	[tilespmem:s5+$0x19C70] =	vst v7  }
0x3c1: {  	[tilespmem:s5+$0x19C00] =	vst v2;
	v2 =	vmul.f32 $1.131370830e+01, v4  }
0x3c2: {  	[tilespmem:s5+$0x19C10] =	vst v6;
	v3 =	vmul.f32 $1.131370830e+01, v3  }
0x3c3: {  	[tilespmem:s5+$0x19C20] =	vst v2;
	v0 =	vmul.f32 $1.131370830e+01, v0  }
0x3c4: {  	[tilespmem:s5+$0x19C30] =	vst v3;
	v1 =	vmul.f32 $1.131370830e+01, v1  }
0x3c5: {  	[tilespmem:s5+$0x19C40] =	vst v0;
	v0 =	vmul.f32 $1.131370830e+01, v5  }
0x3c6: {  	[tilespmem:s5+$0x19C50] =	vst v1  }
0x3c7: {  	s24 =	simm.s32 $0x0;
	s7 =	rddreg [dreg:$0x11];
	[tilespmem:s5+$0x19C60] =	vst v0  }
0x3c8: {  	[hbm4b:s7+s24] =	stream.linear.scatter [tilespmem:s15], [sflag:$0x7], $0x4000, $0x38;
	[tilespmem:$0x1DC00] =	vst v63  }
0x3c9: {  	_ =	swait.ge [sflag:s16], $0x4000  }
0x3ca: {  	[sflag:s16] =	ssyncset.done $0x0  }
0x3cb: {  	[sflag:s16] =	ssyncadd.s32 $0xFFFFC000  }
0x3cc: {  	_ =	swait.ge [sflag:s26], $0x4000  }
0x3cd: {  	[sflag:s26] =	ssyncset.done $0x0  }
0x3ce: {  	s19 =	simm.s32 $0x0;
	[sflag:s26] =	ssyncadd.s32 $0xFFFFC000  }
0x3cf: {  	v1 =	vld [tilespmem:s19+$0x1C70]  }
0x3d0: {  	v5 =	vld [tilespmem:s19+$0x1C00]  }
0x3d1: {  	v6 =	vld [tilespmem:s19+$0x1C10]  }
0x3d2: {  	v4 =	vld [tilespmem:s19+$0x1C20]  }
0x3d3: {  	v3 =	vld [tilespmem:s19+$0x1C30]  }
0x3d4: {  	v0 =	vld [tilespmem:s19+$0x1C40];
	v7 =	vmul.f32 $1.131370830e+01, v1  }
0x3d5: {  	v1 =	vld [tilespmem:s19+$0x1C50];
	v5 =	vmul.f32 $1.131370830e+01, v5  }
0x3d6: {  	s5 =	simm.s32 $0x80;
	s7 =	simm.s32 $0x400;
	v2 =	vld [tilespmem:s19+$0x1C60];
	v6 =	vmul.f32 $1.131370830e+01, v6;
	[tilespmem:s19+$0xDC70] =	vst v7  }
.LBB2_52:
0x3d7: {  	p0 =	sne.s32 s7, $0xFE00;
	v7 =	vld [tilespmem:s5+$0x1C70];
	[tilespmem:s19+$0xDC00] =	vst v5;
	v4 =	vmul.f32 $1.131370830e+01, v4  }
0x3d8: {  	v5 =	vld [tilespmem:s5+$0x1C00];
	[tilespmem:s19+$0xDC10] =	vst v6;
	v3 =	vmul.f32 $1.131370830e+01, v3  }
0x3d9: {  	v6 =	vld [tilespmem:s5+$0x1C10];
	[tilespmem:s19+$0xDC20] =	vst v4;
	v0 =	vmul.f32 $1.131370830e+01, v0  }
.Ltmp25:
0x3da: {  	v4 =	vld [tilespmem:s5+$0x1C20];
	[tilespmem:s19+$0xDC30] =	vst v3;
	v1 =	vmul.f32 $1.131370830e+01, v1;
	(pc) =	sbr.rel @p0 .LBB2_52-.Ltmp25, $4  }
0x3db: {  	v3 =	vld [tilespmem:s5+$0x1C30];
	[tilespmem:s19+$0xDC40] =	vst v0;
	v2 =	vmul.f32 $1.131370830e+01, v2  }
0x3dc: {  	v0 =	vld [tilespmem:s5+$0x1C40];
	v7 =	vmul.f32 $1.131370830e+01, v7;
	[tilespmem:s19+$0xDC50] =	vst v1  }
0x3dd: {  	v5 =	vmul.f32 $1.131370830e+01, v5;
	v1 =	vld [tilespmem:s5+$0x1C50];
	[tilespmem:s19+$0xDC60] =	vst v2;
	s19 =	smov.u32 s5  }
0x3de: {  	s5 =	sshra.s32 s7, $0x2;
	s7 =	sadd.s32 $0x200, s7;
	v6 =	vmul.f32 $1.131370830e+01, v6;
	v2 =	vld [tilespmem:s19+$0x1C60];
	[tilespmem:s19+$0xDC70] =	vst v7  }
0x3df: {  	v7 =	vld [tilespmem:s5+$0x1C70];
	[tilespmem:s19+$0xDC00] =	vst v5;
	v4 =	vmul.f32 $1.131370830e+01, v4  }
0x3e0: {  	v5 =	vld [tilespmem:s5+$0x1C00];
	[tilespmem:s19+$0xDC10] =	vst v6;
	v3 =	vmul.f32 $1.131370830e+01, v3  }
0x3e1: {  	v6 =	vld [tilespmem:s5+$0x1C10];
	[tilespmem:s19+$0xDC20] =	vst v4;
	v0 =	vmul.f32 $1.131370830e+01, v0  }
0x3e2: {  	v4 =	vld [tilespmem:s5+$0x1C20];
	[tilespmem:s19+$0xDC30] =	vst v3;
	v1 =	vmul.f32 $1.131370830e+01, v1  }
0x3e3: {  	v3 =	vld [tilespmem:s5+$0x1C30];
	[tilespmem:s19+$0xDC40] =	vst v0;
	v2 =	vmul.f32 $1.131370830e+01, v2  }
0x3e4: {  	v0 =	vld [tilespmem:s5+$0x1C40];
	[tilespmem:s19+$0xDC50] =	vst v1;
	v7 =	vmul.f32 $1.131370830e+01, v7  }
0x3e5: {  	v1 =	vld [tilespmem:s5+$0x1C50];
	[tilespmem:s19+$0xDC60] =	vst v2;
	v2 =	vmul.f32 $1.131370830e+01, v5  }
0x3e6: {  	v5 =	vld [tilespmem:s5+$0x1C60];
	v6 =	vmul.f32 $1.131370830e+01, v6;
	[tilespmem:s5+$0xDC70] =	vst v7  }
0x3e7: {  	[tilespmem:s5+$0xDC00] =	vst v2;
	v2 =	vmul.f32 $1.131370830e+01, v4  }
0x3e8: {  	[tilespmem:s5+$0xDC10] =	vst v6;
	v3 =	vmul.f32 $1.131370830e+01, v3  }
0x3e9: {  	[tilespmem:s5+$0xDC20] =	vst v2;
	v0 =	vmul.f32 $1.131370830e+01, v0  }
0x3ea: {  	[tilespmem:s5+$0xDC30] =	vst v3;
	v1 =	vmul.f32 $1.131370830e+01, v1  }
0x3eb: {  	[tilespmem:s5+$0xDC40] =	vst v0;
	v0 =	vmul.f32 $1.131370830e+01, v5  }
0x3ec: {  	[tilespmem:s5+$0xDC50] =	vst v1  }
0x3ed: {  	s24 =	simm.s32 $0x0;
	s7 =	rddreg [dreg:$0x12];
	[tilespmem:s5+$0xDC60] =	vst v0  }
0x3ee: {  	[hbm4b:s7+s24] =	stream.linear.scatter [tilespmem:s2], [sflag:$0x4], $0x4000, $0x38;
	[tilespmem:$0x1DC00] =	vst v63  }
0x3ef: {  	_ =	swait.ge [sflag:s17], $0x4000  }
0x3f0: {  	[sflag:s17] =	ssyncset.done $0x0  }
0x3f1: {  	[sflag:s17] =	ssyncadd.s32 $0xFFFFC000  }
0x3f2: {  	_ =	swait.ge [sflag:s28], $0x4000  }
0x3f3: {  	[sflag:s28] =	ssyncset.done $0x0  }
0x3f4: {  	s19 =	simm.s32 $0x0;
	[sflag:s28] =	ssyncadd.s32 $0xFFFFC000  }
0x3f5: {  	v1 =	vld [tilespmem:s19+$0x5C70]  }
0x3f6: {  	v5 =	vld [tilespmem:s19+$0x5C00]  }
0x3f7: {  	v6 =	vld [tilespmem:s19+$0x5C10]  }
0x3f8: {  	v4 =	vld [tilespmem:s19+$0x5C20]  }
0x3f9: {  	v3 =	vld [tilespmem:s19+$0x5C30]  }
0x3fa: {  	v0 =	vld [tilespmem:s19+$0x5C40];
	v7 =	vmul.f32 $1.131370830e+01, v1  }
0x3fb: {  	v1 =	vld [tilespmem:s19+$0x5C50];
	v5 =	vmul.f32 $1.131370830e+01, v5  }
0x3fc: {  	s5 =	simm.s32 $0x80;
	s7 =	simm.s32 $0x400;
	v2 =	vld [tilespmem:s19+$0x5C60];
	v6 =	vmul.f32 $1.131370830e+01, v6;
	[tilespmem:s19+$0x11C70] =	vst v7  }
.LBB2_54:
0x3fd: {  	p0 =	sne.s32 s7, $0xFE00;
	v7 =	vld [tilespmem:s5+$0x5C70];
	[tilespmem:s19+$0x11C00] =	vst v5;
	v4 =	vmul.f32 $1.131370830e+01, v4  }
0x3fe: {  	v5 =	vld [tilespmem:s5+$0x5C00];
	[tilespmem:s19+$0x11C10] =	vst v6;
	v3 =	vmul.f32 $1.131370830e+01, v3  }
0x3ff: {  	v6 =	vld [tilespmem:s5+$0x5C10];
	[tilespmem:s19+$0x11C20] =	vst v4;
	v0 =	vmul.f32 $1.131370830e+01, v0  }
.Ltmp26:
0x400: {  	v4 =	vld [tilespmem:s5+$0x5C20];
	[tilespmem:s19+$0x11C30] =	vst v3;
	v1 =	vmul.f32 $1.131370830e+01, v1;
	(pc) =	sbr.rel @p0 .LBB2_54-.Ltmp26, $4  }
0x401: {  	v3 =	vld [tilespmem:s5+$0x5C30];
	[tilespmem:s19+$0x11C40] =	vst v0;
	v2 =	vmul.f32 $1.131370830e+01, v2  }
0x402: {  	v0 =	vld [tilespmem:s5+$0x5C40];
	v7 =	vmul.f32 $1.131370830e+01, v7;
	[tilespmem:s19+$0x11C50] =	vst v1  }
0x403: {  	v5 =	vmul.f32 $1.131370830e+01, v5;
	v1 =	vld [tilespmem:s5+$0x5C50];
	[tilespmem:s19+$0x11C60] =	vst v2;
	s19 =	smov.u32 s5  }
0x404: {  	s5 =	sshra.s32 s7, $0x2;
	s7 =	sadd.s32 $0x200, s7;
	v6 =	vmul.f32 $1.131370830e+01, v6;
	v2 =	vld [tilespmem:s19+$0x5C60];
	[tilespmem:s19+$0x11C70] =	vst v7  }
0x405: {  	v7 =	vld [tilespmem:s5+$0x5C70];
	[tilespmem:s19+$0x11C00] =	vst v5;
	v4 =	vmul.f32 $1.131370830e+01, v4  }
0x406: {  	v5 =	vld [tilespmem:s5+$0x5C00];
	[tilespmem:s19+$0x11C10] =	vst v6;
	v3 =	vmul.f32 $1.131370830e+01, v3  }
0x407: {  	v6 =	vld [tilespmem:s5+$0x5C10];
	[tilespmem:s19+$0x11C20] =	vst v4;
	v0 =	vmul.f32 $1.131370830e+01, v0  }
0x408: {  	v4 =	vld [tilespmem:s5+$0x5C20];
	[tilespmem:s19+$0x11C30] =	vst v3;
	v1 =	vmul.f32 $1.131370830e+01, v1  }
0x409: {  	v3 =	vld [tilespmem:s5+$0x5C30];
	[tilespmem:s19+$0x11C40] =	vst v0;
	v2 =	vmul.f32 $1.131370830e+01, v2  }
0x40a: {  	v0 =	vld [tilespmem:s5+$0x5C40];
	[tilespmem:s19+$0x11C50] =	vst v1;
	v7 =	vmul.f32 $1.131370830e+01, v7  }
0x40b: {  	v1 =	vld [tilespmem:s5+$0x5C50];
	[tilespmem:s19+$0x11C60] =	vst v2;
	v60 =	vmul.f32 $1.131370830e+01, v5  }
0x40c: {  	v61 =	vld [tilespmem:s5+$0x5C60];
	v6 =	vmul.f32 $1.131370830e+01, v6;
	[tilespmem:s5+$0x11C70] =	vst v7  }
0x40d: {  	[tilespmem:s5+$0x11C00] =	vst v60;
	v62 =	vmul.f32 $1.131370830e+01, v4  }
0x40e: {  	[tilespmem:s5+$0x11C10] =	vst v6;
	v3 =	vmul.f32 $1.131370830e+01, v3  }
0x40f: {  	[tilespmem:s5+$0x11C20] =	vst v62;
	v0 =	vmul.f32 $1.131370830e+01, v0  }
0x410: {  	[tilespmem:s5+$0x11C30] =	vst v3;
	v1 =	vmul.f32 $1.131370830e+01, v1  }
0x411: {  	[tilespmem:s5+$0x11C40] =	vst v0;
	v63 =	vmul.f32 $1.131370830e+01, v61  }
0x412: {  	[tilespmem:s5+$0x11C50] =	vst v1  }
0x413: {  	s23 =	rddreg [dreg:$0x13];
	[tilespmem:s5+$0x11C60] =	vst v63  }
0x414: {  	[hbm4b:s23+s4] =	stream.linear.scatter [tilespmem:s6], [sflag:$0x5], $0x4000, $0x38;
	[tilespmem:$0x1DC00] =	vst v63  }
0x415: {  	_ =	swait.ge [sflag:s9], $0x4000  }
0x416: {  	[sflag:s9] =	ssyncset.done $0x0  }
0x417: {  	[sflag:s9] =	ssyncadd.s32 $0xFFFFC000  }
0x418: {  	_ =	swait.ge [sflag:s14], $0x4000  }
0x419: {  	s18 =	sadd.s32 $0x1, s18;
	s24 =	rddreg [dreg:$0x14]  }
0x41a: {  	p0 =	sne.s32 s18, s24  }
.Ltmp27:
0x41b: {  	_ = 	snop;
	(pc) =	sbr.rel @p0 .LBB2_1-.Ltmp27, $3  }
0x41c: {  	_ =	sdelay $0x1  }
0x41d: {  	[sflag:s14] =	ssyncset.done $0x0  }
0x41e: {  	[sflag:s14] =	ssyncadd.s32 $0xFFFFC000  }
0x41f: {  	_ =	sfence.sel $0x180000  }
0x420: {  	[bflag:$0x0] =	sbarrier.arrive $0xFFFF  }
0x421: {  	_ =	strace $0x90000047  }
0x422: {  	s0 =	stileid.u32;
	[bflag:$0x2] =	sbarrier.arrive $0xFFFF  }
0x423: {  	p0 =	sne.s32 s0, $0x0;
	s0 =	rddreg [dreg:$0x3]  }
0x424: {  	s0 =	sadd.s32 @!p0 $0x100000, s0  }
0x425: {  	[sflag:s0] =	ssyncadd.tile.s32 @!p0 $0x1;
	_ =	shalt  }
.Lfunc_end2:
_tile_overlayer_lowered:
.L_overlay_start_2:
0x426: {  	(tag) =	ssettag $0x2  }
0x427: {  	s0 =	rddreg [dreg:$0x0];
	s2 =	stileid.u32  }
0x428: {  	s1 =	rddreg [dreg:$0x1];
	p0 =	sne.s32 s2, $0x0  }
0x429: {  	s3 =	rddreg [dreg:$0x2];
	[bflag:$0x3] =	sbarrier.arrive $0xFFFF;
	s2 =	simm.s32 @!p0 $0x1C08  }
0x42a: {  	[timem:s3], [sflag:s2] =	dma.local @!p0 [hbm:s0], s1  }
0x42b: {  	s0 =	simm.s32 @!p0 $0x8  }
0x42c: {  	_ =	swait.ge @!p0 [sflag:s0], s1  }
0x42d: {  	s1 =	ssub.s32 @!p0 $0x0, s1;
	[sflag:s0] =	ssyncset.done @!p0 $0x0  }
0x42e: {  	[sflag:s0] =	ssyncadd.s32 @!p0 s1  }
0x42f: {  	[bflag:$0x3] =	sbarrier.arrive $0xFFFF  }
0x430: {  	_ =	shalt  }

</sc_bundles>
